<compile_context>
chip_gen: v7x
topology: tpu7x:2x2x1
jax: 0.10.2.dev20260603
libtpu: 0.0.44.dev20260713+nightly
codegen_flags: <defaults>
</compile_context>

<pallas_src>
import functools

import jax
import jax.numpy as jnp
from jax import lax
from jax.experimental import pallas as pl
from jax.experimental.pallas import tpu as pltpu
from jax.experimental.pallas import tpu_sc as plsc

_VOCAB = 32000
_D = 768
_NL = 2
_SLOTS = 32768
_MINK = 2
_MAXK = 8
_R = 128
_B = 1
_S = 1024

_TB = 64
_KB = 2048
_NKB = _SLOTS // _KB
_NTB = _S // _TB
_VBK = 1280
_NVB = _VOCAB // _VBK
_NCAND = _NKB * _MAXK


def _topk8(w, idx, vals_out, idxs_out):
    big = jnp.int32(2**30)
    for _ in range(_MAXK):
        m = jnp.max(w, axis=1, keepdims=True)
        ismax = w == m
        sel = jnp.min(jnp.where(ismax, idx, big), axis=1, keepdims=True)
        w = jnp.where(ismax & (idx == sel), -jnp.inf, w)
        vals_out.append(m)
        idxs_out.append(sel)
    return w


def _route_body(has_v, *refs):
    if has_v:
        (h_ref, v_ref, g_ref, lns_ref, lnb_ref, wr_ref, keys_ref,
         hnew_ref, topi_ref, gates_ref, keep_ref, mp_ref, e_scr) = refs
    else:
        (h_ref, lns_ref, lnb_ref, wr_ref, keys_ref,
         hnew_ref, topi_ref, gates_ref, keep_ref, mp_ref, e_scr) = refs

    i = pl.program_id(0)
    h = h_ref[...]
    if has_v:
        g = g_ref[...].astype(jnp.bfloat16).astype(jnp.float32)
        acc = jnp.zeros_like(h)
        for k in range(_MAXK):
            vk = v_ref[:, k * _D:(k + 1) * _D].astype(jnp.bfloat16)
            acc = acc + g[:, k:k + 1] * vk.astype(jnp.float32)
        h = h + acc
    hnew_ref[...] = h

    mu = jnp.mean(h, axis=1, keepdims=True)
    d = h - mu
    var = jnp.mean(d * d, axis=1, keepdims=True)
    hn = d * lax.rsqrt(var + 1e-6) * lns_ref[...] + lnb_ref[...]
    r = jnp.dot(hn.astype(jnp.bfloat16), wr_ref[...].astype(jnp.bfloat16),
                preferred_element_type=jnp.float32)
    rb = r.astype(jnp.bfloat16)

    def p1(j, m):
        kb = keys_ref[0, pl.ds(j * _KB, _KB), :].astype(jnp.bfloat16)
        s = lax.dot_general(rb, kb, (((1,), (1,)), ((), ())),
                            preferred_element_type=jnp.float32)
        e_scr[:, pl.ds(j * _KB, _KB)] = s
        return jnp.maximum(m, jnp.max(s, axis=1, keepdims=True))

    m = lax.fori_loop(0, _NKB, p1, jnp.full((_TB, 1), -jnp.inf, jnp.float32))

    lane_iota = lax.broadcasted_iota(jnp.int32, (_TB, 128), 1)
    neg = jnp.full((_TB, 128), -jnp.inf, jnp.float32)
    zero_i = jnp.zeros((_TB, 128), jnp.int32)

    def p2(j, carry):
        z, m1, c1, m2, c2, m3, c3 = carry
        e = jnp.exp(e_scr[:, pl.ds(j * _KB, _KB)] - m)
        e_scr[:, pl.ds(j * _KB, _KB)] = e
        z = z + jnp.sum(e, axis=1, keepdims=True)
        for sub in range(_KB // 128):
            v = e[:, sub * 128:(sub + 1) * 128]
            c = lane_iota + (j * _KB + sub * 128)
            gt1 = v > m1
            dv = jnp.where(gt1, m1, v)
            dc = jnp.where(gt1, c1, c)
            m1 = jnp.where(gt1, v, m1)
            c1 = jnp.where(gt1, c, c1)
            gt2 = dv > m2
            dv2 = jnp.where(gt2, m2, dv)
            dc2 = jnp.where(gt2, c2, dc)
            m2 = jnp.where(gt2, dv, m2)
            c2 = jnp.where(gt2, dc, c2)
            gt3 = dv2 > m3
            m3 = jnp.where(gt3, dv2, m3)
            c3 = jnp.where(gt3, dc2, c3)
        return z, m1, c1, m2, c2, m3, c3

    z, m1, c1, m2, c2, m3, c3 = lax.fori_loop(
        0, _NKB, p2,
        (jnp.zeros((_TB, 1), jnp.float32), neg, zero_i, neg, zero_i,
         neg, zero_i))
    zinv = 1.0 / z

    @pl.when(i == 0)
    def _():
        mp_ref[...] = jnp.zeros_like(mp_ref)

    def p3(j, carry):
        e = e_scr[:, pl.ds(j * _KB, _KB)]
        mp_ref[:, pl.ds(j * _KB, _KB)] += jnp.sum(e * zinv, axis=0,
                                                  keepdims=True)
        return carry

    lax.fori_loop(0, _NKB, p3, jnp.int32(0))

    cv = jnp.concatenate([m1, m2, m3], axis=1)
    ci = jnp.concatenate([c1, c2, c3], axis=1)
    vals, idxs = [], []
    _topk8(cv, ci, vals, idxs)
    tv = jnp.concatenate(vals, axis=1)
    ti = jnp.concatenate(idxs, axis=1)

    gates = tv / jnp.sum(tv, axis=1, keepdims=True)
    pos = lax.broadcasted_iota(jnp.int32, (_TB, _MAXK), 1)
    keep = jnp.where((gates >= (1.0 / _MAXK)) | (pos < _MINK), 1.0, 0.0)
    gk = gates * keep
    gk = gk / (jnp.sum(gk, axis=1, keepdims=True) + 1e-9)

    topi_ref[...] = ti
    gates_ref[...] = gk
    keep_ref[...] = keep


def _route(l, h, v, g, lns, lnb, wr, keys):
    has_v = v is not None
    tok = lambda i: (i, 0)
    const2 = lambda i: (0, 0)
    in_specs = [pl.BlockSpec((_TB, _D), tok)]
    args = [h]
    if has_v:
        in_specs += [pl.BlockSpec((_TB, _MAXK * _D), tok),
                     pl.BlockSpec((_TB, _MAXK), tok)]
        args += [v, g]
    in_specs += [pl.BlockSpec((1, _D), const2),
                 pl.BlockSpec((1, _D), const2),
                 pl.BlockSpec((_D, _R), const2),
                 pl.BlockSpec((1, _SLOTS, _R), lambda i: (l, 0, 0))]
    args += [lns, lnb, wr, keys]
    out_shape = [
        jax.ShapeDtypeStruct((_S, _D), jnp.float32),
        jax.ShapeDtypeStruct((_S, _MAXK), jnp.int32),
        jax.ShapeDtypeStruct((_S, _MAXK), jnp.float32),
        jax.ShapeDtypeStruct((_S, _MAXK), jnp.float32),
        jax.ShapeDtypeStruct((1, _SLOTS), jnp.float32),
    ]
    out_specs = [
        pl.BlockSpec((_TB, _D), tok),
        pl.BlockSpec((_TB, _MAXK), tok),
        pl.BlockSpec((_TB, _MAXK), tok),
        pl.BlockSpec((_TB, _MAXK), tok),
        pl.BlockSpec((1, _SLOTS), const2),
    ]
    return pl.pallas_call(
        functools.partial(_route_body, has_v),
        grid=(_NTB,),
        in_specs=in_specs,
        out_specs=out_specs,
        out_shape=out_shape,
        scratch_shapes=[pltpu.VMEM((_TB, _SLOTS), jnp.float32)],
    )(*args)


def _final_body(h_ref, v_ref, g_ref, fs_ref, fb_ref, hn_ref):
    h = h_ref[...]
    g = g_ref[...].astype(jnp.bfloat16).astype(jnp.float32)
    acc = jnp.zeros_like(h)
    for k in range(_MAXK):
        vk = v_ref[:, k * _D:(k + 1) * _D].astype(jnp.bfloat16)
        acc = acc + g[:, k:k + 1] * vk.astype(jnp.float32)
    h = h + acc
    mu = jnp.mean(h, axis=1, keepdims=True)
    d = h - mu
    var = jnp.mean(d * d, axis=1, keepdims=True)
    hn_ref[...] = d * lax.rsqrt(var + 1e-6) * fs_ref[...] + fb_ref[...]


def _final_ln(h, v, g, fs, fb):
    tok = lambda i: (i, 0)
    const2 = lambda i: (0, 0)
    return pl.pallas_call(
        _final_body,
        grid=(_NTB,),
        in_specs=[pl.BlockSpec((_TB, _D), tok),
                  pl.BlockSpec((_TB, _MAXK * _D), tok),
                  pl.BlockSpec((_TB, _MAXK), tok),
                  pl.BlockSpec((1, _D), const2),
                  pl.BlockSpec((1, _D), const2)],
        out_specs=pl.BlockSpec((_TB, _D), tok),
        out_shape=jax.ShapeDtypeStruct((_S, _D), jnp.float32),
    )(h, v, g, fs, fb)


def _head_body(hn_ref, w_ref, b_ref, out_ref):
    out_ref[...] = jnp.dot(hn_ref[...].astype(jnp.bfloat16),
                           w_ref[...].astype(jnp.bfloat16),
                           preferred_element_type=jnp.float32) + b_ref[...]


def _head(hn, Wout, bout):
    return pl.pallas_call(
        _head_body,
        grid=(_NVB,),
        in_specs=[pl.BlockSpec((_S, _D), lambda j: (0, 0)),
                  pl.BlockSpec((_D, _VBK), lambda j: (0, j)),
                  pl.BlockSpec((1, _VBK), lambda j: (0, j))],
        out_specs=pl.BlockSpec((_S, _VBK), lambda j: (0, j)),
        out_shape=jax.ShapeDtypeStruct((_S, _VOCAB), jnp.float32),
    )(hn, Wout, bout.reshape(1, _VOCAB))


def _gather_rows(table, idx, chunk):
    n = idx.shape[0]
    dd = table.shape[1]
    info = plsc.get_sparse_core_info()
    nc, ns = info.num_cores, info.num_subcores
    nw = nc * ns
    per_w = n // nw
    nch = per_w // chunk
    mesh = plsc.VectorSubcoreMesh(core_axis_name="c", subcore_axis_name="s")

    @functools.partial(
        pl.kernel, mesh=mesh,
        out_type=jax.ShapeDtypeStruct((n, dd), jnp.float32),
        scratch_types=[pltpu.VMEM((per_w,), jnp.int32),
                       pltpu.VMEM((chunk, dd), jnp.float32),
                       pltpu.SemaphoreType.DMA],
    )
    def k(table_hbm, idx_hbm, out_hbm, idx_v, rows_v, sem):
        wid = lax.axis_index("s") * nc + lax.axis_index("c")
        base = wid * per_w
        pltpu.sync_copy(idx_hbm.at[pl.ds(base, per_w)], idx_v)
        for c in range(nch):
            src = idx_v if nch == 1 else idx_v.at[pl.ds(c * chunk, chunk)]
            pltpu.async_copy(table_hbm.at[src], rows_v, sem).wait()
            pltpu.sync_copy(rows_v, out_hbm.at[pl.ds(base + c * chunk, chunk)])

    return k(table, idx)


def _gather_rows_aux(table, idx, mp, keep, chunk):
    n = idx.shape[0]
    dd = table.shape[1]
    info = plsc.get_sparse_core_info()
    nc, ns = info.num_cores, info.num_subcores
    nw = nc * ns
    per_w = n // nw
    nch = per_w // chunk
    mesh = plsc.VectorSubcoreMesh(core_axis_name="c", subcore_axis_name="s")

    @functools.partial(
        pl.kernel, mesh=mesh,
        out_type=(jax.ShapeDtypeStruct((n, dd), jnp.float32),
                  jax.ShapeDtypeStruct((nw, 16), jnp.float32)),
        scratch_types=[pltpu.VMEM((per_w,), jnp.int32),
                       pltpu.VMEM((chunk, dd), jnp.float32),
                       pltpu.VMEM((_SLOTS,), jnp.float32),
                       pltpu.VMEM((per_w,), jnp.float32),
                       pltpu.VMEM((16,), jnp.float32),
                       pltpu.SemaphoreType.DMA],
        compiler_params=pltpu.CompilerParams(needs_layout_passes=False),
    )
    def k(table_hbm, idx_hbm, mp_hbm, keep_hbm, out_hbm, aux_hbm,
          idx_v, rows_v, mp_v, keep_v, acc_v, sem):
        wid = lax.axis_index("s") * nc + lax.axis_index("c")
        base = wid * per_w
        pltpu.sync_copy(idx_hbm.at[pl.ds(base, per_w)], idx_v)
        for c in range(nch):
            src = idx_v if nch == 1 else idx_v.at[pl.ds(c * chunk, chunk)]
            pltpu.async_copy(table_hbm.at[src], rows_v, sem).wait()
            pltpu.sync_copy(rows_v, out_hbm.at[pl.ds(base + c * chunk, chunk)])
        pltpu.sync_copy(mp_hbm, mp_v)
        pltpu.sync_copy(keep_hbm.at[pl.ds(base, per_w)], keep_v)
        acc = jnp.zeros((16,), jnp.float32)
        for c in range(per_w // 16):
            ii = idx_v[pl.ds(c * 16, 16)] % _SLOTS
            acc = acc + plsc.load_gather(mp_v, [ii]) * keep_v[pl.ds(c * 16, 16)]
        acc_v[...] = acc
        pltpu.sync_copy(acc_v, aux_hbm.at[wid])

    return k(table, idx, mp, keep)


def _aux_gather(mp, idx, keep):
    n = idx.shape[0]
    info = plsc.get_sparse_core_info()
    nc, ns = info.num_cores, info.num_subcores
    nw = nc * ns
    per_w = n // nw
    mesh = plsc.VectorSubcoreMesh(core_axis_name="c", subcore_axis_name="s")

    @functools.partial(
        pl.kernel, mesh=mesh,
        out_type=jax.ShapeDtypeStruct((nw, 16), jnp.float32),
        scratch_types=[pltpu.VMEM((_SLOTS,), jnp.float32),
                       pltpu.VMEM((per_w,), jnp.int32),
                       pltpu.VMEM((per_w,), jnp.float32),
                       pltpu.VMEM((16,), jnp.float32)],
        compiler_params=pltpu.CompilerParams(needs_layout_passes=False),
    )
    def k(mp_hbm, idx_hbm, keep_hbm, out_hbm, mp_v, idx_v, keep_v, acc_v):
        wid = lax.axis_index("s") * nc + lax.axis_index("c")
        base = wid * per_w
        pltpu.sync_copy(mp_hbm, mp_v)
        pltpu.sync_copy(idx_hbm.at[pl.ds(base, per_w)], idx_v)
        pltpu.sync_copy(keep_hbm.at[pl.ds(base, per_w)], keep_v)
        acc = jnp.zeros((16,), jnp.float32)
        for c in range(per_w // 16):
            ii = idx_v[pl.ds(c * 16, 16)]
            acc = acc + plsc.load_gather(mp_v, [ii]) * keep_v[pl.ds(c * 16, 16)]
        acc_v[...] = acc
        pltpu.sync_copy(acc_v, out_hbm.at[wid])

    return k(mp, idx, keep)


def kernel(x, embed, Wr, mem_keys, mem_vals, ln_scale, ln_bias,
           f_scale, f_bias, Wout, bout):
    xf = x.reshape(_S)
    h = _gather_rows(embed, xf, _S // 32)
    vals_flat = mem_vals.reshape(_NL * _SLOTS, _D)
    total_aux = jnp.float32(0.0)
    total_active = jnp.float32(0.0)
    v = None
    g = None
    for l in range(_NL):
        h, ti, gk, keep, mp = _route(l, h, v, g,
                                     ln_scale[l][None], ln_bias[l][None],
                                     Wr[l], mem_keys)
        tif = ti.reshape(_S * _MAXK)
        v, auxp = _gather_rows_aux(vals_flat, tif + l * _SLOTS,
                                   mp.reshape(_SLOTS),
                                   keep.reshape(_S * _MAXK), 64)
        v = v.reshape(_S, _MAXK * _D)
        g = gk
        total_aux = total_aux + jnp.sum(auxp) * (_SLOTS / (_B * _S * _B * _S))
        total_active = total_active + jnp.sum(keep) / (_B * _S)
    hn = _final_ln(h, v, g, f_scale[None], f_bias[None])
    logits = _head(hn, Wout, bout)
    return logits.reshape(_B, _S, _VOCAB), (total_aux, total_active)

# --- scband reference (transcript-rebuilt; emitter-appended) ---
"""Pipeline reference for scband-dpsnmodel-13657996002043 (READ-ONLY COPY).

The authoritative reference and input builder live on the scoring server;
editing this copy changes nothing except your own understanding.
"""

import jax, jax.numpy as jnp
import numpy as np

VOCAB = 32000
D_MODEL = 768
N_LAYERS = 2
SLOTS = 32768
MIN_K = 2
MAX_K = 8
R_DIM = 128
B = 1
S = 1024


def _layer_norm(h, scale, bias, eps=1e-6):
    mu = jnp.mean(h, axis=-1, keepdims=True)
    var = jnp.var(h, axis=-1, keepdims=True)
    return (h - mu) * jax.lax.rsqrt(var + eps) * scale + bias


def setup_inputs(seed: int = 0) -> dict:
    key = jax.random.key(seed)
    ks = jax.random.split(key, 12)
    x = jax.random.randint(ks[0], (B, S), 0, VOCAB, dtype=jnp.int32)
    embed = jax.random.normal(ks[1], (VOCAB, D_MODEL), dtype=jnp.float32) * 0.02
    Wr = jax.random.normal(ks[2], (N_LAYERS, D_MODEL, R_DIM), dtype=jnp.float32) * 0.02
    mem_keys = jax.random.normal(ks[3], (N_LAYERS, SLOTS, R_DIM), dtype=jnp.float32) * 0.02
    mem_vals = jax.random.normal(ks[4], (N_LAYERS, SLOTS, D_MODEL), dtype=jnp.float32) * 0.02
    ln_scale = jnp.ones((N_LAYERS, D_MODEL), dtype=jnp.float32)
    ln_bias = jnp.zeros((N_LAYERS, D_MODEL), dtype=jnp.float32)
    f_scale = jnp.ones((D_MODEL,), dtype=jnp.float32)
    f_bias = jnp.zeros((D_MODEL,), dtype=jnp.float32)
    Wout = jax.random.normal(ks[5], (D_MODEL, VOCAB), dtype=jnp.float32) * 0.02
    bout = jnp.zeros((VOCAB,), dtype=jnp.float32)
    return {"x": x, "embed": embed, "Wr": Wr, "mem_keys": mem_keys, "mem_vals": mem_vals,
            "ln_scale": ln_scale, "ln_bias": ln_bias, "f_scale": f_scale, "f_bias": f_bias,
            "Wout": Wout, "bout": bout}


def reference(x, embed, Wr, mem_keys, mem_vals, ln_scale, ln_bias, f_scale, f_bias, Wout, bout):
    # token embedding lookup
    h = jnp.take(embed, x, axis=0)  # [B, S, D]
    total_aux = jnp.float32(0.0)
    total_active = jnp.float32(0.0)
    for l in range(N_LAYERS):
        # DPSN block: dynamic-k sparse memory-slot routing with residual
        hn = _layer_norm(h, ln_scale[l], ln_bias[l])
        r = hn @ Wr[l]                       # [B, S, R_DIM] router projection
        scores = r @ mem_keys[l].T           # [B, S, SLOTS]
        probs = jax.nn.softmax(scores, axis=-1)
        top_s, top_i = jax.lax.top_k(scores, MAX_K)
        gates = jax.nn.softmax(top_s, axis=-1)
        pos = jnp.arange(MAX_K)
        # dynamic k: keep slots whose gate clears uniform threshold, at least MIN_K, at most MAX_K
        keep = jnp.logical_or(gates >= (1.0 / MAX_K), pos < MIN_K).astype(jnp.float32)
        gates = gates * keep
        gates = gates / (jnp.sum(gates, axis=-1, keepdims=True) + 1e-9)
        v = jnp.take(mem_vals[l], top_i, axis=0)   # [B, S, K, D] slot value gather
        out = jnp.einsum('bsk,bskd->bsd', gates, v)
        h = h + out
        # load-balancing aux loss (switch-style) without materializing one-hot
        mean_prob = jnp.mean(probs.reshape(-1, SLOTS), axis=0)
        counts = jnp.zeros((SLOTS,), dtype=jnp.float32).at[top_i.reshape(-1)].add(keep.reshape(-1))
        frac = counts / float(B * S)
        total_aux = total_aux + SLOTS * jnp.sum(mean_prob * frac)
        total_active = total_active + jnp.mean(jnp.sum(keep, axis=-1))
    h = _layer_norm(h, f_scale, f_bias)
    logits = h @ Wout + bout
    return logits, (total_aux, total_active)

if __name__ == "__main__":
    import jax
    _d = setup_inputs()
    print(jax.jit(kernel)(*tuple(_d.values())))

</pallas_src>

<mosaic_0001>
#map = affine_map<(d0, d1) -> (0, 0)>
#map1 = affine_map<(d0, d1) -> (0)>
module attributes {stable_mosaic.version = 14 : i64} {
  func.func @k(%arg0: i32, %arg1: i32, %arg2: memref<32000x768xf32, #tpu.memory_space<hbm>>, %arg3: memref<1024xi32, #tpu.memory_space<hbm>>, %arg4: memref<1024x768xf32, #tpu.memory_space<hbm>>, %arg5: memref<32xi32, #tpu.memory_space<vmem>>, %arg6: memref<32x768xf32, #tpu.memory_space<vmem>>, %arg7: memref<!tpu.dma_semaphore, #tpu.memory_space<semaphore_mem>>) attributes {dimension_semantics = [#tpu.dimension_semantics<core_parallel>, #tpu.dimension_semantics<subcore_parallel>], iteration_bounds = array<i64: 2, 16>, scalar_prefetch = 0 : i64, scratch_operands = 3 : i64, tpu.core_type = #tpu.core_type<sc_vector_subcore>, window_params = [{transform_indices = #map}, {transform_indices = #map1}, {transform_indices = #map}]} {
    %mul3A = arith.constant 2 : i32
    %mul3A_0 = arith.muli %arg1, %mul3A : i32
    %add3A = arith.addi %mul3A_0, %arg0 : i32
    %mul3A_1 = arith.constant 32 : i32
    %mul3A_2 = arith.muli %add3A, %mul3A_1 : i32
    "tpu.region"() ({
      %run_scoped3A = tpu.sem_alloc : memref<!tpu.dma_semaphore, #tpu.memory_space<semaphore_mem>>
      %dma_start3A_9 = tpu.memref_slice %arg3[%mul3A_2] : memref<1024xi32, #tpu.memory_space<hbm>> -> memref<32xi32, #tpu.memory_space<hbm>>
      %dma_start3A_10 = tpu.memref_slice %arg3[%mul3A_2] : memref<1024xi32, #tpu.memory_space<hbm>> -> memref<32xi32, #tpu.memory_space<hbm>>
      tpu.enqueue_dma source(%dma_start3A_10 : memref<32xi32, #tpu.memory_space<hbm>>) target(%arg5 : memref<32xi32, #tpu.memory_space<vmem>>) target_semaphore(%run_scoped3A : memref<!tpu.dma_semaphore, #tpu.memory_space<semaphore_mem>>)
      %dma_wait3A_11 = tpu.memref_slice %arg3[%mul3A_2] : memref<1024xi32, #tpu.memory_space<hbm>> -> memref<32xi32, #tpu.memory_space<hbm>>
      %dma_wait3A_12 = tpu.memref_slice %arg3[%mul3A_2] : memref<1024xi32, #tpu.memory_space<hbm>> -> memref<32xi32, #tpu.memory_space<hbm>>
      tpu.wait_dma2 semaphore(%run_scoped3A : memref<!tpu.dma_semaphore, #tpu.memory_space<semaphore_mem>>) src(%dma_wait3A_12 : memref<32xi32, #tpu.memory_space<hbm>>) dst(%arg5 : memref<32xi32, #tpu.memory_space<vmem>>)
      tpu.yield
    }) : () -> ()
    %dma_start3A = arith.constant 0 : i32
    %dma_start3A_3 = arith.constant 0 : i32
    %dma_start3A_4 = tpu.memref_slice %arg2[%dma_start3A, %dma_start3A_3] : memref<32000x768xf32, #tpu.memory_space<hbm>> -> memref<32000x768xf32, #tpu.memory_space<hbm>>
    tpu.enqueue_indirect_dma source(%dma_start3A_4 : memref<32000x768xf32, #tpu.memory_space<hbm>>) target(%arg6 : memref<32x768xf32, #tpu.memory_space<vmem>>) offsets(%arg5 : memref<32xi32, #tpu.memory_space<vmem>>) semaphore(%arg7 : memref<!tpu.dma_semaphore, #tpu.memory_space<semaphore_mem>>)
    %dma_wait3A = arith.constant 0 : i32
    %dma_wait3A_5 = arith.constant 0 : i32
    %dma_wait3A_6 = tpu.memref_slice %arg2[%dma_wait3A, %dma_wait3A_5] : memref<32000x768xf32, #tpu.memory_space<hbm>> -> memref<32000x768xf32, #tpu.memory_space<hbm>>
    tpu.wait_indirect_dma semaphore(%arg7 : memref<!tpu.dma_semaphore, #tpu.memory_space<semaphore_mem>>) src(%dma_wait3A_6 : memref<32000x768xf32, #tpu.memory_space<hbm>>) dst(%arg6 : memref<32x768xf32, #tpu.memory_space<vmem>>)
    %add3A_7 = arith.constant 0 : i32
    %add3A_8 = arith.addi %mul3A_2, %add3A_7 : i32
    "tpu.region"() ({
      %run_scoped3A = tpu.sem_alloc : memref<!tpu.dma_semaphore, #tpu.memory_space<semaphore_mem>>
      %dma_start3A_9 = arith.constant 0 : i32
      %dma_start3A_10 = tpu.memref_slice %arg4[%add3A_8, %dma_start3A_9] : memref<1024x768xf32, #tpu.memory_space<hbm>> -> memref<32x768xf32, #tpu.memory_space<hbm>>
      %dma_start3A_11 = arith.constant 0 : i32
      %dma_start3A_12 = tpu.memref_slice %arg4[%add3A_8, %dma_start3A_11] : memref<1024x768xf32, #tpu.memory_space<hbm>> -> memref<32x768xf32, #tpu.memory_space<hbm>>
      tpu.enqueue_dma source(%arg6 : memref<32x768xf32, #tpu.memory_space<vmem>>) target(%dma_start3A_12 : memref<32x768xf32, #tpu.memory_space<hbm>>) target_semaphore(%run_scoped3A : memref<!tpu.dma_semaphore, #tpu.memory_space<semaphore_mem>>)
      %dma_wait3A_13 = arith.constant 0 : i32
      %dma_wait3A_14 = tpu.memref_slice %arg4[%add3A_8, %dma_wait3A_13] : memref<1024x768xf32, #tpu.memory_space<hbm>> -> memref<32x768xf32, #tpu.memory_space<hbm>>
      %dma_wait3A_15 = arith.constant 0 : i32
      %dma_wait3A_16 = tpu.memref_slice %arg4[%add3A_8, %dma_wait3A_15] : memref<1024x768xf32, #tpu.memory_space<hbm>> -> memref<32x768xf32, #tpu.memory_space<hbm>>
      tpu.wait_dma2 semaphore(%run_scoped3A : memref<!tpu.dma_semaphore, #tpu.memory_space<semaphore_mem>>) src(%arg6 : memref<32x768xf32, #tpu.memory_space<vmem>>) dst(%dma_wait3A_16 : memref<32x768xf32, #tpu.memory_space<hbm>>)
      tpu.yield
    }) : () -> ()
    return
  }
}

#map = affine_map<(d0, d1) -> (0, 0)>
#map1 = affine_map<(d0, d1) -> (0)>
module attributes {stable_mosaic.version = 14 : i64} {
  func.func @k(%arg0: i32, %arg1: i32, %arg2: memref<65536x768xf32, #tpu.memory_space<hbm>>, %arg3: memref<8192xi32, #tpu.memory_space<hbm>>, %arg4: memref<32768xf32, #tpu.memory_space<hbm>>, %arg5: memref<8192xf32, #tpu.memory_space<hbm>>, %arg6: memref<8192x768xf32, #tpu.memory_space<hbm>>, %arg7: memref<32x16xf32, #tpu.memory_space<hbm>>, %arg8: memref<256xi32, #tpu.memory_space<vmem>>, %arg9: memref<64x768xf32, #tpu.memory_space<vmem>>, %arg10: memref<32768xf32, #tpu.memory_space<vmem>>, %arg11: memref<256xf32, #tpu.memory_space<vmem>>, %arg12: memref<16xf32, #tpu.memory_space<vmem>>, %arg13: memref<!tpu.dma_semaphore, #tpu.memory_space<semaphore_mem>>) attributes {dimension_semantics = [#tpu.dimension_semantics<core_parallel>, #tpu.dimension_semantics<subcore_parallel>], iteration_bounds = array<i64: 2, 16>, scalar_prefetch = 0 : i64, scratch_operands = 6 : i64, tpu.core_type = #tpu.core_type<sc_vector_subcore>, window_params = [{transform_indices = #map}, {transform_indices = #map1}, {transform_indices = #map1}, {transform_indices = #map1}, {transform_indices = #map}, {transform_indices = #map}]} {
    %mul3A = arith.constant 2 : i32
    %mul3A_0 = arith.muli %arg1, %mul3A : i32
    %add3A = arith.addi %mul3A_0, %arg0 : i32
    %mul3A_1 = arith.constant 256 : i32
    %mul3A_2 = arith.muli %add3A, %mul3A_1 : i32
    "tpu.region"() ({
      %run_scoped3A = tpu.sem_alloc : memref<!tpu.dma_semaphore, #tpu.memory_space<semaphore_mem>>
      %dma_start3A_506 = tpu.memref_slice %arg3[%mul3A_2] : memref<8192xi32, #tpu.memory_space<hbm>> -> memref<256xi32, #tpu.memory_space<hbm>>
      %dma_start3A_507 = tpu.memref_slice %arg3[%mul3A_2] : memref<8192xi32, #tpu.memory_space<hbm>> -> memref<256xi32, #tpu.memory_space<hbm>>
      tpu.enqueue_dma source(%dma_start3A_507 : memref<256xi32, #tpu.memory_space<hbm>>) target(%arg8 : memref<256xi32, #tpu.memory_space<vmem>>) target_semaphore(%run_scoped3A : memref<!tpu.dma_semaphore, #tpu.memory_space<semaphore_mem>>)
      %dma_wait3A_508 = tpu.memref_slice %arg3[%mul3A_2] : memref<8192xi32, #tpu.memory_space<hbm>> -> memref<256xi32, #tpu.memory_space<hbm>>
      %dma_wait3A_509 = tpu.memref_slice %arg3[%mul3A_2] : memref<8192xi32, #tpu.memory_space<hbm>> -> memref<256xi32, #tpu.memory_space<hbm>>
      tpu.wait_dma2 semaphore(%run_scoped3A : memref<!tpu.dma_semaphore, #tpu.memory_space<semaphore_mem>>) src(%dma_wait3A_509 : memref<256xi32, #tpu.memory_space<hbm>>) dst(%arg8 : memref<256xi32, #tpu.memory_space<vmem>>)
      tpu.yield
    }) : () -> ()
    %dma_start3A = arith.constant 0 : i32
    %dma_start3A_3 = tpu.memref_slice %arg8[%dma_start3A] : memref<256xi32, #tpu.memory_space<vmem>> -> memref<64xi32, #tpu.memory_space<vmem>>
    %dma_start3A_4 = arith.constant 0 : i32
    %dma_start3A_5 = arith.constant 0 : i32
    %dma_start3A_6 = tpu.memref_slice %arg2[%dma_start3A_4, %dma_start3A_5] : memref<65536x768xf32, #tpu.memory_space<hbm>> -> memref<65536x768xf32, #tpu.memory_space<hbm>>
    tpu.enqueue_indirect_dma source(%dma_start3A_6 : memref<65536x768xf32, #tpu.memory_space<hbm>>) target(%arg9 : memref<64x768xf32, #tpu.memory_space<vmem>>) offsets(%dma_start3A_3 : memref<64xi32, #tpu.memory_space<vmem>>) semaphore(%arg13 : memref<!tpu.dma_semaphore, #tpu.memory_space<semaphore_mem>>)
    %dma_wait3A = arith.constant 0 : i32
    %dma_wait3A_7 = tpu.memref_slice %arg8[%dma_wait3A] : memref<256xi32, #tpu.memory_space<vmem>> -> memref<64xi32, #tpu.memory_space<vmem>>
    %dma_wait3A_8 = arith.constant 0 : i32
    %dma_wait3A_9 = arith.constant 0 : i32
    %dma_wait3A_10 = tpu.memref_slice %arg2[%dma_wait3A_8, %dma_wait3A_9] : memref<65536x768xf32, #tpu.memory_space<hbm>> -> memref<65536x768xf32, #tpu.memory_space<hbm>>
    tpu.wait_indirect_dma semaphore(%arg13 : memref<!tpu.dma_semaphore, #tpu.memory_space<semaphore_mem>>) src(%dma_wait3A_10 : memref<65536x768xf32, #tpu.memory_space<hbm>>) dst(%arg9 : memref<64x768xf32, #tpu.memory_space<vmem>>)
    %add3A_11 = arith.constant 0 : i32
    %add3A_12 = arith.addi %mul3A_2, %add3A_11 : i32
    "tpu.region"() ({
      %run_scoped3A = tpu.sem_alloc : memref<!tpu.dma_semaphore, #tpu.memory_space<semaphore_mem>>
      %dma_start3A_506 = arith.constant 0 : i32
      %dma_start3A_507 = tpu.memref_slice %arg6[%add3A_12, %dma_start3A_506] : memref<8192x768xf32, #tpu.memory_space<hbm>> -> memref<64x768xf32, #tpu.memory_space<hbm>>
      %dma_start3A_508 = arith.constant 0 : i32
      %dma_start3A_509 = tpu.memref_slice %arg6[%add3A_12, %dma_start3A_508] : memref<8192x768xf32, #tpu.memory_space<hbm>> -> memref<64x768xf32, #tpu.memory_space<hbm>>
      tpu.enqueue_dma source(%arg9 : memref<64x768xf32, #tpu.memory_space<vmem>>) target(%dma_start3A_509 : memref<64x768xf32, #tpu.memory_space<hbm>>) target_semaphore(%run_scoped3A : memref<!tpu.dma_semaphore, #tpu.memory_space<semaphore_mem>>)
      %dma_wait3A_510 = arith.constant 0 : i32
      %dma_wait3A_511 = tpu.memref_slice %arg6[%add3A_12, %dma_wait3A_510] : memref<8192x768xf32, #tpu.memory_space<hbm>> -> memref<64x768xf32, #tpu.memory_space<hbm>>
      %dma_wait3A_512 = arith.constant 0 : i32
      %dma_wait3A_513 = tpu.memref_slice %arg6[%add3A_12, %dma_wait3A_512] : memref<8192x768xf32, #tpu.memory_space<hbm>> -> memref<64x768xf32, #tpu.memory_space<hbm>>
      tpu.wait_dma2 semaphore(%run_scoped3A : memref<!tpu.dma_semaphore, #tpu.memory_space<semaphore_mem>>) src(%arg9 : memref<64x768xf32, #tpu.memory_space<vmem>>) dst(%dma_wait3A_513 : memref<64x768xf32, #tpu.memory_space<hbm>>)
      tpu.yield
    }) : () -> ()
    %dma_start3A_13 = arith.constant 64 : i32
    %dma_start3A_14 = tpu.memref_slice %arg8[%dma_start3A_13] : memref<256xi32, #tpu.memory_space<vmem>> -> memref<64xi32, #tpu.memory_space<vmem>>
    %dma_start3A_15 = arith.constant 0 : i32
    %dma_start3A_16 = arith.constant 0 : i32
    %dma_start3A_17 = tpu.memref_slice %arg2[%dma_start3A_15, %dma_start3A_16] : memref<65536x768xf32, #tpu.memory_space<hbm>> -> memref<65536x768xf32, #tpu.memory_space<hbm>>
    tpu.enqueue_indirect_dma source(%dma_start3A_17 : memref<65536x768xf32, #tpu.memory_space<hbm>>) target(%arg9 : memref<64x768xf32, #tpu.memory_space<vmem>>) offsets(%dma_start3A_14 : memref<64xi32, #tpu.memory_space<vmem>>) semaphore(%arg13 : memref<!tpu.dma_semaphore, #tpu.memory_space<semaphore_mem>>)
    %dma_wait3A_18 = arith.constant 64 : i32
    %dma_wait3A_19 = tpu.memref_slice %arg8[%dma_wait3A_18] : memref<256xi32, #tpu.memory_space<vmem>> -> memref<64xi32, #tpu.memory_space<vmem>>
    %dma_wait3A_20 = arith.constant 0 : i32
    %dma_wait3A_21 = arith.constant 0 : i32
    %dma_wait3A_22 = tpu.memref_slice %arg2[%dma_wait3A_20, %dma_wait3A_21] : memref<65536x768xf32, #tpu.memory_space<hbm>> -> memref<65536x768xf32, #tpu.memory_space<hbm>>
    tpu.wait_indirect_dma semaphore(%arg13 : memref<!tpu.dma_semaphore, #tpu.memory_space<semaphore_mem>>) src(%dma_wait3A_22 : memref<65536x768xf32, #tpu.memory_space<hbm>>) dst(%arg9 : memref<64x768xf32, #tpu.memory_space<vmem>>)
    %add3A_23 = arith.constant 64 : i32
    %add3A_24 = arith.addi %mul3A_2, %add3A_23 : i32
    "tpu.region"() ({
      %run_scoped3A = tpu.sem_alloc : memref<!tpu.dma_semaphore, #tpu.memory_space<semaphore_mem>>
      %dma_start3A_506 = arith.constant 0 : i32
      %dma_start3A_507 = tpu.memref_slice %arg6[%add3A_24, %dma_start3A_506] : memref<8192x768xf32, #tpu.memory_space<hbm>> -> memref<64x768xf32, #tpu.memory_space<hbm>>
      %dma_start3A_508 = arith.constant 0 : i32
      %dma_start3A_509 = tpu.memref_slice %arg6[%add3A_24, %dma_start3A_508] : memref<8192x768xf32, #tpu.memory_space<hbm>> -> memref<64x768xf32, #tpu.memory_space<hbm>>
      tpu.enqueue_dma source(%arg9 : memref<64x768xf32, #tpu.memory_space<vmem>>) target(%dma_start3A_509 : memref<64x768xf32, #tpu.memory_space<hbm>>) target_semaphore(%run_scoped3A : memref<!tpu.dma_semaphore, #tpu.memory_space<semaphore_mem>>)
      %dma_wait3A_510 = arith.constant 0 : i32
      %dma_wait3A_511 = tpu.memref_slice %arg6[%add3A_24, %dma_wait3A_510] : memref<8192x768xf32, #tpu.memory_space<hbm>> -> memref<64x768xf32, #tpu.memory_space<hbm>>
      %dma_wait3A_512 = arith.constant 0 : i32
      %dma_wait3A_513 = tpu.memref_slice %arg6[%add3A_24, %dma_wait3A_512] : memref<8192x768xf32, #tpu.memory_space<hbm>> -> memref<64x768xf32, #tpu.memory_space<hbm>>
      tpu.wait_dma2 semaphore(%run_scoped3A : memref<!tpu.dma_semaphore, #tpu.memory_space<semaphore_mem>>) src(%arg9 : memref<64x768xf32, #tpu.memory_space<vmem>>) dst(%dma_wait3A_513 : memref<64x768xf32, #tpu.memory_space<hbm>>)
      tpu.yield
    }) : () -> ()
    %dma_start3A_25 = arith.constant 128 : i32
    %dma_start3A_26 = tpu.memref_slice %arg8[%dma_start3A_25] : memref<256xi32, #tpu.memory_space<vmem>> -> memref<64xi32, #tpu.memory_space<vmem>>
    %dma_start3A_27 = arith.constant 0 : i32
    %dma_start3A_28 = arith.constant 0 : i32
    %dma_start3A_29 = tpu.memref_slice %arg2[%dma_start3A_27, %dma_start3A_28] : memref<65536x768xf32, #tpu.memory_space<hbm>> -> memref<65536x768xf32, #tpu.memory_space<hbm>>
    tpu.enqueue_indirect_dma source(%dma_start3A_29 : memref<65536x768xf32, #tpu.memory_space<hbm>>) target(%arg9 : memref<64x768xf32, #tpu.memory_space<vmem>>) offsets(%dma_start3A_26 : memref<64xi32, #tpu.memory_space<vmem>>) semaphore(%arg13 : memref<!tpu.dma_semaphore, #tpu.memory_space<semaphore_mem>>)
    %dma_wait3A_30 = arith.constant 128 : i32
    %dma_wait3A_31 = tpu.memref_slice %arg8[%dma_wait3A_30] : memref<256xi32, #tpu.memory_space<vmem>> -> memref<64xi32, #tpu.memory_space<vmem>>
    %dma_wait3A_32 = arith.constant 0 : i32
    %dma_wait3A_33 = arith.constant 0 : i32
    %dma_wait3A_34 = tpu.memref_slice %arg2[%dma_wait3A_32, %dma_wait3A_33] : memref<65536x768xf32, #tpu.memory_space<hbm>> -> memref<65536x768xf32, #tpu.memory_space<hbm>>
    tpu.wait_indirect_dma semaphore(%arg13 : memref<!tpu.dma_semaphore, #tpu.memory_space<semaphore_mem>>) src(%dma_wait3A_34 : memref<65536x768xf32, #tpu.memory_space<hbm>>) dst(%arg9 : memref<64x768xf32, #tpu.memory_space<vmem>>)
    %add3A_35 = arith.constant 128 : i32
    %add3A_36 = arith.addi %mul3A_2, %add3A_35 : i32
    "tpu.region"() ({
      %run_scoped3A = tpu.sem_alloc : memref<!tpu.dma_semaphore, #tpu.memory_space<semaphore_mem>>
      %dma_start3A_506 = arith.constant 0 : i32
      %dma_start3A_507 = tpu.memref_slice %arg6[%add3A_36, %dma_start3A_506] : memref<8192x768xf32, #tpu.memory_space<hbm>> -> memref<64x768xf32, #tpu.memory_space<hbm>>
      %dma_start3A_508 = arith.constant 0 : i32
      %dma_start3A_509 = tpu.memref_slice %arg6[%add3A_36, %dma_start3A_508] : memref<8192x768xf32, #tpu.memory_space<hbm>> -> memref<64x768xf32, #tpu.memory_space<hbm>>
      tpu.enqueue_dma source(%arg9 : memref<64x768xf32, #tpu.memory_space<vmem>>) target(%dma_start3A_509 : memref<64x768xf32, #tpu.memory_space<hbm>>) target_semaphore(%run_scoped3A : memref<!tpu.dma_semaphore, #tpu.memory_space<semaphore_mem>>)
      %dma_wait3A_510 = arith.constant 0 : i32
      %dma_wait3A_511 = tpu.memref_slice %arg6[%add3A_36, %dma_wait3A_510] : memref<8192x768xf32, #tpu.memory_space<hbm>> -> memref<64x768xf32, #tpu.memory_space<hbm>>
      %dma_wait3A_512 = arith.constant 0 : i32
      %dma_wait3A_513 = tpu.memref_slice %arg6[%add3A_36, %dma_wait3A_512] : memref<8192x768xf32, #tpu.memory_space<hbm>> -> memref<64x768xf32, #tpu.memory_space<hbm>>
      tpu.wait_dma2 semaphore(%run_scoped3A : memref<!tpu.dma_semaphore, #tpu.memory_space<semaphore_mem>>) src(%arg9 : memref<64x768xf32, #tpu.memory_space<vmem>>) dst(%dma_wait3A_513 : memref<64x768xf32, #tpu.memory_space<hbm>>)
      tpu.yield
    }) : () -> ()
    %dma_start3A_37 = arith.constant 192 : i32
    %dma_start3A_38 = tpu.memref_slice %arg8[%dma_start3A_37] : memref<256xi32, #tpu.memory_space<vmem>> -> memref<64xi32, #tpu.memory_space<vmem>>
    %dma_start3A_39 = arith.constant 0 : i32
    %dma_start3A_40 = arith.constant 0 : i32
    %dma_start3A_41 = tpu.memref_slice %arg2[%dma_start3A_39, %dma_start3A_40] : memref<65536x768xf32, #tpu.memory_space<hbm>> -> memref<65536x768xf32, #tpu.memory_space<hbm>>
    tpu.enqueue_indirect_dma source(%dma_start3A_41 : memref<65536x768xf32, #tpu.memory_space<hbm>>) target(%arg9 : memref<64x768xf32, #tpu.memory_space<vmem>>) offsets(%dma_start3A_38 : memref<64xi32, #tpu.memory_space<vmem>>) semaphore(%arg13 : memref<!tpu.dma_semaphore, #tpu.memory_space<semaphore_mem>>)
    %dma_wait3A_42 = arith.constant 192 : i32
    %dma_wait3A_43 = tpu.memref_slice %arg8[%dma_wait3A_42] : memref<256xi32, #tpu.memory_space<vmem>> -> memref<64xi32, #tpu.memory_space<vmem>>
    %dma_wait3A_44 = arith.constant 0 : i32
    %dma_wait3A_45 = arith.constant 0 : i32
    %dma_wait3A_46 = tpu.memref_slice %arg2[%dma_wait3A_44, %dma_wait3A_45] : memref<65536x768xf32, #tpu.memory_space<hbm>> -> memref<65536x768xf32, #tpu.memory_space<hbm>>
    tpu.wait_indirect_dma semaphore(%arg13 : memref<!tpu.dma_semaphore, #tpu.memory_space<semaphore_mem>>) src(%dma_wait3A_46 : memref<65536x768xf32, #tpu.memory_space<hbm>>) dst(%arg9 : memref<64x768xf32, #tpu.memory_space<vmem>>)
    %add3A_47 = arith.constant 192 : i32
    %add3A_48 = arith.addi %mul3A_2, %add3A_47 : i32
    "tpu.region"() ({
      %run_scoped3A = tpu.sem_alloc : memref<!tpu.dma_semaphore, #tpu.memory_space<semaphore_mem>>
      %dma_start3A_506 = arith.constant 0 : i32
      %dma_start3A_507 = tpu.memref_slice %arg6[%add3A_48, %dma_start3A_506] : memref<8192x768xf32, #tpu.memory_space<hbm>> -> memref<64x768xf32, #tpu.memory_space<hbm>>
      %dma_start3A_508 = arith.constant 0 : i32
      %dma_start3A_509 = tpu.memref_slice %arg6[%add3A_48, %dma_start3A_508] : memref<8192x768xf32, #tpu.memory_space<hbm>> -> memref<64x768xf32, #tpu.memory_space<hbm>>
      tpu.enqueue_dma source(%arg9 : memref<64x768xf32, #tpu.memory_space<vmem>>) target(%dma_start3A_509 : memref<64x768xf32, #tpu.memory_space<hbm>>) target_semaphore(%run_scoped3A : memref<!tpu.dma_semaphore, #tpu.memory_space<semaphore_mem>>)
      %dma_wait3A_510 = arith.constant 0 : i32
      %dma_wait3A_511 = tpu.memref_slice %arg6[%add3A_48, %dma_wait3A_510] : memref<8192x768xf32, #tpu.memory_space<hbm>> -> memref<64x768xf32, #tpu.memory_space<hbm>>
      %dma_wait3A_512 = arith.constant 0 : i32
      %dma_wait3A_513 = tpu.memref_slice %arg6[%add3A_48, %dma_wait3A_512] : memref<8192x768xf32, #tpu.memory_space<hbm>> -> memref<64x768xf32, #tpu.memory_space<hbm>>
      tpu.wait_dma2 semaphore(%run_scoped3A : memref<!tpu.dma_semaphore, #tpu.memory_space<semaphore_mem>>) src(%arg9 : memref<64x768xf32, #tpu.memory_space<vmem>>) dst(%dma_wait3A_513 : memref<64x768xf32, #tpu.memory_space<hbm>>)
      tpu.yield
    }) : () -> ()
    "tpu.region"() ({
      %run_scoped3A = tpu.sem_alloc : memref<!tpu.dma_semaphore, #tpu.memory_space<semaphore_mem>>
      tpu.enqueue_dma source(%arg4 : memref<32768xf32, #tpu.memory_space<hbm>>) target(%arg10 : memref<32768xf32, #tpu.memory_space<vmem>>) target_semaphore(%run_scoped3A : memref<!tpu.dma_semaphore, #tpu.memory_space<semaphore_mem>>)
      tpu.wait_dma2 semaphore(%run_scoped3A : memref<!tpu.dma_semaphore, #tpu.memory_space<semaphore_mem>>) src(%arg4 : memref<32768xf32, #tpu.memory_space<hbm>>) dst(%arg10 : memref<32768xf32, #tpu.memory_space<vmem>>)
      tpu.yield
    }) : () -> ()
    "tpu.region"() ({
      %run_scoped3A = tpu.sem_alloc : memref<!tpu.dma_semaphore, #tpu.memory_space<semaphore_mem>>
      %dma_start3A_506 = tpu.memref_slice %arg5[%mul3A_2] : memref<8192xf32, #tpu.memory_space<hbm>> -> memref<256xf32, #tpu.memory_space<hbm>>
      %dma_start3A_507 = tpu.memref_slice %arg5[%mul3A_2] : memref<8192xf32, #tpu.memory_space<hbm>> -> memref<256xf32, #tpu.memory_space<hbm>>
      tpu.enqueue_dma source(%dma_start3A_507 : memref<256xf32, #tpu.memory_space<hbm>>) target(%arg11 : memref<256xf32, #tpu.memory_space<vmem>>) target_semaphore(%run_scoped3A : memref<!tpu.dma_semaphore, #tpu.memory_space<semaphore_mem>>)
      %dma_wait3A_508 = tpu.memref_slice %arg5[%mul3A_2] : memref<8192xf32, #tpu.memory_space<hbm>> -> memref<256xf32, #tpu.memory_space<hbm>>
      %dma_wait3A_509 = tpu.memref_slice %arg5[%mul3A_2] : memref<8192xf32, #tpu.memory_space<hbm>> -> memref<256xf32, #tpu.memory_space<hbm>>
      tpu.wait_dma2 semaphore(%run_scoped3A : memref<!tpu.dma_semaphore, #tpu.memory_space<semaphore_mem>>) src(%dma_wait3A_509 : memref<256xf32, #tpu.memory_space<hbm>>) dst(%arg11 : memref<256xf32, #tpu.memory_space<vmem>>)
      tpu.yield
    }) : () -> ()
    %broadcast_in_dim3A = arith.constant 0.000000e+00 : f32
    %broadcast_in_dim3A_49 = vector.broadcast %broadcast_in_dim3A : f32 to vector<16xf32>
    %get3A = arith.constant 0 : index
    %get3A_50 = tpu.vector_load %arg8[%get3A] {strides = array<i32>} : memref<256xi32, #tpu.memory_space<vmem>>, vector<16xi32>,
    %jit3A = arith.constant 32768 : i32
    %eq3A = arith.constant 0 : i32
    %eq3A_51 = arith.cmpi eq, %jit3A, %eq3A : i32
    %jit3A_52 = arith.constant 1 : i32
    %select_n3A = arith.select %eq3A_51, %jit3A_52, %jit3A : i32
    %rem3A = vector.broadcast %select_n3A : i32 to vector<16xi32>
    %rem3A_53 = arith.remsi %get3A_50, %rem3A : vector<16xi32>
    %ne3A = arith.constant 0 : i32
    %ne3A_54 = vector.broadcast %ne3A : i32 to vector<16xi32>
    %ne3A_55 = arith.cmpi ne, %rem3A_53, %ne3A_54 : vector<16xi32>
    %lt3A = arith.constant 0 : i32
    %lt3A_56 = vector.broadcast %lt3A : i32 to vector<16xi32>
    %lt3A_57 = arith.cmpi slt, %rem3A_53, %lt3A_56 : vector<16xi32>
    %lt3A_58 = arith.constant 0 : i32
    %lt3A_59 = arith.cmpi slt, %select_n3A, %lt3A_58 : i32
    %ne3A_60 = vector.broadcast %lt3A_59 : i1 to vector<16xi1>
    %ne3A_61 = vector.broadcast %ne3A_60 : vector<16xi1> to vector<16xi1>
    %ne3A_62 = arith.xori %lt3A_57, %ne3A_61 : vector<16xi1>
    %and3A = arith.andi %ne3A_62, %ne3A_55 : vector<16xi1>
    %add3A_63 = vector.broadcast %select_n3A : i32 to vector<16xi32>
    %add3A_64 = arith.addi %rem3A_53, %add3A_63 : vector<16xi32>
    %select_n3A_65 = arith.select %and3A, %add3A_64, %rem3A_53 : vector<16xi1>, vector<16xi32>
    %gather3A = tpu.vector_load_idx %arg10[%select_n3A_65] : memref<32768xf32, #tpu.memory_space<vmem>>[vector<16xi32>], vector<16xf32>,
    %get3A_66 = arith.constant 0 : index
    %get3A_67 = tpu.vector_load %arg11[%get3A_66] {strides = array<i32>} : memref<256xf32, #tpu.memory_space<vmem>>, vector<16xf32>,
    %mul3A_68 = arith.mulf %gather3A, %get3A_67 : vector<16xf32>
    %add3A_69 = arith.addf %broadcast_in_dim3A_49, %mul3A_68 : vector<16xf32>
    %get3A_70 = arith.constant 16 : index
    %get3A_71 = tpu.vector_load %arg8[%get3A_70] {strides = array<i32>} : memref<256xi32, #tpu.memory_space<vmem>>, vector<16xi32>,
    %jit3A_72 = arith.constant 32768 : i32
    %eq3A_73 = arith.constant 0 : i32
    %eq3A_74 = arith.cmpi eq, %jit3A_72, %eq3A_73 : i32
    %jit3A_75 = arith.constant 1 : i32
    %select_n3A_76 = arith.select %eq3A_74, %jit3A_75, %jit3A_72 : i32
    %rem3A_77 = vector.broadcast %select_n3A_76 : i32 to vector<16xi32>
    %rem3A_78 = arith.remsi %get3A_71, %rem3A_77 : vector<16xi32>
    %ne3A_79 = arith.constant 0 : i32
    %ne3A_80 = vector.broadcast %ne3A_79 : i32 to vector<16xi32>
    %ne3A_81 = arith.cmpi ne, %rem3A_78, %ne3A_80 : vector<16xi32>
    %lt3A_82 = arith.constant 0 : i32
    %lt3A_83 = vector.broadcast %lt3A_82 : i32 to vector<16xi32>
    %lt3A_84 = arith.cmpi slt, %rem3A_78, %lt3A_83 : vector<16xi32>
    %lt3A_85 = arith.constant 0 : i32
    %lt3A_86 = arith.cmpi slt, %select_n3A_76, %lt3A_85 : i32
    %ne3A_87 = vector.broadcast %lt3A_86 : i1 to vector<16xi1>
    %ne3A_88 = vector.broadcast %ne3A_87 : vector<16xi1> to vector<16xi1>
    %ne3A_89 = arith.xori %lt3A_84, %ne3A_88 : vector<16xi1>
    %and3A_90 = arith.andi %ne3A_89, %ne3A_81 : vector<16xi1>
    %add3A_91 = vector.broadcast %select_n3A_76 : i32 to vector<16xi32>
    %add3A_92 = arith.addi %rem3A_78, %add3A_91 : vector<16xi32>
    %select_n3A_93 = arith.select %and3A_90, %add3A_92, %rem3A_78 : vector<16xi1>, vector<16xi32>
    %gather3A_94 = tpu.vector_load_idx %arg10[%select_n3A_93] : memref<32768xf32, #tpu.memory_space<vmem>>[vector<16xi32>], vector<16xf32>,
    %get3A_95 = arith.constant 16 : index
    %get3A_96 = tpu.vector_load %arg11[%get3A_95] {strides = array<i32>} : memref<256xf32, #tpu.memory_space<vmem>>, vector<16xf32>,
    %mul3A_97 = arith.mulf %gather3A_94, %get3A_96 : vector<16xf32>
    %add3A_98 = arith.addf %add3A_69, %mul3A_97 : vector<16xf32>
    %get3A_99 = arith.constant 32 : index
    %get3A_100 = tpu.vector_load %arg8[%get3A_99] {strides = array<i32>} : memref<256xi32, #tpu.memory_space<vmem>>, vector<16xi32>,
    %jit3A_101 = arith.constant 32768 : i32
    %eq3A_102 = arith.constant 0 : i32
    %eq3A_103 = arith.cmpi eq, %jit3A_101, %eq3A_102 : i32
    %jit3A_104 = arith.constant 1 : i32
    %select_n3A_105 = arith.select %eq3A_103, %jit3A_104, %jit3A_101 : i32
    %rem3A_106 = vector.broadcast %select_n3A_105 : i32 to vector<16xi32>
    %rem3A_107 = arith.remsi %get3A_100, %rem3A_106 : vector<16xi32>
    %ne3A_108 = arith.constant 0 : i32
    %ne3A_109 = vector.broadcast %ne3A_108 : i32 to vector<16xi32>
    %ne3A_110 = arith.cmpi ne, %rem3A_107, %ne3A_109 : vector<16xi32>
    %lt3A_111 = arith.constant 0 : i32
    %lt3A_112 = vector.broadcast %lt3A_111 : i32 to vector<16xi32>
    %lt3A_113 = arith.cmpi slt, %rem3A_107, %lt3A_112 : vector<16xi32>
    %lt3A_114 = arith.constant 0 : i32
    %lt3A_115 = arith.cmpi slt, %select_n3A_105, %lt3A_114 : i32
    %ne3A_116 = vector.broadcast %lt3A_115 : i1 to vector<16xi1>
    %ne3A_117 = vector.broadcast %ne3A_116 : vector<16xi1> to vector<16xi1>
    %ne3A_118 = arith.xori %lt3A_113, %ne3A_117 : vector<16xi1>
    %and3A_119 = arith.andi %ne3A_118, %ne3A_110 : vector<16xi1>
    %add3A_120 = vector.broadcast %select_n3A_105 : i32 to vector<16xi32>
    %add3A_121 = arith.addi %rem3A_107, %add3A_120 : vector<16xi32>
    %select_n3A_122 = arith.select %and3A_119, %add3A_121, %rem3A_107 : vector<16xi1>, vector<16xi32>
    %gather3A_123 = tpu.vector_load_idx %arg10[%select_n3A_122] : memref<32768xf32, #tpu.memory_space<vmem>>[vector<16xi32>], vector<16xf32>,
    %get3A_124 = arith.constant 32 : index
    %get3A_125 = tpu.vector_load %arg11[%get3A_124] {strides = array<i32>} : memref<256xf32, #tpu.memory_space<vmem>>, vector<16xf32>,
    %mul3A_126 = arith.mulf %gather3A_123, %get3A_125 : vector<16xf32>
    %add3A_127 = arith.addf %add3A_98, %mul3A_126 : vector<16xf32>
    %get3A_128 = arith.constant 48 : index
    %get3A_129 = tpu.vector_load %arg8[%get3A_128] {strides = array<i32>} : memref<256xi32, #tpu.memory_space<vmem>>, vector<16xi32>,
    %jit3A_130 = arith.constant 32768 : i32
    %eq3A_131 = arith.constant 0 : i32
    %eq3A_132 = arith.cmpi eq, %jit3A_130, %eq3A_131 : i32
    %jit3A_133 = arith.constant 1 : i32
    %select_n3A_134 = arith.select %eq3A_132, %jit3A_133, %jit3A_130 : i32
    %rem3A_135 = vector.broadcast %select_n3A_134 : i32 to vector<16xi32>
    %rem3A_136 = arith.remsi %get3A_129, %rem3A_135 : vector<16xi32>
    %ne3A_137 = arith.constant 0 : i32
    %ne3A_138 = vector.broadcast %ne3A_137 : i32 to vector<16xi32>
    %ne3A_139 = arith.cmpi ne, %rem3A_136, %ne3A_138 : vector<16xi32>
    %lt3A_140 = arith.constant 0 : i32
    %lt3A_141 = vector.broadcast %lt3A_140 : i32 to vector<16xi32>
    %lt3A_142 = arith.cmpi slt, %rem3A_136, %lt3A_141 : vector<16xi32>
    %lt3A_143 = arith.constant 0 : i32
    %lt3A_144 = arith.cmpi slt, %select_n3A_134, %lt3A_143 : i32
    %ne3A_145 = vector.broadcast %lt3A_144 : i1 to vector<16xi1>
    %ne3A_146 = vector.broadcast %ne3A_145 : vector<16xi1> to vector<16xi1>
    %ne3A_147 = arith.xori %lt3A_142, %ne3A_146 : vector<16xi1>
    %and3A_148 = arith.andi %ne3A_147, %ne3A_139 : vector<16xi1>
    %add3A_149 = vector.broadcast %select_n3A_134 : i32 to vector<16xi32>
    %add3A_150 = arith.addi %rem3A_136, %add3A_149 : vector<16xi32>
    %select_n3A_151 = arith.select %and3A_148, %add3A_150, %rem3A_136 : vector<16xi1>, vector<16xi32>
    %gather3A_152 = tpu.vector_load_idx %arg10[%select_n3A_151] : memref<32768xf32, #tpu.memory_space<vmem>>[vector<16xi32>], vector<16xf32>,
    %get3A_153 = arith.constant 48 : index
    %get3A_154 = tpu.vector_load %arg11[%get3A_153] {strides = array<i32>} : memref<256xf32, #tpu.memory_space<vmem>>, vector<16xf32>,
    %mul3A_155 = arith.mulf %gather3A_152, %get3A_154 : vector<16xf32>
    %add3A_156 = arith.addf %add3A_127, %mul3A_155 : vector<16xf32>
    %get3A_157 = arith.constant 64 : index
    %get3A_158 = tpu.vector_load %arg8[%get3A_157] {strides = array<i32>} : memref<256xi32, #tpu.memory_space<vmem>>, vector<16xi32>,
    %jit3A_159 = arith.constant 32768 : i32
    %eq3A_160 = arith.constant 0 : i32
    %eq3A_161 = arith.cmpi eq, %jit3A_159, %eq3A_160 : i32
    %jit3A_162 = arith.constant 1 : i32
    %select_n3A_163 = arith.select %eq3A_161, %jit3A_162, %jit3A_159 : i32
    %rem3A_164 = vector.broadcast %select_n3A_163 : i32 to vector<16xi32>
    %rem3A_165 = arith.remsi %get3A_158, %rem3A_164 : vector<16xi32>
    %ne3A_166 = arith.constant 0 : i32
    %ne3A_167 = vector.broadcast %ne3A_166 : i32 to vector<16xi32>
    %ne3A_168 = arith.cmpi ne, %rem3A_165, %ne3A_167 : vector<16xi32>
    %lt3A_169 = arith.constant 0 : i32
    %lt3A_170 = vector.broadcast %lt3A_169 : i32 to vector<16xi32>
    %lt3A_171 = arith.cmpi slt, %rem3A_165, %lt3A_170 : vector<16xi32>
    %lt3A_172 = arith.constant 0 : i32
    %lt3A_173 = arith.cmpi slt, %select_n3A_163, %lt3A_172 : i32
    %ne3A_174 = vector.broadcast %lt3A_173 : i1 to vector<16xi1>
    %ne3A_175 = vector.broadcast %ne3A_174 : vector<16xi1> to vector<16xi1>
    %ne3A_176 = arith.xori %lt3A_171, %ne3A_175 : vector<16xi1>
    %and3A_177 = arith.andi %ne3A_176, %ne3A_168 : vector<16xi1>
    %add3A_178 = vector.broadcast %select_n3A_163 : i32 to vector<16xi32>
    %add3A_179 = arith.addi %rem3A_165, %add3A_178 : vector<16xi32>
    %select_n3A_180 = arith.select %and3A_177, %add3A_179, %rem3A_165 : vector<16xi1>, vector<16xi32>
    %gather3A_181 = tpu.vector_load_idx %arg10[%select_n3A_180] : memref<32768xf32, #tpu.memory_space<vmem>>[vector<16xi32>], vector<16xf32>,
    %get3A_182 = arith.constant 64 : index
    %get3A_183 = tpu.vector_load %arg11[%get3A_182] {strides = array<i32>} : memref<256xf32, #tpu.memory_space<vmem>>, vector<16xf32>,
    %mul3A_184 = arith.mulf %gather3A_181, %get3A_183 : vector<16xf32>
    %add3A_185 = arith.addf %add3A_156, %mul3A_184 : vector<16xf32>
    %get3A_186 = arith.constant 80 : index
    %get3A_187 = tpu.vector_load %arg8[%get3A_186] {strides = array<i32>} : memref<256xi32, #tpu.memory_space<vmem>>, vector<16xi32>,
    %jit3A_188 = arith.constant 32768 : i32
    %eq3A_189 = arith.constant 0 : i32
    %eq3A_190 = arith.cmpi eq, %jit3A_188, %eq3A_189 : i32
    %jit3A_191 = arith.constant 1 : i32
    %select_n3A_192 = arith.select %eq3A_190, %jit3A_191, %jit3A_188 : i32
    %rem3A_193 = vector.broadcast %select_n3A_192 : i32 to vector<16xi32>
    %rem3A_194 = arith.remsi %get3A_187, %rem3A_193 : vector<16xi32>
    %ne3A_195 = arith.constant 0 : i32
    %ne3A_196 = vector.broadcast %ne3A_195 : i32 to vector<16xi32>
    %ne3A_197 = arith.cmpi ne, %rem3A_194, %ne3A_196 : vector<16xi32>
    %lt3A_198 = arith.constant 0 : i32
    %lt3A_199 = vector.broadcast %lt3A_198 : i32 to vector<16xi32>
    %lt3A_200 = arith.cmpi slt, %rem3A_194, %lt3A_199 : vector<16xi32>
    %lt3A_201 = arith.constant 0 : i32
    %lt3A_202 = arith.cmpi slt, %select_n3A_192, %lt3A_201 : i32
    %ne3A_203 = vector.broadcast %lt3A_202 : i1 to vector<16xi1>
    %ne3A_204 = vector.broadcast %ne3A_203 : vector<16xi1> to vector<16xi1>
    %ne3A_205 = arith.xori %lt3A_200, %ne3A_204 : vector<16xi1>
    %and3A_206 = arith.andi %ne3A_205, %ne3A_197 : vector<16xi1>
    %add3A_207 = vector.broadcast %select_n3A_192 : i32 to vector<16xi32>
    %add3A_208 = arith.addi %rem3A_194, %add3A_207 : vector<16xi32>
    %select_n3A_209 = arith.select %and3A_206, %add3A_208, %rem3A_194 : vector<16xi1>, vector<16xi32>
    %gather3A_210 = tpu.vector_load_idx %arg10[%select_n3A_209] : memref<32768xf32, #tpu.memory_space<vmem>>[vector<16xi32>], vector<16xf32>,
    %get3A_211 = arith.constant 80 : index
    %get3A_212 = tpu.vector_load %arg11[%get3A_211] {strides = array<i32>} : memref<256xf32, #tpu.memory_space<vmem>>, vector<16xf32>,
    %mul3A_213 = arith.mulf %gather3A_210, %get3A_212 : vector<16xf32>
    %add3A_214 = arith.addf %add3A_185, %mul3A_213 : vector<16xf32>
    %get3A_215 = arith.constant 96 : index
    %get3A_216 = tpu.vector_load %arg8[%get3A_215] {strides = array<i32>} : memref<256xi32, #tpu.memory_space<vmem>>, vector<16xi32>,
    %jit3A_217 = arith.constant 32768 : i32
    %eq3A_218 = arith.constant 0 : i32
    %eq3A_219 = arith.cmpi eq, %jit3A_217, %eq3A_218 : i32
    %jit3A_220 = arith.constant 1 : i32
    %select_n3A_221 = arith.select %eq3A_219, %jit3A_220, %jit3A_217 : i32
    %rem3A_222 = vector.broadcast %select_n3A_221 : i32 to vector<16xi32>
    %rem3A_223 = arith.remsi %get3A_216, %rem3A_222 : vector<16xi32>
    %ne3A_224 = arith.constant 0 : i32
    %ne3A_225 = vector.broadcast %ne3A_224 : i32 to vector<16xi32>
    %ne3A_226 = arith.cmpi ne, %rem3A_223, %ne3A_225 : vector<16xi32>
    %lt3A_227 = arith.constant 0 : i32
    %lt3A_228 = vector.broadcast %lt3A_227 : i32 to vector<16xi32>
    %lt3A_229 = arith.cmpi slt, %rem3A_223, %lt3A_228 : vector<16xi32>
    %lt3A_230 = arith.constant 0 : i32
    %lt3A_231 = arith.cmpi slt, %select_n3A_221, %lt3A_230 : i32
    %ne3A_232 = vector.broadcast %lt3A_231 : i1 to vector<16xi1>
    %ne3A_233 = vector.broadcast %ne3A_232 : vector<16xi1> to vector<16xi1>
    %ne3A_234 = arith.xori %lt3A_229, %ne3A_233 : vector<16xi1>
    %and3A_235 = arith.andi %ne3A_234, %ne3A_226 : vector<16xi1>
    %add3A_236 = vector.broadcast %select_n3A_221 : i32 to vector<16xi32>
    %add3A_237 = arith.addi %rem3A_223, %add3A_236 : vector<16xi32>
    %select_n3A_238 = arith.select %and3A_235, %add3A_237, %rem3A_223 : vector<16xi1>, vector<16xi32>
    %gather3A_239 = tpu.vector_load_idx %arg10[%select_n3A_238] : memref<32768xf32, #tpu.memory_space<vmem>>[vector<16xi32>], vector<16xf32>,
    %get3A_240 = arith.constant 96 : index
    %get3A_241 = tpu.vector_load %arg11[%get3A_240] {strides = array<i32>} : memref<256xf32, #tpu.memory_space<vmem>>, vector<16xf32>,
    %mul3A_242 = arith.mulf %gather3A_239, %get3A_241 : vector<16xf32>
    %add3A_243 = arith.addf %add3A_214, %mul3A_242 : vector<16xf32>
    %get3A_244 = arith.constant 112 : index
    %get3A_245 = tpu.vector_load %arg8[%get3A_244] {strides = array<i32>} : memref<256xi32, #tpu.memory_space<vmem>>, vector<16xi32>,
    %jit3A_246 = arith.constant 32768 : i32
    %eq3A_247 = arith.constant 0 : i32
    %eq3A_248 = arith.cmpi eq, %jit3A_246, %eq3A_247 : i32
    %jit3A_249 = arith.constant 1 : i32
    %select_n3A_250 = arith.select %eq3A_248, %jit3A_249, %jit3A_246 : i32
    %rem3A_251 = vector.broadcast %select_n3A_250 : i32 to vector<16xi32>
    %rem3A_252 = arith.remsi %get3A_245, %rem3A_251 : vector<16xi32>
    %ne3A_253 = arith.constant 0 : i32
    %ne3A_254 = vector.broadcast %ne3A_253 : i32 to vector<16xi32>
    %ne3A_255 = arith.cmpi ne, %rem3A_252, %ne3A_254 : vector<16xi32>
    %lt3A_256 = arith.constant 0 : i32
    %lt3A_257 = vector.broadcast %lt3A_256 : i32 to vector<16xi32>
    %lt3A_258 = arith.cmpi slt, %rem3A_252, %lt3A_257 : vector<16xi32>
    %lt3A_259 = arith.constant 0 : i32
    %lt3A_260 = arith.cmpi slt, %select_n3A_250, %lt3A_259 : i32
    %ne3A_261 = vector.broadcast %lt3A_260 : i1 to vector<16xi1>
    %ne3A_262 = vector.broadcast %ne3A_261 : vector<16xi1> to vector<16xi1>
    %ne3A_263 = arith.xori %lt3A_258, %ne3A_262 : vector<16xi1>
    %and3A_264 = arith.andi %ne3A_263, %ne3A_255 : vector<16xi1>
    %add3A_265 = vector.broadcast %select_n3A_250 : i32 to vector<16xi32>
    %add3A_266 = arith.addi %rem3A_252, %add3A_265 : vector<16xi32>
    %select_n3A_267 = arith.select %and3A_264, %add3A_266, %rem3A_252 : vector<16xi1>, vector<16xi32>
    %gather3A_268 = tpu.vector_load_idx %arg10[%select_n3A_267] : memref<32768xf32, #tpu.memory_space<vmem>>[vector<16xi32>], vector<16xf32>,
    %get3A_269 = arith.constant 112 : index
    %get3A_270 = tpu.vector_load %arg11[%get3A_269] {strides = array<i32>} : memref<256xf32, #tpu.memory_space<vmem>>, vector<16xf32>,
    %mul3A_271 = arith.mulf %gather3A_268, %get3A_270 : vector<16xf32>
    %add3A_272 = arith.addf %add3A_243, %mul3A_271 : vector<16xf32>
    %get3A_273 = arith.constant 128 : index
    %get3A_274 = tpu.vector_load %arg8[%get3A_273] {strides = array<i32>} : memref<256xi32, #tpu.memory_space<vmem>>, vector<16xi32>,
    %jit3A_275 = arith.constant 32768 : i32
    %eq3A_276 = arith.constant 0 : i32
    %eq3A_277 = arith.cmpi eq, %jit3A_275, %eq3A_276 : i32
    %jit3A_278 = arith.constant 1 : i32
    %select_n3A_279 = arith.select %eq3A_277, %jit3A_278, %jit3A_275 : i32
    %rem3A_280 = vector.broadcast %select_n3A_279 : i32 to vector<16xi32>
    %rem3A_281 = arith.remsi %get3A_274, %rem3A_280 : vector<16xi32>
    %ne3A_282 = arith.constant 0 : i32
    %ne3A_283 = vector.broadcast %ne3A_282 : i32 to vector<16xi32>
    %ne3A_284 = arith.cmpi ne, %rem3A_281, %ne3A_283 : vector<16xi32>
    %lt3A_285 = arith.constant 0 : i32
    %lt3A_286 = vector.broadcast %lt3A_285 : i32 to vector<16xi32>
    %lt3A_287 = arith.cmpi slt, %rem3A_281, %lt3A_286 : vector<16xi32>
    %lt3A_288 = arith.constant 0 : i32
    %lt3A_289 = arith.cmpi slt, %select_n3A_279, %lt3A_288 : i32
    %ne3A_290 = vector.broadcast %lt3A_289 : i1 to vector<16xi1>
    %ne3A_291 = vector.broadcast %ne3A_290 : vector<16xi1> to vector<16xi1>
    %ne3A_292 = arith.xori %lt3A_287, %ne3A_291 : vector<16xi1>
    %and3A_293 = arith.andi %ne3A_292, %ne3A_284 : vector<16xi1>
    %add3A_294 = vector.broadcast %select_n3A_279 : i32 to vector<16xi32>
    %add3A_295 = arith.addi %rem3A_281, %add3A_294 : vector<16xi32>
    %select_n3A_296 = arith.select %and3A_293, %add3A_295, %rem3A_281 : vector<16xi1>, vector<16xi32>
    %gather3A_297 = tpu.vector_load_idx %arg10[%select_n3A_296] : memref<32768xf32, #tpu.memory_space<vmem>>[vector<16xi32>], vector<16xf32>,
    %get3A_298 = arith.constant 128 : index
    %get3A_299 = tpu.vector_load %arg11[%get3A_298] {strides = array<i32>} : memref<256xf32, #tpu.memory_space<vmem>>, vector<16xf32>,
    %mul3A_300 = arith.mulf %gather3A_297, %get3A_299 : vector<16xf32>
    %add3A_301 = arith.addf %add3A_272, %mul3A_300 : vector<16xf32>
    %get3A_302 = arith.constant 144 : index
    %get3A_303 = tpu.vector_load %arg8[%get3A_302] {strides = array<i32>} : memref<256xi32, #tpu.memory_space<vmem>>, vector<16xi32>,
    %jit3A_304 = arith.constant 32768 : i32
    %eq3A_305 = arith.constant 0 : i32
    %eq3A_306 = arith.cmpi eq, %jit3A_304, %eq3A_305 : i32
    %jit3A_307 = arith.constant 1 : i32
    %select_n3A_308 = arith.select %eq3A_306, %jit3A_307, %jit3A_304 : i32
    %rem3A_309 = vector.broadcast %select_n3A_308 : i32 to vector<16xi32>
    %rem3A_310 = arith.remsi %get3A_303, %rem3A_309 : vector<16xi32>
    %ne3A_311 = arith.constant 0 : i32
    %ne3A_312 = vector.broadcast %ne3A_311 : i32 to vector<16xi32>
    %ne3A_313 = arith.cmpi ne, %rem3A_310, %ne3A_312 : vector<16xi32>
    %lt3A_314 = arith.constant 0 : i32
    %lt3A_315 = vector.broadcast %lt3A_314 : i32 to vector<16xi32>
    %lt3A_316 = arith.cmpi slt, %rem3A_310, %lt3A_315 : vector<16xi32>
    %lt3A_317 = arith.constant 0 : i32
    %lt3A_318 = arith.cmpi slt, %select_n3A_308, %lt3A_317 : i32
    %ne3A_319 = vector.broadcast %lt3A_318 : i1 to vector<16xi1>
    %ne3A_320 = vector.broadcast %ne3A_319 : vector<16xi1> to vector<16xi1>
    %ne3A_321 = arith.xori %lt3A_316, %ne3A_320 : vector<16xi1>
    %and3A_322 = arith.andi %ne3A_321, %ne3A_313 : vector<16xi1>
    %add3A_323 = vector.broadcast %select_n3A_308 : i32 to vector<16xi32>
    %add3A_324 = arith.addi %rem3A_310, %add3A_323 : vector<16xi32>
    %select_n3A_325 = arith.select %and3A_322, %add3A_324, %rem3A_310 : vector<16xi1>, vector<16xi32>
    %gather3A_326 = tpu.vector_load_idx %arg10[%select_n3A_325] : memref<32768xf32, #tpu.memory_space<vmem>>[vector<16xi32>], vector<16xf32>,
    %get3A_327 = arith.constant 144 : index
    %get3A_328 = tpu.vector_load %arg11[%get3A_327] {strides = array<i32>} : memref<256xf32, #tpu.memory_space<vmem>>, vector<16xf32>,
    %mul3A_329 = arith.mulf %gather3A_326, %get3A_328 : vector<16xf32>
    %add3A_330 = arith.addf %add3A_301, %mul3A_329 : vector<16xf32>
    %get3A_331 = arith.constant 160 : index
    %get3A_332 = tpu.vector_load %arg8[%get3A_331] {strides = array<i32>} : memref<256xi32, #tpu.memory_space<vmem>>, vector<16xi32>,
    %jit3A_333 = arith.constant 32768 : i32
    %eq3A_334 = arith.constant 0 : i32
    %eq3A_335 = arith.cmpi eq, %jit3A_333, %eq3A_334 : i32
    %jit3A_336 = arith.constant 1 : i32
    %select_n3A_337 = arith.select %eq3A_335, %jit3A_336, %jit3A_333 : i32
    %rem3A_338 = vector.broadcast %select_n3A_337 : i32 to vector<16xi32>
    %rem3A_339 = arith.remsi %get3A_332, %rem3A_338 : vector<16xi32>
    %ne3A_340 = arith.constant 0 : i32
    %ne3A_341 = vector.broadcast %ne3A_340 : i32 to vector<16xi32>
    %ne3A_342 = arith.cmpi ne, %rem3A_339, %ne3A_341 : vector<16xi32>
    %lt3A_343 = arith.constant 0 : i32
    %lt3A_344 = vector.broadcast %lt3A_343 : i32 to vector<16xi32>
    %lt3A_345 = arith.cmpi slt, %rem3A_339, %lt3A_344 : vector<16xi32>
    %lt3A_346 = arith.constant 0 : i32
    %lt3A_347 = arith.cmpi slt, %select_n3A_337, %lt3A_346 : i32
    %ne3A_348 = vector.broadcast %lt3A_347 : i1 to vector<16xi1>
    %ne3A_349 = vector.broadcast %ne3A_348 : vector<16xi1> to vector<16xi1>
    %ne3A_350 = arith.xori %lt3A_345, %ne3A_349 : vector<16xi1>
    %and3A_351 = arith.andi %ne3A_350, %ne3A_342 : vector<16xi1>
    %add3A_352 = vector.broadcast %select_n3A_337 : i32 to vector<16xi32>
    %add3A_353 = arith.addi %rem3A_339, %add3A_352 : vector<16xi32>
    %select_n3A_354 = arith.select %and3A_351, %add3A_353, %rem3A_339 : vector<16xi1>, vector<16xi32>
    %gather3A_355 = tpu.vector_load_idx %arg10[%select_n3A_354] : memref<32768xf32, #tpu.memory_space<vmem>>[vector<16xi32>], vector<16xf32>,
    %get3A_356 = arith.constant 160 : index
    %get3A_357 = tpu.vector_load %arg11[%get3A_356] {strides = array<i32>} : memref<256xf32, #tpu.memory_space<vmem>>, vector<16xf32>,
    %mul3A_358 = arith.mulf %gather3A_355, %get3A_357 : vector<16xf32>
    %add3A_359 = arith.addf %add3A_330, %mul3A_358 : vector<16xf32>
    %get3A_360 = arith.constant 176 : index
    %get3A_361 = tpu.vector_load %arg8[%get3A_360] {strides = array<i32>} : memref<256xi32, #tpu.memory_space<vmem>>, vector<16xi32>,
    %jit3A_362 = arith.constant 32768 : i32
    %eq3A_363 = arith.constant 0 : i32
    %eq3A_364 = arith.cmpi eq, %jit3A_362, %eq3A_363 : i32
    %jit3A_365 = arith.constant 1 : i32
    %select_n3A_366 = arith.select %eq3A_364, %jit3A_365, %jit3A_362 : i32
    %rem3A_367 = vector.broadcast %select_n3A_366 : i32 to vector<16xi32>
    %rem3A_368 = arith.remsi %get3A_361, %rem3A_367 : vector<16xi32>
    %ne3A_369 = arith.constant 0 : i32
    %ne3A_370 = vector.broadcast %ne3A_369 : i32 to vector<16xi32>
    %ne3A_371 = arith.cmpi ne, %rem3A_368, %ne3A_370 : vector<16xi32>
    %lt3A_372 = arith.constant 0 : i32
    %lt3A_373 = vector.broadcast %lt3A_372 : i32 to vector<16xi32>
    %lt3A_374 = arith.cmpi slt, %rem3A_368, %lt3A_373 : vector<16xi32>
    %lt3A_375 = arith.constant 0 : i32
    %lt3A_376 = arith.cmpi slt, %select_n3A_366, %lt3A_375 : i32
    %ne3A_377 = vector.broadcast %lt3A_376 : i1 to vector<16xi1>
    %ne3A_378 = vector.broadcast %ne3A_377 : vector<16xi1> to vector<16xi1>
    %ne3A_379 = arith.xori %lt3A_374, %ne3A_378 : vector<16xi1>
    %and3A_380 = arith.andi %ne3A_379, %ne3A_371 : vector<16xi1>
    %add3A_381 = vector.broadcast %select_n3A_366 : i32 to vector<16xi32>
    %add3A_382 = arith.addi %rem3A_368, %add3A_381 : vector<16xi32>
    %select_n3A_383 = arith.select %and3A_380, %add3A_382, %rem3A_368 : vector<16xi1>, vector<16xi32>
    %gather3A_384 = tpu.vector_load_idx %arg10[%select_n3A_383] : memref<32768xf32, #tpu.memory_space<vmem>>[vector<16xi32>], vector<16xf32>,
    %get3A_385 = arith.constant 176 : index
    %get3A_386 = tpu.vector_load %arg11[%get3A_385] {strides = array<i32>} : memref<256xf32, #tpu.memory_space<vmem>>, vector<16xf32>,
    %mul3A_387 = arith.mulf %gather3A_384, %get3A_386 : vector<16xf32>
    %add3A_388 = arith.addf %add3A_359, %mul3A_387 : vector<16xf32>
    %get3A_389 = arith.constant 192 : index
    %get3A_390 = tpu.vector_load %arg8[%get3A_389] {strides = array<i32>} : memref<256xi32, #tpu.memory_space<vmem>>, vector<16xi32>,
    %jit3A_391 = arith.constant 32768 : i32
    %eq3A_392 = arith.constant 0 : i32
    %eq3A_393 = arith.cmpi eq, %jit3A_391, %eq3A_392 : i32
    %jit3A_394 = arith.constant 1 : i32
    %select_n3A_395 = arith.select %eq3A_393, %jit3A_394, %jit3A_391 : i32
    %rem3A_396 = vector.broadcast %select_n3A_395 : i32 to vector<16xi32>
    %rem3A_397 = arith.remsi %get3A_390, %rem3A_396 : vector<16xi32>
    %ne3A_398 = arith.constant 0 : i32
    %ne3A_399 = vector.broadcast %ne3A_398 : i32 to vector<16xi32>
    %ne3A_400 = arith.cmpi ne, %rem3A_397, %ne3A_399 : vector<16xi32>
    %lt3A_401 = arith.constant 0 : i32
    %lt3A_402 = vector.broadcast %lt3A_401 : i32 to vector<16xi32>
    %lt3A_403 = arith.cmpi slt, %rem3A_397, %lt3A_402 : vector<16xi32>
    %lt3A_404 = arith.constant 0 : i32
    %lt3A_405 = arith.cmpi slt, %select_n3A_395, %lt3A_404 : i32
    %ne3A_406 = vector.broadcast %lt3A_405 : i1 to vector<16xi1>
    %ne3A_407 = vector.broadcast %ne3A_406 : vector<16xi1> to vector<16xi1>
    %ne3A_408 = arith.xori %lt3A_403, %ne3A_407 : vector<16xi1>
    %and3A_409 = arith.andi %ne3A_408, %ne3A_400 : vector<16xi1>
    %add3A_410 = vector.broadcast %select_n3A_395 : i32 to vector<16xi32>
    %add3A_411 = arith.addi %rem3A_397, %add3A_410 : vector<16xi32>
    %select_n3A_412 = arith.select %and3A_409, %add3A_411, %rem3A_397 : vector<16xi1>, vector<16xi32>
    %gather3A_413 = tpu.vector_load_idx %arg10[%select_n3A_412] : memref<32768xf32, #tpu.memory_space<vmem>>[vector<16xi32>], vector<16xf32>,
    %get3A_414 = arith.constant 192 : index
    %get3A_415 = tpu.vector_load %arg11[%get3A_414] {strides = array<i32>} : memref<256xf32, #tpu.memory_space<vmem>>, vector<16xf32>,
    %mul3A_416 = arith.mulf %gather3A_413, %get3A_415 : vector<16xf32>
    %add3A_417 = arith.addf %add3A_388, %mul3A_416 : vector<16xf32>
    %get3A_418 = arith.constant 208 : index
    %get3A_419 = tpu.vector_load %arg8[%get3A_418] {strides = array<i32>} : memref<256xi32, #tpu.memory_space<vmem>>, vector<16xi32>,
    %jit3A_420 = arith.constant 32768 : i32
    %eq3A_421 = arith.constant 0 : i32
    %eq3A_422 = arith.cmpi eq, %jit3A_420, %eq3A_421 : i32
    %jit3A_423 = arith.constant 1 : i32
    %select_n3A_424 = arith.select %eq3A_422, %jit3A_423, %jit3A_420 : i32
    %rem3A_425 = vector.broadcast %select_n3A_424 : i32 to vector<16xi32>
    %rem3A_426 = arith.remsi %get3A_419, %rem3A_425 : vector<16xi32>
    %ne3A_427 = arith.constant 0 : i32
    %ne3A_428 = vector.broadcast %ne3A_427 : i32 to vector<16xi32>
    %ne3A_429 = arith.cmpi ne, %rem3A_426, %ne3A_428 : vector<16xi32>
    %lt3A_430 = arith.constant 0 : i32
    %lt3A_431 = vector.broadcast %lt3A_430 : i32 to vector<16xi32>
    %lt3A_432 = arith.cmpi slt, %rem3A_426, %lt3A_431 : vector<16xi32>
    %lt3A_433 = arith.constant 0 : i32
    %lt3A_434 = arith.cmpi slt, %select_n3A_424, %lt3A_433 : i32
    %ne3A_435 = vector.broadcast %lt3A_434 : i1 to vector<16xi1>
    %ne3A_436 = vector.broadcast %ne3A_435 : vector<16xi1> to vector<16xi1>
    %ne3A_437 = arith.xori %lt3A_432, %ne3A_436 : vector<16xi1>
    %and3A_438 = arith.andi %ne3A_437, %ne3A_429 : vector<16xi1>
    %add3A_439 = vector.broadcast %select_n3A_424 : i32 to vector<16xi32>
    %add3A_440 = arith.addi %rem3A_426, %add3A_439 : vector<16xi32>
    %select_n3A_441 = arith.select %and3A_438, %add3A_440, %rem3A_426 : vector<16xi1>, vector<16xi32>
    %gather3A_442 = tpu.vector_load_idx %arg10[%select_n3A_441] : memref<32768xf32, #tpu.memory_space<vmem>>[vector<16xi32>], vector<16xf32>,
    %get3A_443 = arith.constant 208 : index
    %get3A_444 = tpu.vector_load %arg11[%get3A_443] {strides = array<i32>} : memref<256xf32, #tpu.memory_space<vmem>>, vector<16xf32>,
    %mul3A_445 = arith.mulf %gather3A_442, %get3A_444 : vector<16xf32>
    %add3A_446 = arith.addf %add3A_417, %mul3A_445 : vector<16xf32>
    %get3A_447 = arith.constant 224 : index
    %get3A_448 = tpu.vector_load %arg8[%get3A_447] {strides = array<i32>} : memref<256xi32, #tpu.memory_space<vmem>>, vector<16xi32>,
    %jit3A_449 = arith.constant 32768 : i32
    %eq3A_450 = arith.constant 0 : i32
    %eq3A_451 = arith.cmpi eq, %jit3A_449, %eq3A_450 : i32
    %jit3A_452 = arith.constant 1 : i32
    %select_n3A_453 = arith.select %eq3A_451, %jit3A_452, %jit3A_449 : i32
    %rem3A_454 = vector.broadcast %select_n3A_453 : i32 to vector<16xi32>
    %rem3A_455 = arith.remsi %get3A_448, %rem3A_454 : vector<16xi32>
    %ne3A_456 = arith.constant 0 : i32
    %ne3A_457 = vector.broadcast %ne3A_456 : i32 to vector<16xi32>
    %ne3A_458 = arith.cmpi ne, %rem3A_455, %ne3A_457 : vector<16xi32>
    %lt3A_459 = arith.constant 0 : i32
    %lt3A_460 = vector.broadcast %lt3A_459 : i32 to vector<16xi32>
    %lt3A_461 = arith.cmpi slt, %rem3A_455, %lt3A_460 : vector<16xi32>
    %lt3A_462 = arith.constant 0 : i32
    %lt3A_463 = arith.cmpi slt, %select_n3A_453, %lt3A_462 : i32
    %ne3A_464 = vector.broadcast %lt3A_463 : i1 to vector<16xi1>
    %ne3A_465 = vector.broadcast %ne3A_464 : vector<16xi1> to vector<16xi1>
    %ne3A_466 = arith.xori %lt3A_461, %ne3A_465 : vector<16xi1>
    %and3A_467 = arith.andi %ne3A_466, %ne3A_458 : vector<16xi1>
    %add3A_468 = vector.broadcast %select_n3A_453 : i32 to vector<16xi32>
    %add3A_469 = arith.addi %rem3A_455, %add3A_468 : vector<16xi32>
    %select_n3A_470 = arith.select %and3A_467, %add3A_469, %rem3A_455 : vector<16xi1>, vector<16xi32>
    %gather3A_471 = tpu.vector_load_idx %arg10[%select_n3A_470] : memref<32768xf32, #tpu.memory_space<vmem>>[vector<16xi32>], vector<16xf32>,
    %get3A_472 = arith.constant 224 : index
    %get3A_473 = tpu.vector_load %arg11[%get3A_472] {strides = array<i32>} : memref<256xf32, #tpu.memory_space<vmem>>, vector<16xf32>,
    %mul3A_474 = arith.mulf %gather3A_471, %get3A_473 : vector<16xf32>
    %add3A_475 = arith.addf %add3A_446, %mul3A_474 : vector<16xf32>
    %get3A_476 = arith.constant 240 : index
    %get3A_477 = tpu.vector_load %arg8[%get3A_476] {strides = array<i32>} : memref<256xi32, #tpu.memory_space<vmem>>, vector<16xi32>,
    %jit3A_478 = arith.constant 32768 : i32
    %eq3A_479 = arith.constant 0 : i32
    %eq3A_480 = arith.cmpi eq, %jit3A_478, %eq3A_479 : i32
    %jit3A_481 = arith.constant 1 : i32
    %select_n3A_482 = arith.select %eq3A_480, %jit3A_481, %jit3A_478 : i32
    %rem3A_483 = vector.broadcast %select_n3A_482 : i32 to vector<16xi32>
    %rem3A_484 = arith.remsi %get3A_477, %rem3A_483 : vector<16xi32>
    %ne3A_485 = arith.constant 0 : i32
    %ne3A_486 = vector.broadcast %ne3A_485 : i32 to vector<16xi32>
    %ne3A_487 = arith.cmpi ne, %rem3A_484, %ne3A_486 : vector<16xi32>
    %lt3A_488 = arith.constant 0 : i32
    %lt3A_489 = vector.broadcast %lt3A_488 : i32 to vector<16xi32>
    %lt3A_490 = arith.cmpi slt, %rem3A_484, %lt3A_489 : vector<16xi32>
    %lt3A_491 = arith.constant 0 : i32
    %lt3A_492 = arith.cmpi slt, %select_n3A_482, %lt3A_491 : i32
    %ne3A_493 = vector.broadcast %lt3A_492 : i1 to vector<16xi1>
    %ne3A_494 = vector.broadcast %ne3A_493 : vector<16xi1> to vector<16xi1>
    %ne3A_495 = arith.xori %lt3A_490, %ne3A_494 : vector<16xi1>
    %and3A_496 = arith.andi %ne3A_495, %ne3A_487 : vector<16xi1>
    %add3A_497 = vector.broadcast %select_n3A_482 : i32 to vector<16xi32>
    %add3A_498 = arith.addi %rem3A_484, %add3A_497 : vector<16xi32>
    %select_n3A_499 = arith.select %and3A_496, %add3A_498, %rem3A_484 : vector<16xi1>, vector<16xi32>
    %gather3A_500 = tpu.vector_load_idx %arg10[%select_n3A_499] : memref<32768xf32, #tpu.memory_space<vmem>>[vector<16xi32>], vector<16xf32>,
    %get3A_501 = arith.constant 240 : index
    %get3A_502 = tpu.vector_load %arg11[%get3A_501] {strides = array<i32>} : memref<256xf32, #tpu.memory_space<vmem>>, vector<16xf32>,
    %mul3A_503 = arith.mulf %gather3A_500, %get3A_502 : vector<16xf32>
    %add3A_504 = arith.addf %add3A_475, %mul3A_503 : vector<16xf32>
    %swap3A = arith.constant 0 : index
    %swap3A_505 = tpu.vector_load %arg12[%swap3A] {strides = array<i32>} : memref<16xf32, #tpu.memory_space<vmem>>, vector<16xf32>,
    tpu.vector_store %arg12[%swap3A], %add3A_504 {strides = array<i32>} : memref<16xf32, #tpu.memory_space<vmem>>, vector<16xf32>,
    "tpu.region"() ({
      %run_scoped3A = tpu.sem_alloc : memref<!tpu.dma_semaphore, #tpu.memory_space<semaphore_mem>>
      %dma_start3A_506 = arith.constant 0 : i32
      %dma_start3A_507 = tpu.memref_slice %arg7[%add3A, %dma_start3A_506] : memref<32x16xf32, #tpu.memory_space<hbm>> -> memref<1x16xf32, #tpu.memory_space<hbm>>
      %dma_start3A_508 = tpu.memref_squeeze %dma_start3A_507 : memref<1x16xf32, #tpu.memory_space<hbm>> -> memref<16xf32, #tpu.memory_space<hbm>>
      %dma_start3A_509 = arith.constant 0 : i32
      %dma_start3A_510 = tpu.memref_slice %arg7[%add3A, %dma_start3A_509] : memref<32x16xf32, #tpu.memory_space<hbm>> -> memref<1x16xf32, #tpu.memory_space<hbm>>
      %dma_start3A_511 = tpu.memref_squeeze %dma_start3A_510 : memref<1x16xf32, #tpu.memory_space<hbm>> -> memref<16xf32, #tpu.memory_space<hbm>>
      tpu.enqueue_dma source(%arg12 : memref<16xf32, #tpu.memory_space<vmem>>) target(%dma_start3A_511 : memref<16xf32, #tpu.memory_space<hbm>>) target_semaphore(%run_scoped3A : memref<!tpu.dma_semaphore, #tpu.memory_space<semaphore_mem>>)
      %dma_wait3A_512 = arith.constant 0 : i32
      %dma_wait3A_513 = tpu.memref_slice %arg7[%add3A, %dma_wait3A_512] : memref<32x16xf32, #tpu.memory_space<hbm>> -> memref<1x16xf32, #tpu.memory_space<hbm>>
      %dma_wait3A_514 = tpu.memref_squeeze %dma_wait3A_513 : memref<1x16xf32, #tpu.memory_space<hbm>> -> memref<16xf32, #tpu.memory_space<hbm>>
      %dma_wait3A_515 = arith.constant 0 : i32
      %dma_wait3A_516 = tpu.memref_slice %arg7[%add3A, %dma_wait3A_515] : memref<32x16xf32, #tpu.memory_space<hbm>> -> memref<1x16xf32, #tpu.memory_space<hbm>>
      %dma_wait3A_517 = tpu.memref_squeeze %dma_wait3A_516 : memref<1x16xf32, #tpu.memory_space<hbm>> -> memref<16xf32, #tpu.memory_space<hbm>>
      tpu.wait_dma2 semaphore(%run_scoped3A : memref<!tpu.dma_semaphore, #tpu.memory_space<semaphore_mem>>) src(%arg12 : memref<16xf32, #tpu.memory_space<vmem>>) dst(%dma_wait3A_517 : memref<16xf32, #tpu.memory_space<hbm>>)
      tpu.yield
    }) : () -> ()
    return
  }
}

#map = affine_map<(d0, d1) -> (0, 0)>
#map1 = affine_map<(d0, d1) -> (0)>
module attributes {stable_mosaic.version = 14 : i64} {
  func.func @k(%arg0: i32, %arg1: i32, %arg2: memref<65536x768xf32, #tpu.memory_space<hbm>>, %arg3: memref<8192xi32, #tpu.memory_space<hbm>>, %arg4: memref<32768xf32, #tpu.memory_space<hbm>>, %arg5: memref<8192xf32, #tpu.memory_space<hbm>>, %arg6: memref<8192x768xf32, #tpu.memory_space<hbm>>, %arg7: memref<32x16xf32, #tpu.memory_space<hbm>>, %arg8: memref<256xi32, #tpu.memory_space<vmem>>, %arg9: memref<64x768xf32, #tpu.memory_space<vmem>>, %arg10: memref<32768xf32, #tpu.memory_space<vmem>>, %arg11: memref<256xf32, #tpu.memory_space<vmem>>, %arg12: memref<16xf32, #tpu.memory_space<vmem>>, %arg13: memref<!tpu.dma_semaphore, #tpu.memory_space<semaphore_mem>>) attributes {dimension_semantics = [#tpu.dimension_semantics<core_parallel>, #tpu.dimension_semantics<subcore_parallel>], iteration_bounds = array<i64: 2, 16>, scalar_prefetch = 0 : i64, scratch_operands = 6 : i64, tpu.core_type = #tpu.core_type<sc_vector_subcore>, window_params = [{transform_indices = #map}, {transform_indices = #map1}, {transform_indices = #map1}, {transform_indices = #map1}, {transform_indices = #map}, {transform_indices = #map}]} {
    %mul3A = arith.constant 2 : i32
    %mul3A_0 = arith.muli %arg1, %mul3A : i32
    %add3A = arith.addi %mul3A_0, %arg0 : i32
    %mul3A_1 = arith.constant 256 : i32
    %mul3A_2 = arith.muli %add3A, %mul3A_1 : i32
    "tpu.region"() ({
      %run_scoped3A = tpu.sem_alloc : memref<!tpu.dma_semaphore, #tpu.memory_space<semaphore_mem>>
      %dma_start3A_506 = tpu.memref_slice %arg3[%mul3A_2] : memref<8192xi32, #tpu.memory_space<hbm>> -> memref<256xi32, #tpu.memory_space<hbm>>
      %dma_start3A_507 = tpu.memref_slice %arg3[%mul3A_2] : memref<8192xi32, #tpu.memory_space<hbm>> -> memref<256xi32, #tpu.memory_space<hbm>>
      tpu.enqueue_dma source(%dma_start3A_507 : memref<256xi32, #tpu.memory_space<hbm>>) target(%arg8 : memref<256xi32, #tpu.memory_space<vmem>>) target_semaphore(%run_scoped3A : memref<!tpu.dma_semaphore, #tpu.memory_space<semaphore_mem>>)
      %dma_wait3A_508 = tpu.memref_slice %arg3[%mul3A_2] : memref<8192xi32, #tpu.memory_space<hbm>> -> memref<256xi32, #tpu.memory_space<hbm>>
      %dma_wait3A_509 = tpu.memref_slice %arg3[%mul3A_2] : memref<8192xi32, #tpu.memory_space<hbm>> -> memref<256xi32, #tpu.memory_space<hbm>>
      tpu.wait_dma2 semaphore(%run_scoped3A : memref<!tpu.dma_semaphore, #tpu.memory_space<semaphore_mem>>) src(%dma_wait3A_509 : memref<256xi32, #tpu.memory_space<hbm>>) dst(%arg8 : memref<256xi32, #tpu.memory_space<vmem>>)
      tpu.yield
    }) : () -> ()
    %dma_start3A = arith.constant 0 : i32
    %dma_start3A_3 = tpu.memref_slice %arg8[%dma_start3A] : memref<256xi32, #tpu.memory_space<vmem>> -> memref<64xi32, #tpu.memory_space<vmem>>
    %dma_start3A_4 = arith.constant 0 : i32
    %dma_start3A_5 = arith.constant 0 : i32
    %dma_start3A_6 = tpu.memref_slice %arg2[%dma_start3A_4, %dma_start3A_5] : memref<65536x768xf32, #tpu.memory_space<hbm>> -> memref<65536x768xf32, #tpu.memory_space<hbm>>
    tpu.enqueue_indirect_dma source(%dma_start3A_6 : memref<65536x768xf32, #tpu.memory_space<hbm>>) target(%arg9 : memref<64x768xf32, #tpu.memory_space<vmem>>) offsets(%dma_start3A_3 : memref<64xi32, #tpu.memory_space<vmem>>) semaphore(%arg13 : memref<!tpu.dma_semaphore, #tpu.memory_space<semaphore_mem>>)
    %dma_wait3A = arith.constant 0 : i32
    %dma_wait3A_7 = tpu.memref_slice %arg8[%dma_wait3A] : memref<256xi32, #tpu.memory_space<vmem>> -> memref<64xi32, #tpu.memory_space<vmem>>
    %dma_wait3A_8 = arith.constant 0 : i32
    %dma_wait3A_9 = arith.constant 0 : i32
    %dma_wait3A_10 = tpu.memref_slice %arg2[%dma_wait3A_8, %dma_wait3A_9] : memref<65536x768xf32, #tpu.memory_space<hbm>> -> memref<65536x768xf32, #tpu.memory_space<hbm>>
    tpu.wait_indirect_dma semaphore(%arg13 : memref<!tpu.dma_semaphore, #tpu.memory_space<semaphore_mem>>) src(%dma_wait3A_10 : memref<65536x768xf32, #tpu.memory_space<hbm>>) dst(%arg9 : memref<64x768xf32, #tpu.memory_space<vmem>>)
    %add3A_11 = arith.constant 0 : i32
    %add3A_12 = arith.addi %mul3A_2, %add3A_11 : i32
    "tpu.region"() ({
      %run_scoped3A = tpu.sem_alloc : memref<!tpu.dma_semaphore, #tpu.memory_space<semaphore_mem>>
      %dma_start3A_506 = arith.constant 0 : i32
      %dma_start3A_507 = tpu.memref_slice %arg6[%add3A_12, %dma_start3A_506] : memref<8192x768xf32, #tpu.memory_space<hbm>> -> memref<64x768xf32, #tpu.memory_space<hbm>>
      %dma_start3A_508 = arith.constant 0 : i32
      %dma_start3A_509 = tpu.memref_slice %arg6[%add3A_12, %dma_start3A_508] : memref<8192x768xf32, #tpu.memory_space<hbm>> -> memref<64x768xf32, #tpu.memory_space<hbm>>
      tpu.enqueue_dma source(%arg9 : memref<64x768xf32, #tpu.memory_space<vmem>>) target(%dma_start3A_509 : memref<64x768xf32, #tpu.memory_space<hbm>>) target_semaphore(%run_scoped3A : memref<!tpu.dma_semaphore, #tpu.memory_space<semaphore_mem>>)
      %dma_wait3A_510 = arith.constant 0 : i32
      %dma_wait3A_511 = tpu.memref_slice %arg6[%add3A_12, %dma_wait3A_510] : memref<8192x768xf32, #tpu.memory_space<hbm>> -> memref<64x768xf32, #tpu.memory_space<hbm>>
      %dma_wait3A_512 = arith.constant 0 : i32
      %dma_wait3A_513 = tpu.memref_slice %arg6[%add3A_12, %dma_wait3A_512] : memref<8192x768xf32, #tpu.memory_space<hbm>> -> memref<64x768xf32, #tpu.memory_space<hbm>>
      tpu.wait_dma2 semaphore(%run_scoped3A : memref<!tpu.dma_semaphore, #tpu.memory_space<semaphore_mem>>) src(%arg9 : memref<64x768xf32, #tpu.memory_space<vmem>>) dst(%dma_wait3A_513 : memref<64x768xf32, #tpu.memory_space<hbm>>)
      tpu.yield
    }) : () -> ()
    %dma_start3A_13 = arith.constant 64 : i32
    %dma_start3A_14 = tpu.memref_slice %arg8[%dma_start3A_13] : memref<256xi32, #tpu.memory_space<vmem>> -> memref<64xi32, #tpu.memory_space<vmem>>
    %dma_start3A_15 = arith.constant 0 : i32
    %dma_start3A_16 = arith.constant 0 : i32
    %dma_start3A_17 = tpu.memref_slice %arg2[%dma_start3A_15, %dma_start3A_16] : memref<65536x768xf32, #tpu.memory_space<hbm>> -> memref<65536x768xf32, #tpu.memory_space<hbm>>
    tpu.enqueue_indirect_dma source(%dma_start3A_17 : memref<65536x768xf32, #tpu.memory_space<hbm>>) target(%arg9 : memref<64x768xf32, #tpu.memory_space<vmem>>) offsets(%dma_start3A_14 : memref<64xi32, #tpu.memory_space<vmem>>) semaphore(%arg13 : memref<!tpu.dma_semaphore, #tpu.memory_space<semaphore_mem>>)
    %dma_wait3A_18 = arith.constant 64 : i32
    %dma_wait3A_19 = tpu.memref_slice %arg8[%dma_wait3A_18] : memref<256xi32, #tpu.memory_space<vmem>> -> memref<64xi32, #tpu.memory_space<vmem>>
    %dma_wait3A_20 = arith.constant 0 : i32
    %dma_wait3A_21 = arith.constant 0 : i32
    %dma_wait3A_22 = tpu.memref_slice %arg2[%dma_wait3A_20, %dma_wait3A_21] : memref<65536x768xf32, #tpu.memory_space<hbm>> -> memref<65536x768xf32, #tpu.memory_space<hbm>>
    tpu.wait_indirect_dma semaphore(%arg13 : memref<!tpu.dma_semaphore, #tpu.memory_space<semaphore_mem>>) src(%dma_wait3A_22 : memref<65536x768xf32, #tpu.memory_space<hbm>>) dst(%arg9 : memref<64x768xf32, #tpu.memory_space<vmem>>)
    %add3A_23 = arith.constant 64 : i32
    %add3A_24 = arith.addi %mul3A_2, %add3A_23 : i32
    "tpu.region"() ({
      %run_scoped3A = tpu.sem_alloc : memref<!tpu.dma_semaphore, #tpu.memory_space<semaphore_mem>>
      %dma_start3A_506 = arith.constant 0 : i32
      %dma_start3A_507 = tpu.memref_slice %arg6[%add3A_24, %dma_start3A_506] : memref<8192x768xf32, #tpu.memory_space<hbm>> -> memref<64x768xf32, #tpu.memory_space<hbm>>
      %dma_start3A_508 = arith.constant 0 : i32
      %dma_start3A_509 = tpu.memref_slice %arg6[%add3A_24, %dma_start3A_508] : memref<8192x768xf32, #tpu.memory_space<hbm>> -> memref<64x768xf32, #tpu.memory_space<hbm>>
      tpu.enqueue_dma source(%arg9 : memref<64x768xf32, #tpu.memory_space<vmem>>) target(%dma_start3A_509 : memref<64x768xf32, #tpu.memory_space<hbm>>) target_semaphore(%run_scoped3A : memref<!tpu.dma_semaphore, #tpu.memory_space<semaphore_mem>>)
      %dma_wait3A_510 = arith.constant 0 : i32
      %dma_wait3A_511 = tpu.memref_slice %arg6[%add3A_24, %dma_wait3A_510] : memref<8192x768xf32, #tpu.memory_space<hbm>> -> memref<64x768xf32, #tpu.memory_space<hbm>>
      %dma_wait3A_512 = arith.constant 0 : i32
      %dma_wait3A_513 = tpu.memref_slice %arg6[%add3A_24, %dma_wait3A_512] : memref<8192x768xf32, #tpu.memory_space<hbm>> -> memref<64x768xf32, #tpu.memory_space<hbm>>
      tpu.wait_dma2 semaphore(%run_scoped3A : memref<!tpu.dma_semaphore, #tpu.memory_space<semaphore_mem>>) src(%arg9 : memref<64x768xf32, #tpu.memory_space<vmem>>) dst(%dma_wait3A_513 : memref<64x768xf32, #tpu.memory_space<hbm>>)
      tpu.yield
    }) : () -> ()
    %dma_start3A_25 = arith.constant 128 : i32
    %dma_start3A_26 = tpu.memref_slice %arg8[%dma_start3A_25] : memref<256xi32, #tpu.memory_space<vmem>> -> memref<64xi32, #tpu.memory_space<vmem>>
    %dma_start3A_27 = arith.constant 0 : i32
    %dma_start3A_28 = arith.constant 0 : i32
    %dma_start3A_29 = tpu.memref_slice %arg2[%dma_start3A_27, %dma_start3A_28] : memref<65536x768xf32, #tpu.memory_space<hbm>> -> memref<65536x768xf32, #tpu.memory_space<hbm>>
    tpu.enqueue_indirect_dma source(%dma_start3A_29 : memref<65536x768xf32, #tpu.memory_space<hbm>>) target(%arg9 : memref<64x768xf32, #tpu.memory_space<vmem>>) offsets(%dma_start3A_26 : memref<64xi32, #tpu.memory_space<vmem>>) semaphore(%arg13 : memref<!tpu.dma_semaphore, #tpu.memory_space<semaphore_mem>>)
    %dma_wait3A_30 = arith.constant 128 : i32
    %dma_wait3A_31 = tpu.memref_slice %arg8[%dma_wait3A_30] : memref<256xi32, #tpu.memory_space<vmem>> -> memref<64xi32, #tpu.memory_space<vmem>>
    %dma_wait3A_32 = arith.constant 0 : i32
    %dma_wait3A_33 = arith.constant 0 : i32
    %dma_wait3A_34 = tpu.memref_slice %arg2[%dma_wait3A_32, %dma_wait3A_33] : memref<65536x768xf32, #tpu.memory_space<hbm>> -> memref<65536x768xf32, #tpu.memory_space<hbm>>
    tpu.wait_indirect_dma semaphore(%arg13 : memref<!tpu.dma_semaphore, #tpu.memory_space<semaphore_mem>>) src(%dma_wait3A_34 : memref<65536x768xf32, #tpu.memory_space<hbm>>) dst(%arg9 : memref<64x768xf32, #tpu.memory_space<vmem>>)
    %add3A_35 = arith.constant 128 : i32
    %add3A_36 = arith.addi %mul3A_2, %add3A_35 : i32
    "tpu.region"() ({
      %run_scoped3A = tpu.sem_alloc : memref<!tpu.dma_semaphore, #tpu.memory_space<semaphore_mem>>
      %dma_start3A_506 = arith.constant 0 : i32
      %dma_start3A_507 = tpu.memref_slice %arg6[%add3A_36, %dma_start3A_506] : memref<8192x768xf32, #tpu.memory_space<hbm>> -> memref<64x768xf32, #tpu.memory_space<hbm>>
      %dma_start3A_508 = arith.constant 0 : i32
      %dma_start3A_509 = tpu.memref_slice %arg6[%add3A_36, %dma_start3A_508] : memref<8192x768xf32, #tpu.memory_space<hbm>> -> memref<64x768xf32, #tpu.memory_space<hbm>>
      tpu.enqueue_dma source(%arg9 : memref<64x768xf32, #tpu.memory_space<vmem>>) target(%dma_start3A_509 : memref<64x768xf32, #tpu.memory_space<hbm>>) target_semaphore(%run_scoped3A : memref<!tpu.dma_semaphore, #tpu.memory_space<semaphore_mem>>)
      %dma_wait3A_510 = arith.constant 0 : i32
      %dma_wait3A_511 = tpu.memref_slice %arg6[%add3A_36, %dma_wait3A_510] : memref<8192x768xf32, #tpu.memory_space<hbm>> -> memref<64x768xf32, #tpu.memory_space<hbm>>
      %dma_wait3A_512 = arith.constant 0 : i32
      %dma_wait3A_513 = tpu.memref_slice %arg6[%add3A_36, %dma_wait3A_512] : memref<8192x768xf32, #tpu.memory_space<hbm>> -> memref<64x768xf32, #tpu.memory_space<hbm>>
      tpu.wait_dma2 semaphore(%run_scoped3A : memref<!tpu.dma_semaphore, #tpu.memory_space<semaphore_mem>>) src(%arg9 : memref<64x768xf32, #tpu.memory_space<vmem>>) dst(%dma_wait3A_513 : memref<64x768xf32, #tpu.memory_space<hbm>>)
      tpu.yield
    }) : () -> ()
    %dma_start3A_37 = arith.constant 192 : i32
    %dma_start3A_38 = tpu.memref_slice %arg8[%dma_start3A_37] : memref<256xi32, #tpu.memory_space<vmem>> -> memref<64xi32, #tpu.memory_space<vmem>>
    %dma_start3A_39 = arith.constant 0 : i32
    %dma_start3A_40 = arith.constant 0 : i32
    %dma_start3A_41 = tpu.memref_slice %arg2[%dma_start3A_39, %dma_start3A_40] : memref<65536x768xf32, #tpu.memory_space<hbm>> -> memref<65536x768xf32, #tpu.memory_space<hbm>>
    tpu.enqueue_indirect_dma source(%dma_start3A_41 : memref<65536x768xf32, #tpu.memory_space<hbm>>) target(%arg9 : memref<64x768xf32, #tpu.memory_space<vmem>>) offsets(%dma_start3A_38 : memref<64xi32, #tpu.memory_space<vmem>>) semaphore(%arg13 : memref<!tpu.dma_semaphore, #tpu.memory_space<semaphore_mem>>)
    %dma_wait3A_42 = arith.constant 192 : i32
    %dma_wait3A_43 = tpu.memref_slice %arg8[%dma_wait3A_42] : memref<256xi32, #tpu.memory_space<vmem>> -> memref<64xi32, #tpu.memory_space<vmem>>
    %dma_wait3A_44 = arith.constant 0 : i32
    %dma_wait3A_45 = arith.constant 0 : i32
    %dma_wait3A_46 = tpu.memref_slice %arg2[%dma_wait3A_44, %dma_wait3A_45] : memref<65536x768xf32, #tpu.memory_space<hbm>> -> memref<65536x768xf32, #tpu.memory_space<hbm>>
    tpu.wait_indirect_dma semaphore(%arg13 : memref<!tpu.dma_semaphore, #tpu.memory_space<semaphore_mem>>) src(%dma_wait3A_46 : memref<65536x768xf32, #tpu.memory_space<hbm>>) dst(%arg9 : memref<64x768xf32, #tpu.memory_space<vmem>>)
    %add3A_47 = arith.constant 192 : i32
    %add3A_48 = arith.addi %mul3A_2, %add3A_47 : i32
    "tpu.region"() ({
      %run_scoped3A = tpu.sem_alloc : memref<!tpu.dma_semaphore, #tpu.memory_space<semaphore_mem>>
      %dma_start3A_506 = arith.constant 0 : i32
      %dma_start3A_507 = tpu.memref_slice %arg6[%add3A_48, %dma_start3A_506] : memref<8192x768xf32, #tpu.memory_space<hbm>> -> memref<64x768xf32, #tpu.memory_space<hbm>>
      %dma_start3A_508 = arith.constant 0 : i32
      %dma_start3A_509 = tpu.memref_slice %arg6[%add3A_48, %dma_start3A_508] : memref<8192x768xf32, #tpu.memory_space<hbm>> -> memref<64x768xf32, #tpu.memory_space<hbm>>
      tpu.enqueue_dma source(%arg9 : memref<64x768xf32, #tpu.memory_space<vmem>>) target(%dma_start3A_509 : memref<64x768xf32, #tpu.memory_space<hbm>>) target_semaphore(%run_scoped3A : memref<!tpu.dma_semaphore, #tpu.memory_space<semaphore_mem>>)
      %dma_wait3A_510 = arith.constant 0 : i32
      %dma_wait3A_511 = tpu.memref_slice %arg6[%add3A_48, %dma_wait3A_510] : memref<8192x768xf32, #tpu.memory_space<hbm>> -> memref<64x768xf32, #tpu.memory_space<hbm>>
      %dma_wait3A_512 = arith.constant 0 : i32
      %dma_wait3A_513 = tpu.memref_slice %arg6[%add3A_48, %dma_wait3A_512] : memref<8192x768xf32, #tpu.memory_space<hbm>> -> memref<64x768xf32, #tpu.memory_space<hbm>>
      tpu.wait_dma2 semaphore(%run_scoped3A : memref<!tpu.dma_semaphore, #tpu.memory_space<semaphore_mem>>) src(%arg9 : memref<64x768xf32, #tpu.memory_space<vmem>>) dst(%dma_wait3A_513 : memref<64x768xf32, #tpu.memory_space<hbm>>)
      tpu.yield
    }) : () -> ()
    "tpu.region"() ({
      %run_scoped3A = tpu.sem_alloc : memref<!tpu.dma_semaphore, #tpu.memory_space<semaphore_mem>>
      tpu.enqueue_dma source(%arg4 : memref<32768xf32, #tpu.memory_space<hbm>>) target(%arg10 : memref<32768xf32, #tpu.memory_space<vmem>>) target_semaphore(%run_scoped3A : memref<!tpu.dma_semaphore, #tpu.memory_space<semaphore_mem>>)
      tpu.wait_dma2 semaphore(%run_scoped3A : memref<!tpu.dma_semaphore, #tpu.memory_space<semaphore_mem>>) src(%arg4 : memref<32768xf32, #tpu.memory_space<hbm>>) dst(%arg10 : memref<32768xf32, #tpu.memory_space<vmem>>)
      tpu.yield
    }) : () -> ()
    "tpu.region"() ({
      %run_scoped3A = tpu.sem_alloc : memref<!tpu.dma_semaphore, #tpu.memory_space<semaphore_mem>>
      %dma_start3A_506 = tpu.memref_slice %arg5[%mul3A_2] : memref<8192xf32, #tpu.memory_space<hbm>> -> memref<256xf32, #tpu.memory_space<hbm>>
      %dma_start3A_507 = tpu.memref_slice %arg5[%mul3A_2] : memref<8192xf32, #tpu.memory_space<hbm>> -> memref<256xf32, #tpu.memory_space<hbm>>
      tpu.enqueue_dma source(%dma_start3A_507 : memref<256xf32, #tpu.memory_space<hbm>>) target(%arg11 : memref<256xf32, #tpu.memory_space<vmem>>) target_semaphore(%run_scoped3A : memref<!tpu.dma_semaphore, #tpu.memory_space<semaphore_mem>>)
      %dma_wait3A_508 = tpu.memref_slice %arg5[%mul3A_2] : memref<8192xf32, #tpu.memory_space<hbm>> -> memref<256xf32, #tpu.memory_space<hbm>>
      %dma_wait3A_509 = tpu.memref_slice %arg5[%mul3A_2] : memref<8192xf32, #tpu.memory_space<hbm>> -> memref<256xf32, #tpu.memory_space<hbm>>
      tpu.wait_dma2 semaphore(%run_scoped3A : memref<!tpu.dma_semaphore, #tpu.memory_space<semaphore_mem>>) src(%dma_wait3A_509 : memref<256xf32, #tpu.memory_space<hbm>>) dst(%arg11 : memref<256xf32, #tpu.memory_space<vmem>>)
      tpu.yield
    }) : () -> ()
    %broadcast_in_dim3A = arith.constant 0.000000e+00 : f32
    %broadcast_in_dim3A_49 = vector.broadcast %broadcast_in_dim3A : f32 to vector<16xf32>
    %get3A = arith.constant 0 : index
    %get3A_50 = tpu.vector_load %arg8[%get3A] {strides = array<i32>} : memref<256xi32, #tpu.memory_space<vmem>>, vector<16xi32>,
    %jit3A = arith.constant 32768 : i32
    %eq3A = arith.constant 0 : i32
    %eq3A_51 = arith.cmpi eq, %jit3A, %eq3A : i32
    %jit3A_52 = arith.constant 1 : i32
    %select_n3A = arith.select %eq3A_51, %jit3A_52, %jit3A : i32
    %rem3A = vector.broadcast %select_n3A : i32 to vector<16xi32>
    %rem3A_53 = arith.remsi %get3A_50, %rem3A : vector<16xi32>
    %ne3A = arith.constant 0 : i32
    %ne3A_54 = vector.broadcast %ne3A : i32 to vector<16xi32>
    %ne3A_55 = arith.cmpi ne, %rem3A_53, %ne3A_54 : vector<16xi32>
    %lt3A = arith.constant 0 : i32
    %lt3A_56 = vector.broadcast %lt3A : i32 to vector<16xi32>
    %lt3A_57 = arith.cmpi slt, %rem3A_53, %lt3A_56 : vector<16xi32>
    %lt3A_58 = arith.constant 0 : i32
    %lt3A_59 = arith.cmpi slt, %select_n3A, %lt3A_58 : i32
    %ne3A_60 = vector.broadcast %lt3A_59 : i1 to vector<16xi1>
    %ne3A_61 = vector.broadcast %ne3A_60 : vector<16xi1> to vector<16xi1>
    %ne3A_62 = arith.xori %lt3A_57, %ne3A_61 : vector<16xi1>
    %and3A = arith.andi %ne3A_62, %ne3A_55 : vector<16xi1>
    %add3A_63 = vector.broadcast %select_n3A : i32 to vector<16xi32>
    %add3A_64 = arith.addi %rem3A_53, %add3A_63 : vector<16xi32>
    %select_n3A_65 = arith.select %and3A, %add3A_64, %rem3A_53 : vector<16xi1>, vector<16xi32>
    %gather3A = tpu.vector_load_idx %arg10[%select_n3A_65] : memref<32768xf32, #tpu.memory_space<vmem>>[vector<16xi32>], vector<16xf32>,
    %get3A_66 = arith.constant 0 : index
    %get3A_67 = tpu.vector_load %arg11[%get3A_66] {strides = array<i32>} : memref<256xf32, #tpu.memory_space<vmem>>, vector<16xf32>,
    %mul3A_68 = arith.mulf %gather3A, %get3A_67 : vector<16xf32>
    %add3A_69 = arith.addf %broadcast_in_dim3A_49, %mul3A_68 : vector<16xf32>
    %get3A_70 = arith.constant 16 : index
    %get3A_71 = tpu.vector_load %arg8[%get3A_70] {strides = array<i32>} : memref<256xi32, #tpu.memory_space<vmem>>, vector<16xi32>,
    %jit3A_72 = arith.constant 32768 : i32
    %eq3A_73 = arith.constant 0 : i32
    %eq3A_74 = arith.cmpi eq, %jit3A_72, %eq3A_73 : i32
    %jit3A_75 = arith.constant 1 : i32
    %select_n3A_76 = arith.select %eq3A_74, %jit3A_75, %jit3A_72 : i32
    %rem3A_77 = vector.broadcast %select_n3A_76 : i32 to vector<16xi32>
    %rem3A_78 = arith.remsi %get3A_71, %rem3A_77 : vector<16xi32>
    %ne3A_79 = arith.constant 0 : i32
    %ne3A_80 = vector.broadcast %ne3A_79 : i32 to vector<16xi32>
    %ne3A_81 = arith.cmpi ne, %rem3A_78, %ne3A_80 : vector<16xi32>
    %lt3A_82 = arith.constant 0 : i32
    %lt3A_83 = vector.broadcast %lt3A_82 : i32 to vector<16xi32>
    %lt3A_84 = arith.cmpi slt, %rem3A_78, %lt3A_83 : vector<16xi32>
    %lt3A_85 = arith.constant 0 : i32
    %lt3A_86 = arith.cmpi slt, %select_n3A_76, %lt3A_85 : i32
    %ne3A_87 = vector.broadcast %lt3A_86 : i1 to vector<16xi1>
    %ne3A_88 = vector.broadcast %ne3A_87 : vector<16xi1> to vector<16xi1>
    %ne3A_89 = arith.xori %lt3A_84, %ne3A_88 : vector<16xi1>
    %and3A_90 = arith.andi %ne3A_89, %ne3A_81 : vector<16xi1>
    %add3A_91 = vector.broadcast %select_n3A_76 : i32 to vector<16xi32>
    %add3A_92 = arith.addi %rem3A_78, %add3A_91 : vector<16xi32>
    %select_n3A_93 = arith.select %and3A_90, %add3A_92, %rem3A_78 : vector<16xi1>, vector<16xi32>
    %gather3A_94 = tpu.vector_load_idx %arg10[%select_n3A_93] : memref<32768xf32, #tpu.memory_space<vmem>>[vector<16xi32>], vector<16xf32>,
    %get3A_95 = arith.constant 16 : index
    %get3A_96 = tpu.vector_load %arg11[%get3A_95] {strides = array<i32>} : memref<256xf32, #tpu.memory_space<vmem>>, vector<16xf32>,
    %mul3A_97 = arith.mulf %gather3A_94, %get3A_96 : vector<16xf32>
    %add3A_98 = arith.addf %add3A_69, %mul3A_97 : vector<16xf32>
    %get3A_99 = arith.constant 32 : index
    %get3A_100 = tpu.vector_load %arg8[%get3A_99] {strides = array<i32>} : memref<256xi32, #tpu.memory_space<vmem>>, vector<16xi32>,
    %jit3A_101 = arith.constant 32768 : i32
    %eq3A_102 = arith.constant 0 : i32
    %eq3A_103 = arith.cmpi eq, %jit3A_101, %eq3A_102 : i32
    %jit3A_104 = arith.constant 1 : i32
    %select_n3A_105 = arith.select %eq3A_103, %jit3A_104, %jit3A_101 : i32
    %rem3A_106 = vector.broadcast %select_n3A_105 : i32 to vector<16xi32>
    %rem3A_107 = arith.remsi %get3A_100, %rem3A_106 : vector<16xi32>
    %ne3A_108 = arith.constant 0 : i32
    %ne3A_109 = vector.broadcast %ne3A_108 : i32 to vector<16xi32>
    %ne3A_110 = arith.cmpi ne, %rem3A_107, %ne3A_109 : vector<16xi32>
    %lt3A_111 = arith.constant 0 : i32
    %lt3A_112 = vector.broadcast %lt3A_111 : i32 to vector<16xi32>
    %lt3A_113 = arith.cmpi slt, %rem3A_107, %lt3A_112 : vector<16xi32>
    %lt3A_114 = arith.constant 0 : i32
    %lt3A_115 = arith.cmpi slt, %select_n3A_105, %lt3A_114 : i32
    %ne3A_116 = vector.broadcast %lt3A_115 : i1 to vector<16xi1>
    %ne3A_117 = vector.broadcast %ne3A_116 : vector<16xi1> to vector<16xi1>
    %ne3A_118 = arith.xori %lt3A_113, %ne3A_117 : vector<16xi1>
    %and3A_119 = arith.andi %ne3A_118, %ne3A_110 : vector<16xi1>
    %add3A_120 = vector.broadcast %select_n3A_105 : i32 to vector<16xi32>
    %add3A_121 = arith.addi %rem3A_107, %add3A_120 : vector<16xi32>
    %select_n3A_122 = arith.select %and3A_119, %add3A_121, %rem3A_107 : vector<16xi1>, vector<16xi32>
    %gather3A_123 = tpu.vector_load_idx %arg10[%select_n3A_122] : memref<32768xf32, #tpu.memory_space<vmem>>[vector<16xi32>], vector<16xf32>,
    %get3A_124 = arith.constant 32 : index
    %get3A_125 = tpu.vector_load %arg11[%get3A_124] {strides = array<i32>} : memref<256xf32, #tpu.memory_space<vmem>>, vector<16xf32>,
    %mul3A_126 = arith.mulf %gather3A_123, %get3A_125 : vector<16xf32>
    %add3A_127 = arith.addf %add3A_98, %mul3A_126 : vector<16xf32>
    %get3A_128 = arith.constant 48 : index
    %get3A_129 = tpu.vector_load %arg8[%get3A_128] {strides = array<i32>} : memref<256xi32, #tpu.memory_space<vmem>>, vector<16xi32>,
    %jit3A_130 = arith.constant 32768 : i32
    %eq3A_131 = arith.constant 0 : i32
    %eq3A_132 = arith.cmpi eq, %jit3A_130, %eq3A_131 : i32
    %jit3A_133 = arith.constant 1 : i32
    %select_n3A_134 = arith.select %eq3A_132, %jit3A_133, %jit3A_130 : i32
    %rem3A_135 = vector.broadcast %select_n3A_134 : i32 to vector<16xi32>
    %rem3A_136 = arith.remsi %get3A_129, %rem3A_135 : vector<16xi32>
    %ne3A_137 = arith.constant 0 : i32
    %ne3A_138 = vector.broadcast %ne3A_137 : i32 to vector<16xi32>
    %ne3A_139 = arith.cmpi ne, %rem3A_136, %ne3A_138 : vector<16xi32>
    %lt3A_140 = arith.constant 0 : i32
    %lt3A_141 = vector.broadcast %lt3A_140 : i32 to vector<16xi32>
    %lt3A_142 = arith.cmpi slt, %rem3A_136, %lt3A_141 : vector<16xi32>
    %lt3A_143 = arith.constant 0 : i32
    %lt3A_144 = arith.cmpi slt, %select_n3A_134, %lt3A_143 : i32
    %ne3A_145 = vector.broadcast %lt3A_144 : i1 to vector<16xi1>
    %ne3A_146 = vector.broadcast %ne3A_145 : vector<16xi1> to vector<16xi1>
    %ne3A_147 = arith.xori %lt3A_142, %ne3A_146 : vector<16xi1>
    %and3A_148 = arith.andi %ne3A_147, %ne3A_139 : vector<16xi1>
    %add3A_149 = vector.broadcast %select_n3A_134 : i32 to vector<16xi32>
    %add3A_150 = arith.addi %rem3A_136, %add3A_149 : vector<16xi32>
    %select_n3A_151 = arith.select %and3A_148, %add3A_150, %rem3A_136 : vector<16xi1>, vector<16xi32>
    %gather3A_152 = tpu.vector_load_idx %arg10[%select_n3A_151] : memref<32768xf32, #tpu.memory_space<vmem>>[vector<16xi32>], vector<16xf32>,
    %get3A_153 = arith.constant 48 : index
    %get3A_154 = tpu.vector_load %arg11[%get3A_153] {strides = array<i32>} : memref<256xf32, #tpu.memory_space<vmem>>, vector<16xf32>,
    %mul3A_155 = arith.mulf %gather3A_152, %get3A_154 : vector<16xf32>
    %add3A_156 = arith.addf %add3A_127, %mul3A_155 : vector<16xf32>
    %get3A_157 = arith.constant 64 : index
    %get3A_158 = tpu.vector_load %arg8[%get3A_157] {strides = array<i32>} : memref<256xi32, #tpu.memory_space<vmem>>, vector<16xi32>,
    %jit3A_159 = arith.constant 32768 : i32
    %eq3A_160 = arith.constant 0 : i32
    %eq3A_161 = arith.cmpi eq, %jit3A_159, %eq3A_160 : i32
    %jit3A_162 = arith.constant 1 : i32
    %select_n3A_163 = arith.select %eq3A_161, %jit3A_162, %jit3A_159 : i32
    %rem3A_164 = vector.broadcast %select_n3A_163 : i32 to vector<16xi32>
    %rem3A_165 = arith.remsi %get3A_158, %rem3A_164 : vector<16xi32>
    %ne3A_166 = arith.constant 0 : i32
    %ne3A_167 = vector.broadcast %ne3A_166 : i32 to vector<16xi32>
    %ne3A_168 = arith.cmpi ne, %rem3A_165, %ne3A_167 : vector<16xi32>
    %lt3A_169 = arith.constant 0 : i32
    %lt3A_170 = vector.broadcast %lt3A_169 : i32 to vector<16xi32>
    %lt3A_171 = arith.cmpi slt, %rem3A_165, %lt3A_170 : vector<16xi32>
    %lt3A_172 = arith.constant 0 : i32
    %lt3A_173 = arith.cmpi slt, %select_n3A_163, %lt3A_172 : i32
    %ne3A_174 = vector.broadcast %lt3A_173 : i1 to vector<16xi1>
    %ne3A_175 = vector.broadcast %ne3A_174 : vector<16xi1> to vector<16xi1>
    %ne3A_176 = arith.xori %lt3A_171, %ne3A_175 : vector<16xi1>
    %and3A_177 = arith.andi %ne3A_176, %ne3A_168 : vector<16xi1>
    %add3A_178 = vector.broadcast %select_n3A_163 : i32 to vector<16xi32>
    %add3A_179 = arith.addi %rem3A_165, %add3A_178 : vector<16xi32>
    %select_n3A_180 = arith.select %and3A_177, %add3A_179, %rem3A_165 : vector<16xi1>, vector<16xi32>
    %gather3A_181 = tpu.vector_load_idx %arg10[%select_n3A_180] : memref<32768xf32, #tpu.memory_space<vmem>>[vector<16xi32>], vector<16xf32>,
    %get3A_182 = arith.constant 64 : index
    %get3A_183 = tpu.vector_load %arg11[%get3A_182] {strides = array<i32>} : memref<256xf32, #tpu.memory_space<vmem>>, vector<16xf32>,
    %mul3A_184 = arith.mulf %gather3A_181, %get3A_183 : vector<16xf32>
    %add3A_185 = arith.addf %add3A_156, %mul3A_184 : vector<16xf32>
    %get3A_186 = arith.constant 80 : index
    %get3A_187 = tpu.vector_load %arg8[%get3A_186] {strides = array<i32>} : memref<256xi32, #tpu.memory_space<vmem>>, vector<16xi32>,
    %jit3A_188 = arith.constant 32768 : i32
    %eq3A_189 = arith.constant 0 : i32
    %eq3A_190 = arith.cmpi eq, %jit3A_188, %eq3A_189 : i32
    %jit3A_191 = arith.constant 1 : i32
    %select_n3A_192 = arith.select %eq3A_190, %jit3A_191, %jit3A_188 : i32
    %rem3A_193 = vector.broadcast %select_n3A_192 : i32 to vector<16xi32>
    %rem3A_194 = arith.remsi %get3A_187, %rem3A_193 : vector<16xi32>
    %ne3A_195 = arith.constant 0 : i32
    %ne3A_196 = vector.broadcast %ne3A_195 : i32 to vector<16xi32>
    %ne3A_197 = arith.cmpi ne, %rem3A_194, %ne3A_196 : vector<16xi32>
    %lt3A_198 = arith.constant 0 : i32
    %lt3A_199 = vector.broadcast %lt3A_198 : i32 to vector<16xi32>
    %lt3A_200 = arith.cmpi slt, %rem3A_194, %lt3A_199 : vector<16xi32>
    %lt3A_201 = arith.constant 0 : i32
    %lt3A_202 = arith.cmpi slt, %select_n3A_192, %lt3A_201 : i32
    %ne3A_203 = vector.broadcast %lt3A_202 : i1 to vector<16xi1>
    %ne3A_204 = vector.broadcast %ne3A_203 : vector<16xi1> to vector<16xi1>
    %ne3A_205 = arith.xori %lt3A_200, %ne3A_204 : vector<16xi1>
    %and3A_206 = arith.andi %ne3A_205, %ne3A_197 : vector<16xi1>
    %add3A_207 = vector.broadcast %select_n3A_192 : i32 to vector<16xi32>
    %add3A_208 = arith.addi %rem3A_194, %add3A_207 : vector<16xi32>
    %select_n3A_209 = arith.select %and3A_206, %add3A_208, %rem3A_194 : vector<16xi1>, vector<16xi32>
    %gather3A_210 = tpu.vector_load_idx %arg10[%select_n3A_209] : memref<32768xf32, #tpu.memory_space<vmem>>[vector<16xi32>], vector<16xf32>,
    %get3A_211 = arith.constant 80 : index
    %get3A_212 = tpu.vector_load %arg11[%get3A_211] {strides = array<i32>} : memref<256xf32, #tpu.memory_space<vmem>>, vector<16xf32>,
    %mul3A_213 = arith.mulf %gather3A_210, %get3A_212 : vector<16xf32>
    %add3A_214 = arith.addf %add3A_185, %mul3A_213 : vector<16xf32>
    %get3A_215 = arith.constant 96 : index
    %get3A_216 = tpu.vector_load %arg8[%get3A_215] {strides = array<i32>} : memref<256xi32, #tpu.memory_space<vmem>>, vector<16xi32>,
    %jit3A_217 = arith.constant 32768 : i32
    %eq3A_218 = arith.constant 0 : i32
    %eq3A_219 = arith.cmpi eq, %jit3A_217, %eq3A_218 : i32
    %jit3A_220 = arith.constant 1 : i32
    %select_n3A_221 = arith.select %eq3A_219, %jit3A_220, %jit3A_217 : i32
    %rem3A_222 = vector.broadcast %select_n3A_221 : i32 to vector<16xi32>
    %rem3A_223 = arith.remsi %get3A_216, %rem3A_222 : vector<16xi32>
    %ne3A_224 = arith.constant 0 : i32
    %ne3A_225 = vector.broadcast %ne3A_224 : i32 to vector<16xi32>
    %ne3A_226 = arith.cmpi ne, %rem3A_223, %ne3A_225 : vector<16xi32>
    %lt3A_227 = arith.constant 0 : i32
    %lt3A_228 = vector.broadcast %lt3A_227 : i32 to vector<16xi32>
    %lt3A_229 = arith.cmpi slt, %rem3A_223, %lt3A_228 : vector<16xi32>
    %lt3A_230 = arith.constant 0 : i32
    %lt3A_231 = arith.cmpi slt, %select_n3A_221, %lt3A_230 : i32
    %ne3A_232 = vector.broadcast %lt3A_231 : i1 to vector<16xi1>
    %ne3A_233 = vector.broadcast %ne3A_232 : vector<16xi1> to vector<16xi1>
    %ne3A_234 = arith.xori %lt3A_229, %ne3A_233 : vector<16xi1>
    %and3A_235 = arith.andi %ne3A_234, %ne3A_226 : vector<16xi1>
    %add3A_236 = vector.broadcast %select_n3A_221 : i32 to vector<16xi32>
    %add3A_237 = arith.addi %rem3A_223, %add3A_236 : vector<16xi32>
    %select_n3A_238 = arith.select %and3A_235, %add3A_237, %rem3A_223 : vector<16xi1>, vector<16xi32>
    %gather3A_239 = tpu.vector_load_idx %arg10[%select_n3A_238] : memref<32768xf32, #tpu.memory_space<vmem>>[vector<16xi32>], vector<16xf32>,
    %get3A_240 = arith.constant 96 : index
    %get3A_241 = tpu.vector_load %arg11[%get3A_240] {strides = array<i32>} : memref<256xf32, #tpu.memory_space<vmem>>, vector<16xf32>,
    %mul3A_242 = arith.mulf %gather3A_239, %get3A_241 : vector<16xf32>
    %add3A_243 = arith.addf %add3A_214, %mul3A_242 : vector<16xf32>
    %get3A_244 = arith.constant 112 : index
    %get3A_245 = tpu.vector_load %arg8[%get3A_244] {strides = array<i32>} : memref<256xi32, #tpu.memory_space<vmem>>, vector<16xi32>,
    %jit3A_246 = arith.constant 32768 : i32
    %eq3A_247 = arith.constant 0 : i32
    %eq3A_248 = arith.cmpi eq, %jit3A_246, %eq3A_247 : i32
    %jit3A_249 = arith.constant 1 : i32
    %select_n3A_250 = arith.select %eq3A_248, %jit3A_249, %jit3A_246 : i32
    %rem3A_251 = vector.broadcast %select_n3A_250 : i32 to vector<16xi32>
    %rem3A_252 = arith.remsi %get3A_245, %rem3A_251 : vector<16xi32>
    %ne3A_253 = arith.constant 0 : i32
    %ne3A_254 = vector.broadcast %ne3A_253 : i32 to vector<16xi32>
    %ne3A_255 = arith.cmpi ne, %rem3A_252, %ne3A_254 : vector<16xi32>
    %lt3A_256 = arith.constant 0 : i32
    %lt3A_257 = vector.broadcast %lt3A_256 : i32 to vector<16xi32>
    %lt3A_258 = arith.cmpi slt, %rem3A_252, %lt3A_257 : vector<16xi32>
    %lt3A_259 = arith.constant 0 : i32
    %lt3A_260 = arith.cmpi slt, %select_n3A_250, %lt3A_259 : i32
    %ne3A_261 = vector.broadcast %lt3A_260 : i1 to vector<16xi1>
    %ne3A_262 = vector.broadcast %ne3A_261 : vector<16xi1> to vector<16xi1>
    %ne3A_263 = arith.xori %lt3A_258, %ne3A_262 : vector<16xi1>
    %and3A_264 = arith.andi %ne3A_263, %ne3A_255 : vector<16xi1>
    %add3A_265 = vector.broadcast %select_n3A_250 : i32 to vector<16xi32>
    %add3A_266 = arith.addi %rem3A_252, %add3A_265 : vector<16xi32>
    %select_n3A_267 = arith.select %and3A_264, %add3A_266, %rem3A_252 : vector<16xi1>, vector<16xi32>
    %gather3A_268 = tpu.vector_load_idx %arg10[%select_n3A_267] : memref<32768xf32, #tpu.memory_space<vmem>>[vector<16xi32>], vector<16xf32>,
    %get3A_269 = arith.constant 112 : index
    %get3A_270 = tpu.vector_load %arg11[%get3A_269] {strides = array<i32>} : memref<256xf32, #tpu.memory_space<vmem>>, vector<16xf32>,
    %mul3A_271 = arith.mulf %gather3A_268, %get3A_270 : vector<16xf32>
    %add3A_272 = arith.addf %add3A_243, %mul3A_271 : vector<16xf32>
    %get3A_273 = arith.constant 128 : index
    %get3A_274 = tpu.vector_load %arg8[%get3A_273] {strides = array<i32>} : memref<256xi32, #tpu.memory_space<vmem>>, vector<16xi32>,
    %jit3A_275 = arith.constant 32768 : i32
    %eq3A_276 = arith.constant 0 : i32
    %eq3A_277 = arith.cmpi eq, %jit3A_275, %eq3A_276 : i32
    %jit3A_278 = arith.constant 1 : i32
    %select_n3A_279 = arith.select %eq3A_277, %jit3A_278, %jit3A_275 : i32
    %rem3A_280 = vector.broadcast %select_n3A_279 : i32 to vector<16xi32>
    %rem3A_281 = arith.remsi %get3A_274, %rem3A_280 : vector<16xi32>
    %ne3A_282 = arith.constant 0 : i32
    %ne3A_283 = vector.broadcast %ne3A_282 : i32 to vector<16xi32>
    %ne3A_284 = arith.cmpi ne, %rem3A_281, %ne3A_283 : vector<16xi32>
    %lt3A_285 = arith.constant 0 : i32
    %lt3A_286 = vector.broadcast %lt3A_285 : i32 to vector<16xi32>
    %lt3A_287 = arith.cmpi slt, %rem3A_281, %lt3A_286 : vector<16xi32>
    %lt3A_288 = arith.constant 0 : i32
    %lt3A_289 = arith.cmpi slt, %select_n3A_279, %lt3A_288 : i32
    %ne3A_290 = vector.broadcast %lt3A_289 : i1 to vector<16xi1>
    %ne3A_291 = vector.broadcast %ne3A_290 : vector<16xi1> to vector<16xi1>
    %ne3A_292 = arith.xori %lt3A_287, %ne3A_291 : vector<16xi1>
    %and3A_293 = arith.andi %ne3A_292, %ne3A_284 : vector<16xi1>
    %add3A_294 = vector.broadcast %select_n3A_279 : i32 to vector<16xi32>
    %add3A_295 = arith.addi %rem3A_281, %add3A_294 : vector<16xi32>
    %select_n3A_296 = arith.select %and3A_293, %add3A_295, %rem3A_281 : vector<16xi1>, vector<16xi32>
    %gather3A_297 = tpu.vector_load_idx %arg10[%select_n3A_296] : memref<32768xf32, #tpu.memory_space<vmem>>[vector<16xi32>], vector<16xf32>,
    %get3A_298 = arith.constant 128 : index
    %get3A_299 = tpu.vector_load %arg11[%get3A_298] {strides = array<i32>} : memref<256xf32, #tpu.memory_space<vmem>>, vector<16xf32>,
    %mul3A_300 = arith.mulf %gather3A_297, %get3A_299 : vector<16xf32>
    %add3A_301 = arith.addf %add3A_272, %mul3A_300 : vector<16xf32>
    %get3A_302 = arith.constant 144 : index
    %get3A_303 = tpu.vector_load %arg8[%get3A_302] {strides = array<i32>} : memref<256xi32, #tpu.memory_space<vmem>>, vector<16xi32>,
    %jit3A_304 = arith.constant 32768 : i32
    %eq3A_305 = arith.constant 0 : i32
    %eq3A_306 = arith.cmpi eq, %jit3A_304, %eq3A_305 : i32
    %jit3A_307 = arith.constant 1 : i32
    %select_n3A_308 = arith.select %eq3A_306, %jit3A_307, %jit3A_304 : i32
    %rem3A_309 = vector.broadcast %select_n3A_308 : i32 to vector<16xi32>
    %rem3A_310 = arith.remsi %get3A_303, %rem3A_309 : vector<16xi32>
    %ne3A_311 = arith.constant 0 : i32
    %ne3A_312 = vector.broadcast %ne3A_311 : i32 to vector<16xi32>
    %ne3A_313 = arith.cmpi ne, %rem3A_310, %ne3A_312 : vector<16xi32>
    %lt3A_314 = arith.constant 0 : i32
    %lt3A_315 = vector.broadcast %lt3A_314 : i32 to vector<16xi32>
    %lt3A_316 = arith.cmpi slt, %rem3A_310, %lt3A_315 : vector<16xi32>
    %lt3A_317 = arith.constant 0 : i32
    %lt3A_318 = arith.cmpi slt, %select_n3A_308, %lt3A_317 : i32
    %ne3A_319 = vector.broadcast %lt3A_318 : i1 to vector<16xi1>
    %ne3A_320 = vector.broadcast %ne3A_319 : vector<16xi1> to vector<16xi1>
    %ne3A_321 = arith.xori %lt3A_316, %ne3A_320 : vector<16xi1>
    %and3A_322 = arith.andi %ne3A_321, %ne3A_313 : vector<16xi1>
    %add3A_323 = vector.broadcast %select_n3A_308 : i32 to vector<16xi32>
    %add3A_324 = arith.addi %rem3A_310, %add3A_323 : vector<16xi32>
    %select_n3A_325 = arith.select %and3A_322, %add3A_324, %rem3A_310 : vector<16xi1>, vector<16xi32>
    %gather3A_326 = tpu.vector_load_idx %arg10[%select_n3A_325] : memref<32768xf32, #tpu.memory_space<vmem>>[vector<16xi32>], vector<16xf32>,
    %get3A_327 = arith.constant 144 : index
    %get3A_328 = tpu.vector_load %arg11[%get3A_327] {strides = array<i32>} : memref<256xf32, #tpu.memory_space<vmem>>, vector<16xf32>,
    %mul3A_329 = arith.mulf %gather3A_326, %get3A_328 : vector<16xf32>
    %add3A_330 = arith.addf %add3A_301, %mul3A_329 : vector<16xf32>
    %get3A_331 = arith.constant 160 : index
    %get3A_332 = tpu.vector_load %arg8[%get3A_331] {strides = array<i32>} : memref<256xi32, #tpu.memory_space<vmem>>, vector<16xi32>,
    %jit3A_333 = arith.constant 32768 : i32
    %eq3A_334 = arith.constant 0 : i32
    %eq3A_335 = arith.cmpi eq, %jit3A_333, %eq3A_334 : i32
    %jit3A_336 = arith.constant 1 : i32
    %select_n3A_337 = arith.select %eq3A_335, %jit3A_336, %jit3A_333 : i32
    %rem3A_338 = vector.broadcast %select_n3A_337 : i32 to vector<16xi32>
    %rem3A_339 = arith.remsi %get3A_332, %rem3A_338 : vector<16xi32>
    %ne3A_340 = arith.constant 0 : i32
    %ne3A_341 = vector.broadcast %ne3A_340 : i32 to vector<16xi32>
    %ne3A_342 = arith.cmpi ne, %rem3A_339, %ne3A_341 : vector<16xi32>
    %lt3A_343 = arith.constant 0 : i32
    %lt3A_344 = vector.broadcast %lt3A_343 : i32 to vector<16xi32>
    %lt3A_345 = arith.cmpi slt, %rem3A_339, %lt3A_344 : vector<16xi32>
    %lt3A_346 = arith.constant 0 : i32
    %lt3A_347 = arith.cmpi slt, %select_n3A_337, %lt3A_346 : i32
    %ne3A_348 = vector.broadcast %lt3A_347 : i1 to vector<16xi1>
    %ne3A_349 = vector.broadcast %ne3A_348 : vector<16xi1> to vector<16xi1>
    %ne3A_350 = arith.xori %lt3A_345, %ne3A_349 : vector<16xi1>
    %and3A_351 = arith.andi %ne3A_350, %ne3A_342 : vector<16xi1>
    %add3A_352 = vector.broadcast %select_n3A_337 : i32 to vector<16xi32>
    %add3A_353 = arith.addi %rem3A_339, %add3A_352 : vector<16xi32>
    %select_n3A_354 = arith.select %and3A_351, %add3A_353, %rem3A_339 : vector<16xi1>, vector<16xi32>
    %gather3A_355 = tpu.vector_load_idx %arg10[%select_n3A_354] : memref<32768xf32, #tpu.memory_space<vmem>>[vector<16xi32>], vector<16xf32>,
    %get3A_356 = arith.constant 160 : index
    %get3A_357 = tpu.vector_load %arg11[%get3A_356] {strides = array<i32>} : memref<256xf32, #tpu.memory_space<vmem>>, vector<16xf32>,
    %mul3A_358 = arith.mulf %gather3A_355, %get3A_357 : vector<16xf32>
    %add3A_359 = arith.addf %add3A_330, %mul3A_358 : vector<16xf32>
    %get3A_360 = arith.constant 176 : index
    %get3A_361 = tpu.vector_load %arg8[%get3A_360] {strides = array<i32>} : memref<256xi32, #tpu.memory_space<vmem>>, vector<16xi32>,
    %jit3A_362 = arith.constant 32768 : i32
    %eq3A_363 = arith.constant 0 : i32
    %eq3A_364 = arith.cmpi eq, %jit3A_362, %eq3A_363 : i32
    %jit3A_365 = arith.constant 1 : i32
    %select_n3A_366 = arith.select %eq3A_364, %jit3A_365, %jit3A_362 : i32
    %rem3A_367 = vector.broadcast %select_n3A_366 : i32 to vector<16xi32>
    %rem3A_368 = arith.remsi %get3A_361, %rem3A_367 : vector<16xi32>
    %ne3A_369 = arith.constant 0 : i32
    %ne3A_370 = vector.broadcast %ne3A_369 : i32 to vector<16xi32>
    %ne3A_371 = arith.cmpi ne, %rem3A_368, %ne3A_370 : vector<16xi32>
    %lt3A_372 = arith.constant 0 : i32
    %lt3A_373 = vector.broadcast %lt3A_372 : i32 to vector<16xi32>
    %lt3A_374 = arith.cmpi slt, %rem3A_368, %lt3A_373 : vector<16xi32>
    %lt3A_375 = arith.constant 0 : i32
    %lt3A_376 = arith.cmpi slt, %select_n3A_366, %lt3A_375 : i32
    %ne3A_377 = vector.broadcast %lt3A_376 : i1 to vector<16xi1>
    %ne3A_378 = vector.broadcast %ne3A_377 : vector<16xi1> to vector<16xi1>
    %ne3A_379 = arith.xori %lt3A_374, %ne3A_378 : vector<16xi1>
    %and3A_380 = arith.andi %ne3A_379, %ne3A_371 : vector<16xi1>
    %add3A_381 = vector.broadcast %select_n3A_366 : i32 to vector<16xi32>
    %add3A_382 = arith.addi %rem3A_368, %add3A_381 : vector<16xi32>
    %select_n3A_383 = arith.select %and3A_380, %add3A_382, %rem3A_368 : vector<16xi1>, vector<16xi32>
    %gather3A_384 = tpu.vector_load_idx %arg10[%select_n3A_383] : memref<32768xf32, #tpu.memory_space<vmem>>[vector<16xi32>], vector<16xf32>,
    %get3A_385 = arith.constant 176 : index
    %get3A_386 = tpu.vector_load %arg11[%get3A_385] {strides = array<i32>} : memref<256xf32, #tpu.memory_space<vmem>>, vector<16xf32>,
    %mul3A_387 = arith.mulf %gather3A_384, %get3A_386 : vector<16xf32>
    %add3A_388 = arith.addf %add3A_359, %mul3A_387 : vector<16xf32>
    %get3A_389 = arith.constant 192 : index
    %get3A_390 = tpu.vector_load %arg8[%get3A_389] {strides = array<i32>} : memref<256xi32, #tpu.memory_space<vmem>>, vector<16xi32>,
    %jit3A_391 = arith.constant 32768 : i32
    %eq3A_392 = arith.constant 0 : i32
    %eq3A_393 = arith.cmpi eq, %jit3A_391, %eq3A_392 : i32
    %jit3A_394 = arith.constant 1 : i32
    %select_n3A_395 = arith.select %eq3A_393, %jit3A_394, %jit3A_391 : i32
    %rem3A_396 = vector.broadcast %select_n3A_395 : i32 to vector<16xi32>
    %rem3A_397 = arith.remsi %get3A_390, %rem3A_396 : vector<16xi32>
    %ne3A_398 = arith.constant 0 : i32
    %ne3A_399 = vector.broadcast %ne3A_398 : i32 to vector<16xi32>
    %ne3A_400 = arith.cmpi ne, %rem3A_397, %ne3A_399 : vector<16xi32>
    %lt3A_401 = arith.constant 0 : i32
    %lt3A_402 = vector.broadcast %lt3A_401 : i32 to vector<16xi32>
    %lt3A_403 = arith.cmpi slt, %rem3A_397, %lt3A_402 : vector<16xi32>
    %lt3A_404 = arith.constant 0 : i32
    %lt3A_405 = arith.cmpi slt, %select_n3A_395, %lt3A_404 : i32
    %ne3A_406 = vector.broadcast %lt3A_405 : i1 to vector<16xi1>
    %ne3A_407 = vector.broadcast %ne3A_406 : vector<16xi1> to vector<16xi1>
    %ne3A_408 = arith.xori %lt3A_403, %ne3A_407 : vector<16xi1>
    %and3A_409 = arith.andi %ne3A_408, %ne3A_400 : vector<16xi1>
    %add3A_410 = vector.broadcast %select_n3A_395 : i32 to vector<16xi32>
    %add3A_411 = arith.addi %rem3A_397, %add3A_410 : vector<16xi32>
    %select_n3A_412 = arith.select %and3A_409, %add3A_411, %rem3A_397 : vector<16xi1>, vector<16xi32>
    %gather3A_413 = tpu.vector_load_idx %arg10[%select_n3A_412] : memref<32768xf32, #tpu.memory_space<vmem>>[vector<16xi32>], vector<16xf32>,
    %get3A_414 = arith.constant 192 : index
    %get3A_415 = tpu.vector_load %arg11[%get3A_414] {strides = array<i32>} : memref<256xf32, #tpu.memory_space<vmem>>, vector<16xf32>,
    %mul3A_416 = arith.mulf %gather3A_413, %get3A_415 : vector<16xf32>
    %add3A_417 = arith.addf %add3A_388, %mul3A_416 : vector<16xf32>
    %get3A_418 = arith.constant 208 : index
    %get3A_419 = tpu.vector_load %arg8[%get3A_418] {strides = array<i32>} : memref<256xi32, #tpu.memory_space<vmem>>, vector<16xi32>,
    %jit3A_420 = arith.constant 32768 : i32
    %eq3A_421 = arith.constant 0 : i32
    %eq3A_422 = arith.cmpi eq, %jit3A_420, %eq3A_421 : i32
    %jit3A_423 = arith.constant 1 : i32
    %select_n3A_424 = arith.select %eq3A_422, %jit3A_423, %jit3A_420 : i32
    %rem3A_425 = vector.broadcast %select_n3A_424 : i32 to vector<16xi32>
    %rem3A_426 = arith.remsi %get3A_419, %rem3A_425 : vector<16xi32>
    %ne3A_427 = arith.constant 0 : i32
    %ne3A_428 = vector.broadcast %ne3A_427 : i32 to vector<16xi32>
    %ne3A_429 = arith.cmpi ne, %rem3A_426, %ne3A_428 : vector<16xi32>
    %lt3A_430 = arith.constant 0 : i32
    %lt3A_431 = vector.broadcast %lt3A_430 : i32 to vector<16xi32>
    %lt3A_432 = arith.cmpi slt, %rem3A_426, %lt3A_431 : vector<16xi32>
    %lt3A_433 = arith.constant 0 : i32
    %lt3A_434 = arith.cmpi slt, %select_n3A_424, %lt3A_433 : i32
    %ne3A_435 = vector.broadcast %lt3A_434 : i1 to vector<16xi1>
    %ne3A_436 = vector.broadcast %ne3A_435 : vector<16xi1> to vector<16xi1>
    %ne3A_437 = arith.xori %lt3A_432, %ne3A_436 : vector<16xi1>
    %and3A_438 = arith.andi %ne3A_437, %ne3A_429 : vector<16xi1>
    %add3A_439 = vector.broadcast %select_n3A_424 : i32 to vector<16xi32>
    %add3A_440 = arith.addi %rem3A_426, %add3A_439 : vector<16xi32>
    %select_n3A_441 = arith.select %and3A_438, %add3A_440, %rem3A_426 : vector<16xi1>, vector<16xi32>
    %gather3A_442 = tpu.vector_load_idx %arg10[%select_n3A_441] : memref<32768xf32, #tpu.memory_space<vmem>>[vector<16xi32>], vector<16xf32>,
    %get3A_443 = arith.constant 208 : index
    %get3A_444 = tpu.vector_load %arg11[%get3A_443] {strides = array<i32>} : memref<256xf32, #tpu.memory_space<vmem>>, vector<16xf32>,
    %mul3A_445 = arith.mulf %gather3A_442, %get3A_444 : vector<16xf32>
    %add3A_446 = arith.addf %add3A_417, %mul3A_445 : vector<16xf32>
    %get3A_447 = arith.constant 224 : index
    %get3A_448 = tpu.vector_load %arg8[%get3A_447] {strides = array<i32>} : memref<256xi32, #tpu.memory_space<vmem>>, vector<16xi32>,
    %jit3A_449 = arith.constant 32768 : i32
    %eq3A_450 = arith.constant 0 : i32
    %eq3A_451 = arith.cmpi eq, %jit3A_449, %eq3A_450 : i32
    %jit3A_452 = arith.constant 1 : i32
    %select_n3A_453 = arith.select %eq3A_451, %jit3A_452, %jit3A_449 : i32
    %rem3A_454 = vector.broadcast %select_n3A_453 : i32 to vector<16xi32>
    %rem3A_455 = arith.remsi %get3A_448, %rem3A_454 : vector<16xi32>
    %ne3A_456 = arith.constant 0 : i32
    %ne3A_457 = vector.broadcast %ne3A_456 : i32 to vector<16xi32>
    %ne3A_458 = arith.cmpi ne, %rem3A_455, %ne3A_457 : vector<16xi32>
    %lt3A_459 = arith.constant 0 : i32
    %lt3A_460 = vector.broadcast %lt3A_459 : i32 to vector<16xi32>
    %lt3A_461 = arith.cmpi slt, %rem3A_455, %lt3A_460 : vector<16xi32>
    %lt3A_462 = arith.constant 0 : i32
    %lt3A_463 = arith.cmpi slt, %select_n3A_453, %lt3A_462 : i32
    %ne3A_464 = vector.broadcast %lt3A_463 : i1 to vector<16xi1>
    %ne3A_465 = vector.broadcast %ne3A_464 : vector<16xi1> to vector<16xi1>
    %ne3A_466 = arith.xori %lt3A_461, %ne3A_465 : vector<16xi1>
    %and3A_467 = arith.andi %ne3A_466, %ne3A_458 : vector<16xi1>
    %add3A_468 = vector.broadcast %select_n3A_453 : i32 to vector<16xi32>
    %add3A_469 = arith.addi %rem3A_455, %add3A_468 : vector<16xi32>
    %select_n3A_470 = arith.select %and3A_467, %add3A_469, %rem3A_455 : vector<16xi1>, vector<16xi32>
    %gather3A_471 = tpu.vector_load_idx %arg10[%select_n3A_470] : memref<32768xf32, #tpu.memory_space<vmem>>[vector<16xi32>], vector<16xf32>,
    %get3A_472 = arith.constant 224 : index
    %get3A_473 = tpu.vector_load %arg11[%get3A_472] {strides = array<i32>} : memref<256xf32, #tpu.memory_space<vmem>>, vector<16xf32>,
    %mul3A_474 = arith.mulf %gather3A_471, %get3A_473 : vector<16xf32>
    %add3A_475 = arith.addf %add3A_446, %mul3A_474 : vector<16xf32>
    %get3A_476 = arith.constant 240 : index
    %get3A_477 = tpu.vector_load %arg8[%get3A_476] {strides = array<i32>} : memref<256xi32, #tpu.memory_space<vmem>>, vector<16xi32>,
    %jit3A_478 = arith.constant 32768 : i32
    %eq3A_479 = arith.constant 0 : i32
    %eq3A_480 = arith.cmpi eq, %jit3A_478, %eq3A_479 : i32
    %jit3A_481 = arith.constant 1 : i32
    %select_n3A_482 = arith.select %eq3A_480, %jit3A_481, %jit3A_478 : i32
    %rem3A_483 = vector.broadcast %select_n3A_482 : i32 to vector<16xi32>
    %rem3A_484 = arith.remsi %get3A_477, %rem3A_483 : vector<16xi32>
    %ne3A_485 = arith.constant 0 : i32
    %ne3A_486 = vector.broadcast %ne3A_485 : i32 to vector<16xi32>
    %ne3A_487 = arith.cmpi ne, %rem3A_484, %ne3A_486 : vector<16xi32>
    %lt3A_488 = arith.constant 0 : i32
    %lt3A_489 = vector.broadcast %lt3A_488 : i32 to vector<16xi32>
    %lt3A_490 = arith.cmpi slt, %rem3A_484, %lt3A_489 : vector<16xi32>
    %lt3A_491 = arith.constant 0 : i32
    %lt3A_492 = arith.cmpi slt, %select_n3A_482, %lt3A_491 : i32
    %ne3A_493 = vector.broadcast %lt3A_492 : i1 to vector<16xi1>
    %ne3A_494 = vector.broadcast %ne3A_493 : vector<16xi1> to vector<16xi1>
    %ne3A_495 = arith.xori %lt3A_490, %ne3A_494 : vector<16xi1>
    %and3A_496 = arith.andi %ne3A_495, %ne3A_487 : vector<16xi1>
    %add3A_497 = vector.broadcast %select_n3A_482 : i32 to vector<16xi32>
    %add3A_498 = arith.addi %rem3A_484, %add3A_497 : vector<16xi32>
    %select_n3A_499 = arith.select %and3A_496, %add3A_498, %rem3A_484 : vector<16xi1>, vector<16xi32>
    %gather3A_500 = tpu.vector_load_idx %arg10[%select_n3A_499] : memref<32768xf32, #tpu.memory_space<vmem>>[vector<16xi32>], vector<16xf32>,
    %get3A_501 = arith.constant 240 : index
    %get3A_502 = tpu.vector_load %arg11[%get3A_501] {strides = array<i32>} : memref<256xf32, #tpu.memory_space<vmem>>, vector<16xf32>,
    %mul3A_503 = arith.mulf %gather3A_500, %get3A_502 : vector<16xf32>
    %add3A_504 = arith.addf %add3A_475, %mul3A_503 : vector<16xf32>
    %swap3A = arith.constant 0 : index
    %swap3A_505 = tpu.vector_load %arg12[%swap3A] {strides = array<i32>} : memref<16xf32, #tpu.memory_space<vmem>>, vector<16xf32>,
    tpu.vector_store %arg12[%swap3A], %add3A_504 {strides = array<i32>} : memref<16xf32, #tpu.memory_space<vmem>>, vector<16xf32>,
    "tpu.region"() ({
      %run_scoped3A = tpu.sem_alloc : memref<!tpu.dma_semaphore, #tpu.memory_space<semaphore_mem>>
      %dma_start3A_506 = arith.constant 0 : i32
      %dma_start3A_507 = tpu.memref_slice %arg7[%add3A, %dma_start3A_506] : memref<32x16xf32, #tpu.memory_space<hbm>> -> memref<1x16xf32, #tpu.memory_space<hbm>>
      %dma_start3A_508 = tpu.memref_squeeze %dma_start3A_507 : memref<1x16xf32, #tpu.memory_space<hbm>> -> memref<16xf32, #tpu.memory_space<hbm>>
      %dma_start3A_509 = arith.constant 0 : i32
      %dma_start3A_510 = tpu.memref_slice %arg7[%add3A, %dma_start3A_509] : memref<32x16xf32, #tpu.memory_space<hbm>> -> memref<1x16xf32, #tpu.memory_space<hbm>>
      %dma_start3A_511 = tpu.memref_squeeze %dma_start3A_510 : memref<1x16xf32, #tpu.memory_space<hbm>> -> memref<16xf32, #tpu.memory_space<hbm>>
      tpu.enqueue_dma source(%arg12 : memref<16xf32, #tpu.memory_space<vmem>>) target(%dma_start3A_511 : memref<16xf32, #tpu.memory_space<hbm>>) target_semaphore(%run_scoped3A : memref<!tpu.dma_semaphore, #tpu.memory_space<semaphore_mem>>)
      %dma_wait3A_512 = arith.constant 0 : i32
      %dma_wait3A_513 = tpu.memref_slice %arg7[%add3A, %dma_wait3A_512] : memref<32x16xf32, #tpu.memory_space<hbm>> -> memref<1x16xf32, #tpu.memory_space<hbm>>
      %dma_wait3A_514 = tpu.memref_squeeze %dma_wait3A_513 : memref<1x16xf32, #tpu.memory_space<hbm>> -> memref<16xf32, #tpu.memory_space<hbm>>
      %dma_wait3A_515 = arith.constant 0 : i32
      %dma_wait3A_516 = tpu.memref_slice %arg7[%add3A, %dma_wait3A_515] : memref<32x16xf32, #tpu.memory_space<hbm>> -> memref<1x16xf32, #tpu.memory_space<hbm>>
      %dma_wait3A_517 = tpu.memref_squeeze %dma_wait3A_516 : memref<1x16xf32, #tpu.memory_space<hbm>> -> memref<16xf32, #tpu.memory_space<hbm>>
      tpu.wait_dma2 semaphore(%run_scoped3A : memref<!tpu.dma_semaphore, #tpu.memory_space<semaphore_mem>>) src(%arg12 : memref<16xf32, #tpu.memory_space<vmem>>) dst(%dma_wait3A_517 : memref<16xf32, #tpu.memory_space<hbm>>)
      tpu.yield
    }) : () -> ()
    return
  }
}

module attributes {stable_mosaic.version = 14 : i64} {
  func.func @_route_body(%arg0: i32, %arg1: memref<64x768xf32, #tpu.memory_space<vmem>>, %arg2: memref<1x768xf32, #tpu.memory_space<vmem>>, %arg3: memref<1x768xf32, #tpu.memory_space<vmem>>, %arg4: memref<768x128xf32, #tpu.memory_space<vmem>>, %arg5: memref<1x32768x128xf32, #tpu.memory_space<vmem>>, %arg6: memref<64x768xf32, #tpu.memory_space<vmem>>, %arg7: memref<64x8xi32, #tpu.memory_space<vmem>>, %arg8: memref<64x8xf32, #tpu.memory_space<vmem>>, %arg9: memref<64x8xf32, #tpu.memory_space<vmem>>, %arg10: memref<1x32768xf32, #tpu.memory_space<vmem>>, %arg11: memref<64x32768xf32, #tpu.memory_space<vmem>>) attributes {dimension_semantics = [#tpu.dimension_semantics<arbitrary>], iteration_bounds = array<i64: 16>, scalar_prefetch = 0 : i64, scratch_operands = 1 : i64, tpu.core_type = #tpu.core_type<tc>, window_params = [{transform_indices = @transform_0, window_bounds = array<i64: 64, 768>}, {pipeline_mode = #tpu.pipeline_mode<synchronous>, transform_indices = @transform_1, window_bounds = array<i64: 1, 768>}, {pipeline_mode = #tpu.pipeline_mode<synchronous>, transform_indices = @transform_2, window_bounds = array<i64: 1, 768>}, {pipeline_mode = #tpu.pipeline_mode<synchronous>, transform_indices = @transform_3, window_bounds = array<i64: 768, 128>}, {transform_indices = @transform_4, window_bounds = array<i64: 1, 32768, 128>}, {transform_indices = @transform_5, window_bounds = array<i64: 64, 768>}, {transform_indices = @transform_6, window_bounds = array<i64: 64, 8>}, {transform_indices = @transform_7, window_bounds = array<i64: 64, 8>}, {transform_indices = @transform_8, window_bounds = array<i64: 64, 8>}, {pipeline_mode = #tpu.pipeline_mode<synchronous>, transform_indices = @transform_9, window_bounds = array<i64: 1, 32768>}]} {
    %get3A = arith.constant 0 : index
    %get3A_0 = arith.constant 0 : index
    %get3A_1 = vector.load %arg1[%get3A, %get3A_0] : memref<64x768xf32, #tpu.memory_space<vmem>>, vector<64x768xf32>
    %swap3A = arith.constant 0 : index
    %swap3A_2 = arith.constant 0 : index
    %swap3A_3 = vector.load %arg6[%swap3A, %swap3A_2] : memref<64x768xf32, #tpu.memory_space<vmem>>, vector<64x768xf32>
    tpu.vector_store %arg6[%swap3A, %swap3A_2], %get3A_1 {strides = array<i32>} : memref<64x768xf32, #tpu.memory_space<vmem>>, vector<64x768xf32>,
    %reduce_sum3A = arith.constant dense<0.000000e+00> : vector<64xf32>
    %reduce_sum3A_4 = vector.multi_reduction <add>, %get3A_1, %reduce_sum3A [1] : vector<64x768xf32> to vector<64xf32>
    %broadcast_in_dim3A = vector.shape_cast %reduce_sum3A_4 : vector<64xf32> to vector<64x1xf32>
    %div3A = arith.constant 7.680000e+02 : f32
    %div3A_5 = vector.broadcast %div3A : f32 to vector<64x1xf32>
    %div3A_6 = arith.divf %broadcast_in_dim3A, %div3A_5 : vector<64x1xf32>
    %sub3A = vector.broadcast %div3A_6 : vector<64x1xf32> to vector<64x768xf32>
    %sub3A_7 = arith.subf %get3A_1, %sub3A : vector<64x768xf32>
    %mul3A = arith.mulf %sub3A_7, %sub3A_7 : vector<64x768xf32>
    %reduce_sum3A_8 = arith.constant dense<0.000000e+00> : vector<64xf32>
    %reduce_sum3A_9 = vector.multi_reduction <add>, %mul3A, %reduce_sum3A_8 [1] : vector<64x768xf32> to vector<64xf32>
    %broadcast_in_dim3A_10 = vector.shape_cast %reduce_sum3A_9 : vector<64xf32> to vector<64x1xf32>
    %div3A_11 = arith.constant 7.680000e+02 : f32
    %div3A_12 = vector.broadcast %div3A_11 : f32 to vector<64x1xf32>
    %div3A_13 = arith.divf %broadcast_in_dim3A_10, %div3A_12 : vector<64x1xf32>
    %add3A = arith.constant 9.99999997E-7 : f32
    %add3A_14 = vector.broadcast %add3A : f32 to vector<64x1xf32>
    %add3A_15 = arith.addf %div3A_13, %add3A_14 : vector<64x1xf32>
    %rsqrt3A = math.rsqrt %add3A_15 : vector<64x1xf32>
    %mul3A_16 = vector.broadcast %rsqrt3A : vector<64x1xf32> to vector<64x768xf32>
    %mul3A_17 = arith.mulf %sub3A_7, %mul3A_16 : vector<64x768xf32>
    %get3A_18 = arith.constant 0 : index
    %get3A_19 = arith.constant 0 : index
    %get3A_20 = vector.load %arg2[%get3A_18, %get3A_19] : memref<1x768xf32, #tpu.memory_space<vmem>>, vector<1x768xf32>
    %mul3A_21 = vector.broadcast %get3A_20 : vector<1x768xf32> to vector<64x768xf32>
    %mul3A_22 = arith.mulf %mul3A_17, %mul3A_21 : vector<64x768xf32>
    %get3A_23 = arith.constant 0 : index
    %get3A_24 = arith.constant 0 : index
    %get3A_25 = vector.load %arg3[%get3A_23, %get3A_24] : memref<1x768xf32, #tpu.memory_space<vmem>>, vector<1x768xf32>
    %add3A_26 = vector.broadcast %get3A_25 : vector<1x768xf32> to vector<64x768xf32>
    %add3A_27 = arith.addf %mul3A_22, %add3A_26 : vector<64x768xf32>
    %convert_element_type3A = arith.truncf %add3A_27 : vector<64x768xf32> to vector<64x768xbf16>
    %get3A_28 = arith.constant 0 : index
    %get3A_29 = arith.constant 0 : index
    %get3A_30 = vector.load %arg4[%get3A_28, %get3A_29] : memref<768x128xf32, #tpu.memory_space<vmem>>, vector<768x128xf32>
    %convert_element_type3A_31 = arith.truncf %get3A_30 : vector<768x128xf32> to vector<768x128xbf16>
    %dot_general3A = arith.constant dense<0.000000e+00> : vector<64x128xf32>
    %dot_general3A_32 = tpu.matmul %convert_element_type3A, %convert_element_type3A_31, %dot_general3A {dimension_numbers = #tpu.dot_dimension_numbers<[1], [0], [0], [1], [0, 0, 1, 1], [], []>, transpose_lhs_hint = false} : vector<64x768xbf16>, vector<768x128xbf16>, vector<64x128xf32> -> vector<64x128xf32>
    %convert_element_type3A_33 = arith.truncf %dot_general3A_32 : vector<64x128xf32> to vector<64x128xbf16>
    %broadcast_in_dim3A_34 = arith.constant 0xFF800000 : f32
    %broadcast_in_dim3A_35 = vector.broadcast %broadcast_in_dim3A_34 : f32 to vector<64x1xf32>
    %scan3A = arith.constant 0 : i32
    %scan3A_36 = arith.constant 16 : i32
    %scan3A_37 = arith.addi %scan3A, %scan3A_36 : i32
    %scan3A_38 = arith.constant 1 : i32
    %scan3A_39 = scf.for %scan3A_225 = %scan3A to %scan3A_37 step %scan3A_38 iter_args(%scan3A_226 = %broadcast_in_dim3A_35) -> (vector<64x1xf32>)  : i32 {
      %mul3A_227 = arith.constant 2048 : i32
      %mul3A_228 = arith.muli %scan3A_225, %mul3A_227 : i32
      %get3A_229 = arith.constant 0 : index
      %get3A_230 = arith.index_cast %mul3A_228 : i32 to index
      %get3A_231 = arith.constant 0 : index
      %get3A_232 = vector.load %arg5[%get3A_229, %get3A_230, %get3A_231] : memref<1x32768x128xf32, #tpu.memory_space<vmem>>, vector<1x2048x128xf32>
      %get3A_233 = vector.shape_cast %get3A_232 : vector<1x2048x128xf32> to vector<2048x128xf32>
      %convert_element_type3A_234 = arith.truncf %get3A_233 : vector<2048x128xf32> to vector<2048x128xbf16>
      %dot_general3A_235 = arith.constant dense<0.000000e+00> : vector<64x2048xf32>
      %dot_general3A_236 = tpu.matmul %convert_element_type3A_33, %convert_element_type3A_234, %dot_general3A_235 {dimension_numbers = #tpu.dot_dimension_numbers<[1], [1], [0], [0], [0, 0, 1, 0], [], []>, transpose_lhs_hint = false} : vector<64x128xbf16>, vector<2048x128xbf16>, vector<64x2048xf32> -> vector<64x2048xf32>
      %mul3A_237 = arith.constant 2048 : i32
      %mul3A_238 = arith.muli %scan3A_225, %mul3A_237 : i32
      %swap3A_239 = arith.constant 0 : index
      %swap3A_240 = arith.index_cast %mul3A_238 : i32 to index
      %swap3A_241 = vector.load %arg11[%swap3A_239, %swap3A_240] : memref<64x32768xf32, #tpu.memory_space<vmem>>, vector<64x2048xf32>
      tpu.vector_store %arg11[%swap3A_239, %swap3A_240], %dot_general3A_236 {strides = array<i32>} : memref<64x32768xf32, #tpu.memory_space<vmem>>, vector<64x2048xf32>,
      %reduce_max3A_242 = arith.constant dense<0xFF800000> : vector<64xf32>
      %reduce_max3A_243 = vector.multi_reduction <maximumf>, %dot_general3A_236, %reduce_max3A_242 [1] : vector<64x2048xf32> to vector<64xf32>
      %broadcast_in_dim3A_244 = vector.shape_cast %reduce_max3A_243 : vector<64xf32> to vector<64x1xf32>
      %max3A = arith.maximumf %scan3A_226, %broadcast_in_dim3A_244 : vector<64x1xf32>
      scf.yield %max3A : vector<64x1xf32>
    }
    %scan3A_40 = arith.constant 16 : i32
    %iota3A = tpu.iota {dimensions = array<i32: 1>} : vector<64x128xi32>
    %broadcast_in_dim3A_41 = arith.constant 0xFF800000 : f32
    %broadcast_in_dim3A_42 = vector.broadcast %broadcast_in_dim3A_41 : f32 to vector<64x128xf32>
    %broadcast_in_dim3A_43 = arith.constant 0 : i32
    %broadcast_in_dim3A_44 = vector.broadcast %broadcast_in_dim3A_43 : i32 to vector<64x128xi32>
    %broadcast_in_dim3A_45 = arith.constant 0.000000e+00 : f32
    %broadcast_in_dim3A_46 = vector.broadcast %broadcast_in_dim3A_45 : f32 to vector<64x1xf32>
    %scan3A_47 = arith.constant 0 : i32
    %scan3A_48 = arith.constant 16 : i32
    %scan3A_49 = arith.addi %scan3A_47, %scan3A_48 : i32
    %scan3A_50 = arith.constant 1 : i32
    %scan3A_51:7 = scf.for %scan3A_225 = %scan3A_47 to %scan3A_49 step %scan3A_50 iter_args(%scan3A_226 = %broadcast_in_dim3A_46, %scan3A_227 = %broadcast_in_dim3A_42, %scan3A_228 = %broadcast_in_dim3A_44, %scan3A_229 = %broadcast_in_dim3A_42, %scan3A_230 = %broadcast_in_dim3A_44, %scan3A_231 = %broadcast_in_dim3A_42, %scan3A_232 = %broadcast_in_dim3A_44) -> (vector<64x1xf32>, vector<64x128xf32>, vector<64x128xi32>, vector<64x128xf32>, vector<64x128xi32>, vector<64x128xf32>, vector<64x128xi32>)  : i32 {
      %mul3A_233 = arith.constant 2048 : i32
      %mul3A_234 = arith.muli %scan3A_225, %mul3A_233 : i32
      %get3A_235 = arith.constant 0 : index
      %get3A_236 = arith.index_cast %mul3A_234 : i32 to index
      %get3A_237 = vector.load %arg11[%get3A_235, %get3A_236] : memref<64x32768xf32, #tpu.memory_space<vmem>>, vector<64x2048xf32>
      %sub3A_238 = vector.broadcast %scan3A_39 : vector<64x1xf32> to vector<64x2048xf32>
      %sub3A_239 = arith.subf %get3A_237, %sub3A_238 : vector<64x2048xf32>
      %exp3A = math.exp %sub3A_239 : vector<64x2048xf32>
      %mul3A_240 = arith.constant 2048 : i32
      %mul3A_241 = arith.muli %scan3A_225, %mul3A_240 : i32
      %swap3A_242 = arith.constant 0 : index
      %swap3A_243 = arith.index_cast %mul3A_241 : i32 to index
      %swap3A_244 = vector.load %arg11[%swap3A_242, %swap3A_243] : memref<64x32768xf32, #tpu.memory_space<vmem>>, vector<64x2048xf32>
      tpu.vector_store %arg11[%swap3A_242, %swap3A_243], %exp3A {strides = array<i32>} : memref<64x32768xf32, #tpu.memory_space<vmem>>, vector<64x2048xf32>,
      %reduce_sum3A_245 = arith.constant dense<0.000000e+00> : vector<64xf32>
      %reduce_sum3A_246 = vector.multi_reduction <add>, %exp3A, %reduce_sum3A_245 [1] : vector<64x2048xf32> to vector<64xf32>
      %broadcast_in_dim3A_247 = vector.shape_cast %reduce_sum3A_246 : vector<64xf32> to vector<64x1xf32>
      %add3A_248 = arith.addf %scan3A_226, %broadcast_in_dim3A_247 : vector<64x1xf32>
      %slice3A = vector.extract_strided_slice %exp3A {offsets = [0, 0], sizes = [64, 128], strides = [1, 1]} : vector<64x2048xf32> to vector<64x128xf32>
      %mul3A_249 = arith.constant 2048 : i32
      %mul3A_250 = arith.muli %scan3A_225, %mul3A_249 : i32
      %add3A_251 = arith.constant 0 : i32
      %add3A_252 = arith.addi %mul3A_250, %add3A_251 : i32
      %add3A_253 = vector.broadcast %add3A_252 : i32 to vector<64x128xi32>
      %add3A_254 = arith.addi %iota3A, %add3A_253 : vector<64x128xi32>
      %gt3A = arith.cmpf ogt, %slice3A, %scan3A_227 : vector<64x128xf32>
      %select_n3A_255 = arith.select %gt3A, %scan3A_227, %slice3A : vector<64x128xi1>, vector<64x128xf32>
      %select_n3A_256 = arith.select %gt3A, %scan3A_228, %add3A_254 : vector<64x128xi1>, vector<64x128xi32>
      %select_n3A_257 = arith.select %gt3A, %slice3A, %scan3A_227 : vector<64x128xi1>, vector<64x128xf32>
      %select_n3A_258 = arith.select %gt3A, %add3A_254, %scan3A_228 : vector<64x128xi1>, vector<64x128xi32>
      %gt3A_259 = arith.cmpf ogt, %select_n3A_255, %scan3A_229 : vector<64x128xf32>
      %select_n3A_260 = arith.select %gt3A_259, %scan3A_229, %select_n3A_255 : vector<64x128xi1>, vector<64x128xf32>
      %select_n3A_261 = arith.select %gt3A_259, %scan3A_230, %select_n3A_256 : vector<64x128xi1>, vector<64x128xi32>
      %select_n3A_262 = arith.select %gt3A_259, %select_n3A_255, %scan3A_229 : vector<64x128xi1>, vector<64x128xf32>
      %select_n3A_263 = arith.select %gt3A_259, %select_n3A_256, %scan3A_230 : vector<64x128xi1>, vector<64x128xi32>
      %gt3A_264 = arith.cmpf ogt, %select_n3A_260, %scan3A_231 : vector<64x128xf32>
      %select_n3A_265 = arith.select %gt3A_264, %select_n3A_260, %scan3A_231 : vector<64x128xi1>, vector<64x128xf32>
      %select_n3A_266 = arith.select %gt3A_264, %select_n3A_261, %scan3A_232 : vector<64x128xi1>, vector<64x128xi32>
      %slice3A_267 = vector.extract_strided_slice %exp3A {offsets = [0, 128], sizes = [64, 128], strides = [1, 1]} : vector<64x2048xf32> to vector<64x128xf32>
      %mul3A_268 = arith.constant 2048 : i32
      %mul3A_269 = arith.muli %scan3A_225, %mul3A_268 : i32
      %add3A_270 = arith.constant 128 : i32
      %add3A_271 = arith.addi %mul3A_269, %add3A_270 : i32
      %add3A_272 = vector.broadcast %add3A_271 : i32 to vector<64x128xi32>
      %add3A_273 = arith.addi %iota3A, %add3A_272 : vector<64x128xi32>
      %gt3A_274 = arith.cmpf ogt, %slice3A_267, %select_n3A_257 : vector<64x128xf32>
      %select_n3A_275 = arith.select %gt3A_274, %select_n3A_257, %slice3A_267 : vector<64x128xi1>, vector<64x128xf32>
      %select_n3A_276 = arith.select %gt3A_274, %select_n3A_258, %add3A_273 : vector<64x128xi1>, vector<64x128xi32>
      %select_n3A_277 = arith.select %gt3A_274, %slice3A_267, %select_n3A_257 : vector<64x128xi1>, vector<64x128xf32>
      %select_n3A_278 = arith.select %gt3A_274, %add3A_273, %select_n3A_258 : vector<64x128xi1>, vector<64x128xi32>
      %gt3A_279 = arith.cmpf ogt, %select_n3A_275, %select_n3A_262 : vector<64x128xf32>
      %select_n3A_280 = arith.select %gt3A_279, %select_n3A_262, %select_n3A_275 : vector<64x128xi1>, vector<64x128xf32>
      %select_n3A_281 = arith.select %gt3A_279, %select_n3A_263, %select_n3A_276 : vector<64x128xi1>, vector<64x128xi32>
      %select_n3A_282 = arith.select %gt3A_279, %select_n3A_275, %select_n3A_262 : vector<64x128xi1>, vector<64x128xf32>
      %select_n3A_283 = arith.select %gt3A_279, %select_n3A_276, %select_n3A_263 : vector<64x128xi1>, vector<64x128xi32>
      %gt3A_284 = arith.cmpf ogt, %select_n3A_280, %select_n3A_265 : vector<64x128xf32>
      %select_n3A_285 = arith.select %gt3A_284, %select_n3A_280, %select_n3A_265 : vector<64x128xi1>, vector<64x128xf32>
      %select_n3A_286 = arith.select %gt3A_284, %select_n3A_281, %select_n3A_266 : vector<64x128xi1>, vector<64x128xi32>
      %slice3A_287 = vector.extract_strided_slice %exp3A {offsets = [0, 256], sizes = [64, 128], strides = [1, 1]} : vector<64x2048xf32> to vector<64x128xf32>
      %mul3A_288 = arith.constant 2048 : i32
      %mul3A_289 = arith.muli %scan3A_225, %mul3A_288 : i32
      %add3A_290 = arith.constant 256 : i32
      %add3A_291 = arith.addi %mul3A_289, %add3A_290 : i32
      %add3A_292 = vector.broadcast %add3A_291 : i32 to vector<64x128xi32>
      %add3A_293 = arith.addi %iota3A, %add3A_292 : vector<64x128xi32>
      %gt3A_294 = arith.cmpf ogt, %slice3A_287, %select_n3A_277 : vector<64x128xf32>
      %select_n3A_295 = arith.select %gt3A_294, %select_n3A_277, %slice3A_287 : vector<64x128xi1>, vector<64x128xf32>
      %select_n3A_296 = arith.select %gt3A_294, %select_n3A_278, %add3A_293 : vector<64x128xi1>, vector<64x128xi32>
      %select_n3A_297 = arith.select %gt3A_294, %slice3A_287, %select_n3A_277 : vector<64x128xi1>, vector<64x128xf32>
      %select_n3A_298 = arith.select %gt3A_294, %add3A_293, %select_n3A_278 : vector<64x128xi1>, vector<64x128xi32>
      %gt3A_299 = arith.cmpf ogt, %select_n3A_295, %select_n3A_282 : vector<64x128xf32>
      %select_n3A_300 = arith.select %gt3A_299, %select_n3A_282, %select_n3A_295 : vector<64x128xi1>, vector<64x128xf32>
      %select_n3A_301 = arith.select %gt3A_299, %select_n3A_283, %select_n3A_296 : vector<64x128xi1>, vector<64x128xi32>
      %select_n3A_302 = arith.select %gt3A_299, %select_n3A_295, %select_n3A_282 : vector<64x128xi1>, vector<64x128xf32>
      %select_n3A_303 = arith.select %gt3A_299, %select_n3A_296, %select_n3A_283 : vector<64x128xi1>, vector<64x128xi32>
      %gt3A_304 = arith.cmpf ogt, %select_n3A_300, %select_n3A_285 : vector<64x128xf32>
      %select_n3A_305 = arith.select %gt3A_304, %select_n3A_300, %select_n3A_285 : vector<64x128xi1>, vector<64x128xf32>
      %select_n3A_306 = arith.select %gt3A_304, %select_n3A_301, %select_n3A_286 : vector<64x128xi1>, vector<64x128xi32>
      %slice3A_307 = vector.extract_strided_slice %exp3A {offsets = [0, 384], sizes = [64, 128], strides = [1, 1]} : vector<64x2048xf32> to vector<64x128xf32>
      %mul3A_308 = arith.constant 2048 : i32
      %mul3A_309 = arith.muli %scan3A_225, %mul3A_308 : i32
      %add3A_310 = arith.constant 384 : i32
      %add3A_311 = arith.addi %mul3A_309, %add3A_310 : i32
      %add3A_312 = vector.broadcast %add3A_311 : i32 to vector<64x128xi32>
      %add3A_313 = arith.addi %iota3A, %add3A_312 : vector<64x128xi32>
      %gt3A_314 = arith.cmpf ogt, %slice3A_307, %select_n3A_297 : vector<64x128xf32>
      %select_n3A_315 = arith.select %gt3A_314, %select_n3A_297, %slice3A_307 : vector<64x128xi1>, vector<64x128xf32>
      %select_n3A_316 = arith.select %gt3A_314, %select_n3A_298, %add3A_313 : vector<64x128xi1>, vector<64x128xi32>
      %select_n3A_317 = arith.select %gt3A_314, %slice3A_307, %select_n3A_297 : vector<64x128xi1>, vector<64x128xf32>
      %select_n3A_318 = arith.select %gt3A_314, %add3A_313, %select_n3A_298 : vector<64x128xi1>, vector<64x128xi32>
      %gt3A_319 = arith.cmpf ogt, %select_n3A_315, %select_n3A_302 : vector<64x128xf32>
      %select_n3A_320 = arith.select %gt3A_319, %select_n3A_302, %select_n3A_315 : vector<64x128xi1>, vector<64x128xf32>
      %select_n3A_321 = arith.select %gt3A_319, %select_n3A_303, %select_n3A_316 : vector<64x128xi1>, vector<64x128xi32>
      %select_n3A_322 = arith.select %gt3A_319, %select_n3A_315, %select_n3A_302 : vector<64x128xi1>, vector<64x128xf32>
      %select_n3A_323 = arith.select %gt3A_319, %select_n3A_316, %select_n3A_303 : vector<64x128xi1>, vector<64x128xi32>
      %gt3A_324 = arith.cmpf ogt, %select_n3A_320, %select_n3A_305 : vector<64x128xf32>
      %select_n3A_325 = arith.select %gt3A_324, %select_n3A_320, %select_n3A_305 : vector<64x128xi1>, vector<64x128xf32>
      %select_n3A_326 = arith.select %gt3A_324, %select_n3A_321, %select_n3A_306 : vector<64x128xi1>, vector<64x128xi32>
      %slice3A_327 = vector.extract_strided_slice %exp3A {offsets = [0, 512], sizes = [64, 128], strides = [1, 1]} : vector<64x2048xf32> to vector<64x128xf32>
      %mul3A_328 = arith.constant 2048 : i32
      %mul3A_329 = arith.muli %scan3A_225, %mul3A_328 : i32
      %add3A_330 = arith.constant 512 : i32
      %add3A_331 = arith.addi %mul3A_329, %add3A_330 : i32
      %add3A_332 = vector.broadcast %add3A_331 : i32 to vector<64x128xi32>
      %add3A_333 = arith.addi %iota3A, %add3A_332 : vector<64x128xi32>
      %gt3A_334 = arith.cmpf ogt, %slice3A_327, %select_n3A_317 : vector<64x128xf32>
      %select_n3A_335 = arith.select %gt3A_334, %select_n3A_317, %slice3A_327 : vector<64x128xi1>, vector<64x128xf32>
      %select_n3A_336 = arith.select %gt3A_334, %select_n3A_318, %add3A_333 : vector<64x128xi1>, vector<64x128xi32>
      %select_n3A_337 = arith.select %gt3A_334, %slice3A_327, %select_n3A_317 : vector<64x128xi1>, vector<64x128xf32>
      %select_n3A_338 = arith.select %gt3A_334, %add3A_333, %select_n3A_318 : vector<64x128xi1>, vector<64x128xi32>
      %gt3A_339 = arith.cmpf ogt, %select_n3A_335, %select_n3A_322 : vector<64x128xf32>
      %select_n3A_340 = arith.select %gt3A_339, %select_n3A_322, %select_n3A_335 : vector<64x128xi1>, vector<64x128xf32>
      %select_n3A_341 = arith.select %gt3A_339, %select_n3A_323, %select_n3A_336 : vector<64x128xi1>, vector<64x128xi32>
      %select_n3A_342 = arith.select %gt3A_339, %select_n3A_335, %select_n3A_322 : vector<64x128xi1>, vector<64x128xf32>
      %select_n3A_343 = arith.select %gt3A_339, %select_n3A_336, %select_n3A_323 : vector<64x128xi1>, vector<64x128xi32>
      %gt3A_344 = arith.cmpf ogt, %select_n3A_340, %select_n3A_325 : vector<64x128xf32>
      %select_n3A_345 = arith.select %gt3A_344, %select_n3A_340, %select_n3A_325 : vector<64x128xi1>, vector<64x128xf32>
      %select_n3A_346 = arith.select %gt3A_344, %select_n3A_341, %select_n3A_326 : vector<64x128xi1>, vector<64x128xi32>
      %slice3A_347 = vector.extract_strided_slice %exp3A {offsets = [0, 640], sizes = [64, 128], strides = [1, 1]} : vector<64x2048xf32> to vector<64x128xf32>
      %mul3A_348 = arith.constant 2048 : i32
      %mul3A_349 = arith.muli %scan3A_225, %mul3A_348 : i32
      %add3A_350 = arith.constant 640 : i32
      %add3A_351 = arith.addi %mul3A_349, %add3A_350 : i32
      %add3A_352 = vector.broadcast %add3A_351 : i32 to vector<64x128xi32>
      %add3A_353 = arith.addi %iota3A, %add3A_352 : vector<64x128xi32>
      %gt3A_354 = arith.cmpf ogt, %slice3A_347, %select_n3A_337 : vector<64x128xf32>
      %select_n3A_355 = arith.select %gt3A_354, %select_n3A_337, %slice3A_347 : vector<64x128xi1>, vector<64x128xf32>
      %select_n3A_356 = arith.select %gt3A_354, %select_n3A_338, %add3A_353 : vector<64x128xi1>, vector<64x128xi32>
      %select_n3A_357 = arith.select %gt3A_354, %slice3A_347, %select_n3A_337 : vector<64x128xi1>, vector<64x128xf32>
      %select_n3A_358 = arith.select %gt3A_354, %add3A_353, %select_n3A_338 : vector<64x128xi1>, vector<64x128xi32>
      %gt3A_359 = arith.cmpf ogt, %select_n3A_355, %select_n3A_342 : vector<64x128xf32>
      %select_n3A_360 = arith.select %gt3A_359, %select_n3A_342, %select_n3A_355 : vector<64x128xi1>, vector<64x128xf32>
      %select_n3A_361 = arith.select %gt3A_359, %select_n3A_343, %select_n3A_356 : vector<64x128xi1>, vector<64x128xi32>
      %select_n3A_362 = arith.select %gt3A_359, %select_n3A_355, %select_n3A_342 : vector<64x128xi1>, vector<64x128xf32>
      %select_n3A_363 = arith.select %gt3A_359, %select_n3A_356, %select_n3A_343 : vector<64x128xi1>, vector<64x128xi32>
      %gt3A_364 = arith.cmpf ogt, %select_n3A_360, %select_n3A_345 : vector<64x128xf32>
      %select_n3A_365 = arith.select %gt3A_364, %select_n3A_360, %select_n3A_345 : vector<64x128xi1>, vector<64x128xf32>
      %select_n3A_366 = arith.select %gt3A_364, %select_n3A_361, %select_n3A_346 : vector<64x128xi1>, vector<64x128xi32>
      %slice3A_367 = vector.extract_strided_slice %exp3A {offsets = [0, 768], sizes = [64, 128], strides = [1, 1]} : vector<64x2048xf32> to vector<64x128xf32>
      %mul3A_368 = arith.constant 2048 : i32
      %mul3A_369 = arith.muli %scan3A_225, %mul3A_368 : i32
      %add3A_370 = arith.constant 768 : i32
      %add3A_371 = arith.addi %mul3A_369, %add3A_370 : i32
      %add3A_372 = vector.broadcast %add3A_371 : i32 to vector<64x128xi32>
      %add3A_373 = arith.addi %iota3A, %add3A_372 : vector<64x128xi32>
      %gt3A_374 = arith.cmpf ogt, %slice3A_367, %select_n3A_357 : vector<64x128xf32>
      %select_n3A_375 = arith.select %gt3A_374, %select_n3A_357, %slice3A_367 : vector<64x128xi1>, vector<64x128xf32>
      %select_n3A_376 = arith.select %gt3A_374, %select_n3A_358, %add3A_373 : vector<64x128xi1>, vector<64x128xi32>
      %select_n3A_377 = arith.select %gt3A_374, %slice3A_367, %select_n3A_357 : vector<64x128xi1>, vector<64x128xf32>
      %select_n3A_378 = arith.select %gt3A_374, %add3A_373, %select_n3A_358 : vector<64x128xi1>, vector<64x128xi32>
      %gt3A_379 = arith.cmpf ogt, %select_n3A_375, %select_n3A_362 : vector<64x128xf32>
      %select_n3A_380 = arith.select %gt3A_379, %select_n3A_362, %select_n3A_375 : vector<64x128xi1>, vector<64x128xf32>
      %select_n3A_381 = arith.select %gt3A_379, %select_n3A_363, %select_n3A_376 : vector<64x128xi1>, vector<64x128xi32>
      %select_n3A_382 = arith.select %gt3A_379, %select_n3A_375, %select_n3A_362 : vector<64x128xi1>, vector<64x128xf32>
      %select_n3A_383 = arith.select %gt3A_379, %select_n3A_376, %select_n3A_363 : vector<64x128xi1>, vector<64x128xi32>
      %gt3A_384 = arith.cmpf ogt, %select_n3A_380, %select_n3A_365 : vector<64x128xf32>
      %select_n3A_385 = arith.select %gt3A_384, %select_n3A_380, %select_n3A_365 : vector<64x128xi1>, vector<64x128xf32>
      %select_n3A_386 = arith.select %gt3A_384, %select_n3A_381, %select_n3A_366 : vector<64x128xi1>, vector<64x128xi32>
      %slice3A_387 = vector.extract_strided_slice %exp3A {offsets = [0, 896], sizes = [64, 128], strides = [1, 1]} : vector<64x2048xf32> to vector<64x128xf32>
      %mul3A_388 = arith.constant 2048 : i32
      %mul3A_389 = arith.muli %scan3A_225, %mul3A_388 : i32
      %add3A_390 = arith.constant 896 : i32
      %add3A_391 = arith.addi %mul3A_389, %add3A_390 : i32
      %add3A_392 = vector.broadcast %add3A_391 : i32 to vector<64x128xi32>
      %add3A_393 = arith.addi %iota3A, %add3A_392 : vector<64x128xi32>
      %gt3A_394 = arith.cmpf ogt, %slice3A_387, %select_n3A_377 : vector<64x128xf32>
      %select_n3A_395 = arith.select %gt3A_394, %select_n3A_377, %slice3A_387 : vector<64x128xi1>, vector<64x128xf32>
      %select_n3A_396 = arith.select %gt3A_394, %select_n3A_378, %add3A_393 : vector<64x128xi1>, vector<64x128xi32>
      %select_n3A_397 = arith.select %gt3A_394, %slice3A_387, %select_n3A_377 : vector<64x128xi1>, vector<64x128xf32>
      %select_n3A_398 = arith.select %gt3A_394, %add3A_393, %select_n3A_378 : vector<64x128xi1>, vector<64x128xi32>
      %gt3A_399 = arith.cmpf ogt, %select_n3A_395, %select_n3A_382 : vector<64x128xf32>
      %select_n3A_400 = arith.select %gt3A_399, %select_n3A_382, %select_n3A_395 : vector<64x128xi1>, vector<64x128xf32>
      %select_n3A_401 = arith.select %gt3A_399, %select_n3A_383, %select_n3A_396 : vector<64x128xi1>, vector<64x128xi32>
      %select_n3A_402 = arith.select %gt3A_399, %select_n3A_395, %select_n3A_382 : vector<64x128xi1>, vector<64x128xf32>
      %select_n3A_403 = arith.select %gt3A_399, %select_n3A_396, %select_n3A_383 : vector<64x128xi1>, vector<64x128xi32>
      %gt3A_404 = arith.cmpf ogt, %select_n3A_400, %select_n3A_385 : vector<64x128xf32>
      %select_n3A_405 = arith.select %gt3A_404, %select_n3A_400, %select_n3A_385 : vector<64x128xi1>, vector<64x128xf32>
      %select_n3A_406 = arith.select %gt3A_404, %select_n3A_401, %select_n3A_386 : vector<64x128xi1>, vector<64x128xi32>
      %slice3A_407 = vector.extract_strided_slice %exp3A {offsets = [0, 1024], sizes = [64, 128], strides = [1, 1]} : vector<64x2048xf32> to vector<64x128xf32>
      %mul3A_408 = arith.constant 2048 : i32
      %mul3A_409 = arith.muli %scan3A_225, %mul3A_408 : i32
      %add3A_410 = arith.constant 1024 : i32
      %add3A_411 = arith.addi %mul3A_409, %add3A_410 : i32
      %add3A_412 = vector.broadcast %add3A_411 : i32 to vector<64x128xi32>
      %add3A_413 = arith.addi %iota3A, %add3A_412 : vector<64x128xi32>
      %gt3A_414 = arith.cmpf ogt, %slice3A_407, %select_n3A_397 : vector<64x128xf32>
      %select_n3A_415 = arith.select %gt3A_414, %select_n3A_397, %slice3A_407 : vector<64x128xi1>, vector<64x128xf32>
      %select_n3A_416 = arith.select %gt3A_414, %select_n3A_398, %add3A_413 : vector<64x128xi1>, vector<64x128xi32>
      %select_n3A_417 = arith.select %gt3A_414, %slice3A_407, %select_n3A_397 : vector<64x128xi1>, vector<64x128xf32>
      %select_n3A_418 = arith.select %gt3A_414, %add3A_413, %select_n3A_398 : vector<64x128xi1>, vector<64x128xi32>
      %gt3A_419 = arith.cmpf ogt, %select_n3A_415, %select_n3A_402 : vector<64x128xf32>
      %select_n3A_420 = arith.select %gt3A_419, %select_n3A_402, %select_n3A_415 : vector<64x128xi1>, vector<64x128xf32>
      %select_n3A_421 = arith.select %gt3A_419, %select_n3A_403, %select_n3A_416 : vector<64x128xi1>, vector<64x128xi32>
      %select_n3A_422 = arith.select %gt3A_419, %select_n3A_415, %select_n3A_402 : vector<64x128xi1>, vector<64x128xf32>
      %select_n3A_423 = arith.select %gt3A_419, %select_n3A_416, %select_n3A_403 : vector<64x128xi1>, vector<64x128xi32>
      %gt3A_424 = arith.cmpf ogt, %select_n3A_420, %select_n3A_405 : vector<64x128xf32>
      %select_n3A_425 = arith.select %gt3A_424, %select_n3A_420, %select_n3A_405 : vector<64x128xi1>, vector<64x128xf32>
      %select_n3A_426 = arith.select %gt3A_424, %select_n3A_421, %select_n3A_406 : vector<64x128xi1>, vector<64x128xi32>
      %slice3A_427 = vector.extract_strided_slice %exp3A {offsets = [0, 1152], sizes = [64, 128], strides = [1, 1]} : vector<64x2048xf32> to vector<64x128xf32>
      %mul3A_428 = arith.constant 2048 : i32
      %mul3A_429 = arith.muli %scan3A_225, %mul3A_428 : i32
      %add3A_430 = arith.constant 1152 : i32
      %add3A_431 = arith.addi %mul3A_429, %add3A_430 : i32
      %add3A_432 = vector.broadcast %add3A_431 : i32 to vector<64x128xi32>
      %add3A_433 = arith.addi %iota3A, %add3A_432 : vector<64x128xi32>
      %gt3A_434 = arith.cmpf ogt, %slice3A_427, %select_n3A_417 : vector<64x128xf32>
      %select_n3A_435 = arith.select %gt3A_434, %select_n3A_417, %slice3A_427 : vector<64x128xi1>, vector<64x128xf32>
      %select_n3A_436 = arith.select %gt3A_434, %select_n3A_418, %add3A_433 : vector<64x128xi1>, vector<64x128xi32>
      %select_n3A_437 = arith.select %gt3A_434, %slice3A_427, %select_n3A_417 : vector<64x128xi1>, vector<64x128xf32>
      %select_n3A_438 = arith.select %gt3A_434, %add3A_433, %select_n3A_418 : vector<64x128xi1>, vector<64x128xi32>
      %gt3A_439 = arith.cmpf ogt, %select_n3A_435, %select_n3A_422 : vector<64x128xf32>
      %select_n3A_440 = arith.select %gt3A_439, %select_n3A_422, %select_n3A_435 : vector<64x128xi1>, vector<64x128xf32>
      %select_n3A_441 = arith.select %gt3A_439, %select_n3A_423, %select_n3A_436 : vector<64x128xi1>, vector<64x128xi32>
      %select_n3A_442 = arith.select %gt3A_439, %select_n3A_435, %select_n3A_422 : vector<64x128xi1>, vector<64x128xf32>
      %select_n3A_443 = arith.select %gt3A_439, %select_n3A_436, %select_n3A_423 : vector<64x128xi1>, vector<64x128xi32>
      %gt3A_444 = arith.cmpf ogt, %select_n3A_440, %select_n3A_425 : vector<64x128xf32>
      %select_n3A_445 = arith.select %gt3A_444, %select_n3A_440, %select_n3A_425 : vector<64x128xi1>, vector<64x128xf32>
      %select_n3A_446 = arith.select %gt3A_444, %select_n3A_441, %select_n3A_426 : vector<64x128xi1>, vector<64x128xi32>
      %slice3A_447 = vector.extract_strided_slice %exp3A {offsets = [0, 1280], sizes = [64, 128], strides = [1, 1]} : vector<64x2048xf32> to vector<64x128xf32>
      %mul3A_448 = arith.constant 2048 : i32
      %mul3A_449 = arith.muli %scan3A_225, %mul3A_448 : i32
      %add3A_450 = arith.constant 1280 : i32
      %add3A_451 = arith.addi %mul3A_449, %add3A_450 : i32
      %add3A_452 = vector.broadcast %add3A_451 : i32 to vector<64x128xi32>
      %add3A_453 = arith.addi %iota3A, %add3A_452 : vector<64x128xi32>
      %gt3A_454 = arith.cmpf ogt, %slice3A_447, %select_n3A_437 : vector<64x128xf32>
      %select_n3A_455 = arith.select %gt3A_454, %select_n3A_437, %slice3A_447 : vector<64x128xi1>, vector<64x128xf32>
      %select_n3A_456 = arith.select %gt3A_454, %select_n3A_438, %add3A_453 : vector<64x128xi1>, vector<64x128xi32>
      %select_n3A_457 = arith.select %gt3A_454, %slice3A_447, %select_n3A_437 : vector<64x128xi1>, vector<64x128xf32>
      %select_n3A_458 = arith.select %gt3A_454, %add3A_453, %select_n3A_438 : vector<64x128xi1>, vector<64x128xi32>
      %gt3A_459 = arith.cmpf ogt, %select_n3A_455, %select_n3A_442 : vector<64x128xf32>
      %select_n3A_460 = arith.select %gt3A_459, %select_n3A_442, %select_n3A_455 : vector<64x128xi1>, vector<64x128xf32>
      %select_n3A_461 = arith.select %gt3A_459, %select_n3A_443, %select_n3A_456 : vector<64x128xi1>, vector<64x128xi32>
      %select_n3A_462 = arith.select %gt3A_459, %select_n3A_455, %select_n3A_442 : vector<64x128xi1>, vector<64x128xf32>
      %select_n3A_463 = arith.select %gt3A_459, %select_n3A_456, %select_n3A_443 : vector<64x128xi1>, vector<64x128xi32>
      %gt3A_464 = arith.cmpf ogt, %select_n3A_460, %select_n3A_445 : vector<64x128xf32>
      %select_n3A_465 = arith.select %gt3A_464, %select_n3A_460, %select_n3A_445 : vector<64x128xi1>, vector<64x128xf32>
      %select_n3A_466 = arith.select %gt3A_464, %select_n3A_461, %select_n3A_446 : vector<64x128xi1>, vector<64x128xi32>
      %slice3A_467 = vector.extract_strided_slice %exp3A {offsets = [0, 1408], sizes = [64, 128], strides = [1, 1]} : vector<64x2048xf32> to vector<64x128xf32>
      %mul3A_468 = arith.constant 2048 : i32
      %mul3A_469 = arith.muli %scan3A_225, %mul3A_468 : i32
      %add3A_470 = arith.constant 1408 : i32
      %add3A_471 = arith.addi %mul3A_469, %add3A_470 : i32
      %add3A_472 = vector.broadcast %add3A_471 : i32 to vector<64x128xi32>
      %add3A_473 = arith.addi %iota3A, %add3A_472 : vector<64x128xi32>
      %gt3A_474 = arith.cmpf ogt, %slice3A_467, %select_n3A_457 : vector<64x128xf32>
      %select_n3A_475 = arith.select %gt3A_474, %select_n3A_457, %slice3A_467 : vector<64x128xi1>, vector<64x128xf32>
      %select_n3A_476 = arith.select %gt3A_474, %select_n3A_458, %add3A_473 : vector<64x128xi1>, vector<64x128xi32>
      %select_n3A_477 = arith.select %gt3A_474, %slice3A_467, %select_n3A_457 : vector<64x128xi1>, vector<64x128xf32>
      %select_n3A_478 = arith.select %gt3A_474, %add3A_473, %select_n3A_458 : vector<64x128xi1>, vector<64x128xi32>
      %gt3A_479 = arith.cmpf ogt, %select_n3A_475, %select_n3A_462 : vector<64x128xf32>
      %select_n3A_480 = arith.select %gt3A_479, %select_n3A_462, %select_n3A_475 : vector<64x128xi1>, vector<64x128xf32>
      %select_n3A_481 = arith.select %gt3A_479, %select_n3A_463, %select_n3A_476 : vector<64x128xi1>, vector<64x128xi32>
      %select_n3A_482 = arith.select %gt3A_479, %select_n3A_475, %select_n3A_462 : vector<64x128xi1>, vector<64x128xf32>
      %select_n3A_483 = arith.select %gt3A_479, %select_n3A_476, %select_n3A_463 : vector<64x128xi1>, vector<64x128xi32>
      %gt3A_484 = arith.cmpf ogt, %select_n3A_480, %select_n3A_465 : vector<64x128xf32>
      %select_n3A_485 = arith.select %gt3A_484, %select_n3A_480, %select_n3A_465 : vector<64x128xi1>, vector<64x128xf32>
      %select_n3A_486 = arith.select %gt3A_484, %select_n3A_481, %select_n3A_466 : vector<64x128xi1>, vector<64x128xi32>
      %slice3A_487 = vector.extract_strided_slice %exp3A {offsets = [0, 1536], sizes = [64, 128], strides = [1, 1]} : vector<64x2048xf32> to vector<64x128xf32>
      %mul3A_488 = arith.constant 2048 : i32
      %mul3A_489 = arith.muli %scan3A_225, %mul3A_488 : i32
      %add3A_490 = arith.constant 1536 : i32
      %add3A_491 = arith.addi %mul3A_489, %add3A_490 : i32
      %add3A_492 = vector.broadcast %add3A_491 : i32 to vector<64x128xi32>
      %add3A_493 = arith.addi %iota3A, %add3A_492 : vector<64x128xi32>
      %gt3A_494 = arith.cmpf ogt, %slice3A_487, %select_n3A_477 : vector<64x128xf32>
      %select_n3A_495 = arith.select %gt3A_494, %select_n3A_477, %slice3A_487 : vector<64x128xi1>, vector<64x128xf32>
      %select_n3A_496 = arith.select %gt3A_494, %select_n3A_478, %add3A_493 : vector<64x128xi1>, vector<64x128xi32>
      %select_n3A_497 = arith.select %gt3A_494, %slice3A_487, %select_n3A_477 : vector<64x128xi1>, vector<64x128xf32>
      %select_n3A_498 = arith.select %gt3A_494, %add3A_493, %select_n3A_478 : vector<64x128xi1>, vector<64x128xi32>
      %gt3A_499 = arith.cmpf ogt, %select_n3A_495, %select_n3A_482 : vector<64x128xf32>
      %select_n3A_500 = arith.select %gt3A_499, %select_n3A_482, %select_n3A_495 : vector<64x128xi1>, vector<64x128xf32>
      %select_n3A_501 = arith.select %gt3A_499, %select_n3A_483, %select_n3A_496 : vector<64x128xi1>, vector<64x128xi32>
      %select_n3A_502 = arith.select %gt3A_499, %select_n3A_495, %select_n3A_482 : vector<64x128xi1>, vector<64x128xf32>
      %select_n3A_503 = arith.select %gt3A_499, %select_n3A_496, %select_n3A_483 : vector<64x128xi1>, vector<64x128xi32>
      %gt3A_504 = arith.cmpf ogt, %select_n3A_500, %select_n3A_485 : vector<64x128xf32>
      %select_n3A_505 = arith.select %gt3A_504, %select_n3A_500, %select_n3A_485 : vector<64x128xi1>, vector<64x128xf32>
      %select_n3A_506 = arith.select %gt3A_504, %select_n3A_501, %select_n3A_486 : vector<64x128xi1>, vector<64x128xi32>
      %slice3A_507 = vector.extract_strided_slice %exp3A {offsets = [0, 1664], sizes = [64, 128], strides = [1, 1]} : vector<64x2048xf32> to vector<64x128xf32>
      %mul3A_508 = arith.constant 2048 : i32
      %mul3A_509 = arith.muli %scan3A_225, %mul3A_508 : i32
      %add3A_510 = arith.constant 1664 : i32
      %add3A_511 = arith.addi %mul3A_509, %add3A_510 : i32
      %add3A_512 = vector.broadcast %add3A_511 : i32 to vector<64x128xi32>
      %add3A_513 = arith.addi %iota3A, %add3A_512 : vector<64x128xi32>
      %gt3A_514 = arith.cmpf ogt, %slice3A_507, %select_n3A_497 : vector<64x128xf32>
      %select_n3A_515 = arith.select %gt3A_514, %select_n3A_497, %slice3A_507 : vector<64x128xi1>, vector<64x128xf32>
      %select_n3A_516 = arith.select %gt3A_514, %select_n3A_498, %add3A_513 : vector<64x128xi1>, vector<64x128xi32>
      %select_n3A_517 = arith.select %gt3A_514, %slice3A_507, %select_n3A_497 : vector<64x128xi1>, vector<64x128xf32>
      %select_n3A_518 = arith.select %gt3A_514, %add3A_513, %select_n3A_498 : vector<64x128xi1>, vector<64x128xi32>
      %gt3A_519 = arith.cmpf ogt, %select_n3A_515, %select_n3A_502 : vector<64x128xf32>
      %select_n3A_520 = arith.select %gt3A_519, %select_n3A_502, %select_n3A_515 : vector<64x128xi1>, vector<64x128xf32>
      %select_n3A_521 = arith.select %gt3A_519, %select_n3A_503, %select_n3A_516 : vector<64x128xi1>, vector<64x128xi32>
      %select_n3A_522 = arith.select %gt3A_519, %select_n3A_515, %select_n3A_502 : vector<64x128xi1>, vector<64x128xf32>
      %select_n3A_523 = arith.select %gt3A_519, %select_n3A_516, %select_n3A_503 : vector<64x128xi1>, vector<64x128xi32>
      %gt3A_524 = arith.cmpf ogt, %select_n3A_520, %select_n3A_505 : vector<64x128xf32>
      %select_n3A_525 = arith.select %gt3A_524, %select_n3A_520, %select_n3A_505 : vector<64x128xi1>, vector<64x128xf32>
      %select_n3A_526 = arith.select %gt3A_524, %select_n3A_521, %select_n3A_506 : vector<64x128xi1>, vector<64x128xi32>
      %slice3A_527 = vector.extract_strided_slice %exp3A {offsets = [0, 1792], sizes = [64, 128], strides = [1, 1]} : vector<64x2048xf32> to vector<64x128xf32>
      %mul3A_528 = arith.constant 2048 : i32
      %mul3A_529 = arith.muli %scan3A_225, %mul3A_528 : i32
      %add3A_530 = arith.constant 1792 : i32
      %add3A_531 = arith.addi %mul3A_529, %add3A_530 : i32
      %add3A_532 = vector.broadcast %add3A_531 : i32 to vector<64x128xi32>
      %add3A_533 = arith.addi %iota3A, %add3A_532 : vector<64x128xi32>
      %gt3A_534 = arith.cmpf ogt, %slice3A_527, %select_n3A_517 : vector<64x128xf32>
      %select_n3A_535 = arith.select %gt3A_534, %select_n3A_517, %slice3A_527 : vector<64x128xi1>, vector<64x128xf32>
      %select_n3A_536 = arith.select %gt3A_534, %select_n3A_518, %add3A_533 : vector<64x128xi1>, vector<64x128xi32>
      %select_n3A_537 = arith.select %gt3A_534, %slice3A_527, %select_n3A_517 : vector<64x128xi1>, vector<64x128xf32>
      %select_n3A_538 = arith.select %gt3A_534, %add3A_533, %select_n3A_518 : vector<64x128xi1>, vector<64x128xi32>
      %gt3A_539 = arith.cmpf ogt, %select_n3A_535, %select_n3A_522 : vector<64x128xf32>
      %select_n3A_540 = arith.select %gt3A_539, %select_n3A_522, %select_n3A_535 : vector<64x128xi1>, vector<64x128xf32>
      %select_n3A_541 = arith.select %gt3A_539, %select_n3A_523, %select_n3A_536 : vector<64x128xi1>, vector<64x128xi32>
      %select_n3A_542 = arith.select %gt3A_539, %select_n3A_535, %select_n3A_522 : vector<64x128xi1>, vector<64x128xf32>
      %select_n3A_543 = arith.select %gt3A_539, %select_n3A_536, %select_n3A_523 : vector<64x128xi1>, vector<64x128xi32>
      %gt3A_544 = arith.cmpf ogt, %select_n3A_540, %select_n3A_525 : vector<64x128xf32>
      %select_n3A_545 = arith.select %gt3A_544, %select_n3A_540, %select_n3A_525 : vector<64x128xi1>, vector<64x128xf32>
      %select_n3A_546 = arith.select %gt3A_544, %select_n3A_541, %select_n3A_526 : vector<64x128xi1>, vector<64x128xi32>
      %slice3A_547 = vector.extract_strided_slice %exp3A {offsets = [0, 1920], sizes = [64, 128], strides = [1, 1]} : vector<64x2048xf32> to vector<64x128xf32>
      %mul3A_548 = arith.constant 2048 : i32
      %mul3A_549 = arith.muli %scan3A_225, %mul3A_548 : i32
      %add3A_550 = arith.constant 1920 : i32
      %add3A_551 = arith.addi %mul3A_549, %add3A_550 : i32
      %add3A_552 = vector.broadcast %add3A_551 : i32 to vector<64x128xi32>
      %add3A_553 = arith.addi %iota3A, %add3A_552 : vector<64x128xi32>
      %gt3A_554 = arith.cmpf ogt, %slice3A_547, %select_n3A_537 : vector<64x128xf32>
      %select_n3A_555 = arith.select %gt3A_554, %select_n3A_537, %slice3A_547 : vector<64x128xi1>, vector<64x128xf32>
      %select_n3A_556 = arith.select %gt3A_554, %select_n3A_538, %add3A_553 : vector<64x128xi1>, vector<64x128xi32>
      %select_n3A_557 = arith.select %gt3A_554, %slice3A_547, %select_n3A_537 : vector<64x128xi1>, vector<64x128xf32>
      %select_n3A_558 = arith.select %gt3A_554, %add3A_553, %select_n3A_538 : vector<64x128xi1>, vector<64x128xi32>
      %gt3A_559 = arith.cmpf ogt, %select_n3A_555, %select_n3A_542 : vector<64x128xf32>
      %select_n3A_560 = arith.select %gt3A_559, %select_n3A_542, %select_n3A_555 : vector<64x128xi1>, vector<64x128xf32>
      %select_n3A_561 = arith.select %gt3A_559, %select_n3A_543, %select_n3A_556 : vector<64x128xi1>, vector<64x128xi32>
      %select_n3A_562 = arith.select %gt3A_559, %select_n3A_555, %select_n3A_542 : vector<64x128xi1>, vector<64x128xf32>
      %select_n3A_563 = arith.select %gt3A_559, %select_n3A_556, %select_n3A_543 : vector<64x128xi1>, vector<64x128xi32>
      %gt3A_564 = arith.cmpf ogt, %select_n3A_560, %select_n3A_545 : vector<64x128xf32>
      %select_n3A_565 = arith.select %gt3A_564, %select_n3A_560, %select_n3A_545 : vector<64x128xi1>, vector<64x128xf32>
      %select_n3A_566 = arith.select %gt3A_564, %select_n3A_561, %select_n3A_546 : vector<64x128xi1>, vector<64x128xi32>
      scf.yield %add3A_248, %select_n3A_557, %select_n3A_558, %select_n3A_562, %select_n3A_563, %select_n3A_565, %select_n3A_566 : vector<64x1xf32>, vector<64x128xf32>, vector<64x128xi32>, vector<64x128xf32>, vector<64x128xi32>, vector<64x128xf32>, vector<64x128xi32>
    }
    %scan3A_52 = arith.constant 16 : i32
    %div3A_53 = arith.constant 1.000000e+00 : f32
    %div3A_54 = vector.broadcast %div3A_53 : f32 to vector<64x1xf32>
    %div3A_55 = arith.divf %div3A_54, %scan3A_51#0 : vector<64x1xf32>
    %eq3A = arith.constant 0 : i32
    %eq3A_56 = arith.cmpi eq, %arg0, %eq3A : i32
    %convert_element_type3A_57 = arith.extui %eq3A_56 : i1 to i32
    %cond3A = arith.constant 0 : i32
    %cond3A_58 = arith.cmpi ne, %convert_element_type3A_57, %cond3A : i32
    scf.if %cond3A_58 {
      %broadcast_in_dim3A_225 = arith.constant 0.000000e+00 : f32
      %broadcast_in_dim3A_226 = vector.broadcast %broadcast_in_dim3A_225 : f32 to vector<1x32768xf32>
      %swap3A_227 = arith.constant 0 : index
      %swap3A_228 = arith.constant 0 : index
      %swap3A_229 = vector.load %arg10[%swap3A_227, %swap3A_228] : memref<1x32768xf32, #tpu.memory_space<vmem>>, vector<1x32768xf32>
      tpu.vector_store %arg10[%swap3A_227, %swap3A_228], %broadcast_in_dim3A_226 {strides = array<i32>} : memref<1x32768xf32, #tpu.memory_space<vmem>>, vector<1x32768xf32>,
    } else {
    }
    %scan3A_59 = arith.constant 0 : i32
    %scan3A_60 = arith.constant 16 : i32
    %scan3A_61 = arith.addi %scan3A_59, %scan3A_60 : i32
    %scan3A_62 = arith.constant 1 : i32
    scf.for %scan3A_225 = %scan3A_59 to %scan3A_61 step %scan3A_62  : i32 {
      %mul3A_226 = arith.constant 2048 : i32
      %mul3A_227 = arith.muli %scan3A_225, %mul3A_226 : i32
      %get3A_228 = arith.constant 0 : index
      %get3A_229 = arith.index_cast %mul3A_227 : i32 to index
      %get3A_230 = vector.load %arg11[%get3A_228, %get3A_229] : memref<64x32768xf32, #tpu.memory_space<vmem>>, vector<64x2048xf32>
      %mul3A_231 = arith.constant 2048 : i32
      %mul3A_232 = arith.muli %scan3A_225, %mul3A_231 : i32
      %get3A_233 = arith.constant 0 : index
      %get3A_234 = arith.index_cast %mul3A_232 : i32 to index
      %get3A_235 = vector.load %arg10[%get3A_233, %get3A_234] : memref<1x32768xf32, #tpu.memory_space<vmem>>, vector<1x2048xf32>
      %mul3A_236 = vector.broadcast %div3A_55 : vector<64x1xf32> to vector<64x2048xf32>
      %mul3A_237 = arith.mulf %get3A_230, %mul3A_236 : vector<64x2048xf32>
      %reduce_sum3A_238 = arith.constant dense<0.000000e+00> : vector<2048xf32>
      %reduce_sum3A_239 = vector.multi_reduction <add>, %mul3A_237, %reduce_sum3A_238 [0] : vector<64x2048xf32> to vector<2048xf32>
      %broadcast_in_dim3A_240 = vector.shape_cast %reduce_sum3A_239 : vector<2048xf32> to vector<1x2048xf32>
      %add3A_241 = arith.addf %get3A_235, %broadcast_in_dim3A_240 : vector<1x2048xf32>
      %swap3A_242 = arith.constant 0 : index
      %swap3A_243 = arith.index_cast %mul3A_232 : i32 to index
      %swap3A_244 = vector.load %arg10[%swap3A_242, %swap3A_243] : memref<1x32768xf32, #tpu.memory_space<vmem>>, vector<1x2048xf32>
      tpu.vector_store %arg10[%swap3A_242, %swap3A_243], %add3A_241 {strides = array<i32>} : memref<1x32768xf32, #tpu.memory_space<vmem>>, vector<1x2048xf32>,
    }
    %scan3A_63 = arith.constant 16 : i32
    %concatenate3A = tpu.concatenate %scan3A_51#1, %scan3A_51#3, %scan3A_51#5 in 1 : vector<64x128xf32>, vector<64x128xf32>, vector<64x128xf32> -> vector<64x384xf32>
    %concatenate3A_64 = tpu.concatenate %scan3A_51#2, %scan3A_51#4, %scan3A_51#6 in 1 : vector<64x128xi32>, vector<64x128xi32>, vector<64x128xi32> -> vector<64x384xi32>
    %reduce_max3A = arith.constant dense<0xFF800000> : vector<64xf32>
    %reduce_max3A_65 = vector.multi_reduction <maximumf>, %concatenate3A, %reduce_max3A [1] : vector<64x384xf32> to vector<64xf32>
    %broadcast_in_dim3A_66 = vector.shape_cast %reduce_max3A_65 : vector<64xf32> to vector<64x1xf32>
    %eq3A_67 = vector.broadcast %broadcast_in_dim3A_66 : vector<64x1xf32> to vector<64x384xf32>
    %eq3A_68 = arith.cmpf oeq, %concatenate3A, %eq3A_67 : vector<64x384xf32>
    %jit3A = arith.constant 1073741824 : i32
    %broadcast_in_dim3A_69 = vector.broadcast %jit3A : i32 to vector<64x384xi32>
    %select_n3A = arith.select %eq3A_68, %concatenate3A_64, %broadcast_in_dim3A_69 : vector<64x384xi1>, vector<64x384xi32>
    %reduce_min3A = arith.constant dense<2147483647> : vector<64xi32>
    %reduce_min3A_70 = vector.multi_reduction <minsi>, %select_n3A, %reduce_min3A [1] : vector<64x384xi32> to vector<64xi32>
    %broadcast_in_dim3A_71 = vector.shape_cast %reduce_min3A_70 : vector<64xi32> to vector<64x1xi32>
    %eq3A_72 = vector.broadcast %broadcast_in_dim3A_71 : vector<64x1xi32> to vector<64x384xi32>
    %eq3A_73 = arith.cmpi eq, %concatenate3A_64, %eq3A_72 : vector<64x384xi32>
    %and3A = arith.andi %eq3A_68, %eq3A_73 : vector<64x384xi1>
    %jit3A_74 = arith.constant 0xFF800000 : f32
    %broadcast_in_dim3A_75 = vector.broadcast %jit3A_74 : f32 to vector<64x384xf32>
    %select_n3A_76 = arith.select %and3A, %broadcast_in_dim3A_75, %concatenate3A : vector<64x384xi1>, vector<64x384xf32>
    %reduce_max3A_77 = arith.constant dense<0xFF800000> : vector<64xf32>
    %reduce_max3A_78 = vector.multi_reduction <maximumf>, %select_n3A_76, %reduce_max3A_77 [1] : vector<64x384xf32> to vector<64xf32>
    %broadcast_in_dim3A_79 = vector.shape_cast %reduce_max3A_78 : vector<64xf32> to vector<64x1xf32>
    %eq3A_80 = vector.broadcast %broadcast_in_dim3A_79 : vector<64x1xf32> to vector<64x384xf32>
    %eq3A_81 = arith.cmpf oeq, %select_n3A_76, %eq3A_80 : vector<64x384xf32>
    %jit3A_82 = arith.constant 1073741824 : i32
    %broadcast_in_dim3A_83 = vector.broadcast %jit3A_82 : i32 to vector<64x384xi32>
    %select_n3A_84 = arith.select %eq3A_81, %concatenate3A_64, %broadcast_in_dim3A_83 : vector<64x384xi1>, vector<64x384xi32>
    %reduce_min3A_85 = arith.constant dense<2147483647> : vector<64xi32>
    %reduce_min3A_86 = vector.multi_reduction <minsi>, %select_n3A_84, %reduce_min3A_85 [1] : vector<64x384xi32> to vector<64xi32>
    %broadcast_in_dim3A_87 = vector.shape_cast %reduce_min3A_86 : vector<64xi32> to vector<64x1xi32>
    %eq3A_88 = vector.broadcast %broadcast_in_dim3A_87 : vector<64x1xi32> to vector<64x384xi32>
    %eq3A_89 = arith.cmpi eq, %concatenate3A_64, %eq3A_88 : vector<64x384xi32>
    %and3A_90 = arith.andi %eq3A_81, %eq3A_89 : vector<64x384xi1>
    %jit3A_91 = arith.constant 0xFF800000 : f32
    %broadcast_in_dim3A_92 = vector.broadcast %jit3A_91 : f32 to vector<64x384xf32>
    %select_n3A_93 = arith.select %and3A_90, %broadcast_in_dim3A_92, %select_n3A_76 : vector<64x384xi1>, vector<64x384xf32>
    %reduce_max3A_94 = arith.constant dense<0xFF800000> : vector<64xf32>
    %reduce_max3A_95 = vector.multi_reduction <maximumf>, %select_n3A_93, %reduce_max3A_94 [1] : vector<64x384xf32> to vector<64xf32>
    %broadcast_in_dim3A_96 = vector.shape_cast %reduce_max3A_95 : vector<64xf32> to vector<64x1xf32>
    %eq3A_97 = vector.broadcast %broadcast_in_dim3A_96 : vector<64x1xf32> to vector<64x384xf32>
    %eq3A_98 = arith.cmpf oeq, %select_n3A_93, %eq3A_97 : vector<64x384xf32>
    %jit3A_99 = arith.constant 1073741824 : i32
    %broadcast_in_dim3A_100 = vector.broadcast %jit3A_99 : i32 to vector<64x384xi32>
    %select_n3A_101 = arith.select %eq3A_98, %concatenate3A_64, %broadcast_in_dim3A_100 : vector<64x384xi1>, vector<64x384xi32>
    %reduce_min3A_102 = arith.constant dense<2147483647> : vector<64xi32>
    %reduce_min3A_103 = vector.multi_reduction <minsi>, %select_n3A_101, %reduce_min3A_102 [1] : vector<64x384xi32> to vector<64xi32>
    %broadcast_in_dim3A_104 = vector.shape_cast %reduce_min3A_103 : vector<64xi32> to vector<64x1xi32>
    %eq3A_105 = vector.broadcast %broadcast_in_dim3A_104 : vector<64x1xi32> to vector<64x384xi32>
    %eq3A_106 = arith.cmpi eq, %concatenate3A_64, %eq3A_105 : vector<64x384xi32>
    %and3A_107 = arith.andi %eq3A_98, %eq3A_106 : vector<64x384xi1>
    %jit3A_108 = arith.constant 0xFF800000 : f32
    %broadcast_in_dim3A_109 = vector.broadcast %jit3A_108 : f32 to vector<64x384xf32>
    %select_n3A_110 = arith.select %and3A_107, %broadcast_in_dim3A_109, %select_n3A_93 : vector<64x384xi1>, vector<64x384xf32>
    %reduce_max3A_111 = arith.constant dense<0xFF800000> : vector<64xf32>
    %reduce_max3A_112 = vector.multi_reduction <maximumf>, %select_n3A_110, %reduce_max3A_111 [1] : vector<64x384xf32> to vector<64xf32>
    %broadcast_in_dim3A_113 = vector.shape_cast %reduce_max3A_112 : vector<64xf32> to vector<64x1xf32>
    %eq3A_114 = vector.broadcast %broadcast_in_dim3A_113 : vector<64x1xf32> to vector<64x384xf32>
    %eq3A_115 = arith.cmpf oeq, %select_n3A_110, %eq3A_114 : vector<64x384xf32>
    %jit3A_116 = arith.constant 1073741824 : i32
    %broadcast_in_dim3A_117 = vector.broadcast %jit3A_116 : i32 to vector<64x384xi32>
    %select_n3A_118 = arith.select %eq3A_115, %concatenate3A_64, %broadcast_in_dim3A_117 : vector<64x384xi1>, vector<64x384xi32>
    %reduce_min3A_119 = arith.constant dense<2147483647> : vector<64xi32>
    %reduce_min3A_120 = vector.multi_reduction <minsi>, %select_n3A_118, %reduce_min3A_119 [1] : vector<64x384xi32> to vector<64xi32>
    %broadcast_in_dim3A_121 = vector.shape_cast %reduce_min3A_120 : vector<64xi32> to vector<64x1xi32>
    %eq3A_122 = vector.broadcast %broadcast_in_dim3A_121 : vector<64x1xi32> to vector<64x384xi32>
    %eq3A_123 = arith.cmpi eq, %concatenate3A_64, %eq3A_122 : vector<64x384xi32>
    %and3A_124 = arith.andi %eq3A_115, %eq3A_123 : vector<64x384xi1>
    %jit3A_125 = arith.constant 0xFF800000 : f32
    %broadcast_in_dim3A_126 = vector.broadcast %jit3A_125 : f32 to vector<64x384xf32>
    %select_n3A_127 = arith.select %and3A_124, %broadcast_in_dim3A_126, %select_n3A_110 : vector<64x384xi1>, vector<64x384xf32>
    %reduce_max3A_128 = arith.constant dense<0xFF800000> : vector<64xf32>
    %reduce_max3A_129 = vector.multi_reduction <maximumf>, %select_n3A_127, %reduce_max3A_128 [1] : vector<64x384xf32> to vector<64xf32>
    %broadcast_in_dim3A_130 = vector.shape_cast %reduce_max3A_129 : vector<64xf32> to vector<64x1xf32>
    %eq3A_131 = vector.broadcast %broadcast_in_dim3A_130 : vector<64x1xf32> to vector<64x384xf32>
    %eq3A_132 = arith.cmpf oeq, %select_n3A_127, %eq3A_131 : vector<64x384xf32>
    %jit3A_133 = arith.constant 1073741824 : i32
    %broadcast_in_dim3A_134 = vector.broadcast %jit3A_133 : i32 to vector<64x384xi32>
    %select_n3A_135 = arith.select %eq3A_132, %concatenate3A_64, %broadcast_in_dim3A_134 : vector<64x384xi1>, vector<64x384xi32>
    %reduce_min3A_136 = arith.constant dense<2147483647> : vector<64xi32>
    %reduce_min3A_137 = vector.multi_reduction <minsi>, %select_n3A_135, %reduce_min3A_136 [1] : vector<64x384xi32> to vector<64xi32>
    %broadcast_in_dim3A_138 = vector.shape_cast %reduce_min3A_137 : vector<64xi32> to vector<64x1xi32>
    %eq3A_139 = vector.broadcast %broadcast_in_dim3A_138 : vector<64x1xi32> to vector<64x384xi32>
    %eq3A_140 = arith.cmpi eq, %concatenate3A_64, %eq3A_139 : vector<64x384xi32>
    %and3A_141 = arith.andi %eq3A_132, %eq3A_140 : vector<64x384xi1>
    %jit3A_142 = arith.constant 0xFF800000 : f32
    %broadcast_in_dim3A_143 = vector.broadcast %jit3A_142 : f32 to vector<64x384xf32>
    %select_n3A_144 = arith.select %and3A_141, %broadcast_in_dim3A_143, %select_n3A_127 : vector<64x384xi1>, vector<64x384xf32>
    %reduce_max3A_145 = arith.constant dense<0xFF800000> : vector<64xf32>
    %reduce_max3A_146 = vector.multi_reduction <maximumf>, %select_n3A_144, %reduce_max3A_145 [1] : vector<64x384xf32> to vector<64xf32>
    %broadcast_in_dim3A_147 = vector.shape_cast %reduce_max3A_146 : vector<64xf32> to vector<64x1xf32>
    %eq3A_148 = vector.broadcast %broadcast_in_dim3A_147 : vector<64x1xf32> to vector<64x384xf32>
    %eq3A_149 = arith.cmpf oeq, %select_n3A_144, %eq3A_148 : vector<64x384xf32>
    %jit3A_150 = arith.constant 1073741824 : i32
    %broadcast_in_dim3A_151 = vector.broadcast %jit3A_150 : i32 to vector<64x384xi32>
    %select_n3A_152 = arith.select %eq3A_149, %concatenate3A_64, %broadcast_in_dim3A_151 : vector<64x384xi1>, vector<64x384xi32>
    %reduce_min3A_153 = arith.constant dense<2147483647> : vector<64xi32>
    %reduce_min3A_154 = vector.multi_reduction <minsi>, %select_n3A_152, %reduce_min3A_153 [1] : vector<64x384xi32> to vector<64xi32>
    %broadcast_in_dim3A_155 = vector.shape_cast %reduce_min3A_154 : vector<64xi32> to vector<64x1xi32>
    %eq3A_156 = vector.broadcast %broadcast_in_dim3A_155 : vector<64x1xi32> to vector<64x384xi32>
    %eq3A_157 = arith.cmpi eq, %concatenate3A_64, %eq3A_156 : vector<64x384xi32>
    %and3A_158 = arith.andi %eq3A_149, %eq3A_157 : vector<64x384xi1>
    %jit3A_159 = arith.constant 0xFF800000 : f32
    %broadcast_in_dim3A_160 = vector.broadcast %jit3A_159 : f32 to vector<64x384xf32>
    %select_n3A_161 = arith.select %and3A_158, %broadcast_in_dim3A_160, %select_n3A_144 : vector<64x384xi1>, vector<64x384xf32>
    %reduce_max3A_162 = arith.constant dense<0xFF800000> : vector<64xf32>
    %reduce_max3A_163 = vector.multi_reduction <maximumf>, %select_n3A_161, %reduce_max3A_162 [1] : vector<64x384xf32> to vector<64xf32>
    %broadcast_in_dim3A_164 = vector.shape_cast %reduce_max3A_163 : vector<64xf32> to vector<64x1xf32>
    %eq3A_165 = vector.broadcast %broadcast_in_dim3A_164 : vector<64x1xf32> to vector<64x384xf32>
    %eq3A_166 = arith.cmpf oeq, %select_n3A_161, %eq3A_165 : vector<64x384xf32>
    %jit3A_167 = arith.constant 1073741824 : i32
    %broadcast_in_dim3A_168 = vector.broadcast %jit3A_167 : i32 to vector<64x384xi32>
    %select_n3A_169 = arith.select %eq3A_166, %concatenate3A_64, %broadcast_in_dim3A_168 : vector<64x384xi1>, vector<64x384xi32>
    %reduce_min3A_170 = arith.constant dense<2147483647> : vector<64xi32>
    %reduce_min3A_171 = vector.multi_reduction <minsi>, %select_n3A_169, %reduce_min3A_170 [1] : vector<64x384xi32> to vector<64xi32>
    %broadcast_in_dim3A_172 = vector.shape_cast %reduce_min3A_171 : vector<64xi32> to vector<64x1xi32>
    %eq3A_173 = vector.broadcast %broadcast_in_dim3A_172 : vector<64x1xi32> to vector<64x384xi32>
    %eq3A_174 = arith.cmpi eq, %concatenate3A_64, %eq3A_173 : vector<64x384xi32>
    %and3A_175 = arith.andi %eq3A_166, %eq3A_174 : vector<64x384xi1>
    %jit3A_176 = arith.constant 0xFF800000 : f32
    %broadcast_in_dim3A_177 = vector.broadcast %jit3A_176 : f32 to vector<64x384xf32>
    %select_n3A_178 = arith.select %and3A_175, %broadcast_in_dim3A_177, %select_n3A_161 : vector<64x384xi1>, vector<64x384xf32>
    %reduce_max3A_179 = arith.constant dense<0xFF800000> : vector<64xf32>
    %reduce_max3A_180 = vector.multi_reduction <maximumf>, %select_n3A_178, %reduce_max3A_179 [1] : vector<64x384xf32> to vector<64xf32>
    %broadcast_in_dim3A_181 = vector.shape_cast %reduce_max3A_180 : vector<64xf32> to vector<64x1xf32>
    %eq3A_182 = vector.broadcast %broadcast_in_dim3A_181 : vector<64x1xf32> to vector<64x384xf32>
    %eq3A_183 = arith.cmpf oeq, %select_n3A_178, %eq3A_182 : vector<64x384xf32>
    %jit3A_184 = arith.constant 1073741824 : i32
    %broadcast_in_dim3A_185 = vector.broadcast %jit3A_184 : i32 to vector<64x384xi32>
    %select_n3A_186 = arith.select %eq3A_183, %concatenate3A_64, %broadcast_in_dim3A_185 : vector<64x384xi1>, vector<64x384xi32>
    %reduce_min3A_187 = arith.constant dense<2147483647> : vector<64xi32>
    %reduce_min3A_188 = vector.multi_reduction <minsi>, %select_n3A_186, %reduce_min3A_187 [1] : vector<64x384xi32> to vector<64xi32>
    %broadcast_in_dim3A_189 = vector.shape_cast %reduce_min3A_188 : vector<64xi32> to vector<64x1xi32>
    %concatenate3A_190 = tpu.concatenate %broadcast_in_dim3A_66, %broadcast_in_dim3A_79, %broadcast_in_dim3A_96, %broadcast_in_dim3A_113, %broadcast_in_dim3A_130, %broadcast_in_dim3A_147, %broadcast_in_dim3A_164, %broadcast_in_dim3A_181 in 1 : vector<64x1xf32>, vector<64x1xf32>, vector<64x1xf32>, vector<64x1xf32>, vector<64x1xf32>, vector<64x1xf32>, vector<64x1xf32>, vector<64x1xf32> -> vector<64x8xf32>
    %concatenate3A_191 = tpu.concatenate %broadcast_in_dim3A_71, %broadcast_in_dim3A_87, %broadcast_in_dim3A_104, %broadcast_in_dim3A_121, %broadcast_in_dim3A_138, %broadcast_in_dim3A_155, %broadcast_in_dim3A_172, %broadcast_in_dim3A_189 in 1 : vector<64x1xi32>, vector<64x1xi32>, vector<64x1xi32>, vector<64x1xi32>, vector<64x1xi32>, vector<64x1xi32>, vector<64x1xi32>, vector<64x1xi32> -> vector<64x8xi32>
    %reduce_sum3A_192 = arith.constant dense<0.000000e+00> : vector<64xf32>
    %reduce_sum3A_193 = vector.multi_reduction <add>, %concatenate3A_190, %reduce_sum3A_192 [1] : vector<64x8xf32> to vector<64xf32>
    %broadcast_in_dim3A_194 = vector.shape_cast %reduce_sum3A_193 : vector<64xf32> to vector<64x1xf32>
    %div3A_195 = vector.broadcast %broadcast_in_dim3A_194 : vector<64x1xf32> to vector<64x8xf32>
    %div3A_196 = arith.divf %concatenate3A_190, %div3A_195 : vector<64x8xf32>
    %iota3A_197 = tpu.iota {dimensions = array<i32: 1>} : vector<64x8xi32>
    %ge3A = arith.constant 1.250000e-01 : f32
    %ge3A_198 = vector.broadcast %ge3A : f32 to vector<64x8xf32>
    %ge3A_199 = arith.cmpf oge, %div3A_196, %ge3A_198 : vector<64x8xf32>
    %lt3A = arith.constant 2 : i32
    %lt3A_200 = vector.broadcast %lt3A : i32 to vector<64x8xi32>
    %lt3A_201 = arith.cmpi slt, %iota3A_197, %lt3A_200 : vector<64x8xi32>
    %or3A = arith.ori %ge3A_199, %lt3A_201 : vector<64x8xi1>
    %jit3A_202 = arith.constant 1.000000e+00 : f32
    %jit3A_203 = arith.constant 0.000000e+00 : f32
    %broadcast_in_dim3A_204 = vector.broadcast %jit3A_202 : f32 to vector<64x8xf32>
    %broadcast_in_dim3A_205 = vector.broadcast %jit3A_203 : f32 to vector<64x8xf32>
    %select_n3A_206 = arith.select %or3A, %broadcast_in_dim3A_204, %broadcast_in_dim3A_205 : vector<64x8xi1>, vector<64x8xf32>
    %mul3A_207 = arith.mulf %div3A_196, %select_n3A_206 : vector<64x8xf32>
    %reduce_sum3A_208 = arith.constant dense<0.000000e+00> : vector<64xf32>
    %reduce_sum3A_209 = vector.multi_reduction <add>, %mul3A_207, %reduce_sum3A_208 [1] : vector<64x8xf32> to vector<64xf32>
    %broadcast_in_dim3A_210 = vector.shape_cast %reduce_sum3A_209 : vector<64xf32> to vector<64x1xf32>
    %add3A_211 = arith.constant 9.99999971E-10 : f32
    %add3A_212 = vector.broadcast %add3A_211 : f32 to vector<64x1xf32>
    %add3A_213 = arith.addf %broadcast_in_dim3A_210, %add3A_212 : vector<64x1xf32>
    %div3A_214 = vector.broadcast %add3A_213 : vector<64x1xf32> to vector<64x8xf32>
    %div3A_215 = arith.divf %mul3A_207, %div3A_214 : vector<64x8xf32>
    %swap3A_216 = arith.constant 0 : index
    %swap3A_217 = arith.constant 0 : index
    %swap3A_218 = vector.load %arg7[%swap3A_216, %swap3A_217] : memref<64x8xi32, #tpu.memory_space<vmem>>, vector<64x8xi32>
    tpu.vector_store %arg7[%swap3A_216, %swap3A_217], %concatenate3A_191 {strides = array<i32>} : memref<64x8xi32, #tpu.memory_space<vmem>>, vector<64x8xi32>,
    %swap3A_219 = arith.constant 0 : index
    %swap3A_220 = arith.constant 0 : index
    %swap3A_221 = vector.load %arg8[%swap3A_219, %swap3A_220] : memref<64x8xf32, #tpu.memory_space<vmem>>, vector<64x8xf32>
    tpu.vector_store %arg8[%swap3A_219, %swap3A_220], %div3A_215 {strides = array<i32>} : memref<64x8xf32, #tpu.memory_space<vmem>>, vector<64x8xf32>,
    %swap3A_222 = arith.constant 0 : index
    %swap3A_223 = arith.constant 0 : index
    %swap3A_224 = vector.load %arg9[%swap3A_222, %swap3A_223] : memref<64x8xf32, #tpu.memory_space<vmem>>, vector<64x8xf32>
    tpu.vector_store %arg9[%swap3A_222, %swap3A_223], %select_n3A_206 {strides = array<i32>} : memref<64x8xf32, #tpu.memory_space<vmem>>, vector<64x8xf32>,
    return
  }
  func.func @transform_0(%arg0: i32) -> (i32, i32) {
    %c0_i32 = arith.constant 0 : i32
    %c0_i32_0 = arith.constant 0 : i32
    return %arg0, %c0_i32 : i32, i32
  }
  func.func @transform_1(%arg0: i32) -> (i32, i32) {
    %c0_i32 = arith.constant 0 : i32
    %c0_i32_0 = arith.constant 0 : i32
    %c0_i32_1 = arith.constant 0 : i32
    return %c0_i32, %c0_i32_0 : i32, i32
  }
  func.func @transform_2(%arg0: i32) -> (i32, i32) {
    %c0_i32 = arith.constant 0 : i32
    %c0_i32_0 = arith.constant 0 : i32
    %c0_i32_1 = arith.constant 0 : i32
    return %c0_i32, %c0_i32_0 : i32, i32
  }
  func.func @transform_3(%arg0: i32) -> (i32, i32) {
    %c0_i32 = arith.constant 0 : i32
    %c0_i32_0 = arith.constant 0 : i32
    %c0_i32_1 = arith.constant 0 : i32
    return %c0_i32, %c0_i32_0 : i32, i32
  }
  func.func @transform_4(%arg0: i32) -> (i32, i32, i32) {
    %c0_i32 = arith.constant 0 : i32
    %c0_i32_0 = arith.constant 0 : i32
    %c0_i32_1 = arith.constant 0 : i32
    %c0_i32_2 = arith.constant 0 : i32
    return %c0_i32, %c0_i32_0, %c0_i32_1 : i32, i32, i32
  }
  func.func @transform_5(%arg0: i32) -> (i32, i32) {
    %c0_i32 = arith.constant 0 : i32
    %c0_i32_0 = arith.constant 0 : i32
    return %arg0, %c0_i32 : i32, i32
  }
  func.func @transform_6(%arg0: i32) -> (i32, i32) {
    %c0_i32 = arith.constant 0 : i32
    %c0_i32_0 = arith.constant 0 : i32
    return %arg0, %c0_i32 : i32, i32
  }
  func.func @transform_7(%arg0: i32) -> (i32, i32) {
    %c0_i32 = arith.constant 0 : i32
    %c0_i32_0 = arith.constant 0 : i32
    return %arg0, %c0_i32 : i32, i32
  }
  func.func @transform_8(%arg0: i32) -> (i32, i32) {
    %c0_i32 = arith.constant 0 : i32
    %c0_i32_0 = arith.constant 0 : i32
    return %arg0, %c0_i32 : i32, i32
  }
  func.func @transform_9(%arg0: i32) -> (i32, i32) {
    %c0_i32 = arith.constant 0 : i32
    %c0_i32_0 = arith.constant 0 : i32
    %c0_i32_1 = arith.constant 0 : i32
    return %c0_i32, %c0_i32_0 : i32, i32
  }
}

module attributes {stable_mosaic.version = 14 : i64} {
  func.func @_route_body(%arg0: i32, %arg1: memref<64x768xf32, #tpu.memory_space<vmem>>, %arg2: memref<64x6144xf32, #tpu.memory_space<vmem>>, %arg3: memref<64x8xf32, #tpu.memory_space<vmem>>, %arg4: memref<1x768xf32, #tpu.memory_space<vmem>>, %arg5: memref<1x768xf32, #tpu.memory_space<vmem>>, %arg6: memref<768x128xf32, #tpu.memory_space<vmem>>, %arg7: memref<1x32768x128xf32, #tpu.memory_space<vmem>>, %arg8: memref<64x768xf32, #tpu.memory_space<vmem>>, %arg9: memref<64x8xi32, #tpu.memory_space<vmem>>, %arg10: memref<64x8xf32, #tpu.memory_space<vmem>>, %arg11: memref<64x8xf32, #tpu.memory_space<vmem>>, %arg12: memref<1x32768xf32, #tpu.memory_space<vmem>>, %arg13: memref<64x32768xf32, #tpu.memory_space<vmem>>) attributes {dimension_semantics = [#tpu.dimension_semantics<arbitrary>], iteration_bounds = array<i64: 16>, scalar_prefetch = 0 : i64, scratch_operands = 1 : i64, tpu.core_type = #tpu.core_type<tc>, window_params = [{transform_indices = @transform_0, window_bounds = array<i64: 64, 768>}, {transform_indices = @transform_1, window_bounds = array<i64: 64, 6144>}, {transform_indices = @transform_2, window_bounds = array<i64: 64, 8>}, {pipeline_mode = #tpu.pipeline_mode<synchronous>, transform_indices = @transform_3, window_bounds = array<i64: 1, 768>}, {pipeline_mode = #tpu.pipeline_mode<synchronous>, transform_indices = @transform_4, window_bounds = array<i64: 1, 768>}, {pipeline_mode = #tpu.pipeline_mode<synchronous>, transform_indices = @transform_5, window_bounds = array<i64: 768, 128>}, {transform_indices = @transform_6, window_bounds = array<i64: 1, 32768, 128>}, {transform_indices = @transform_7, window_bounds = array<i64: 64, 768>}, {transform_indices = @transform_8, window_bounds = array<i64: 64, 8>}, {transform_indices = @transform_9, window_bounds = array<i64: 64, 8>}, {transform_indices = @transform_10, window_bounds = array<i64: 64, 8>}, {pipeline_mode = #tpu.pipeline_mode<synchronous>, transform_indices = @transform_11, window_bounds = array<i64: 1, 32768>}]} {
    %get3A = arith.constant 0 : index
    %get3A_0 = arith.constant 0 : index
    %get3A_1 = vector.load %arg1[%get3A, %get3A_0] : memref<64x768xf32, #tpu.memory_space<vmem>>, vector<64x768xf32>
    %get3A_2 = arith.constant 0 : index
    %get3A_3 = arith.constant 0 : index
    %get3A_4 = vector.load %arg3[%get3A_2, %get3A_3] : memref<64x8xf32, #tpu.memory_space<vmem>>, vector<64x8xf32>
    %convert_element_type3A = arith.truncf %get3A_4 : vector<64x8xf32> to vector<64x8xbf16>
    %convert_element_type3A_5 = arith.extf %convert_element_type3A : vector<64x8xbf16> to vector<64x8xf32>
    %broadcast_in_dim3A = arith.constant 0.000000e+00 : f32
    %broadcast_in_dim3A_6 = vector.broadcast %broadcast_in_dim3A : f32 to vector<64x768xf32>
    %get3A_7 = arith.constant 0 : index
    %get3A_8 = arith.constant 0 : index
    %get3A_9 = vector.load %arg2[%get3A_7, %get3A_8] : memref<64x6144xf32, #tpu.memory_space<vmem>>, vector<64x768xf32>
    %convert_element_type3A_10 = arith.truncf %get3A_9 : vector<64x768xf32> to vector<64x768xbf16>
    %slice3A = vector.extract_strided_slice %convert_element_type3A_5 {offsets = [0, 0], sizes = [64, 1], strides = [1, 1]} : vector<64x8xf32> to vector<64x1xf32>
    %convert_element_type3A_11 = arith.extf %convert_element_type3A_10 : vector<64x768xbf16> to vector<64x768xf32>
    %mul3A = vector.broadcast %slice3A : vector<64x1xf32> to vector<64x768xf32>
    %mul3A_12 = arith.mulf %mul3A, %convert_element_type3A_11 : vector<64x768xf32>
    %add3A = arith.addf %broadcast_in_dim3A_6, %mul3A_12 : vector<64x768xf32>
    %get3A_13 = arith.constant 0 : index
    %get3A_14 = arith.constant 768 : index
    %get3A_15 = vector.load %arg2[%get3A_13, %get3A_14] : memref<64x6144xf32, #tpu.memory_space<vmem>>, vector<64x768xf32>
    %convert_element_type3A_16 = arith.truncf %get3A_15 : vector<64x768xf32> to vector<64x768xbf16>
    %slice3A_17 = vector.extract_strided_slice %convert_element_type3A_5 {offsets = [0, 1], sizes = [64, 1], strides = [1, 1]} : vector<64x8xf32> to vector<64x1xf32>
    %convert_element_type3A_18 = arith.extf %convert_element_type3A_16 : vector<64x768xbf16> to vector<64x768xf32>
    %mul3A_19 = vector.broadcast %slice3A_17 : vector<64x1xf32> to vector<64x768xf32>
    %mul3A_20 = arith.mulf %mul3A_19, %convert_element_type3A_18 : vector<64x768xf32>
    %add3A_21 = arith.addf %add3A, %mul3A_20 : vector<64x768xf32>
    %get3A_22 = arith.constant 0 : index
    %get3A_23 = arith.constant 1536 : index
    %get3A_24 = vector.load %arg2[%get3A_22, %get3A_23] : memref<64x6144xf32, #tpu.memory_space<vmem>>, vector<64x768xf32>
    %convert_element_type3A_25 = arith.truncf %get3A_24 : vector<64x768xf32> to vector<64x768xbf16>
    %slice3A_26 = vector.extract_strided_slice %convert_element_type3A_5 {offsets = [0, 2], sizes = [64, 1], strides = [1, 1]} : vector<64x8xf32> to vector<64x1xf32>
    %convert_element_type3A_27 = arith.extf %convert_element_type3A_25 : vector<64x768xbf16> to vector<64x768xf32>
    %mul3A_28 = vector.broadcast %slice3A_26 : vector<64x1xf32> to vector<64x768xf32>
    %mul3A_29 = arith.mulf %mul3A_28, %convert_element_type3A_27 : vector<64x768xf32>
    %add3A_30 = arith.addf %add3A_21, %mul3A_29 : vector<64x768xf32>
    %get3A_31 = arith.constant 0 : index
    %get3A_32 = arith.constant 2304 : index
    %get3A_33 = vector.load %arg2[%get3A_31, %get3A_32] : memref<64x6144xf32, #tpu.memory_space<vmem>>, vector<64x768xf32>
    %convert_element_type3A_34 = arith.truncf %get3A_33 : vector<64x768xf32> to vector<64x768xbf16>
    %slice3A_35 = vector.extract_strided_slice %convert_element_type3A_5 {offsets = [0, 3], sizes = [64, 1], strides = [1, 1]} : vector<64x8xf32> to vector<64x1xf32>
    %convert_element_type3A_36 = arith.extf %convert_element_type3A_34 : vector<64x768xbf16> to vector<64x768xf32>
    %mul3A_37 = vector.broadcast %slice3A_35 : vector<64x1xf32> to vector<64x768xf32>
    %mul3A_38 = arith.mulf %mul3A_37, %convert_element_type3A_36 : vector<64x768xf32>
    %add3A_39 = arith.addf %add3A_30, %mul3A_38 : vector<64x768xf32>
    %get3A_40 = arith.constant 0 : index
    %get3A_41 = arith.constant 3072 : index
    %get3A_42 = vector.load %arg2[%get3A_40, %get3A_41] : memref<64x6144xf32, #tpu.memory_space<vmem>>, vector<64x768xf32>
    %convert_element_type3A_43 = arith.truncf %get3A_42 : vector<64x768xf32> to vector<64x768xbf16>
    %slice3A_44 = vector.extract_strided_slice %convert_element_type3A_5 {offsets = [0, 4], sizes = [64, 1], strides = [1, 1]} : vector<64x8xf32> to vector<64x1xf32>
    %convert_element_type3A_45 = arith.extf %convert_element_type3A_43 : vector<64x768xbf16> to vector<64x768xf32>
    %mul3A_46 = vector.broadcast %slice3A_44 : vector<64x1xf32> to vector<64x768xf32>
    %mul3A_47 = arith.mulf %mul3A_46, %convert_element_type3A_45 : vector<64x768xf32>
    %add3A_48 = arith.addf %add3A_39, %mul3A_47 : vector<64x768xf32>
    %get3A_49 = arith.constant 0 : index
    %get3A_50 = arith.constant 3840 : index
    %get3A_51 = vector.load %arg2[%get3A_49, %get3A_50] : memref<64x6144xf32, #tpu.memory_space<vmem>>, vector<64x768xf32>
    %convert_element_type3A_52 = arith.truncf %get3A_51 : vector<64x768xf32> to vector<64x768xbf16>
    %slice3A_53 = vector.extract_strided_slice %convert_element_type3A_5 {offsets = [0, 5], sizes = [64, 1], strides = [1, 1]} : vector<64x8xf32> to vector<64x1xf32>
    %convert_element_type3A_54 = arith.extf %convert_element_type3A_52 : vector<64x768xbf16> to vector<64x768xf32>
    %mul3A_55 = vector.broadcast %slice3A_53 : vector<64x1xf32> to vector<64x768xf32>
    %mul3A_56 = arith.mulf %mul3A_55, %convert_element_type3A_54 : vector<64x768xf32>
    %add3A_57 = arith.addf %add3A_48, %mul3A_56 : vector<64x768xf32>
    %get3A_58 = arith.constant 0 : index
    %get3A_59 = arith.constant 4608 : index
    %get3A_60 = vector.load %arg2[%get3A_58, %get3A_59] : memref<64x6144xf32, #tpu.memory_space<vmem>>, vector<64x768xf32>
    %convert_element_type3A_61 = arith.truncf %get3A_60 : vector<64x768xf32> to vector<64x768xbf16>
    %slice3A_62 = vector.extract_strided_slice %convert_element_type3A_5 {offsets = [0, 6], sizes = [64, 1], strides = [1, 1]} : vector<64x8xf32> to vector<64x1xf32>
    %convert_element_type3A_63 = arith.extf %convert_element_type3A_61 : vector<64x768xbf16> to vector<64x768xf32>
    %mul3A_64 = vector.broadcast %slice3A_62 : vector<64x1xf32> to vector<64x768xf32>
    %mul3A_65 = arith.mulf %mul3A_64, %convert_element_type3A_63 : vector<64x768xf32>
    %add3A_66 = arith.addf %add3A_57, %mul3A_65 : vector<64x768xf32>
    %get3A_67 = arith.constant 0 : index
    %get3A_68 = arith.constant 5376 : index
    %get3A_69 = vector.load %arg2[%get3A_67, %get3A_68] : memref<64x6144xf32, #tpu.memory_space<vmem>>, vector<64x768xf32>
    %convert_element_type3A_70 = arith.truncf %get3A_69 : vector<64x768xf32> to vector<64x768xbf16>
    %slice3A_71 = vector.extract_strided_slice %convert_element_type3A_5 {offsets = [0, 7], sizes = [64, 1], strides = [1, 1]} : vector<64x8xf32> to vector<64x1xf32>
    %convert_element_type3A_72 = arith.extf %convert_element_type3A_70 : vector<64x768xbf16> to vector<64x768xf32>
    %mul3A_73 = vector.broadcast %slice3A_71 : vector<64x1xf32> to vector<64x768xf32>
    %mul3A_74 = arith.mulf %mul3A_73, %convert_element_type3A_72 : vector<64x768xf32>
    %add3A_75 = arith.addf %add3A_66, %mul3A_74 : vector<64x768xf32>
    %add3A_76 = arith.addf %get3A_1, %add3A_75 : vector<64x768xf32>
    %swap3A = arith.constant 0 : index
    %swap3A_77 = arith.constant 0 : index
    %swap3A_78 = vector.load %arg8[%swap3A, %swap3A_77] : memref<64x768xf32, #tpu.memory_space<vmem>>, vector<64x768xf32>
    tpu.vector_store %arg8[%swap3A, %swap3A_77], %add3A_76 {strides = array<i32>} : memref<64x768xf32, #tpu.memory_space<vmem>>, vector<64x768xf32>,
    %reduce_sum3A = arith.constant dense<0.000000e+00> : vector<64xf32>
    %reduce_sum3A_79 = vector.multi_reduction <add>, %add3A_76, %reduce_sum3A [1] : vector<64x768xf32> to vector<64xf32>
    %broadcast_in_dim3A_80 = vector.shape_cast %reduce_sum3A_79 : vector<64xf32> to vector<64x1xf32>
    %div3A = arith.constant 7.680000e+02 : f32
    %div3A_81 = vector.broadcast %div3A : f32 to vector<64x1xf32>
    %div3A_82 = arith.divf %broadcast_in_dim3A_80, %div3A_81 : vector<64x1xf32>
    %sub3A = vector.broadcast %div3A_82 : vector<64x1xf32> to vector<64x768xf32>
    %sub3A_83 = arith.subf %add3A_76, %sub3A : vector<64x768xf32>
    %mul3A_84 = arith.mulf %sub3A_83, %sub3A_83 : vector<64x768xf32>
    %reduce_sum3A_85 = arith.constant dense<0.000000e+00> : vector<64xf32>
    %reduce_sum3A_86 = vector.multi_reduction <add>, %mul3A_84, %reduce_sum3A_85 [1] : vector<64x768xf32> to vector<64xf32>
    %broadcast_in_dim3A_87 = vector.shape_cast %reduce_sum3A_86 : vector<64xf32> to vector<64x1xf32>
    %div3A_88 = arith.constant 7.680000e+02 : f32
    %div3A_89 = vector.broadcast %div3A_88 : f32 to vector<64x1xf32>
    %div3A_90 = arith.divf %broadcast_in_dim3A_87, %div3A_89 : vector<64x1xf32>
    %add3A_91 = arith.constant 9.99999997E-7 : f32
    %add3A_92 = vector.broadcast %add3A_91 : f32 to vector<64x1xf32>
    %add3A_93 = arith.addf %div3A_90, %add3A_92 : vector<64x1xf32>
    %rsqrt3A = math.rsqrt %add3A_93 : vector<64x1xf32>
    %mul3A_94 = vector.broadcast %rsqrt3A : vector<64x1xf32> to vector<64x768xf32>
    %mul3A_95 = arith.mulf %sub3A_83, %mul3A_94 : vector<64x768xf32>
    %get3A_96 = arith.constant 0 : index
    %get3A_97 = arith.constant 0 : index
    %get3A_98 = vector.load %arg4[%get3A_96, %get3A_97] : memref<1x768xf32, #tpu.memory_space<vmem>>, vector<1x768xf32>
    %mul3A_99 = vector.broadcast %get3A_98 : vector<1x768xf32> to vector<64x768xf32>
    %mul3A_100 = arith.mulf %mul3A_95, %mul3A_99 : vector<64x768xf32>
    %get3A_101 = arith.constant 0 : index
    %get3A_102 = arith.constant 0 : index
    %get3A_103 = vector.load %arg5[%get3A_101, %get3A_102] : memref<1x768xf32, #tpu.memory_space<vmem>>, vector<1x768xf32>
    %add3A_104 = vector.broadcast %get3A_103 : vector<1x768xf32> to vector<64x768xf32>
    %add3A_105 = arith.addf %mul3A_100, %add3A_104 : vector<64x768xf32>
    %convert_element_type3A_106 = arith.truncf %add3A_105 : vector<64x768xf32> to vector<64x768xbf16>
    %get3A_107 = arith.constant 0 : index
    %get3A_108 = arith.constant 0 : index
    %get3A_109 = vector.load %arg6[%get3A_107, %get3A_108] : memref<768x128xf32, #tpu.memory_space<vmem>>, vector<768x128xf32>
    %convert_element_type3A_110 = arith.truncf %get3A_109 : vector<768x128xf32> to vector<768x128xbf16>
    %dot_general3A = arith.constant dense<0.000000e+00> : vector<64x128xf32>
    %dot_general3A_111 = tpu.matmul %convert_element_type3A_106, %convert_element_type3A_110, %dot_general3A {dimension_numbers = #tpu.dot_dimension_numbers<[1], [0], [0], [1], [0, 0, 1, 1], [], []>, transpose_lhs_hint = false} : vector<64x768xbf16>, vector<768x128xbf16>, vector<64x128xf32> -> vector<64x128xf32>
    %convert_element_type3A_112 = arith.truncf %dot_general3A_111 : vector<64x128xf32> to vector<64x128xbf16>
    %broadcast_in_dim3A_113 = arith.constant 0xFF800000 : f32
    %broadcast_in_dim3A_114 = vector.broadcast %broadcast_in_dim3A_113 : f32 to vector<64x1xf32>
    %scan3A = arith.constant 0 : i32
    %scan3A_115 = arith.constant 16 : i32
    %scan3A_116 = arith.addi %scan3A, %scan3A_115 : i32
    %scan3A_117 = arith.constant 1 : i32
    %scan3A_118 = scf.for %scan3A_304 = %scan3A to %scan3A_116 step %scan3A_117 iter_args(%scan3A_305 = %broadcast_in_dim3A_114) -> (vector<64x1xf32>)  : i32 {
      %mul3A_306 = arith.constant 2048 : i32
      %mul3A_307 = arith.muli %scan3A_304, %mul3A_306 : i32
      %get3A_308 = arith.constant 0 : index
      %get3A_309 = arith.index_cast %mul3A_307 : i32 to index
      %get3A_310 = arith.constant 0 : index
      %get3A_311 = vector.load %arg7[%get3A_308, %get3A_309, %get3A_310] : memref<1x32768x128xf32, #tpu.memory_space<vmem>>, vector<1x2048x128xf32>
      %get3A_312 = vector.shape_cast %get3A_311 : vector<1x2048x128xf32> to vector<2048x128xf32>
      %convert_element_type3A_313 = arith.truncf %get3A_312 : vector<2048x128xf32> to vector<2048x128xbf16>
      %dot_general3A_314 = arith.constant dense<0.000000e+00> : vector<64x2048xf32>
      %dot_general3A_315 = tpu.matmul %convert_element_type3A_112, %convert_element_type3A_313, %dot_general3A_314 {dimension_numbers = #tpu.dot_dimension_numbers<[1], [1], [0], [0], [0, 0, 1, 0], [], []>, transpose_lhs_hint = false} : vector<64x128xbf16>, vector<2048x128xbf16>, vector<64x2048xf32> -> vector<64x2048xf32>
      %mul3A_316 = arith.constant 2048 : i32
      %mul3A_317 = arith.muli %scan3A_304, %mul3A_316 : i32
      %swap3A_318 = arith.constant 0 : index
      %swap3A_319 = arith.index_cast %mul3A_317 : i32 to index
      %swap3A_320 = vector.load %arg13[%swap3A_318, %swap3A_319] : memref<64x32768xf32, #tpu.memory_space<vmem>>, vector<64x2048xf32>
      tpu.vector_store %arg13[%swap3A_318, %swap3A_319], %dot_general3A_315 {strides = array<i32>} : memref<64x32768xf32, #tpu.memory_space<vmem>>, vector<64x2048xf32>,
      %reduce_max3A_321 = arith.constant dense<0xFF800000> : vector<64xf32>
      %reduce_max3A_322 = vector.multi_reduction <maximumf>, %dot_general3A_315, %reduce_max3A_321 [1] : vector<64x2048xf32> to vector<64xf32>
      %broadcast_in_dim3A_323 = vector.shape_cast %reduce_max3A_322 : vector<64xf32> to vector<64x1xf32>
      %max3A = arith.maximumf %scan3A_305, %broadcast_in_dim3A_323 : vector<64x1xf32>
      scf.yield %max3A : vector<64x1xf32>
    }
    %scan3A_119 = arith.constant 16 : i32
    %iota3A = tpu.iota {dimensions = array<i32: 1>} : vector<64x128xi32>
    %broadcast_in_dim3A_120 = arith.constant 0xFF800000 : f32
    %broadcast_in_dim3A_121 = vector.broadcast %broadcast_in_dim3A_120 : f32 to vector<64x128xf32>
    %broadcast_in_dim3A_122 = arith.constant 0 : i32
    %broadcast_in_dim3A_123 = vector.broadcast %broadcast_in_dim3A_122 : i32 to vector<64x128xi32>
    %broadcast_in_dim3A_124 = arith.constant 0.000000e+00 : f32
    %broadcast_in_dim3A_125 = vector.broadcast %broadcast_in_dim3A_124 : f32 to vector<64x1xf32>
    %scan3A_126 = arith.constant 0 : i32
    %scan3A_127 = arith.constant 16 : i32
    %scan3A_128 = arith.addi %scan3A_126, %scan3A_127 : i32
    %scan3A_129 = arith.constant 1 : i32
    %scan3A_130:7 = scf.for %scan3A_304 = %scan3A_126 to %scan3A_128 step %scan3A_129 iter_args(%scan3A_305 = %broadcast_in_dim3A_125, %scan3A_306 = %broadcast_in_dim3A_121, %scan3A_307 = %broadcast_in_dim3A_123, %scan3A_308 = %broadcast_in_dim3A_121, %scan3A_309 = %broadcast_in_dim3A_123, %scan3A_310 = %broadcast_in_dim3A_121, %scan3A_311 = %broadcast_in_dim3A_123) -> (vector<64x1xf32>, vector<64x128xf32>, vector<64x128xi32>, vector<64x128xf32>, vector<64x128xi32>, vector<64x128xf32>, vector<64x128xi32>)  : i32 {
      %mul3A_312 = arith.constant 2048 : i32
      %mul3A_313 = arith.muli %scan3A_304, %mul3A_312 : i32
      %get3A_314 = arith.constant 0 : index
      %get3A_315 = arith.index_cast %mul3A_313 : i32 to index
      %get3A_316 = vector.load %arg13[%get3A_314, %get3A_315] : memref<64x32768xf32, #tpu.memory_space<vmem>>, vector<64x2048xf32>
      %sub3A_317 = vector.broadcast %scan3A_118 : vector<64x1xf32> to vector<64x2048xf32>
      %sub3A_318 = arith.subf %get3A_316, %sub3A_317 : vector<64x2048xf32>
      %exp3A = math.exp %sub3A_318 : vector<64x2048xf32>
      %mul3A_319 = arith.constant 2048 : i32
      %mul3A_320 = arith.muli %scan3A_304, %mul3A_319 : i32
      %swap3A_321 = arith.constant 0 : index
      %swap3A_322 = arith.index_cast %mul3A_320 : i32 to index
      %swap3A_323 = vector.load %arg13[%swap3A_321, %swap3A_322] : memref<64x32768xf32, #tpu.memory_space<vmem>>, vector<64x2048xf32>
      tpu.vector_store %arg13[%swap3A_321, %swap3A_322], %exp3A {strides = array<i32>} : memref<64x32768xf32, #tpu.memory_space<vmem>>, vector<64x2048xf32>,
      %reduce_sum3A_324 = arith.constant dense<0.000000e+00> : vector<64xf32>
      %reduce_sum3A_325 = vector.multi_reduction <add>, %exp3A, %reduce_sum3A_324 [1] : vector<64x2048xf32> to vector<64xf32>
      %broadcast_in_dim3A_326 = vector.shape_cast %reduce_sum3A_325 : vector<64xf32> to vector<64x1xf32>
      %add3A_327 = arith.addf %scan3A_305, %broadcast_in_dim3A_326 : vector<64x1xf32>
      %slice3A_328 = vector.extract_strided_slice %exp3A {offsets = [0, 0], sizes = [64, 128], strides = [1, 1]} : vector<64x2048xf32> to vector<64x128xf32>
      %mul3A_329 = arith.constant 2048 : i32
      %mul3A_330 = arith.muli %scan3A_304, %mul3A_329 : i32
      %add3A_331 = arith.constant 0 : i32
      %add3A_332 = arith.addi %mul3A_330, %add3A_331 : i32
      %add3A_333 = vector.broadcast %add3A_332 : i32 to vector<64x128xi32>
      %add3A_334 = arith.addi %iota3A, %add3A_333 : vector<64x128xi32>
      %gt3A = arith.cmpf ogt, %slice3A_328, %scan3A_306 : vector<64x128xf32>
      %select_n3A_335 = arith.select %gt3A, %scan3A_306, %slice3A_328 : vector<64x128xi1>, vector<64x128xf32>
      %select_n3A_336 = arith.select %gt3A, %scan3A_307, %add3A_334 : vector<64x128xi1>, vector<64x128xi32>
      %select_n3A_337 = arith.select %gt3A, %slice3A_328, %scan3A_306 : vector<64x128xi1>, vector<64x128xf32>
      %select_n3A_338 = arith.select %gt3A, %add3A_334, %scan3A_307 : vector<64x128xi1>, vector<64x128xi32>
      %gt3A_339 = arith.cmpf ogt, %select_n3A_335, %scan3A_308 : vector<64x128xf32>
      %select_n3A_340 = arith.select %gt3A_339, %scan3A_308, %select_n3A_335 : vector<64x128xi1>, vector<64x128xf32>
      %select_n3A_341 = arith.select %gt3A_339, %scan3A_309, %select_n3A_336 : vector<64x128xi1>, vector<64x128xi32>
      %select_n3A_342 = arith.select %gt3A_339, %select_n3A_335, %scan3A_308 : vector<64x128xi1>, vector<64x128xf32>
      %select_n3A_343 = arith.select %gt3A_339, %select_n3A_336, %scan3A_309 : vector<64x128xi1>, vector<64x128xi32>
      %gt3A_344 = arith.cmpf ogt, %select_n3A_340, %scan3A_310 : vector<64x128xf32>
      %select_n3A_345 = arith.select %gt3A_344, %select_n3A_340, %scan3A_310 : vector<64x128xi1>, vector<64x128xf32>
      %select_n3A_346 = arith.select %gt3A_344, %select_n3A_341, %scan3A_311 : vector<64x128xi1>, vector<64x128xi32>
      %slice3A_347 = vector.extract_strided_slice %exp3A {offsets = [0, 128], sizes = [64, 128], strides = [1, 1]} : vector<64x2048xf32> to vector<64x128xf32>
      %mul3A_348 = arith.constant 2048 : i32
      %mul3A_349 = arith.muli %scan3A_304, %mul3A_348 : i32
      %add3A_350 = arith.constant 128 : i32
      %add3A_351 = arith.addi %mul3A_349, %add3A_350 : i32
      %add3A_352 = vector.broadcast %add3A_351 : i32 to vector<64x128xi32>
      %add3A_353 = arith.addi %iota3A, %add3A_352 : vector<64x128xi32>
      %gt3A_354 = arith.cmpf ogt, %slice3A_347, %select_n3A_337 : vector<64x128xf32>
      %select_n3A_355 = arith.select %gt3A_354, %select_n3A_337, %slice3A_347 : vector<64x128xi1>, vector<64x128xf32>
      %select_n3A_356 = arith.select %gt3A_354, %select_n3A_338, %add3A_353 : vector<64x128xi1>, vector<64x128xi32>
      %select_n3A_357 = arith.select %gt3A_354, %slice3A_347, %select_n3A_337 : vector<64x128xi1>, vector<64x128xf32>
      %select_n3A_358 = arith.select %gt3A_354, %add3A_353, %select_n3A_338 : vector<64x128xi1>, vector<64x128xi32>
      %gt3A_359 = arith.cmpf ogt, %select_n3A_355, %select_n3A_342 : vector<64x128xf32>
      %select_n3A_360 = arith.select %gt3A_359, %select_n3A_342, %select_n3A_355 : vector<64x128xi1>, vector<64x128xf32>
      %select_n3A_361 = arith.select %gt3A_359, %select_n3A_343, %select_n3A_356 : vector<64x128xi1>, vector<64x128xi32>
      %select_n3A_362 = arith.select %gt3A_359, %select_n3A_355, %select_n3A_342 : vector<64x128xi1>, vector<64x128xf32>
      %select_n3A_363 = arith.select %gt3A_359, %select_n3A_356, %select_n3A_343 : vector<64x128xi1>, vector<64x128xi32>
      %gt3A_364 = arith.cmpf ogt, %select_n3A_360, %select_n3A_345 : vector<64x128xf32>
      %select_n3A_365 = arith.select %gt3A_364, %select_n3A_360, %select_n3A_345 : vector<64x128xi1>, vector<64x128xf32>
      %select_n3A_366 = arith.select %gt3A_364, %select_n3A_361, %select_n3A_346 : vector<64x128xi1>, vector<64x128xi32>
      %slice3A_367 = vector.extract_strided_slice %exp3A {offsets = [0, 256], sizes = [64, 128], strides = [1, 1]} : vector<64x2048xf32> to vector<64x128xf32>
      %mul3A_368 = arith.constant 2048 : i32
      %mul3A_369 = arith.muli %scan3A_304, %mul3A_368 : i32
      %add3A_370 = arith.constant 256 : i32
      %add3A_371 = arith.addi %mul3A_369, %add3A_370 : i32
      %add3A_372 = vector.broadcast %add3A_371 : i32 to vector<64x128xi32>
      %add3A_373 = arith.addi %iota3A, %add3A_372 : vector<64x128xi32>
      %gt3A_374 = arith.cmpf ogt, %slice3A_367, %select_n3A_357 : vector<64x128xf32>
      %select_n3A_375 = arith.select %gt3A_374, %select_n3A_357, %slice3A_367 : vector<64x128xi1>, vector<64x128xf32>
      %select_n3A_376 = arith.select %gt3A_374, %select_n3A_358, %add3A_373 : vector<64x128xi1>, vector<64x128xi32>
      %select_n3A_377 = arith.select %gt3A_374, %slice3A_367, %select_n3A_357 : vector<64x128xi1>, vector<64x128xf32>
      %select_n3A_378 = arith.select %gt3A_374, %add3A_373, %select_n3A_358 : vector<64x128xi1>, vector<64x128xi32>
      %gt3A_379 = arith.cmpf ogt, %select_n3A_375, %select_n3A_362 : vector<64x128xf32>
      %select_n3A_380 = arith.select %gt3A_379, %select_n3A_362, %select_n3A_375 : vector<64x128xi1>, vector<64x128xf32>
      %select_n3A_381 = arith.select %gt3A_379, %select_n3A_363, %select_n3A_376 : vector<64x128xi1>, vector<64x128xi32>
      %select_n3A_382 = arith.select %gt3A_379, %select_n3A_375, %select_n3A_362 : vector<64x128xi1>, vector<64x128xf32>
      %select_n3A_383 = arith.select %gt3A_379, %select_n3A_376, %select_n3A_363 : vector<64x128xi1>, vector<64x128xi32>
      %gt3A_384 = arith.cmpf ogt, %select_n3A_380, %select_n3A_365 : vector<64x128xf32>
      %select_n3A_385 = arith.select %gt3A_384, %select_n3A_380, %select_n3A_365 : vector<64x128xi1>, vector<64x128xf32>
      %select_n3A_386 = arith.select %gt3A_384, %select_n3A_381, %select_n3A_366 : vector<64x128xi1>, vector<64x128xi32>
      %slice3A_387 = vector.extract_strided_slice %exp3A {offsets = [0, 384], sizes = [64, 128], strides = [1, 1]} : vector<64x2048xf32> to vector<64x128xf32>
      %mul3A_388 = arith.constant 2048 : i32
      %mul3A_389 = arith.muli %scan3A_304, %mul3A_388 : i32
      %add3A_390 = arith.constant 384 : i32
      %add3A_391 = arith.addi %mul3A_389, %add3A_390 : i32
      %add3A_392 = vector.broadcast %add3A_391 : i32 to vector<64x128xi32>
      %add3A_393 = arith.addi %iota3A, %add3A_392 : vector<64x128xi32>
      %gt3A_394 = arith.cmpf ogt, %slice3A_387, %select_n3A_377 : vector<64x128xf32>
      %select_n3A_395 = arith.select %gt3A_394, %select_n3A_377, %slice3A_387 : vector<64x128xi1>, vector<64x128xf32>
      %select_n3A_396 = arith.select %gt3A_394, %select_n3A_378, %add3A_393 : vector<64x128xi1>, vector<64x128xi32>
      %select_n3A_397 = arith.select %gt3A_394, %slice3A_387, %select_n3A_377 : vector<64x128xi1>, vector<64x128xf32>
      %select_n3A_398 = arith.select %gt3A_394, %add3A_393, %select_n3A_378 : vector<64x128xi1>, vector<64x128xi32>
      %gt3A_399 = arith.cmpf ogt, %select_n3A_395, %select_n3A_382 : vector<64x128xf32>
      %select_n3A_400 = arith.select %gt3A_399, %select_n3A_382, %select_n3A_395 : vector<64x128xi1>, vector<64x128xf32>
      %select_n3A_401 = arith.select %gt3A_399, %select_n3A_383, %select_n3A_396 : vector<64x128xi1>, vector<64x128xi32>
      %select_n3A_402 = arith.select %gt3A_399, %select_n3A_395, %select_n3A_382 : vector<64x128xi1>, vector<64x128xf32>
      %select_n3A_403 = arith.select %gt3A_399, %select_n3A_396, %select_n3A_383 : vector<64x128xi1>, vector<64x128xi32>
      %gt3A_404 = arith.cmpf ogt, %select_n3A_400, %select_n3A_385 : vector<64x128xf32>
      %select_n3A_405 = arith.select %gt3A_404, %select_n3A_400, %select_n3A_385 : vector<64x128xi1>, vector<64x128xf32>
      %select_n3A_406 = arith.select %gt3A_404, %select_n3A_401, %select_n3A_386 : vector<64x128xi1>, vector<64x128xi32>
      %slice3A_407 = vector.extract_strided_slice %exp3A {offsets = [0, 512], sizes = [64, 128], strides = [1, 1]} : vector<64x2048xf32> to vector<64x128xf32>
      %mul3A_408 = arith.constant 2048 : i32
      %mul3A_409 = arith.muli %scan3A_304, %mul3A_408 : i32
      %add3A_410 = arith.constant 512 : i32
      %add3A_411 = arith.addi %mul3A_409, %add3A_410 : i32
      %add3A_412 = vector.broadcast %add3A_411 : i32 to vector<64x128xi32>
      %add3A_413 = arith.addi %iota3A, %add3A_412 : vector<64x128xi32>
      %gt3A_414 = arith.cmpf ogt, %slice3A_407, %select_n3A_397 : vector<64x128xf32>
      %select_n3A_415 = arith.select %gt3A_414, %select_n3A_397, %slice3A_407 : vector<64x128xi1>, vector<64x128xf32>
      %select_n3A_416 = arith.select %gt3A_414, %select_n3A_398, %add3A_413 : vector<64x128xi1>, vector<64x128xi32>
      %select_n3A_417 = arith.select %gt3A_414, %slice3A_407, %select_n3A_397 : vector<64x128xi1>, vector<64x128xf32>
      %select_n3A_418 = arith.select %gt3A_414, %add3A_413, %select_n3A_398 : vector<64x128xi1>, vector<64x128xi32>
      %gt3A_419 = arith.cmpf ogt, %select_n3A_415, %select_n3A_402 : vector<64x128xf32>
      %select_n3A_420 = arith.select %gt3A_419, %select_n3A_402, %select_n3A_415 : vector<64x128xi1>, vector<64x128xf32>
      %select_n3A_421 = arith.select %gt3A_419, %select_n3A_403, %select_n3A_416 : vector<64x128xi1>, vector<64x128xi32>
      %select_n3A_422 = arith.select %gt3A_419, %select_n3A_415, %select_n3A_402 : vector<64x128xi1>, vector<64x128xf32>
      %select_n3A_423 = arith.select %gt3A_419, %select_n3A_416, %select_n3A_403 : vector<64x128xi1>, vector<64x128xi32>
      %gt3A_424 = arith.cmpf ogt, %select_n3A_420, %select_n3A_405 : vector<64x128xf32>
      %select_n3A_425 = arith.select %gt3A_424, %select_n3A_420, %select_n3A_405 : vector<64x128xi1>, vector<64x128xf32>
      %select_n3A_426 = arith.select %gt3A_424, %select_n3A_421, %select_n3A_406 : vector<64x128xi1>, vector<64x128xi32>
      %slice3A_427 = vector.extract_strided_slice %exp3A {offsets = [0, 640], sizes = [64, 128], strides = [1, 1]} : vector<64x2048xf32> to vector<64x128xf32>
      %mul3A_428 = arith.constant 2048 : i32
      %mul3A_429 = arith.muli %scan3A_304, %mul3A_428 : i32
      %add3A_430 = arith.constant 640 : i32
      %add3A_431 = arith.addi %mul3A_429, %add3A_430 : i32
      %add3A_432 = vector.broadcast %add3A_431 : i32 to vector<64x128xi32>
      %add3A_433 = arith.addi %iota3A, %add3A_432 : vector<64x128xi32>
      %gt3A_434 = arith.cmpf ogt, %slice3A_427, %select_n3A_417 : vector<64x128xf32>
      %select_n3A_435 = arith.select %gt3A_434, %select_n3A_417, %slice3A_427 : vector<64x128xi1>, vector<64x128xf32>
      %select_n3A_436 = arith.select %gt3A_434, %select_n3A_418, %add3A_433 : vector<64x128xi1>, vector<64x128xi32>
      %select_n3A_437 = arith.select %gt3A_434, %slice3A_427, %select_n3A_417 : vector<64x128xi1>, vector<64x128xf32>
      %select_n3A_438 = arith.select %gt3A_434, %add3A_433, %select_n3A_418 : vector<64x128xi1>, vector<64x128xi32>
      %gt3A_439 = arith.cmpf ogt, %select_n3A_435, %select_n3A_422 : vector<64x128xf32>
      %select_n3A_440 = arith.select %gt3A_439, %select_n3A_422, %select_n3A_435 : vector<64x128xi1>, vector<64x128xf32>
      %select_n3A_441 = arith.select %gt3A_439, %select_n3A_423, %select_n3A_436 : vector<64x128xi1>, vector<64x128xi32>
      %select_n3A_442 = arith.select %gt3A_439, %select_n3A_435, %select_n3A_422 : vector<64x128xi1>, vector<64x128xf32>
      %select_n3A_443 = arith.select %gt3A_439, %select_n3A_436, %select_n3A_423 : vector<64x128xi1>, vector<64x128xi32>
      %gt3A_444 = arith.cmpf ogt, %select_n3A_440, %select_n3A_425 : vector<64x128xf32>
      %select_n3A_445 = arith.select %gt3A_444, %select_n3A_440, %select_n3A_425 : vector<64x128xi1>, vector<64x128xf32>
      %select_n3A_446 = arith.select %gt3A_444, %select_n3A_441, %select_n3A_426 : vector<64x128xi1>, vector<64x128xi32>
      %slice3A_447 = vector.extract_strided_slice %exp3A {offsets = [0, 768], sizes = [64, 128], strides = [1, 1]} : vector<64x2048xf32> to vector<64x128xf32>
      %mul3A_448 = arith.constant 2048 : i32
      %mul3A_449 = arith.muli %scan3A_304, %mul3A_448 : i32
      %add3A_450 = arith.constant 768 : i32
      %add3A_451 = arith.addi %mul3A_449, %add3A_450 : i32
      %add3A_452 = vector.broadcast %add3A_451 : i32 to vector<64x128xi32>
      %add3A_453 = arith.addi %iota3A, %add3A_452 : vector<64x128xi32>
      %gt3A_454 = arith.cmpf ogt, %slice3A_447, %select_n3A_437 : vector<64x128xf32>
      %select_n3A_455 = arith.select %gt3A_454, %select_n3A_437, %slice3A_447 : vector<64x128xi1>, vector<64x128xf32>
      %select_n3A_456 = arith.select %gt3A_454, %select_n3A_438, %add3A_453 : vector<64x128xi1>, vector<64x128xi32>
      %select_n3A_457 = arith.select %gt3A_454, %slice3A_447, %select_n3A_437 : vector<64x128xi1>, vector<64x128xf32>
      %select_n3A_458 = arith.select %gt3A_454, %add3A_453, %select_n3A_438 : vector<64x128xi1>, vector<64x128xi32>
      %gt3A_459 = arith.cmpf ogt, %select_n3A_455, %select_n3A_442 : vector<64x128xf32>
      %select_n3A_460 = arith.select %gt3A_459, %select_n3A_442, %select_n3A_455 : vector<64x128xi1>, vector<64x128xf32>
      %select_n3A_461 = arith.select %gt3A_459, %select_n3A_443, %select_n3A_456 : vector<64x128xi1>, vector<64x128xi32>
      %select_n3A_462 = arith.select %gt3A_459, %select_n3A_455, %select_n3A_442 : vector<64x128xi1>, vector<64x128xf32>
      %select_n3A_463 = arith.select %gt3A_459, %select_n3A_456, %select_n3A_443 : vector<64x128xi1>, vector<64x128xi32>
      %gt3A_464 = arith.cmpf ogt, %select_n3A_460, %select_n3A_445 : vector<64x128xf32>
      %select_n3A_465 = arith.select %gt3A_464, %select_n3A_460, %select_n3A_445 : vector<64x128xi1>, vector<64x128xf32>
      %select_n3A_466 = arith.select %gt3A_464, %select_n3A_461, %select_n3A_446 : vector<64x128xi1>, vector<64x128xi32>
      %slice3A_467 = vector.extract_strided_slice %exp3A {offsets = [0, 896], sizes = [64, 128], strides = [1, 1]} : vector<64x2048xf32> to vector<64x128xf32>
      %mul3A_468 = arith.constant 2048 : i32
      %mul3A_469 = arith.muli %scan3A_304, %mul3A_468 : i32
      %add3A_470 = arith.constant 896 : i32
      %add3A_471 = arith.addi %mul3A_469, %add3A_470 : i32
      %add3A_472 = vector.broadcast %add3A_471 : i32 to vector<64x128xi32>
      %add3A_473 = arith.addi %iota3A, %add3A_472 : vector<64x128xi32>
      %gt3A_474 = arith.cmpf ogt, %slice3A_467, %select_n3A_457 : vector<64x128xf32>
      %select_n3A_475 = arith.select %gt3A_474, %select_n3A_457, %slice3A_467 : vector<64x128xi1>, vector<64x128xf32>
      %select_n3A_476 = arith.select %gt3A_474, %select_n3A_458, %add3A_473 : vector<64x128xi1>, vector<64x128xi32>
      %select_n3A_477 = arith.select %gt3A_474, %slice3A_467, %select_n3A_457 : vector<64x128xi1>, vector<64x128xf32>
      %select_n3A_478 = arith.select %gt3A_474, %add3A_473, %select_n3A_458 : vector<64x128xi1>, vector<64x128xi32>
      %gt3A_479 = arith.cmpf ogt, %select_n3A_475, %select_n3A_462 : vector<64x128xf32>
      %select_n3A_480 = arith.select %gt3A_479, %select_n3A_462, %select_n3A_475 : vector<64x128xi1>, vector<64x128xf32>
      %select_n3A_481 = arith.select %gt3A_479, %select_n3A_463, %select_n3A_476 : vector<64x128xi1>, vector<64x128xi32>
      %select_n3A_482 = arith.select %gt3A_479, %select_n3A_475, %select_n3A_462 : vector<64x128xi1>, vector<64x128xf32>
      %select_n3A_483 = arith.select %gt3A_479, %select_n3A_476, %select_n3A_463 : vector<64x128xi1>, vector<64x128xi32>
      %gt3A_484 = arith.cmpf ogt, %select_n3A_480, %select_n3A_465 : vector<64x128xf32>
      %select_n3A_485 = arith.select %gt3A_484, %select_n3A_480, %select_n3A_465 : vector<64x128xi1>, vector<64x128xf32>
      %select_n3A_486 = arith.select %gt3A_484, %select_n3A_481, %select_n3A_466 : vector<64x128xi1>, vector<64x128xi32>
      %slice3A_487 = vector.extract_strided_slice %exp3A {offsets = [0, 1024], sizes = [64, 128], strides = [1, 1]} : vector<64x2048xf32> to vector<64x128xf32>
      %mul3A_488 = arith.constant 2048 : i32
      %mul3A_489 = arith.muli %scan3A_304, %mul3A_488 : i32
      %add3A_490 = arith.constant 1024 : i32
      %add3A_491 = arith.addi %mul3A_489, %add3A_490 : i32
      %add3A_492 = vector.broadcast %add3A_491 : i32 to vector<64x128xi32>
      %add3A_493 = arith.addi %iota3A, %add3A_492 : vector<64x128xi32>
      %gt3A_494 = arith.cmpf ogt, %slice3A_487, %select_n3A_477 : vector<64x128xf32>
      %select_n3A_495 = arith.select %gt3A_494, %select_n3A_477, %slice3A_487 : vector<64x128xi1>, vector<64x128xf32>
      %select_n3A_496 = arith.select %gt3A_494, %select_n3A_478, %add3A_493 : vector<64x128xi1>, vector<64x128xi32>
      %select_n3A_497 = arith.select %gt3A_494, %slice3A_487, %select_n3A_477 : vector<64x128xi1>, vector<64x128xf32>
      %select_n3A_498 = arith.select %gt3A_494, %add3A_493, %select_n3A_478 : vector<64x128xi1>, vector<64x128xi32>
      %gt3A_499 = arith.cmpf ogt, %select_n3A_495, %select_n3A_482 : vector<64x128xf32>
      %select_n3A_500 = arith.select %gt3A_499, %select_n3A_482, %select_n3A_495 : vector<64x128xi1>, vector<64x128xf32>
      %select_n3A_501 = arith.select %gt3A_499, %select_n3A_483, %select_n3A_496 : vector<64x128xi1>, vector<64x128xi32>
      %select_n3A_502 = arith.select %gt3A_499, %select_n3A_495, %select_n3A_482 : vector<64x128xi1>, vector<64x128xf32>
      %select_n3A_503 = arith.select %gt3A_499, %select_n3A_496, %select_n3A_483 : vector<64x128xi1>, vector<64x128xi32>
      %gt3A_504 = arith.cmpf ogt, %select_n3A_500, %select_n3A_485 : vector<64x128xf32>
      %select_n3A_505 = arith.select %gt3A_504, %select_n3A_500, %select_n3A_485 : vector<64x128xi1>, vector<64x128xf32>
      %select_n3A_506 = arith.select %gt3A_504, %select_n3A_501, %select_n3A_486 : vector<64x128xi1>, vector<64x128xi32>
      %slice3A_507 = vector.extract_strided_slice %exp3A {offsets = [0, 1152], sizes = [64, 128], strides = [1, 1]} : vector<64x2048xf32> to vector<64x128xf32>
      %mul3A_508 = arith.constant 2048 : i32
      %mul3A_509 = arith.muli %scan3A_304, %mul3A_508 : i32
      %add3A_510 = arith.constant 1152 : i32
      %add3A_511 = arith.addi %mul3A_509, %add3A_510 : i32
      %add3A_512 = vector.broadcast %add3A_511 : i32 to vector<64x128xi32>
      %add3A_513 = arith.addi %iota3A, %add3A_512 : vector<64x128xi32>
      %gt3A_514 = arith.cmpf ogt, %slice3A_507, %select_n3A_497 : vector<64x128xf32>
      %select_n3A_515 = arith.select %gt3A_514, %select_n3A_497, %slice3A_507 : vector<64x128xi1>, vector<64x128xf32>
      %select_n3A_516 = arith.select %gt3A_514, %select_n3A_498, %add3A_513 : vector<64x128xi1>, vector<64x128xi32>
      %select_n3A_517 = arith.select %gt3A_514, %slice3A_507, %select_n3A_497 : vector<64x128xi1>, vector<64x128xf32>
      %select_n3A_518 = arith.select %gt3A_514, %add3A_513, %select_n3A_498 : vector<64x128xi1>, vector<64x128xi32>
      %gt3A_519 = arith.cmpf ogt, %select_n3A_515, %select_n3A_502 : vector<64x128xf32>
      %select_n3A_520 = arith.select %gt3A_519, %select_n3A_502, %select_n3A_515 : vector<64x128xi1>, vector<64x128xf32>
      %select_n3A_521 = arith.select %gt3A_519, %select_n3A_503, %select_n3A_516 : vector<64x128xi1>, vector<64x128xi32>
      %select_n3A_522 = arith.select %gt3A_519, %select_n3A_515, %select_n3A_502 : vector<64x128xi1>, vector<64x128xf32>
      %select_n3A_523 = arith.select %gt3A_519, %select_n3A_516, %select_n3A_503 : vector<64x128xi1>, vector<64x128xi32>
      %gt3A_524 = arith.cmpf ogt, %select_n3A_520, %select_n3A_505 : vector<64x128xf32>
      %select_n3A_525 = arith.select %gt3A_524, %select_n3A_520, %select_n3A_505 : vector<64x128xi1>, vector<64x128xf32>
      %select_n3A_526 = arith.select %gt3A_524, %select_n3A_521, %select_n3A_506 : vector<64x128xi1>, vector<64x128xi32>
      %slice3A_527 = vector.extract_strided_slice %exp3A {offsets = [0, 1280], sizes = [64, 128], strides = [1, 1]} : vector<64x2048xf32> to vector<64x128xf32>
      %mul3A_528 = arith.constant 2048 : i32
      %mul3A_529 = arith.muli %scan3A_304, %mul3A_528 : i32
      %add3A_530 = arith.constant 1280 : i32
      %add3A_531 = arith.addi %mul3A_529, %add3A_530 : i32
      %add3A_532 = vector.broadcast %add3A_531 : i32 to vector<64x128xi32>
      %add3A_533 = arith.addi %iota3A, %add3A_532 : vector<64x128xi32>
      %gt3A_534 = arith.cmpf ogt, %slice3A_527, %select_n3A_517 : vector<64x128xf32>
      %select_n3A_535 = arith.select %gt3A_534, %select_n3A_517, %slice3A_527 : vector<64x128xi1>, vector<64x128xf32>
      %select_n3A_536 = arith.select %gt3A_534, %select_n3A_518, %add3A_533 : vector<64x128xi1>, vector<64x128xi32>
      %select_n3A_537 = arith.select %gt3A_534, %slice3A_527, %select_n3A_517 : vector<64x128xi1>, vector<64x128xf32>
      %select_n3A_538 = arith.select %gt3A_534, %add3A_533, %select_n3A_518 : vector<64x128xi1>, vector<64x128xi32>
      %gt3A_539 = arith.cmpf ogt, %select_n3A_535, %select_n3A_522 : vector<64x128xf32>
      %select_n3A_540 = arith.select %gt3A_539, %select_n3A_522, %select_n3A_535 : vector<64x128xi1>, vector<64x128xf32>
      %select_n3A_541 = arith.select %gt3A_539, %select_n3A_523, %select_n3A_536 : vector<64x128xi1>, vector<64x128xi32>
      %select_n3A_542 = arith.select %gt3A_539, %select_n3A_535, %select_n3A_522 : vector<64x128xi1>, vector<64x128xf32>
      %select_n3A_543 = arith.select %gt3A_539, %select_n3A_536, %select_n3A_523 : vector<64x128xi1>, vector<64x128xi32>
      %gt3A_544 = arith.cmpf ogt, %select_n3A_540, %select_n3A_525 : vector<64x128xf32>
      %select_n3A_545 = arith.select %gt3A_544, %select_n3A_540, %select_n3A_525 : vector<64x128xi1>, vector<64x128xf32>
      %select_n3A_546 = arith.select %gt3A_544, %select_n3A_541, %select_n3A_526 : vector<64x128xi1>, vector<64x128xi32>
      %slice3A_547 = vector.extract_strided_slice %exp3A {offsets = [0, 1408], sizes = [64, 128], strides = [1, 1]} : vector<64x2048xf32> to vector<64x128xf32>
      %mul3A_548 = arith.constant 2048 : i32
      %mul3A_549 = arith.muli %scan3A_304, %mul3A_548 : i32
      %add3A_550 = arith.constant 1408 : i32
      %add3A_551 = arith.addi %mul3A_549, %add3A_550 : i32
      %add3A_552 = vector.broadcast %add3A_551 : i32 to vector<64x128xi32>
      %add3A_553 = arith.addi %iota3A, %add3A_552 : vector<64x128xi32>
      %gt3A_554 = arith.cmpf ogt, %slice3A_547, %select_n3A_537 : vector<64x128xf32>
      %select_n3A_555 = arith.select %gt3A_554, %select_n3A_537, %slice3A_547 : vector<64x128xi1>, vector<64x128xf32>
      %select_n3A_556 = arith.select %gt3A_554, %select_n3A_538, %add3A_553 : vector<64x128xi1>, vector<64x128xi32>
      %select_n3A_557 = arith.select %gt3A_554, %slice3A_547, %select_n3A_537 : vector<64x128xi1>, vector<64x128xf32>
      %select_n3A_558 = arith.select %gt3A_554, %add3A_553, %select_n3A_538 : vector<64x128xi1>, vector<64x128xi32>
      %gt3A_559 = arith.cmpf ogt, %select_n3A_555, %select_n3A_542 : vector<64x128xf32>
      %select_n3A_560 = arith.select %gt3A_559, %select_n3A_542, %select_n3A_555 : vector<64x128xi1>, vector<64x128xf32>
      %select_n3A_561 = arith.select %gt3A_559, %select_n3A_543, %select_n3A_556 : vector<64x128xi1>, vector<64x128xi32>
      %select_n3A_562 = arith.select %gt3A_559, %select_n3A_555, %select_n3A_542 : vector<64x128xi1>, vector<64x128xf32>
      %select_n3A_563 = arith.select %gt3A_559, %select_n3A_556, %select_n3A_543 : vector<64x128xi1>, vector<64x128xi32>
      %gt3A_564 = arith.cmpf ogt, %select_n3A_560, %select_n3A_545 : vector<64x128xf32>
      %select_n3A_565 = arith.select %gt3A_564, %select_n3A_560, %select_n3A_545 : vector<64x128xi1>, vector<64x128xf32>
      %select_n3A_566 = arith.select %gt3A_564, %select_n3A_561, %select_n3A_546 : vector<64x128xi1>, vector<64x128xi32>
      %slice3A_567 = vector.extract_strided_slice %exp3A {offsets = [0, 1536], sizes = [64, 128], strides = [1, 1]} : vector<64x2048xf32> to vector<64x128xf32>
      %mul3A_568 = arith.constant 2048 : i32
      %mul3A_569 = arith.muli %scan3A_304, %mul3A_568 : i32
      %add3A_570 = arith.constant 1536 : i32
      %add3A_571 = arith.addi %mul3A_569, %add3A_570 : i32
      %add3A_572 = vector.broadcast %add3A_571 : i32 to vector<64x128xi32>
      %add3A_573 = arith.addi %iota3A, %add3A_572 : vector<64x128xi32>
      %gt3A_574 = arith.cmpf ogt, %slice3A_567, %select_n3A_557 : vector<64x128xf32>
      %select_n3A_575 = arith.select %gt3A_574, %select_n3A_557, %slice3A_567 : vector<64x128xi1>, vector<64x128xf32>
      %select_n3A_576 = arith.select %gt3A_574, %select_n3A_558, %add3A_573 : vector<64x128xi1>, vector<64x128xi32>
      %select_n3A_577 = arith.select %gt3A_574, %slice3A_567, %select_n3A_557 : vector<64x128xi1>, vector<64x128xf32>
      %select_n3A_578 = arith.select %gt3A_574, %add3A_573, %select_n3A_558 : vector<64x128xi1>, vector<64x128xi32>
      %gt3A_579 = arith.cmpf ogt, %select_n3A_575, %select_n3A_562 : vector<64x128xf32>
      %select_n3A_580 = arith.select %gt3A_579, %select_n3A_562, %select_n3A_575 : vector<64x128xi1>, vector<64x128xf32>
      %select_n3A_581 = arith.select %gt3A_579, %select_n3A_563, %select_n3A_576 : vector<64x128xi1>, vector<64x128xi32>
      %select_n3A_582 = arith.select %gt3A_579, %select_n3A_575, %select_n3A_562 : vector<64x128xi1>, vector<64x128xf32>
      %select_n3A_583 = arith.select %gt3A_579, %select_n3A_576, %select_n3A_563 : vector<64x128xi1>, vector<64x128xi32>
      %gt3A_584 = arith.cmpf ogt, %select_n3A_580, %select_n3A_565 : vector<64x128xf32>
      %select_n3A_585 = arith.select %gt3A_584, %select_n3A_580, %select_n3A_565 : vector<64x128xi1>, vector<64x128xf32>
      %select_n3A_586 = arith.select %gt3A_584, %select_n3A_581, %select_n3A_566 : vector<64x128xi1>, vector<64x128xi32>
      %slice3A_587 = vector.extract_strided_slice %exp3A {offsets = [0, 1664], sizes = [64, 128], strides = [1, 1]} : vector<64x2048xf32> to vector<64x128xf32>
      %mul3A_588 = arith.constant 2048 : i32
      %mul3A_589 = arith.muli %scan3A_304, %mul3A_588 : i32
      %add3A_590 = arith.constant 1664 : i32
      %add3A_591 = arith.addi %mul3A_589, %add3A_590 : i32
      %add3A_592 = vector.broadcast %add3A_591 : i32 to vector<64x128xi32>
      %add3A_593 = arith.addi %iota3A, %add3A_592 : vector<64x128xi32>
      %gt3A_594 = arith.cmpf ogt, %slice3A_587, %select_n3A_577 : vector<64x128xf32>
      %select_n3A_595 = arith.select %gt3A_594, %select_n3A_577, %slice3A_587 : vector<64x128xi1>, vector<64x128xf32>
      %select_n3A_596 = arith.select %gt3A_594, %select_n3A_578, %add3A_593 : vector<64x128xi1>, vector<64x128xi32>
      %select_n3A_597 = arith.select %gt3A_594, %slice3A_587, %select_n3A_577 : vector<64x128xi1>, vector<64x128xf32>
      %select_n3A_598 = arith.select %gt3A_594, %add3A_593, %select_n3A_578 : vector<64x128xi1>, vector<64x128xi32>
      %gt3A_599 = arith.cmpf ogt, %select_n3A_595, %select_n3A_582 : vector<64x128xf32>
      %select_n3A_600 = arith.select %gt3A_599, %select_n3A_582, %select_n3A_595 : vector<64x128xi1>, vector<64x128xf32>
      %select_n3A_601 = arith.select %gt3A_599, %select_n3A_583, %select_n3A_596 : vector<64x128xi1>, vector<64x128xi32>
      %select_n3A_602 = arith.select %gt3A_599, %select_n3A_595, %select_n3A_582 : vector<64x128xi1>, vector<64x128xf32>
      %select_n3A_603 = arith.select %gt3A_599, %select_n3A_596, %select_n3A_583 : vector<64x128xi1>, vector<64x128xi32>
      %gt3A_604 = arith.cmpf ogt, %select_n3A_600, %select_n3A_585 : vector<64x128xf32>
      %select_n3A_605 = arith.select %gt3A_604, %select_n3A_600, %select_n3A_585 : vector<64x128xi1>, vector<64x128xf32>
      %select_n3A_606 = arith.select %gt3A_604, %select_n3A_601, %select_n3A_586 : vector<64x128xi1>, vector<64x128xi32>
      %slice3A_607 = vector.extract_strided_slice %exp3A {offsets = [0, 1792], sizes = [64, 128], strides = [1, 1]} : vector<64x2048xf32> to vector<64x128xf32>
      %mul3A_608 = arith.constant 2048 : i32
      %mul3A_609 = arith.muli %scan3A_304, %mul3A_608 : i32
      %add3A_610 = arith.constant 1792 : i32
      %add3A_611 = arith.addi %mul3A_609, %add3A_610 : i32
      %add3A_612 = vector.broadcast %add3A_611 : i32 to vector<64x128xi32>
      %add3A_613 = arith.addi %iota3A, %add3A_612 : vector<64x128xi32>
      %gt3A_614 = arith.cmpf ogt, %slice3A_607, %select_n3A_597 : vector<64x128xf32>
      %select_n3A_615 = arith.select %gt3A_614, %select_n3A_597, %slice3A_607 : vector<64x128xi1>, vector<64x128xf32>
      %select_n3A_616 = arith.select %gt3A_614, %select_n3A_598, %add3A_613 : vector<64x128xi1>, vector<64x128xi32>
      %select_n3A_617 = arith.select %gt3A_614, %slice3A_607, %select_n3A_597 : vector<64x128xi1>, vector<64x128xf32>
      %select_n3A_618 = arith.select %gt3A_614, %add3A_613, %select_n3A_598 : vector<64x128xi1>, vector<64x128xi32>
      %gt3A_619 = arith.cmpf ogt, %select_n3A_615, %select_n3A_602 : vector<64x128xf32>
      %select_n3A_620 = arith.select %gt3A_619, %select_n3A_602, %select_n3A_615 : vector<64x128xi1>, vector<64x128xf32>
      %select_n3A_621 = arith.select %gt3A_619, %select_n3A_603, %select_n3A_616 : vector<64x128xi1>, vector<64x128xi32>
      %select_n3A_622 = arith.select %gt3A_619, %select_n3A_615, %select_n3A_602 : vector<64x128xi1>, vector<64x128xf32>
      %select_n3A_623 = arith.select %gt3A_619, %select_n3A_616, %select_n3A_603 : vector<64x128xi1>, vector<64x128xi32>
      %gt3A_624 = arith.cmpf ogt, %select_n3A_620, %select_n3A_605 : vector<64x128xf32>
      %select_n3A_625 = arith.select %gt3A_624, %select_n3A_620, %select_n3A_605 : vector<64x128xi1>, vector<64x128xf32>
      %select_n3A_626 = arith.select %gt3A_624, %select_n3A_621, %select_n3A_606 : vector<64x128xi1>, vector<64x128xi32>
      %slice3A_627 = vector.extract_strided_slice %exp3A {offsets = [0, 1920], sizes = [64, 128], strides = [1, 1]} : vector<64x2048xf32> to vector<64x128xf32>
      %mul3A_628 = arith.constant 2048 : i32
      %mul3A_629 = arith.muli %scan3A_304, %mul3A_628 : i32
      %add3A_630 = arith.constant 1920 : i32
      %add3A_631 = arith.addi %mul3A_629, %add3A_630 : i32
      %add3A_632 = vector.broadcast %add3A_631 : i32 to vector<64x128xi32>
      %add3A_633 = arith.addi %iota3A, %add3A_632 : vector<64x128xi32>
      %gt3A_634 = arith.cmpf ogt, %slice3A_627, %select_n3A_617 : vector<64x128xf32>
      %select_n3A_635 = arith.select %gt3A_634, %select_n3A_617, %slice3A_627 : vector<64x128xi1>, vector<64x128xf32>
      %select_n3A_636 = arith.select %gt3A_634, %select_n3A_618, %add3A_633 : vector<64x128xi1>, vector<64x128xi32>
      %select_n3A_637 = arith.select %gt3A_634, %slice3A_627, %select_n3A_617 : vector<64x128xi1>, vector<64x128xf32>
      %select_n3A_638 = arith.select %gt3A_634, %add3A_633, %select_n3A_618 : vector<64x128xi1>, vector<64x128xi32>
      %gt3A_639 = arith.cmpf ogt, %select_n3A_635, %select_n3A_622 : vector<64x128xf32>
      %select_n3A_640 = arith.select %gt3A_639, %select_n3A_622, %select_n3A_635 : vector<64x128xi1>, vector<64x128xf32>
      %select_n3A_641 = arith.select %gt3A_639, %select_n3A_623, %select_n3A_636 : vector<64x128xi1>, vector<64x128xi32>
      %select_n3A_642 = arith.select %gt3A_639, %select_n3A_635, %select_n3A_622 : vector<64x128xi1>, vector<64x128xf32>
      %select_n3A_643 = arith.select %gt3A_639, %select_n3A_636, %select_n3A_623 : vector<64x128xi1>, vector<64x128xi32>
      %gt3A_644 = arith.cmpf ogt, %select_n3A_640, %select_n3A_625 : vector<64x128xf32>
      %select_n3A_645 = arith.select %gt3A_644, %select_n3A_640, %select_n3A_625 : vector<64x128xi1>, vector<64x128xf32>
      %select_n3A_646 = arith.select %gt3A_644, %select_n3A_641, %select_n3A_626 : vector<64x128xi1>, vector<64x128xi32>
      scf.yield %add3A_327, %select_n3A_637, %select_n3A_638, %select_n3A_642, %select_n3A_643, %select_n3A_645, %select_n3A_646 : vector<64x1xf32>, vector<64x128xf32>, vector<64x128xi32>, vector<64x128xf32>, vector<64x128xi32>, vector<64x128xf32>, vector<64x128xi32>
    }
    %scan3A_131 = arith.constant 16 : i32
    %div3A_132 = arith.constant 1.000000e+00 : f32
    %div3A_133 = vector.broadcast %div3A_132 : f32 to vector<64x1xf32>
    %div3A_134 = arith.divf %div3A_133, %scan3A_130#0 : vector<64x1xf32>
    %eq3A = arith.constant 0 : i32
    %eq3A_135 = arith.cmpi eq, %arg0, %eq3A : i32
    %convert_element_type3A_136 = arith.extui %eq3A_135 : i1 to i32
    %cond3A = arith.constant 0 : i32
    %cond3A_137 = arith.cmpi ne, %convert_element_type3A_136, %cond3A : i32
    scf.if %cond3A_137 {
      %broadcast_in_dim3A_304 = arith.constant 0.000000e+00 : f32
      %broadcast_in_dim3A_305 = vector.broadcast %broadcast_in_dim3A_304 : f32 to vector<1x32768xf32>
      %swap3A_306 = arith.constant 0 : index
      %swap3A_307 = arith.constant 0 : index
      %swap3A_308 = vector.load %arg12[%swap3A_306, %swap3A_307] : memref<1x32768xf32, #tpu.memory_space<vmem>>, vector<1x32768xf32>
      tpu.vector_store %arg12[%swap3A_306, %swap3A_307], %broadcast_in_dim3A_305 {strides = array<i32>} : memref<1x32768xf32, #tpu.memory_space<vmem>>, vector<1x32768xf32>,
    } else {
    }
    %scan3A_138 = arith.constant 0 : i32
    %scan3A_139 = arith.constant 16 : i32
    %scan3A_140 = arith.addi %scan3A_138, %scan3A_139 : i32
    %scan3A_141 = arith.constant 1 : i32
    scf.for %scan3A_304 = %scan3A_138 to %scan3A_140 step %scan3A_141  : i32 {
      %mul3A_305 = arith.constant 2048 : i32
      %mul3A_306 = arith.muli %scan3A_304, %mul3A_305 : i32
      %get3A_307 = arith.constant 0 : index
      %get3A_308 = arith.index_cast %mul3A_306 : i32 to index
      %get3A_309 = vector.load %arg13[%get3A_307, %get3A_308] : memref<64x32768xf32, #tpu.memory_space<vmem>>, vector<64x2048xf32>
      %mul3A_310 = arith.constant 2048 : i32
      %mul3A_311 = arith.muli %scan3A_304, %mul3A_310 : i32
      %get3A_312 = arith.constant 0 : index
      %get3A_313 = arith.index_cast %mul3A_311 : i32 to index
      %get3A_314 = vector.load %arg12[%get3A_312, %get3A_313] : memref<1x32768xf32, #tpu.memory_space<vmem>>, vector<1x2048xf32>
      %mul3A_315 = vector.broadcast %div3A_134 : vector<64x1xf32> to vector<64x2048xf32>
      %mul3A_316 = arith.mulf %get3A_309, %mul3A_315 : vector<64x2048xf32>
      %reduce_sum3A_317 = arith.constant dense<0.000000e+00> : vector<2048xf32>
      %reduce_sum3A_318 = vector.multi_reduction <add>, %mul3A_316, %reduce_sum3A_317 [0] : vector<64x2048xf32> to vector<2048xf32>
      %broadcast_in_dim3A_319 = vector.shape_cast %reduce_sum3A_318 : vector<2048xf32> to vector<1x2048xf32>
      %add3A_320 = arith.addf %get3A_314, %broadcast_in_dim3A_319 : vector<1x2048xf32>
      %swap3A_321 = arith.constant 0 : index
      %swap3A_322 = arith.index_cast %mul3A_311 : i32 to index
      %swap3A_323 = vector.load %arg12[%swap3A_321, %swap3A_322] : memref<1x32768xf32, #tpu.memory_space<vmem>>, vector<1x2048xf32>
      tpu.vector_store %arg12[%swap3A_321, %swap3A_322], %add3A_320 {strides = array<i32>} : memref<1x32768xf32, #tpu.memory_space<vmem>>, vector<1x2048xf32>,
    }
    %scan3A_142 = arith.constant 16 : i32
    %concatenate3A = tpu.concatenate %scan3A_130#1, %scan3A_130#3, %scan3A_130#5 in 1 : vector<64x128xf32>, vector<64x128xf32>, vector<64x128xf32> -> vector<64x384xf32>
    %concatenate3A_143 = tpu.concatenate %scan3A_130#2, %scan3A_130#4, %scan3A_130#6 in 1 : vector<64x128xi32>, vector<64x128xi32>, vector<64x128xi32> -> vector<64x384xi32>
    %reduce_max3A = arith.constant dense<0xFF800000> : vector<64xf32>
    %reduce_max3A_144 = vector.multi_reduction <maximumf>, %concatenate3A, %reduce_max3A [1] : vector<64x384xf32> to vector<64xf32>
    %broadcast_in_dim3A_145 = vector.shape_cast %reduce_max3A_144 : vector<64xf32> to vector<64x1xf32>
    %eq3A_146 = vector.broadcast %broadcast_in_dim3A_145 : vector<64x1xf32> to vector<64x384xf32>
    %eq3A_147 = arith.cmpf oeq, %concatenate3A, %eq3A_146 : vector<64x384xf32>
    %jit3A = arith.constant 1073741824 : i32
    %broadcast_in_dim3A_148 = vector.broadcast %jit3A : i32 to vector<64x384xi32>
    %select_n3A = arith.select %eq3A_147, %concatenate3A_143, %broadcast_in_dim3A_148 : vector<64x384xi1>, vector<64x384xi32>
    %reduce_min3A = arith.constant dense<2147483647> : vector<64xi32>
    %reduce_min3A_149 = vector.multi_reduction <minsi>, %select_n3A, %reduce_min3A [1] : vector<64x384xi32> to vector<64xi32>
    %broadcast_in_dim3A_150 = vector.shape_cast %reduce_min3A_149 : vector<64xi32> to vector<64x1xi32>
    %eq3A_151 = vector.broadcast %broadcast_in_dim3A_150 : vector<64x1xi32> to vector<64x384xi32>
    %eq3A_152 = arith.cmpi eq, %concatenate3A_143, %eq3A_151 : vector<64x384xi32>
    %and3A = arith.andi %eq3A_147, %eq3A_152 : vector<64x384xi1>
    %jit3A_153 = arith.constant 0xFF800000 : f32
    %broadcast_in_dim3A_154 = vector.broadcast %jit3A_153 : f32 to vector<64x384xf32>
    %select_n3A_155 = arith.select %and3A, %broadcast_in_dim3A_154, %concatenate3A : vector<64x384xi1>, vector<64x384xf32>
    %reduce_max3A_156 = arith.constant dense<0xFF800000> : vector<64xf32>
    %reduce_max3A_157 = vector.multi_reduction <maximumf>, %select_n3A_155, %reduce_max3A_156 [1] : vector<64x384xf32> to vector<64xf32>
    %broadcast_in_dim3A_158 = vector.shape_cast %reduce_max3A_157 : vector<64xf32> to vector<64x1xf32>
    %eq3A_159 = vector.broadcast %broadcast_in_dim3A_158 : vector<64x1xf32> to vector<64x384xf32>
    %eq3A_160 = arith.cmpf oeq, %select_n3A_155, %eq3A_159 : vector<64x384xf32>
    %jit3A_161 = arith.constant 1073741824 : i32
    %broadcast_in_dim3A_162 = vector.broadcast %jit3A_161 : i32 to vector<64x384xi32>
    %select_n3A_163 = arith.select %eq3A_160, %concatenate3A_143, %broadcast_in_dim3A_162 : vector<64x384xi1>, vector<64x384xi32>
    %reduce_min3A_164 = arith.constant dense<2147483647> : vector<64xi32>
    %reduce_min3A_165 = vector.multi_reduction <minsi>, %select_n3A_163, %reduce_min3A_164 [1] : vector<64x384xi32> to vector<64xi32>
    %broadcast_in_dim3A_166 = vector.shape_cast %reduce_min3A_165 : vector<64xi32> to vector<64x1xi32>
    %eq3A_167 = vector.broadcast %broadcast_in_dim3A_166 : vector<64x1xi32> to vector<64x384xi32>
    %eq3A_168 = arith.cmpi eq, %concatenate3A_143, %eq3A_167 : vector<64x384xi32>
    %and3A_169 = arith.andi %eq3A_160, %eq3A_168 : vector<64x384xi1>
    %jit3A_170 = arith.constant 0xFF800000 : f32
    %broadcast_in_dim3A_171 = vector.broadcast %jit3A_170 : f32 to vector<64x384xf32>
    %select_n3A_172 = arith.select %and3A_169, %broadcast_in_dim3A_171, %select_n3A_155 : vector<64x384xi1>, vector<64x384xf32>
    %reduce_max3A_173 = arith.constant dense<0xFF800000> : vector<64xf32>
    %reduce_max3A_174 = vector.multi_reduction <maximumf>, %select_n3A_172, %reduce_max3A_173 [1] : vector<64x384xf32> to vector<64xf32>
    %broadcast_in_dim3A_175 = vector.shape_cast %reduce_max3A_174 : vector<64xf32> to vector<64x1xf32>
    %eq3A_176 = vector.broadcast %broadcast_in_dim3A_175 : vector<64x1xf32> to vector<64x384xf32>
    %eq3A_177 = arith.cmpf oeq, %select_n3A_172, %eq3A_176 : vector<64x384xf32>
    %jit3A_178 = arith.constant 1073741824 : i32
    %broadcast_in_dim3A_179 = vector.broadcast %jit3A_178 : i32 to vector<64x384xi32>
    %select_n3A_180 = arith.select %eq3A_177, %concatenate3A_143, %broadcast_in_dim3A_179 : vector<64x384xi1>, vector<64x384xi32>
    %reduce_min3A_181 = arith.constant dense<2147483647> : vector<64xi32>
    %reduce_min3A_182 = vector.multi_reduction <minsi>, %select_n3A_180, %reduce_min3A_181 [1] : vector<64x384xi32> to vector<64xi32>
    %broadcast_in_dim3A_183 = vector.shape_cast %reduce_min3A_182 : vector<64xi32> to vector<64x1xi32>
    %eq3A_184 = vector.broadcast %broadcast_in_dim3A_183 : vector<64x1xi32> to vector<64x384xi32>
    %eq3A_185 = arith.cmpi eq, %concatenate3A_143, %eq3A_184 : vector<64x384xi32>
    %and3A_186 = arith.andi %eq3A_177, %eq3A_185 : vector<64x384xi1>
    %jit3A_187 = arith.constant 0xFF800000 : f32
    %broadcast_in_dim3A_188 = vector.broadcast %jit3A_187 : f32 to vector<64x384xf32>
    %select_n3A_189 = arith.select %and3A_186, %broadcast_in_dim3A_188, %select_n3A_172 : vector<64x384xi1>, vector<64x384xf32>
    %reduce_max3A_190 = arith.constant dense<0xFF800000> : vector<64xf32>
    %reduce_max3A_191 = vector.multi_reduction <maximumf>, %select_n3A_189, %reduce_max3A_190 [1] : vector<64x384xf32> to vector<64xf32>
    %broadcast_in_dim3A_192 = vector.shape_cast %reduce_max3A_191 : vector<64xf32> to vector<64x1xf32>
    %eq3A_193 = vector.broadcast %broadcast_in_dim3A_192 : vector<64x1xf32> to vector<64x384xf32>
    %eq3A_194 = arith.cmpf oeq, %select_n3A_189, %eq3A_193 : vector<64x384xf32>
    %jit3A_195 = arith.constant 1073741824 : i32
    %broadcast_in_dim3A_196 = vector.broadcast %jit3A_195 : i32 to vector<64x384xi32>
    %select_n3A_197 = arith.select %eq3A_194, %concatenate3A_143, %broadcast_in_dim3A_196 : vector<64x384xi1>, vector<64x384xi32>
    %reduce_min3A_198 = arith.constant dense<2147483647> : vector<64xi32>
    %reduce_min3A_199 = vector.multi_reduction <minsi>, %select_n3A_197, %reduce_min3A_198 [1] : vector<64x384xi32> to vector<64xi32>
    %broadcast_in_dim3A_200 = vector.shape_cast %reduce_min3A_199 : vector<64xi32> to vector<64x1xi32>
    %eq3A_201 = vector.broadcast %broadcast_in_dim3A_200 : vector<64x1xi32> to vector<64x384xi32>
    %eq3A_202 = arith.cmpi eq, %concatenate3A_143, %eq3A_201 : vector<64x384xi32>
    %and3A_203 = arith.andi %eq3A_194, %eq3A_202 : vector<64x384xi1>
    %jit3A_204 = arith.constant 0xFF800000 : f32
    %broadcast_in_dim3A_205 = vector.broadcast %jit3A_204 : f32 to vector<64x384xf32>
    %select_n3A_206 = arith.select %and3A_203, %broadcast_in_dim3A_205, %select_n3A_189 : vector<64x384xi1>, vector<64x384xf32>
    %reduce_max3A_207 = arith.constant dense<0xFF800000> : vector<64xf32>
    %reduce_max3A_208 = vector.multi_reduction <maximumf>, %select_n3A_206, %reduce_max3A_207 [1] : vector<64x384xf32> to vector<64xf32>
    %broadcast_in_dim3A_209 = vector.shape_cast %reduce_max3A_208 : vector<64xf32> to vector<64x1xf32>
    %eq3A_210 = vector.broadcast %broadcast_in_dim3A_209 : vector<64x1xf32> to vector<64x384xf32>
    %eq3A_211 = arith.cmpf oeq, %select_n3A_206, %eq3A_210 : vector<64x384xf32>
    %jit3A_212 = arith.constant 1073741824 : i32
    %broadcast_in_dim3A_213 = vector.broadcast %jit3A_212 : i32 to vector<64x384xi32>
    %select_n3A_214 = arith.select %eq3A_211, %concatenate3A_143, %broadcast_in_dim3A_213 : vector<64x384xi1>, vector<64x384xi32>
    %reduce_min3A_215 = arith.constant dense<2147483647> : vector<64xi32>
    %reduce_min3A_216 = vector.multi_reduction <minsi>, %select_n3A_214, %reduce_min3A_215 [1] : vector<64x384xi32> to vector<64xi32>
    %broadcast_in_dim3A_217 = vector.shape_cast %reduce_min3A_216 : vector<64xi32> to vector<64x1xi32>
    %eq3A_218 = vector.broadcast %broadcast_in_dim3A_217 : vector<64x1xi32> to vector<64x384xi32>
    %eq3A_219 = arith.cmpi eq, %concatenate3A_143, %eq3A_218 : vector<64x384xi32>
    %and3A_220 = arith.andi %eq3A_211, %eq3A_219 : vector<64x384xi1>
    %jit3A_221 = arith.constant 0xFF800000 : f32
    %broadcast_in_dim3A_222 = vector.broadcast %jit3A_221 : f32 to vector<64x384xf32>
    %select_n3A_223 = arith.select %and3A_220, %broadcast_in_dim3A_222, %select_n3A_206 : vector<64x384xi1>, vector<64x384xf32>
    %reduce_max3A_224 = arith.constant dense<0xFF800000> : vector<64xf32>
    %reduce_max3A_225 = vector.multi_reduction <maximumf>, %select_n3A_223, %reduce_max3A_224 [1] : vector<64x384xf32> to vector<64xf32>
    %broadcast_in_dim3A_226 = vector.shape_cast %reduce_max3A_225 : vector<64xf32> to vector<64x1xf32>
    %eq3A_227 = vector.broadcast %broadcast_in_dim3A_226 : vector<64x1xf32> to vector<64x384xf32>
    %eq3A_228 = arith.cmpf oeq, %select_n3A_223, %eq3A_227 : vector<64x384xf32>
    %jit3A_229 = arith.constant 1073741824 : i32
    %broadcast_in_dim3A_230 = vector.broadcast %jit3A_229 : i32 to vector<64x384xi32>
    %select_n3A_231 = arith.select %eq3A_228, %concatenate3A_143, %broadcast_in_dim3A_230 : vector<64x384xi1>, vector<64x384xi32>
    %reduce_min3A_232 = arith.constant dense<2147483647> : vector<64xi32>
    %reduce_min3A_233 = vector.multi_reduction <minsi>, %select_n3A_231, %reduce_min3A_232 [1] : vector<64x384xi32> to vector<64xi32>
    %broadcast_in_dim3A_234 = vector.shape_cast %reduce_min3A_233 : vector<64xi32> to vector<64x1xi32>
    %eq3A_235 = vector.broadcast %broadcast_in_dim3A_234 : vector<64x1xi32> to vector<64x384xi32>
    %eq3A_236 = arith.cmpi eq, %concatenate3A_143, %eq3A_235 : vector<64x384xi32>
    %and3A_237 = arith.andi %eq3A_228, %eq3A_236 : vector<64x384xi1>
    %jit3A_238 = arith.constant 0xFF800000 : f32
    %broadcast_in_dim3A_239 = vector.broadcast %jit3A_238 : f32 to vector<64x384xf32>
    %select_n3A_240 = arith.select %and3A_237, %broadcast_in_dim3A_239, %select_n3A_223 : vector<64x384xi1>, vector<64x384xf32>
    %reduce_max3A_241 = arith.constant dense<0xFF800000> : vector<64xf32>
    %reduce_max3A_242 = vector.multi_reduction <maximumf>, %select_n3A_240, %reduce_max3A_241 [1] : vector<64x384xf32> to vector<64xf32>
    %broadcast_in_dim3A_243 = vector.shape_cast %reduce_max3A_242 : vector<64xf32> to vector<64x1xf32>
    %eq3A_244 = vector.broadcast %broadcast_in_dim3A_243 : vector<64x1xf32> to vector<64x384xf32>
    %eq3A_245 = arith.cmpf oeq, %select_n3A_240, %eq3A_244 : vector<64x384xf32>
    %jit3A_246 = arith.constant 1073741824 : i32
    %broadcast_in_dim3A_247 = vector.broadcast %jit3A_246 : i32 to vector<64x384xi32>
    %select_n3A_248 = arith.select %eq3A_245, %concatenate3A_143, %broadcast_in_dim3A_247 : vector<64x384xi1>, vector<64x384xi32>
    %reduce_min3A_249 = arith.constant dense<2147483647> : vector<64xi32>
    %reduce_min3A_250 = vector.multi_reduction <minsi>, %select_n3A_248, %reduce_min3A_249 [1] : vector<64x384xi32> to vector<64xi32>
    %broadcast_in_dim3A_251 = vector.shape_cast %reduce_min3A_250 : vector<64xi32> to vector<64x1xi32>
    %eq3A_252 = vector.broadcast %broadcast_in_dim3A_251 : vector<64x1xi32> to vector<64x384xi32>
    %eq3A_253 = arith.cmpi eq, %concatenate3A_143, %eq3A_252 : vector<64x384xi32>
    %and3A_254 = arith.andi %eq3A_245, %eq3A_253 : vector<64x384xi1>
    %jit3A_255 = arith.constant 0xFF800000 : f32
    %broadcast_in_dim3A_256 = vector.broadcast %jit3A_255 : f32 to vector<64x384xf32>
    %select_n3A_257 = arith.select %and3A_254, %broadcast_in_dim3A_256, %select_n3A_240 : vector<64x384xi1>, vector<64x384xf32>
    %reduce_max3A_258 = arith.constant dense<0xFF800000> : vector<64xf32>
    %reduce_max3A_259 = vector.multi_reduction <maximumf>, %select_n3A_257, %reduce_max3A_258 [1] : vector<64x384xf32> to vector<64xf32>
    %broadcast_in_dim3A_260 = vector.shape_cast %reduce_max3A_259 : vector<64xf32> to vector<64x1xf32>
    %eq3A_261 = vector.broadcast %broadcast_in_dim3A_260 : vector<64x1xf32> to vector<64x384xf32>
    %eq3A_262 = arith.cmpf oeq, %select_n3A_257, %eq3A_261 : vector<64x384xf32>
    %jit3A_263 = arith.constant 1073741824 : i32
    %broadcast_in_dim3A_264 = vector.broadcast %jit3A_263 : i32 to vector<64x384xi32>
    %select_n3A_265 = arith.select %eq3A_262, %concatenate3A_143, %broadcast_in_dim3A_264 : vector<64x384xi1>, vector<64x384xi32>
    %reduce_min3A_266 = arith.constant dense<2147483647> : vector<64xi32>
    %reduce_min3A_267 = vector.multi_reduction <minsi>, %select_n3A_265, %reduce_min3A_266 [1] : vector<64x384xi32> to vector<64xi32>
    %broadcast_in_dim3A_268 = vector.shape_cast %reduce_min3A_267 : vector<64xi32> to vector<64x1xi32>
    %concatenate3A_269 = tpu.concatenate %broadcast_in_dim3A_145, %broadcast_in_dim3A_158, %broadcast_in_dim3A_175, %broadcast_in_dim3A_192, %broadcast_in_dim3A_209, %broadcast_in_dim3A_226, %broadcast_in_dim3A_243, %broadcast_in_dim3A_260 in 1 : vector<64x1xf32>, vector<64x1xf32>, vector<64x1xf32>, vector<64x1xf32>, vector<64x1xf32>, vector<64x1xf32>, vector<64x1xf32>, vector<64x1xf32> -> vector<64x8xf32>
    %concatenate3A_270 = tpu.concatenate %broadcast_in_dim3A_150, %broadcast_in_dim3A_166, %broadcast_in_dim3A_183, %broadcast_in_dim3A_200, %broadcast_in_dim3A_217, %broadcast_in_dim3A_234, %broadcast_in_dim3A_251, %broadcast_in_dim3A_268 in 1 : vector<64x1xi32>, vector<64x1xi32>, vector<64x1xi32>, vector<64x1xi32>, vector<64x1xi32>, vector<64x1xi32>, vector<64x1xi32>, vector<64x1xi32> -> vector<64x8xi32>
    %reduce_sum3A_271 = arith.constant dense<0.000000e+00> : vector<64xf32>
    %reduce_sum3A_272 = vector.multi_reduction <add>, %concatenate3A_269, %reduce_sum3A_271 [1] : vector<64x8xf32> to vector<64xf32>
    %broadcast_in_dim3A_273 = vector.shape_cast %reduce_sum3A_272 : vector<64xf32> to vector<64x1xf32>
    %div3A_274 = vector.broadcast %broadcast_in_dim3A_273 : vector<64x1xf32> to vector<64x8xf32>
    %div3A_275 = arith.divf %concatenate3A_269, %div3A_274 : vector<64x8xf32>
    %iota3A_276 = tpu.iota {dimensions = array<i32: 1>} : vector<64x8xi32>
    %ge3A = arith.constant 1.250000e-01 : f32
    %ge3A_277 = vector.broadcast %ge3A : f32 to vector<64x8xf32>
    %ge3A_278 = arith.cmpf oge, %div3A_275, %ge3A_277 : vector<64x8xf32>
    %lt3A = arith.constant 2 : i32
    %lt3A_279 = vector.broadcast %lt3A : i32 to vector<64x8xi32>
    %lt3A_280 = arith.cmpi slt, %iota3A_276, %lt3A_279 : vector<64x8xi32>
    %or3A = arith.ori %ge3A_278, %lt3A_280 : vector<64x8xi1>
    %jit3A_281 = arith.constant 1.000000e+00 : f32
    %jit3A_282 = arith.constant 0.000000e+00 : f32
    %broadcast_in_dim3A_283 = vector.broadcast %jit3A_281 : f32 to vector<64x8xf32>
    %broadcast_in_dim3A_284 = vector.broadcast %jit3A_282 : f32 to vector<64x8xf32>
    %select_n3A_285 = arith.select %or3A, %broadcast_in_dim3A_283, %broadcast_in_dim3A_284 : vector<64x8xi1>, vector<64x8xf32>
    %mul3A_286 = arith.mulf %div3A_275, %select_n3A_285 : vector<64x8xf32>
    %reduce_sum3A_287 = arith.constant dense<0.000000e+00> : vector<64xf32>
    %reduce_sum3A_288 = vector.multi_reduction <add>, %mul3A_286, %reduce_sum3A_287 [1] : vector<64x8xf32> to vector<64xf32>
    %broadcast_in_dim3A_289 = vector.shape_cast %reduce_sum3A_288 : vector<64xf32> to vector<64x1xf32>
    %add3A_290 = arith.constant 9.99999971E-10 : f32
    %add3A_291 = vector.broadcast %add3A_290 : f32 to vector<64x1xf32>
    %add3A_292 = arith.addf %broadcast_in_dim3A_289, %add3A_291 : vector<64x1xf32>
    %div3A_293 = vector.broadcast %add3A_292 : vector<64x1xf32> to vector<64x8xf32>
    %div3A_294 = arith.divf %mul3A_286, %div3A_293 : vector<64x8xf32>
    %swap3A_295 = arith.constant 0 : index
    %swap3A_296 = arith.constant 0 : index
    %swap3A_297 = vector.load %arg9[%swap3A_295, %swap3A_296] : memref<64x8xi32, #tpu.memory_space<vmem>>, vector<64x8xi32>
    tpu.vector_store %arg9[%swap3A_295, %swap3A_296], %concatenate3A_270 {strides = array<i32>} : memref<64x8xi32, #tpu.memory_space<vmem>>, vector<64x8xi32>,
    %swap3A_298 = arith.constant 0 : index
    %swap3A_299 = arith.constant 0 : index
    %swap3A_300 = vector.load %arg10[%swap3A_298, %swap3A_299] : memref<64x8xf32, #tpu.memory_space<vmem>>, vector<64x8xf32>
    tpu.vector_store %arg10[%swap3A_298, %swap3A_299], %div3A_294 {strides = array<i32>} : memref<64x8xf32, #tpu.memory_space<vmem>>, vector<64x8xf32>,
    %swap3A_301 = arith.constant 0 : index
    %swap3A_302 = arith.constant 0 : index
    %swap3A_303 = vector.load %arg11[%swap3A_301, %swap3A_302] : memref<64x8xf32, #tpu.memory_space<vmem>>, vector<64x8xf32>
    tpu.vector_store %arg11[%swap3A_301, %swap3A_302], %select_n3A_285 {strides = array<i32>} : memref<64x8xf32, #tpu.memory_space<vmem>>, vector<64x8xf32>,
    return
  }
  func.func @transform_0(%arg0: i32) -> (i32, i32) {
    %c0_i32 = arith.constant 0 : i32
    %c0_i32_0 = arith.constant 0 : i32
    return %arg0, %c0_i32 : i32, i32
  }
  func.func @transform_1(%arg0: i32) -> (i32, i32) {
    %c0_i32 = arith.constant 0 : i32
    %c0_i32_0 = arith.constant 0 : i32
    return %arg0, %c0_i32 : i32, i32
  }
  func.func @transform_2(%arg0: i32) -> (i32, i32) {
    %c0_i32 = arith.constant 0 : i32
    %c0_i32_0 = arith.constant 0 : i32
    return %arg0, %c0_i32 : i32, i32
  }
  func.func @transform_3(%arg0: i32) -> (i32, i32) {
    %c0_i32 = arith.constant 0 : i32
    %c0_i32_0 = arith.constant 0 : i32
    %c0_i32_1 = arith.constant 0 : i32
    return %c0_i32, %c0_i32_0 : i32, i32
  }
  func.func @transform_4(%arg0: i32) -> (i32, i32) {
    %c0_i32 = arith.constant 0 : i32
    %c0_i32_0 = arith.constant 0 : i32
    %c0_i32_1 = arith.constant 0 : i32
    return %c0_i32, %c0_i32_0 : i32, i32
  }
  func.func @transform_5(%arg0: i32) -> (i32, i32) {
    %c0_i32 = arith.constant 0 : i32
    %c0_i32_0 = arith.constant 0 : i32
    %c0_i32_1 = arith.constant 0 : i32
    return %c0_i32, %c0_i32_0 : i32, i32
  }
  func.func @transform_6(%arg0: i32) -> (i32, i32, i32) {
    %c1_i32 = arith.constant 1 : i32
    %c0_i32 = arith.constant 0 : i32
    %c0_i32_0 = arith.constant 0 : i32
    %c0_i32_1 = arith.constant 0 : i32
    return %c1_i32, %c0_i32, %c0_i32_0 : i32, i32, i32
  }
  func.func @transform_7(%arg0: i32) -> (i32, i32) {
    %c0_i32 = arith.constant 0 : i32
    %c0_i32_0 = arith.constant 0 : i32
    return %arg0, %c0_i32 : i32, i32
  }
  func.func @transform_8(%arg0: i32) -> (i32, i32) {
    %c0_i32 = arith.constant 0 : i32
    %c0_i32_0 = arith.constant 0 : i32
    return %arg0, %c0_i32 : i32, i32
  }
  func.func @transform_9(%arg0: i32) -> (i32, i32) {
    %c0_i32 = arith.constant 0 : i32
    %c0_i32_0 = arith.constant 0 : i32
    return %arg0, %c0_i32 : i32, i32
  }
  func.func @transform_10(%arg0: i32) -> (i32, i32) {
    %c0_i32 = arith.constant 0 : i32
    %c0_i32_0 = arith.constant 0 : i32
    return %arg0, %c0_i32 : i32, i32
  }
  func.func @transform_11(%arg0: i32) -> (i32, i32) {
    %c0_i32 = arith.constant 0 : i32
    %c0_i32_0 = arith.constant 0 : i32
    %c0_i32_1 = arith.constant 0 : i32
    return %c0_i32, %c0_i32_0 : i32, i32
  }
}

module attributes {stable_mosaic.version = 14 : i64} {
  func.func @_final_body(%arg0: i32, %arg1: memref<64x768xf32, #tpu.memory_space<vmem>>, %arg2: memref<64x6144xf32, #tpu.memory_space<vmem>>, %arg3: memref<64x8xf32, #tpu.memory_space<vmem>>, %arg4: memref<1x768xf32, #tpu.memory_space<vmem>>, %arg5: memref<1x768xf32, #tpu.memory_space<vmem>>, %arg6: memref<64x768xf32, #tpu.memory_space<vmem>>) attributes {dimension_semantics = [#tpu.dimension_semantics<arbitrary>], iteration_bounds = array<i64: 16>, scalar_prefetch = 0 : i64, scratch_operands = 0 : i64, tpu.core_type = #tpu.core_type<tc>, window_params = [{transform_indices = @transform_0, window_bounds = array<i64: 64, 768>}, {transform_indices = @transform_1, window_bounds = array<i64: 64, 6144>}, {transform_indices = @transform_2, window_bounds = array<i64: 64, 8>}, {pipeline_mode = #tpu.pipeline_mode<synchronous>, transform_indices = @transform_3, window_bounds = array<i64: 1, 768>}, {pipeline_mode = #tpu.pipeline_mode<synchronous>, transform_indices = @transform_4, window_bounds = array<i64: 1, 768>}, {transform_indices = @transform_5, window_bounds = array<i64: 64, 768>}]} {
    %get3A = arith.constant 0 : index
    %get3A_0 = arith.constant 0 : index
    %get3A_1 = vector.load %arg1[%get3A, %get3A_0] : memref<64x768xf32, #tpu.memory_space<vmem>>, vector<64x768xf32>
    %get3A_2 = arith.constant 0 : index
    %get3A_3 = arith.constant 0 : index
    %get3A_4 = vector.load %arg3[%get3A_2, %get3A_3] : memref<64x8xf32, #tpu.memory_space<vmem>>, vector<64x8xf32>
    %convert_element_type3A = arith.truncf %get3A_4 : vector<64x8xf32> to vector<64x8xbf16>
    %convert_element_type3A_5 = arith.extf %convert_element_type3A : vector<64x8xbf16> to vector<64x8xf32>
    %broadcast_in_dim3A = arith.constant 0.000000e+00 : f32
    %broadcast_in_dim3A_6 = vector.broadcast %broadcast_in_dim3A : f32 to vector<64x768xf32>
    %get3A_7 = arith.constant 0 : index
    %get3A_8 = arith.constant 0 : index
    %get3A_9 = vector.load %arg2[%get3A_7, %get3A_8] : memref<64x6144xf32, #tpu.memory_space<vmem>>, vector<64x768xf32>
    %convert_element_type3A_10 = arith.truncf %get3A_9 : vector<64x768xf32> to vector<64x768xbf16>
    %slice3A = vector.extract_strided_slice %convert_element_type3A_5 {offsets = [0, 0], sizes = [64, 1], strides = [1, 1]} : vector<64x8xf32> to vector<64x1xf32>
    %convert_element_type3A_11 = arith.extf %convert_element_type3A_10 : vector<64x768xbf16> to vector<64x768xf32>
    %mul3A = vector.broadcast %slice3A : vector<64x1xf32> to vector<64x768xf32>
    %mul3A_12 = arith.mulf %mul3A, %convert_element_type3A_11 : vector<64x768xf32>
    %add3A = arith.addf %broadcast_in_dim3A_6, %mul3A_12 : vector<64x768xf32>
    %get3A_13 = arith.constant 0 : index
    %get3A_14 = arith.constant 768 : index
    %get3A_15 = vector.load %arg2[%get3A_13, %get3A_14] : memref<64x6144xf32, #tpu.memory_space<vmem>>, vector<64x768xf32>
    %convert_element_type3A_16 = arith.truncf %get3A_15 : vector<64x768xf32> to vector<64x768xbf16>
    %slice3A_17 = vector.extract_strided_slice %convert_element_type3A_5 {offsets = [0, 1], sizes = [64, 1], strides = [1, 1]} : vector<64x8xf32> to vector<64x1xf32>
    %convert_element_type3A_18 = arith.extf %convert_element_type3A_16 : vector<64x768xbf16> to vector<64x768xf32>
    %mul3A_19 = vector.broadcast %slice3A_17 : vector<64x1xf32> to vector<64x768xf32>
    %mul3A_20 = arith.mulf %mul3A_19, %convert_element_type3A_18 : vector<64x768xf32>
    %add3A_21 = arith.addf %add3A, %mul3A_20 : vector<64x768xf32>
    %get3A_22 = arith.constant 0 : index
    %get3A_23 = arith.constant 1536 : index
    %get3A_24 = vector.load %arg2[%get3A_22, %get3A_23] : memref<64x6144xf32, #tpu.memory_space<vmem>>, vector<64x768xf32>
    %convert_element_type3A_25 = arith.truncf %get3A_24 : vector<64x768xf32> to vector<64x768xbf16>
    %slice3A_26 = vector.extract_strided_slice %convert_element_type3A_5 {offsets = [0, 2], sizes = [64, 1], strides = [1, 1]} : vector<64x8xf32> to vector<64x1xf32>
    %convert_element_type3A_27 = arith.extf %convert_element_type3A_25 : vector<64x768xbf16> to vector<64x768xf32>
    %mul3A_28 = vector.broadcast %slice3A_26 : vector<64x1xf32> to vector<64x768xf32>
    %mul3A_29 = arith.mulf %mul3A_28, %convert_element_type3A_27 : vector<64x768xf32>
    %add3A_30 = arith.addf %add3A_21, %mul3A_29 : vector<64x768xf32>
    %get3A_31 = arith.constant 0 : index
    %get3A_32 = arith.constant 2304 : index
    %get3A_33 = vector.load %arg2[%get3A_31, %get3A_32] : memref<64x6144xf32, #tpu.memory_space<vmem>>, vector<64x768xf32>
    %convert_element_type3A_34 = arith.truncf %get3A_33 : vector<64x768xf32> to vector<64x768xbf16>
    %slice3A_35 = vector.extract_strided_slice %convert_element_type3A_5 {offsets = [0, 3], sizes = [64, 1], strides = [1, 1]} : vector<64x8xf32> to vector<64x1xf32>
    %convert_element_type3A_36 = arith.extf %convert_element_type3A_34 : vector<64x768xbf16> to vector<64x768xf32>
    %mul3A_37 = vector.broadcast %slice3A_35 : vector<64x1xf32> to vector<64x768xf32>
    %mul3A_38 = arith.mulf %mul3A_37, %convert_element_type3A_36 : vector<64x768xf32>
    %add3A_39 = arith.addf %add3A_30, %mul3A_38 : vector<64x768xf32>
    %get3A_40 = arith.constant 0 : index
    %get3A_41 = arith.constant 3072 : index
    %get3A_42 = vector.load %arg2[%get3A_40, %get3A_41] : memref<64x6144xf32, #tpu.memory_space<vmem>>, vector<64x768xf32>
    %convert_element_type3A_43 = arith.truncf %get3A_42 : vector<64x768xf32> to vector<64x768xbf16>
    %slice3A_44 = vector.extract_strided_slice %convert_element_type3A_5 {offsets = [0, 4], sizes = [64, 1], strides = [1, 1]} : vector<64x8xf32> to vector<64x1xf32>
    %convert_element_type3A_45 = arith.extf %convert_element_type3A_43 : vector<64x768xbf16> to vector<64x768xf32>
    %mul3A_46 = vector.broadcast %slice3A_44 : vector<64x1xf32> to vector<64x768xf32>
    %mul3A_47 = arith.mulf %mul3A_46, %convert_element_type3A_45 : vector<64x768xf32>
    %add3A_48 = arith.addf %add3A_39, %mul3A_47 : vector<64x768xf32>
    %get3A_49 = arith.constant 0 : index
    %get3A_50 = arith.constant 3840 : index
    %get3A_51 = vector.load %arg2[%get3A_49, %get3A_50] : memref<64x6144xf32, #tpu.memory_space<vmem>>, vector<64x768xf32>
    %convert_element_type3A_52 = arith.truncf %get3A_51 : vector<64x768xf32> to vector<64x768xbf16>
    %slice3A_53 = vector.extract_strided_slice %convert_element_type3A_5 {offsets = [0, 5], sizes = [64, 1], strides = [1, 1]} : vector<64x8xf32> to vector<64x1xf32>
    %convert_element_type3A_54 = arith.extf %convert_element_type3A_52 : vector<64x768xbf16> to vector<64x768xf32>
    %mul3A_55 = vector.broadcast %slice3A_53 : vector<64x1xf32> to vector<64x768xf32>
    %mul3A_56 = arith.mulf %mul3A_55, %convert_element_type3A_54 : vector<64x768xf32>
    %add3A_57 = arith.addf %add3A_48, %mul3A_56 : vector<64x768xf32>
    %get3A_58 = arith.constant 0 : index
    %get3A_59 = arith.constant 4608 : index
    %get3A_60 = vector.load %arg2[%get3A_58, %get3A_59] : memref<64x6144xf32, #tpu.memory_space<vmem>>, vector<64x768xf32>
    %convert_element_type3A_61 = arith.truncf %get3A_60 : vector<64x768xf32> to vector<64x768xbf16>
    %slice3A_62 = vector.extract_strided_slice %convert_element_type3A_5 {offsets = [0, 6], sizes = [64, 1], strides = [1, 1]} : vector<64x8xf32> to vector<64x1xf32>
    %convert_element_type3A_63 = arith.extf %convert_element_type3A_61 : vector<64x768xbf16> to vector<64x768xf32>
    %mul3A_64 = vector.broadcast %slice3A_62 : vector<64x1xf32> to vector<64x768xf32>
    %mul3A_65 = arith.mulf %mul3A_64, %convert_element_type3A_63 : vector<64x768xf32>
    %add3A_66 = arith.addf %add3A_57, %mul3A_65 : vector<64x768xf32>
    %get3A_67 = arith.constant 0 : index
    %get3A_68 = arith.constant 5376 : index
    %get3A_69 = vector.load %arg2[%get3A_67, %get3A_68] : memref<64x6144xf32, #tpu.memory_space<vmem>>, vector<64x768xf32>
    %convert_element_type3A_70 = arith.truncf %get3A_69 : vector<64x768xf32> to vector<64x768xbf16>
    %slice3A_71 = vector.extract_strided_slice %convert_element_type3A_5 {offsets = [0, 7], sizes = [64, 1], strides = [1, 1]} : vector<64x8xf32> to vector<64x1xf32>
    %convert_element_type3A_72 = arith.extf %convert_element_type3A_70 : vector<64x768xbf16> to vector<64x768xf32>
    %mul3A_73 = vector.broadcast %slice3A_71 : vector<64x1xf32> to vector<64x768xf32>
    %mul3A_74 = arith.mulf %mul3A_73, %convert_element_type3A_72 : vector<64x768xf32>
    %add3A_75 = arith.addf %add3A_66, %mul3A_74 : vector<64x768xf32>
    %add3A_76 = arith.addf %get3A_1, %add3A_75 : vector<64x768xf32>
    %reduce_sum3A = arith.constant dense<0.000000e+00> : vector<64xf32>
    %reduce_sum3A_77 = vector.multi_reduction <add>, %add3A_76, %reduce_sum3A [1] : vector<64x768xf32> to vector<64xf32>
    %broadcast_in_dim3A_78 = vector.shape_cast %reduce_sum3A_77 : vector<64xf32> to vector<64x1xf32>
    %div3A = arith.constant 7.680000e+02 : f32
    %div3A_79 = vector.broadcast %div3A : f32 to vector<64x1xf32>
    %div3A_80 = arith.divf %broadcast_in_dim3A_78, %div3A_79 : vector<64x1xf32>
    %sub3A = vector.broadcast %div3A_80 : vector<64x1xf32> to vector<64x768xf32>
    %sub3A_81 = arith.subf %add3A_76, %sub3A : vector<64x768xf32>
    %mul3A_82 = arith.mulf %sub3A_81, %sub3A_81 : vector<64x768xf32>
    %reduce_sum3A_83 = arith.constant dense<0.000000e+00> : vector<64xf32>
    %reduce_sum3A_84 = vector.multi_reduction <add>, %mul3A_82, %reduce_sum3A_83 [1] : vector<64x768xf32> to vector<64xf32>
    %broadcast_in_dim3A_85 = vector.shape_cast %reduce_sum3A_84 : vector<64xf32> to vector<64x1xf32>
    %div3A_86 = arith.constant 7.680000e+02 : f32
    %div3A_87 = vector.broadcast %div3A_86 : f32 to vector<64x1xf32>
    %div3A_88 = arith.divf %broadcast_in_dim3A_85, %div3A_87 : vector<64x1xf32>
    %add3A_89 = arith.constant 9.99999997E-7 : f32
    %add3A_90 = vector.broadcast %add3A_89 : f32 to vector<64x1xf32>
    %add3A_91 = arith.addf %div3A_88, %add3A_90 : vector<64x1xf32>
    %rsqrt3A = math.rsqrt %add3A_91 : vector<64x1xf32>
    %mul3A_92 = vector.broadcast %rsqrt3A : vector<64x1xf32> to vector<64x768xf32>
    %mul3A_93 = arith.mulf %sub3A_81, %mul3A_92 : vector<64x768xf32>
    %get3A_94 = arith.constant 0 : index
    %get3A_95 = arith.constant 0 : index
    %get3A_96 = vector.load %arg4[%get3A_94, %get3A_95] : memref<1x768xf32, #tpu.memory_space<vmem>>, vector<1x768xf32>
    %mul3A_97 = vector.broadcast %get3A_96 : vector<1x768xf32> to vector<64x768xf32>
    %mul3A_98 = arith.mulf %mul3A_93, %mul3A_97 : vector<64x768xf32>
    %get3A_99 = arith.constant 0 : index
    %get3A_100 = arith.constant 0 : index
    %get3A_101 = vector.load %arg5[%get3A_99, %get3A_100] : memref<1x768xf32, #tpu.memory_space<vmem>>, vector<1x768xf32>
    %add3A_102 = vector.broadcast %get3A_101 : vector<1x768xf32> to vector<64x768xf32>
    %add3A_103 = arith.addf %mul3A_98, %add3A_102 : vector<64x768xf32>
    %swap3A = arith.constant 0 : index
    %swap3A_104 = arith.constant 0 : index
    %swap3A_105 = vector.load %arg6[%swap3A, %swap3A_104] : memref<64x768xf32, #tpu.memory_space<vmem>>, vector<64x768xf32>
    tpu.vector_store %arg6[%swap3A, %swap3A_104], %add3A_103 {strides = array<i32>} : memref<64x768xf32, #tpu.memory_space<vmem>>, vector<64x768xf32>,
    return
  }
  func.func @transform_0(%arg0: i32) -> (i32, i32) {
    %c0_i32 = arith.constant 0 : i32
    %c0_i32_0 = arith.constant 0 : i32
    return %arg0, %c0_i32 : i32, i32
  }
  func.func @transform_1(%arg0: i32) -> (i32, i32) {
    %c0_i32 = arith.constant 0 : i32
    %c0_i32_0 = arith.constant 0 : i32
    return %arg0, %c0_i32 : i32, i32
  }
  func.func @transform_2(%arg0: i32) -> (i32, i32) {
    %c0_i32 = arith.constant 0 : i32
    %c0_i32_0 = arith.constant 0 : i32
    return %arg0, %c0_i32 : i32, i32
  }
  func.func @transform_3(%arg0: i32) -> (i32, i32) {
    %c0_i32 = arith.constant 0 : i32
    %c0_i32_0 = arith.constant 0 : i32
    %c0_i32_1 = arith.constant 0 : i32
    return %c0_i32, %c0_i32_0 : i32, i32
  }
  func.func @transform_4(%arg0: i32) -> (i32, i32) {
    %c0_i32 = arith.constant 0 : i32
    %c0_i32_0 = arith.constant 0 : i32
    %c0_i32_1 = arith.constant 0 : i32
    return %c0_i32, %c0_i32_0 : i32, i32
  }
  func.func @transform_5(%arg0: i32) -> (i32, i32) {
    %c0_i32 = arith.constant 0 : i32
    %c0_i32_0 = arith.constant 0 : i32
    return %arg0, %c0_i32 : i32, i32
  }
}

module attributes {stable_mosaic.version = 14 : i64} {
  func.func @_head_body(%arg0: i32, %arg1: memref<1024x768xf32, #tpu.memory_space<vmem>>, %arg2: memref<768x1280xf32, #tpu.memory_space<vmem>>, %arg3: memref<1x1280xf32, #tpu.memory_space<vmem>>, %arg4: memref<1024x1280xf32, #tpu.memory_space<vmem>>) attributes {dimension_semantics = [#tpu.dimension_semantics<arbitrary>], iteration_bounds = array<i64: 25>, scalar_prefetch = 0 : i64, scratch_operands = 0 : i64, tpu.core_type = #tpu.core_type<tc>, window_params = [{pipeline_mode = #tpu.pipeline_mode<synchronous>, transform_indices = @transform_0, window_bounds = array<i64: 1024, 768>}, {transform_indices = @transform_1, window_bounds = array<i64: 768, 1280>}, {transform_indices = @transform_2, window_bounds = array<i64: 1, 1280>}, {transform_indices = @transform_3, window_bounds = array<i64: 1024, 1280>}]} {
    %get3A = arith.constant 0 : index
    %get3A_0 = arith.constant 0 : index
    %get3A_1 = vector.load %arg1[%get3A, %get3A_0] : memref<1024x768xf32, #tpu.memory_space<vmem>>, vector<1024x768xf32>
    %convert_element_type3A = arith.truncf %get3A_1 : vector<1024x768xf32> to vector<1024x768xbf16>
    %get3A_2 = arith.constant 0 : index
    %get3A_3 = arith.constant 0 : index
    %get3A_4 = vector.load %arg2[%get3A_2, %get3A_3] : memref<768x1280xf32, #tpu.memory_space<vmem>>, vector<768x1280xf32>
    %convert_element_type3A_5 = arith.truncf %get3A_4 : vector<768x1280xf32> to vector<768x1280xbf16>
    %dot_general3A = arith.constant dense<0.000000e+00> : vector<1024x1280xf32>
    %dot_general3A_6 = tpu.matmul %convert_element_type3A, %convert_element_type3A_5, %dot_general3A {dimension_numbers = #tpu.dot_dimension_numbers<[1], [0], [0], [1], [0, 0, 1, 1], [], []>, transpose_lhs_hint = false} : vector<1024x768xbf16>, vector<768x1280xbf16>, vector<1024x1280xf32> -> vector<1024x1280xf32>
    %get3A_7 = arith.constant 0 : index
    %get3A_8 = arith.constant 0 : index
    %get3A_9 = vector.load %arg3[%get3A_7, %get3A_8] : memref<1x1280xf32, #tpu.memory_space<vmem>>, vector<1x1280xf32>
    %add3A = vector.broadcast %get3A_9 : vector<1x1280xf32> to vector<1024x1280xf32>
    %add3A_10 = arith.addf %dot_general3A_6, %add3A : vector<1024x1280xf32>
    %swap3A = arith.constant 0 : index
    %swap3A_11 = arith.constant 0 : index
    %swap3A_12 = vector.load %arg4[%swap3A, %swap3A_11] : memref<1024x1280xf32, #tpu.memory_space<vmem>>, vector<1024x1280xf32>
    tpu.vector_store %arg4[%swap3A, %swap3A_11], %add3A_10 {strides = array<i32>} : memref<1024x1280xf32, #tpu.memory_space<vmem>>, vector<1024x1280xf32>,
    return
  }
  func.func @transform_0(%arg0: i32) -> (i32, i32) {
    %c0_i32 = arith.constant 0 : i32
    %c0_i32_0 = arith.constant 0 : i32
    %c0_i32_1 = arith.constant 0 : i32
    return %c0_i32, %c0_i32_0 : i32, i32
  }
  func.func @transform_1(%arg0: i32) -> (i32, i32) {
    %c0_i32 = arith.constant 0 : i32
    %c0_i32_0 = arith.constant 0 : i32
    return %c0_i32, %arg0 : i32, i32
  }
  func.func @transform_2(%arg0: i32) -> (i32, i32) {
    %c0_i32 = arith.constant 0 : i32
    %c0_i32_0 = arith.constant 0 : i32
    return %c0_i32, %arg0 : i32, i32
  }
  func.func @transform_3(%arg0: i32) -> (i32, i32) {
    %c0_i32 = arith.constant 0 : i32
    %c0_i32_0 = arith.constant 0 : i32
    return %c0_i32, %arg0 : i32, i32
  }
}

</mosaic_0001>

<sc_bundles>
// kernel: kernel.12.cloned.1.call-start
scs
__scs_entry_jumppad:
0x0: {  	(pc) =	sbr.rel $0x88, $3  }
0x1: {  	(tag) =	ssettag $0x0;
	lr =	simm.s32 $0x1  }
0x2: {  	[smem:$0x3F96] =	sst lr;
	_ =	strace $0xD0000000  }
0x3: {  	_ = 	snop  }
0x4: {  	_ = 	snop  }
0x5: {  	_ = 	snop  }
0x6: {  	_ = 	snop  }
0x7: {  	_ = 	snop  }
__scs_overlays_trampoline_lowered:
0x8: {  	[smem:$0x3FA5] =	sst s0  }
0x9: {  	[smem:$0x3FA6] =	sst s1  }
0xa: {  	[smem:$0x3FA7] =	sst s2  }
0xb: {  	[smem:$0x3FA8] =	sst s3  }
0xc: {  	[smem:$0x3FA9] =	sst s4  }
0xd: {  	[smem:$0x3FAA] =	sst s5  }
0xe: {  	[smem:$0x3FAB] =	sst s6  }
0xf: {  	[smem:$0x3FAC] =	sst s7  }
0x10: {  	[smem:$0x3FAD] =	sst s8  }
0x11: {  	[smem:$0x3FAE] =	sst s9;
	s0 =	simm.s32 @!p0 $0x0  }
0x12: {  	s1 =	sld [smem:$0x3F94];
	s0 =	simm.s32 @p0 $0x1  }
0x13: {  	[smem:$0x3FAF] =	sst s0;
	s0 =	simm.s32 @!p1 $0x0  }
0x14: {  	s2 =	sld [smem:$0x3F93];
	s0 =	simm.s32 @p1 $0x1  }
0x15: {  	[smem:$0x3FB0] =	sst s0;
	s0 =	simm.s32 @!p2 $0x0  }
0x16: {  	s3 =	sld [smem:$0x3FDB];
	s0 =	simm.s32 @p2 $0x1  }
0x17: {  	s4 =	simm.s32 $0x1BF5;
	[smem:$0x3FB2] =	sst s0  }
0x18: {  	s0 =	sld [smem:$0x3F95];
	_ =	swait.ge [sflag:s4], $0x0  }
0x19: {  	s7 =	sld [smem:$0x3F96]  }
0x1a: {  	s8 =	sadd.s32 $0xFFFFE003, lr  }
0x1b: {  	s9 =	sadd.s32 $0xFFFFFEF7, lr;
	s5 =	simm.s32 $0xFFFFFFFF;
	p2 =	slt.u32 s8, $0xFFFFF086  }
0x1c: {  	p1 =	slt.u32 s9, $0xF7A;
	s5 =	simm.s32 @!p2 $0x0  }
0x1d: {  	s5 =	simm.s32 @p1 $0x1;
	p0 =	seq.s32 s7, s2  }
0x1e: {  	s7 =	smul.u32 @!p0 $0xF7A, s2;
	p2 =	seq.s32 @!p0 s5, $0x0  }
0x1f: {  	s9 =	smul.u32 $0xF7A, s1;
	s8 =	simm.s32 @!p0 $0x1BF5;
	p2 =	por !p2, p0  }
0x20: {  	[sflag:s8] =	ssyncset.s32 @!p0 $0xFFFFF086;
	s6 =	sadd.s32 @!p0 s3, s7;
	s7 =	simm.s32 @!p0 $0x108  }
0x21: {  	s3 =	sadd.s32 s3, s9;
	s6 =	sadd.s32 @!p0 $0x88, s6;
	s7 =	simm.s32 @p2 $0x1082  }
0x22: {  	[simem:s7], [sflag:s8] =	dma.local @!p0 [hbm:s6], $0xF7A  }
0x23: {  	s9 =	sor.u32 $0xD0000000, s2;
	s6 =	simm.s32 $0x108;
	_ =	swait.ge @!p0 [sflag:s8], $0x0  }
0x24: {  	s3 =	sadd.s32 $0x88, s3;
	s6 =	simm.s32 @!p1 $0x1082;
	[sflag:s4] =	ssyncset.s32 $0xFFFFF086  }
0x25: {  	[simem:s6], [sflag:s4] =	dma.local [hbm:s3], $0xF7A  }
0x26: {  	[smem:$0x3F96] =	sst s1;
	(tag) =	ssettag s2;
	_ =	strace s9  }
0x27: {  	s1 =	sld [smem:$0x3FA6]  }
0x28: {  	s2 =	sld [smem:$0x3FA7]  }
0x29: {  	s4 =	sld [smem:$0x3FA9]  }
0x2a: {  	p0 =	seq.s32 s5, $0x0;
	s5 =	sld [smem:$0x3FAA]  }
0x2b: {  	s6 =	sld [smem:$0x3FAB]  }
0x2c: {  	s7 =	sld [smem:$0x3FAC]  }
0x2d: {  	s3 =	simm.s32 $0x108;
	s8 =	sld [smem:$0x3FAD]  }
0x2e: {  	s3 =	simm.s32 @!p0 $0x1082;
	s9 =	sld [smem:$0x3FAE]  }
0x2f: {  	lr =	sadd.s32 s0, s3;
	s0 =	sld [smem:$0x3FA5]  }
0x30: {  	s3 =	sld [smem:$0x3FA8]  }
0x31: {  	[smem:$0x3FB1] =	sst s10  }
0x32: {  	s10 =	sld [smem:$0x3FAF];
	_ =	sdelay $0x3  }
0x33: {  	p0 =	seq.s32 s10, $0x1;
	s10 =	sld [smem:$0x3FB1];
	_ =	sdelay $0x3  }
0x34: {  	[smem:$0x3FB1] =	sst s10  }
0x35: {  	s10 =	sld [smem:$0x3FB0];
	_ =	sdelay $0x3  }
0x36: {  	p1 =	seq.s32 s10, $0x1;
	s10 =	sld [smem:$0x3FB1];
	_ =	sdelay $0x3  }
0x37: {  	[smem:$0x3FB1] =	sst s10  }
0x38: {  	s10 =	sld [smem:$0x3FB2]  }
0x39: {  	_ = 	snop;
	(pc) =	sbr.ind lr, $3  }
0x3a: {  	_ = 	snop  }
0x3b: {  	_ = 	snop  }
0x3c: {  	p2 =	seq.s32 s10, $0x1;
	s10 =	sld [smem:$0x3FB1]  }
0x3d: {  	_ =	shalt  }
0x3e: {  	_ =	shalt  }
0x3f: {  	_ =	shalt  }
0x40: {  	_ =	shalt  }
0x41: {  	_ =	shalt  }
0x42: {  	_ =	shalt  }
0x43: {  	_ =	shalt  }
0x44: {  	_ =	shalt  }
0x45: {  	_ =	shalt  }
0x46: {  	_ =	shalt  }
0x47: {  	_ =	shalt  }
0x48: {  	_ =	shalt  }
0x49: {  	_ =	shalt  }
0x4a: {  	_ =	shalt  }
0x4b: {  	_ =	shalt  }
0x4c: {  	_ =	shalt  }
0x4d: {  	_ =	shalt  }
0x4e: {  	_ =	shalt  }
0x4f: {  	_ =	shalt  }
0x50: {  	_ =	shalt  }
0x51: {  	_ =	shalt  }
0x52: {  	_ =	shalt  }
0x53: {  	_ =	shalt  }
0x54: {  	_ =	shalt  }
0x55: {  	_ =	shalt  }
0x56: {  	_ =	shalt  }
0x57: {  	_ =	shalt  }
0x58: {  	_ =	shalt  }
0x59: {  	_ =	shalt  }
0x5a: {  	_ =	shalt  }
0x5b: {  	_ =	shalt  }
0x5c: {  	_ =	shalt  }
0x5d: {  	_ =	shalt  }
0x5e: {  	_ =	shalt  }
0x5f: {  	_ =	shalt  }
0x60: {  	_ =	shalt  }
0x61: {  	_ =	shalt  }
0x62: {  	_ =	shalt  }
0x63: {  	_ =	shalt  }
0x64: {  	_ =	shalt  }
0x65: {  	_ =	shalt  }
0x66: {  	_ =	shalt  }
0x67: {  	_ =	shalt  }
0x68: {  	_ =	shalt  }
0x69: {  	_ =	shalt  }
0x6a: {  	_ =	shalt  }
0x6b: {  	_ =	shalt  }
0x6c: {  	_ =	shalt  }
0x6d: {  	_ =	shalt  }
0x6e: {  	_ =	shalt  }
0x6f: {  	_ =	shalt  }
0x70: {  	_ =	shalt  }
0x71: {  	_ =	shalt  }
0x72: {  	_ =	shalt  }
0x73: {  	_ =	shalt  }
0x74: {  	_ =	shalt  }
0x75: {  	_ =	shalt  }
0x76: {  	_ =	shalt  }
0x77: {  	_ =	shalt  }
0x78: {  	_ =	shalt  }
0x79: {  	_ =	shalt  }
0x7a: {  	_ =	shalt  }
0x7b: {  	_ =	shalt  }
0x7c: {  	_ =	shalt  }
0x7d: {  	_ =	shalt  }
0x7e: {  	_ =	shalt  }
0x7f: {  	_ =	shalt  }
0x80: {  	_ =	shalt  }
0x81: {  	_ =	shalt  }
0x82: {  	_ =	shalt  }
0x83: {  	_ =	shalt  }
0x84: {  	_ =	shalt  }
0x85: {  	_ =	shalt  }
0x86: {  	_ =	shalt  }
0x87: {  	_ =	shalt  }
.Lfunc_end0:
.L_simem_size_0:
called_computation.1_lowered:
.L_overlay_start_0:
0x88: {  	s2 =	sld [smem:$0x3FD9]  }
0x89: {  	s3 =	sld [smem:$0x3FFE];
	_ =	sdelay $0x1  }
0x8a: {  	s1 =	srdreg.scid  }
0x8b: {  	s0 =	sand.u32 $0x1, s1  }
0x8c: {  	s14 =	sshll.u32 s0, $0xA;
	s2 =	sadd.s32 s3, s2  }
0x8d: {  	s2 =	sadd.s32 s2, s14  }
0x8e: {  	[smem:$0x3FBD] =	sst s2  }
0x8f: {  	_ = 	snop  }
0x90: {  	s2 =	sld [smem:$0x3FD0];
	_ =	sdelay $0x2  }
0x91: {  	s4 =	simm.s32 $0xA;
	s5 =	simm.s32 $0x10;
	s15 =	sld [smem:$0x3FC5]  }
0x92: {  	[smem:s5], [sflag:s4] =	dma.local [hbm:s2], $0x1  }
0x93: {  	_ =	swait.eq [sflag:s4], $0x1  }
0x94: {  	[sflag:s4] =	ssyncset.done $0x0  }
0x95: {  	[sflag:s4] =	ssyncadd.s32 $0xFFFFFFFF  }
0x96: {  	s16 =	sld [smem:$0x10];
	(tm) =	ssettm $0x1  }
0x97: {  	s17 =	sld [smem:$0x3FFB];
	_ =	sdelay $0x3  }
0x98: {  	_ =	strace s17  }
0x99: {  	s4 =	sld [smem:$0x3FFC];
	_ =	sdelay $0x3  }
0x9a: {  	_ =	strace s4  }
0x9b: {  	s4 =	sld [smem:$0x3FFD];
	_ =	sdelay $0x3  }
0x9c: {  	_ =	strace s4  }
0x9d: {  	_ =	strace $0x8FFFFFFF  }
0x9e: {  	s18 =	sld [smem:$0x3FDB];
	_ =	sdelay $0x1  }
0x9f: {  	s19 =	simm.s32 $_scs_section_size  }
0xa0: {  	s6 =	simm.s32 $_size__tile_overlayer_lowered;
	s7 =	simm.s32 $_tile_overlayer_lowered  }
0xa1: {  	s22 =	simm.s32 $0x1BFF;
	s21 =	sshll.u32 s7, $0x1;
	s4 =	sadd.s32 s19, s18  }
0xa2: {  	s8 =	simm.s32 $0x0;
	s20 =	sshll.u32 s6, $0x1;
	s6 =	sadd.s32 s21, s4  }
0xa3: {  	[timem:s8], [sflag:s22] =	dma.local [hbm:s6], s20  }
0xa4: {  	_ =	swait.ge [sflag:s22], s20  }
0xa5: {  	s5 =	ssub.s32 $0x0, s20;
	[sflag:s22] =	ssyncset.done $0x0  }
0xa6: {  	[sflag:s22] =	ssyncadd.s32 s5;
	_ =	sdelay $0x1  }
0xa7: {  	s23 =	simm.s32 $0x1B8B  }
0xa8: {  	_ =	swait.ge [sflag:s23], $0x1  }
0xa9: {  	[sflag:s23] =	ssyncset.done $0x0  }
0xaa: {  	s25 =	simm.s32 $0x1B8E;
	s24 =	sld [smem:$0x3FFE];
	[sflag:s23] =	ssyncadd.s32 $0xFFFFFFFF  }
0xab: {  	s26 =	simm.s32 $execute0_lowered;
	[smem:$0x3FD2] =	sst s25  }
0xac: {  	s6 =	sshll.u32 s26, $0x1;
	_ =	strace $0x80000049;
	[dreg:$0x1] =	wrdreg $0xFFFFFFFF  }
0xad: {  	s28 =	simm.s32 $_size_execute0_lowered;
	s4 =	sadd.s32 s4, s6;
	[dreg:$0x0] =	wrdreg $0x0  }
0xae: {  	s6 =	sshll.u32 s28, $0x1;
	[dreg:$0x2] =	wrdreg s4  }
0xaf: {  	[dreg:$0x3] =	wrdreg s6  }
0xb0: {  	[dreg:$0x4] =	wrdreg $0xC0  }
0xb1: {  	_ =	task [dreg:s8], $0x5FFFF  }
0xb2: {  	[dreg:$0x1] =	wrdreg $0xFFFFFFFF  }
0xb3: {  	[dreg:$0x0] =	wrdreg $0x60  }
0xb4: {  	[dreg:$0x2] =	wrdreg s15  }
0xb5: {  	[dreg:$0x3] =	wrdreg s24  }
0xb6: {  	[dreg:$0x4] =	wrdreg s16  }
0xb7: {  	[dreg:$0x5] =	wrdreg $0x9  }
0xb8: {  	_ =	task.clear_ibuf [dreg:s8], $0x6FFFF;
	_ =	strace $0x90000049  }
0xb9: {  	s29 =	simm.s32 $0x9;
	_ =	strace $0x8000004B  }
0xba: {  	_ =	swait.ge [sflag:s29], $0x1  }
0xbb: {  	[sflag:s29] =	ssyncadd.s32 $0xFFFFFFFF  }
0xbc: {  	_ =	strace $0x9000004B  }
0xbd: {  	_ =	sfence  }
0xbe: {  	s30 =	sld [smem:$0x0];
	_ =	sdelay $0x2  }
0xbf: {  	s31 =	sshll.u32 s1, $0xD;
	s1 =	sshrl.u32 s1, $0x2  }
0xc0: {  	s3 =	sand.u32 $0x4000, s31;
	s1 =	sadd.s32 s1, s30  }
0xc1: {  	s0 =	sor.u32 s3, s0;
	s1 =	sshll.u32 s1, $0x11  }
0xc2: {  	s0 =	sor.u32 s1, s0  }
0xc3: {  	s0 =	sadd.s32 $0x8F2B, s0  }
0xc4: {  	[sflag:s0] =	ssyncadd.remote.s32 $0x1  }
0xc5: {  	_ =	sfence.sel $0xFFFF  }
0xc6: {  	[dreg:$0x0] =	wrdreg $0xFFFFFFFF;
	(pc) =	sbr.abs _section_cstart, $3  }
0xc7: {  	[dreg:$0x1] =	wrdreg $0xFFFFFFFF  }
0xc8: {  	_ =	task.clear_ibuf [dreg:s8], $0x2FFFF;
	_ =	strace $0x9FFFFFFF  }
0xc9: {  	(tm) =	ssettm $0x7FFFFFFF  }
tec
execute0_lowered:
.L_overlay_start_1:
0x0: {  	(tag) =	ssettag $0x1  }
0x1: {  	s1 =	rddreg [dreg:$0x0]  }
0x2: {  	s0 =	rddreg [dreg:$0x1]  }
0x3: {  	s2 =	rddreg [dreg:$0x2]  }
0x4: {  	s18 =	srdreg.scid;
	s4 =	stileid.u32  }
0x5: {  	s3 =	simm.s32 $0x0;
	s25 =	simm.s32 $0x14100;
	s26 =	simm.s32 $0x14200  }
0x6: {  	s10 =	simm.s32 $0xC100;
	s13 =	simm.s32 $0x1100;
	s14 =	simm.s32 $0x1900  }
0x7: {  	s15 =	simm.s32 $0x2100;
	s16 =	simm.s32 $0x2900;
	s17 =	simm.s32 $0x3100  }
0x8: {  	s28 =	simm.s32 $0x8100;
	s29 =	simm.s32 $0x8900;
	s30 =	simm.s32 $0x9100  }
0x9: {  	s31 =	simm.s32 $0x9900;
	s9 =	simm.s32 $0xB100;
	[dreg:$0x4] =	wrdreg s2  }
0xa: {  	s2 =	sand.u32 $0x1, s18;
	s4 =	sshll.u32 s4, $0x1;
	[smem:$0x7FF] =	sst s3  }
0xb: {  	s8 =	sadd.s32 $0x27200, s0;
	s18 =	simm.s32 $0x3900;
	s4 =	sor.u32 s2, s4  }
0xc: {  	_ =	strace $0x8000004A;
	s2 =	ssub.s32 $0x2, s2;
	[dreg:$0xb] =	wrdreg s25  }
0xd: {  	[dreg:$0xc] =	wrdreg s26;
	s25 =	simm.s32 $0x7100;
	s26 =	simm.s32 $0x7900  }
0xe: {  	s5 =	sshll.u32 s4, $0x5;
	s6 =	smul.u32 $0x6000, s4;
	s19 =	sshll.u32 s4, $0x4  }
0xf: {  	s4 =	smul.u32 $0x30000, s4;
	s22 =	sshrl.u32 s2, $0x1;
	s7 =	sadd.s32 s5, s0  }
0x10: {  	s0 =	sadd.s32 s19, s0;
	s2 =	ssub.s32 s2, s22;
	s5 =	sadd.s32 $0x100, s1  }
0x11: {  	s19 =	simm.s32 $0x4100;
	s22 =	simm.s32 $0x5900;
	s20 =	sadd.s32 $0x26A00, s7  }
0x12: {  	s6 =	sadd.s32 s8, s6;
	s4 =	sshrl.u32 s4, $0x3;
	[dreg:$0x5] =	wrdreg s20  }
0x13: {  	s24 =	sadd.s32 $0x26E00, s7;
	s0 =	sadd.s32 $0xE7200, s0;
	[dreg:$0xd] =	wrdreg s6  }
0x14: {  	s7 =	smax.u32 s2, $0x1;
	s21 =	sadd.s32 $0x1800, s6;
	[dreg:$0x9] =	wrdreg s24  }
0x15: {  	s4 =	sadd.s32 s8, s4;
	s6 =	sadd.s32 $0x200, s1;
	[dreg:$0xa] =	wrdreg s0  }
0x16: {  	s8 =	simm.s32 $0x2;
	s0 =	simm.s32 $0x100;
	s20 =	simm.s32 $0x4900  }
0x17: {  	v2 =	vlaneseq.u32;
	s24 =	simm.s32 $0x6900;
	[dreg:$0x6] =	wrdreg s21;
	s23 =	sadd.s32 $0x3000, s4  }
0x18: {  	vm0 =	vmmov $0xffff;
	v1 =	vshrl.u32 v2, $0x3;
	s4 =	sadd.s32 $0x4800, s4;
	s21 =	simm.s32 $0x5100;
	[dreg:$0x7] =	wrdreg s23  }
0x19: {  	v0 =	vand.u32 $0x7, v2;
	v2 =	vor.u32 $0x8, v2;
	v1 =	vmul.u32 $0x8, v1;
	[dreg:$0x8] =	wrdreg s4;
	s4 =	simm.s32 $0x1;
	s23 =	simm.s32 $0x6100  }
.LBB2_1:
0x1a: {  	s11 =	rddreg [dreg:$0x5]  }
0x1b: {  	[tilespmem:s3], [sflag:$0x2] =	stream.linear.gather [hbm4b:s11+s3], $0x100, $0x38;
	[tilespmem:$0x14280] =	vst v63  }
0x1c: {  	_ =	swait.ge [sflag:s8], $0x100  }
0x1d: {  	[sflag:s8] =	ssyncset.done $0x0  }
0x1e: {  	[sflag:s8] =	ssyncadd.s32 $0xFFFFFF00  }
0x1f: {  	v3 =	vld [tilespmem:$0x0];
	_ =	sdelay $0x4  }
0x20: {  	v4 =	vshrl.u32 v3, $0x3  }
0x21: {  	v4 =	vmul.u32 $0x30, v4  }
0x22: {  	v3 =	vand.u32 $0x7, v3  }
0x23: {  	v3 =	vor.u32 v3, v4  }
0x24: {  	v4 =	vperm.xlane v3, v0;
	_ =	sdelay $0x1  }
0x25: {  	v4 =	vadd.s32 v1, v4;
	_ =	sdelay $0x3  }
0x26: {  	v3 =	vperm.xlane v3, v2  }
0x27: {  	[tilespmem:s0], [sflag:$0x1] =	stream.indirect_vreg.gather [hbm4b:s1+s3], $0x80, v4, vm0, $0xb8;
	[tilespmem:$0x14280] =	vst v63  }
0x28: {  	s12 =	simm.s32 $0x900;
	v3 =	vadd.s32 v1, v3  }
0x29: {  	[tilespmem:s12], [sflag:$0x1] =	stream.indirect_vreg.gather [hbm4b:s5+s3], $0x80, v4, vm0, $0xb8;
	[tilespmem:$0x14280] =	vst v63  }
0x2a: {  	_ = 	snop  }
0x2b: {  	[tilespmem:s13], [sflag:$0x1] =	stream.indirect_vreg.gather [hbm4b:s6+s3], $0x80, v4, vm0, $0xb8;
	[tilespmem:$0x14280] =	vst v63  }
0x2c: {  	_ = 	snop  }
0x2d: {  	[tilespmem:s14], [sflag:$0x1] =	stream.indirect_vreg.gather [hbm4b:s1+s3], $0x80, v3, vm0, $0xb8;
	[tilespmem:$0x14280] =	vst v63  }
0x2e: {  	_ = 	snop  }
0x2f: {  	[tilespmem:s15], [sflag:$0x1] =	stream.indirect_vreg.gather [hbm4b:s5+s3], $0x80, v3, vm0, $0xb8;
	[tilespmem:$0x14280] =	vst v63  }
0x30: {  	_ = 	snop  }
0x31: {  	[tilespmem:s16], [sflag:$0x1] =	stream.indirect_vreg.gather [hbm4b:s6+s3], $0x80, v3, vm0, $0xb8;
	[tilespmem:$0x14280] =	vst v63  }
0x32: {  	v3 =	vld [tilespmem:$0x10];
	_ =	sdelay $0x4  }
0x33: {  	v10 =	vshrl.u32 v3, $0x3  }
0x34: {  	v4 =	vmul.u32 $0x30, v10  }
0x35: {  	v3 =	vand.u32 $0x7, v3  }
0x36: {  	v3 =	vor.u32 v3, v4  }
0x37: {  	v4 =	vperm.xlane v3, v0;
	_ =	sdelay $0x1  }
0x38: {  	v4 =	vadd.s32 v1, v4;
	_ =	sdelay $0x3  }
0x39: {  	v3 =	vperm.xlane v3, v2  }
0x3a: {  	[tilespmem:s17], [sflag:$0x1] =	stream.indirect_vreg.gather [hbm4b:s1+s3], $0x80, v4, vm0, $0xb8;
	[tilespmem:$0x14280] =	vst v63  }
0x3b: {  	v3 =	vadd.s32 v1, v3  }
0x3c: {  	[tilespmem:s18], [sflag:$0x1] =	stream.indirect_vreg.gather [hbm4b:s5+s3], $0x80, v4, vm0, $0xb8;
	[tilespmem:$0x14280] =	vst v63  }
0x3d: {  	_ = 	snop  }
0x3e: {  	[tilespmem:s19], [sflag:$0x1] =	stream.indirect_vreg.gather [hbm4b:s6+s3], $0x80, v4, vm0, $0xb8;
	[tilespmem:$0x14280] =	vst v63  }
0x3f: {  	_ = 	snop  }
0x40: {  	[tilespmem:s20], [sflag:$0x1] =	stream.indirect_vreg.gather [hbm4b:s1+s3], $0x80, v3, vm0, $0xb8;
	[tilespmem:$0x14280] =	vst v63  }
0x41: {  	_ = 	snop  }
0x42: {  	[tilespmem:s21], [sflag:$0x1] =	stream.indirect_vreg.gather [hbm4b:s5+s3], $0x80, v3, vm0, $0xb8;
	[tilespmem:$0x14280] =	vst v63  }
0x43: {  	_ = 	snop  }
0x44: {  	[tilespmem:s22], [sflag:$0x1] =	stream.indirect_vreg.gather [hbm4b:s6+s3], $0x80, v3, vm0, $0xb8;
	[tilespmem:$0x14280] =	vst v63  }
0x45: {  	v3 =	vld [tilespmem:$0x20];
	_ =	sdelay $0x4  }
0x46: {  	v11 =	vshrl.u32 v3, $0x3  }
0x47: {  	v4 =	vmul.u32 $0x30, v11  }
0x48: {  	v3 =	vand.u32 $0x7, v3  }
0x49: {  	v3 =	vor.u32 v3, v4  }
0x4a: {  	v4 =	vperm.xlane v3, v0;
	_ =	sdelay $0x1  }
0x4b: {  	v4 =	vadd.s32 v1, v4;
	_ =	sdelay $0x3  }
0x4c: {  	v3 =	vperm.xlane v3, v2  }
0x4d: {  	[tilespmem:s23], [sflag:$0x1] =	stream.indirect_vreg.gather [hbm4b:s1+s3], $0x80, v4, vm0, $0xb8;
	[tilespmem:$0x14280] =	vst v63  }
0x4e: {  	v3 =	vadd.s32 v1, v3  }
0x4f: {  	[tilespmem:s24], [sflag:$0x1] =	stream.indirect_vreg.gather [hbm4b:s5+s3], $0x80, v4, vm0, $0xb8;
	[tilespmem:$0x14280] =	vst v63  }
0x50: {  	_ = 	snop  }
0x51: {  	[tilespmem:s25], [sflag:$0x1] =	stream.indirect_vreg.gather [hbm4b:s6+s3], $0x80, v4, vm0, $0xb8;
	[tilespmem:$0x14280] =	vst v63  }
0x52: {  	_ = 	snop  }
0x53: {  	[tilespmem:s26], [sflag:$0x1] =	stream.indirect_vreg.gather [hbm4b:s1+s3], $0x80, v3, vm0, $0xb8;
	[tilespmem:$0x14280] =	vst v63  }
0x54: {  	_ = 	snop  }
0x55: {  	[tilespmem:s28], [sflag:$0x1] =	stream.indirect_vreg.gather [hbm4b:s5+s3], $0x80, v3, vm0, $0xb8;
	[tilespmem:$0x14280] =	vst v63  }
0x56: {  	_ = 	snop  }
0x57: {  	[tilespmem:s29], [sflag:$0x1] =	stream.indirect_vreg.gather [hbm4b:s6+s3], $0x80, v3, vm0, $0xb8;
	[tilespmem:$0x14280] =	vst v63  }
0x58: {  	v3 =	vld [tilespmem:$0x30];
	_ =	sdelay $0x4  }
0x59: {  	v12 =	vshrl.u32 v3, $0x3  }
0x5a: {  	v4 =	vmul.u32 $0x30, v12  }
0x5b: {  	v3 =	vand.u32 $0x7, v3  }
0x5c: {  	v3 =	vor.u32 v3, v4  }
0x5d: {  	v4 =	vperm.xlane v3, v0;
	_ =	sdelay $0x1  }
0x5e: {  	v4 =	vadd.s32 v1, v4;
	_ =	sdelay $0x3  }
0x5f: {  	v3 =	vperm.xlane v3, v2  }
0x60: {  	[tilespmem:s30], [sflag:$0x1] =	stream.indirect_vreg.gather [hbm4b:s1+s3], $0x80, v4, vm0, $0xb8;
	[tilespmem:$0x14280] =	vst v63  }
0x61: {  	v3 =	vadd.s32 v1, v3  }
0x62: {  	[tilespmem:s31], [sflag:$0x1] =	stream.indirect_vreg.gather [hbm4b:s5+s3], $0x80, v4, vm0, $0xb8;
	[tilespmem:$0x14280] =	vst v63  }
0x63: {  	s2 =	simm.s32 $0xA100  }
0x64: {  	[tilespmem:s2], [sflag:$0x1] =	stream.indirect_vreg.gather [hbm4b:s6+s3], $0x80, v4, vm0, $0xb8;
	[tilespmem:$0x14280] =	vst v63  }
0x65: {  	s2 =	simm.s32 $0xA900  }
0x66: {  	[tilespmem:s2], [sflag:$0x1] =	stream.indirect_vreg.gather [hbm4b:s1+s3], $0x80, v3, vm0, $0xb8;
	[tilespmem:$0x14280] =	vst v63  }
0x67: {  	_ = 	snop  }
0x68: {  	[tilespmem:s9], [sflag:$0x1] =	stream.indirect_vreg.gather [hbm4b:s5+s3], $0x80, v3, vm0, $0xb8;
	[tilespmem:$0x14280] =	vst v63  }
0x69: {  	s11 =	simm.s32 $0xB900  }
0x6a: {  	[tilespmem:s11], [sflag:$0x1] =	stream.indirect_vreg.gather [hbm4b:s6+s3], $0x80, v3, vm0, $0xb8;
	[tilespmem:$0x14280] =	vst v63  }
0x6b: {  	_ =	swait.ge [sflag:s4], $0xC000  }
0x6c: {  	[sflag:s4] =	ssyncset.done $0x0  }
0x6d: {  	s11 =	rddreg [dreg:$0xd];
	[sflag:s4] =	ssyncadd.s32 $0xFFFF4000  }
0x6e: {  	[hbm4b:s11+s3] =	stream.linear.scatter [tilespmem:s0], [sflag:$0x2], $0xC000, $0x38;
	[tilespmem:$0x14280] =	vst v63  }
0x6f: {  	_ =	swait.ge [sflag:s8], $0xC000  }
0x70: {  	[sflag:s8] =	ssyncset.done $0x0  }
0x71: {  	[sflag:s8] =	ssyncadd.s32 $0xFFFF4000  }
0x72: {  	v3 =	vld [tilespmem:$0x40];
	_ =	sdelay $0x4  }
0x73: {  	v13 =	vshrl.u32 v3, $0x3  }
0x74: {  	v4 =	vmul.u32 $0x30, v13  }
0x75: {  	v3 =	vand.u32 $0x7, v3  }
0x76: {  	v3 =	vor.u32 v3, v4  }
0x77: {  	v4 =	vperm.xlane v3, v0;
	_ =	sdelay $0x1  }
0x78: {  	v4 =	vadd.s32 v1, v4;
	_ =	sdelay $0x3  }
0x79: {  	v3 =	vperm.xlane v3, v2  }
0x7a: {  	[tilespmem:s0], [sflag:$0x1] =	stream.indirect_vreg.gather [hbm4b:s1+s3], $0x80, v4, vm0, $0xb8;
	[tilespmem:$0x14280] =	vst v63  }
0x7b: {  	v3 =	vadd.s32 v1, v3  }
0x7c: {  	[tilespmem:s12], [sflag:$0x1] =	stream.indirect_vreg.gather [hbm4b:s5+s3], $0x80, v4, vm0, $0xb8;
	[tilespmem:$0x14280] =	vst v63  }
0x7d: {  	_ = 	snop  }
0x7e: {  	[tilespmem:s13], [sflag:$0x1] =	stream.indirect_vreg.gather [hbm4b:s6+s3], $0x80, v4, vm0, $0xb8;
	[tilespmem:$0x14280] =	vst v63  }
0x7f: {  	_ = 	snop  }
0x80: {  	[tilespmem:s14], [sflag:$0x1] =	stream.indirect_vreg.gather [hbm4b:s1+s3], $0x80, v3, vm0, $0xb8;
	[tilespmem:$0x14280] =	vst v63  }
0x81: {  	_ = 	snop  }
0x82: {  	[tilespmem:s15], [sflag:$0x1] =	stream.indirect_vreg.gather [hbm4b:s5+s3], $0x80, v3, vm0, $0xb8;
	[tilespmem:$0x14280] =	vst v63  }
0x83: {  	_ = 	snop  }
0x84: {  	[tilespmem:s16], [sflag:$0x1] =	stream.indirect_vreg.gather [hbm4b:s6+s3], $0x80, v3, vm0, $0xb8;
	[tilespmem:$0x14280] =	vst v63  }
0x85: {  	v3 =	vld [tilespmem:$0x50];
	_ =	sdelay $0x4  }
0x86: {  	v14 =	vshrl.u32 v3, $0x3  }
0x87: {  	v4 =	vmul.u32 $0x30, v14  }
0x88: {  	v3 =	vand.u32 $0x7, v3  }
0x89: {  	v3 =	vor.u32 v3, v4  }
0x8a: {  	v4 =	vperm.xlane v3, v0;
	_ =	sdelay $0x1  }
0x8b: {  	v4 =	vadd.s32 v1, v4;
	_ =	sdelay $0x3  }
0x8c: {  	v3 =	vperm.xlane v3, v2  }
0x8d: {  	[tilespmem:s17], [sflag:$0x1] =	stream.indirect_vreg.gather [hbm4b:s1+s3], $0x80, v4, vm0, $0xb8;
	[tilespmem:$0x14280] =	vst v63  }
0x8e: {  	v3 =	vadd.s32 v1, v3  }
0x8f: {  	[tilespmem:s18], [sflag:$0x1] =	stream.indirect_vreg.gather [hbm4b:s5+s3], $0x80, v4, vm0, $0xb8;
	[tilespmem:$0x14280] =	vst v63  }
0x90: {  	_ = 	snop  }
0x91: {  	[tilespmem:s19], [sflag:$0x1] =	stream.indirect_vreg.gather [hbm4b:s6+s3], $0x80, v4, vm0, $0xb8;
	[tilespmem:$0x14280] =	vst v63  }
0x92: {  	_ = 	snop  }
0x93: {  	[tilespmem:s20], [sflag:$0x1] =	stream.indirect_vreg.gather [hbm4b:s1+s3], $0x80, v3, vm0, $0xb8;
	[tilespmem:$0x14280] =	vst v63  }
0x94: {  	_ = 	snop  }
0x95: {  	[tilespmem:s21], [sflag:$0x1] =	stream.indirect_vreg.gather [hbm4b:s5+s3], $0x80, v3, vm0, $0xb8;
	[tilespmem:$0x14280] =	vst v63  }
0x96: {  	_ = 	snop  }
0x97: {  	[tilespmem:s22], [sflag:$0x1] =	stream.indirect_vreg.gather [hbm4b:s6+s3], $0x80, v3, vm0, $0xb8;
	[tilespmem:$0x14280] =	vst v63  }
0x98: {  	v3 =	vld [tilespmem:$0x60];
	_ =	sdelay $0x4  }
0x99: {  	v15 =	vshrl.u32 v3, $0x3  }
0x9a: {  	v4 =	vmul.u32 $0x30, v15  }
0x9b: {  	v3 =	vand.u32 $0x7, v3  }
0x9c: {  	v3 =	vor.u32 v3, v4  }
0x9d: {  	v4 =	vperm.xlane v3, v0;
	_ =	sdelay $0x1  }
0x9e: {  	v4 =	vadd.s32 v1, v4;
	_ =	sdelay $0x3  }
0x9f: {  	v3 =	vperm.xlane v3, v2  }
0xa0: {  	[tilespmem:s23], [sflag:$0x1] =	stream.indirect_vreg.gather [hbm4b:s1+s3], $0x80, v4, vm0, $0xb8;
	[tilespmem:$0x14280] =	vst v63  }
0xa1: {  	v3 =	vadd.s32 v1, v3  }
0xa2: {  	[tilespmem:s24], [sflag:$0x1] =	stream.indirect_vreg.gather [hbm4b:s5+s3], $0x80, v4, vm0, $0xb8;
	[tilespmem:$0x14280] =	vst v63  }
0xa3: {  	_ = 	snop  }
0xa4: {  	[tilespmem:s25], [sflag:$0x1] =	stream.indirect_vreg.gather [hbm4b:s6+s3], $0x80, v4, vm0, $0xb8;
	[tilespmem:$0x14280] =	vst v63  }
0xa5: {  	_ = 	snop  }
0xa6: {  	[tilespmem:s26], [sflag:$0x1] =	stream.indirect_vreg.gather [hbm4b:s1+s3], $0x80, v3, vm0, $0xb8;
	[tilespmem:$0x14280] =	vst v63  }
0xa7: {  	_ = 	snop  }
0xa8: {  	[tilespmem:s28], [sflag:$0x1] =	stream.indirect_vreg.gather [hbm4b:s5+s3], $0x80, v3, vm0, $0xb8;
	[tilespmem:$0x14280] =	vst v63  }
0xa9: {  	_ = 	snop  }
0xaa: {  	[tilespmem:s29], [sflag:$0x1] =	stream.indirect_vreg.gather [hbm4b:s6+s3], $0x80, v3, vm0, $0xb8;
	[tilespmem:$0x14280] =	vst v63  }
0xab: {  	v3 =	vld [tilespmem:$0x70];
	_ =	sdelay $0x4  }
0xac: {  	v16 =	vshrl.u32 v3, $0x3  }
0xad: {  	v4 =	vmul.u32 $0x30, v16  }
0xae: {  	v3 =	vand.u32 $0x7, v3  }
0xaf: {  	v3 =	vor.u32 v3, v4  }
0xb0: {  	v4 =	vperm.xlane v3, v0;
	_ =	sdelay $0x1  }
0xb1: {  	v4 =	vadd.s32 v1, v4;
	_ =	sdelay $0x3  }
0xb2: {  	v3 =	vperm.xlane v3, v2  }
0xb3: {  	[tilespmem:s30], [sflag:$0x1] =	stream.indirect_vreg.gather [hbm4b:s1+s3], $0x80, v4, vm0, $0xb8;
	[tilespmem:$0x14280] =	vst v63  }
0xb4: {  	v3 =	vadd.s32 v1, v3  }
0xb5: {  	[tilespmem:s31], [sflag:$0x1] =	stream.indirect_vreg.gather [hbm4b:s5+s3], $0x80, v4, vm0, $0xb8;
	[tilespmem:$0x14280] =	vst v63  }
0xb6: {  	s11 =	simm.s32 $0xA100  }
0xb7: {  	[tilespmem:s11], [sflag:$0x1] =	stream.indirect_vreg.gather [hbm4b:s6+s3], $0x80, v4, vm0, $0xb8;
	[tilespmem:$0x14280] =	vst v63  }
0xb8: {  	_ = 	snop  }
0xb9: {  	[tilespmem:s2], [sflag:$0x1] =	stream.indirect_vreg.gather [hbm4b:s1+s3], $0x80, v3, vm0, $0xb8;
	[tilespmem:$0x14280] =	vst v63  }
0xba: {  	_ = 	snop  }
0xbb: {  	[tilespmem:s9], [sflag:$0x1] =	stream.indirect_vreg.gather [hbm4b:s5+s3], $0x80, v3, vm0, $0xb8;
	[tilespmem:$0x14280] =	vst v63  }
0xbc: {  	s11 =	simm.s32 $0xB900  }
0xbd: {  	[tilespmem:s11], [sflag:$0x1] =	stream.indirect_vreg.gather [hbm4b:s6+s3], $0x80, v3, vm0, $0xb8;
	[tilespmem:$0x14280] =	vst v63  }
0xbe: {  	_ =	swait.ge [sflag:s4], $0xC000  }
0xbf: {  	[sflag:s4] =	ssyncset.done $0x0  }
0xc0: {  	s11 =	rddreg [dreg:$0x6];
	[sflag:s4] =	ssyncadd.s32 $0xFFFF4000  }
0xc1: {  	[hbm4b:s11+s3] =	stream.linear.scatter [tilespmem:s0], [sflag:$0x2], $0xC000, $0x38;
	[tilespmem:$0x14280] =	vst v63  }
0xc2: {  	_ =	swait.ge [sflag:s8], $0xC000  }
0xc3: {  	[sflag:s8] =	ssyncset.done $0x0  }
0xc4: {  	[sflag:s8] =	ssyncadd.s32 $0xFFFF4000  }
0xc5: {  	v3 =	vld [tilespmem:$0x80];
	_ =	sdelay $0x4  }
0xc6: {  	v17 =	vshrl.u32 v3, $0x3  }
0xc7: {  	v4 =	vmul.u32 $0x30, v17  }
0xc8: {  	v3 =	vand.u32 $0x7, v3  }
0xc9: {  	v3 =	vor.u32 v3, v4  }
0xca: {  	v4 =	vperm.xlane v3, v0;
	_ =	sdelay $0x1  }
0xcb: {  	v4 =	vadd.s32 v1, v4;
	_ =	sdelay $0x3  }
0xcc: {  	v3 =	vperm.xlane v3, v2  }
0xcd: {  	[tilespmem:s0], [sflag:$0x1] =	stream.indirect_vreg.gather [hbm4b:s1+s3], $0x80, v4, vm0, $0xb8;
	[tilespmem:$0x14280] =	vst v63  }
0xce: {  	v3 =	vadd.s32 v1, v3  }
0xcf: {  	[tilespmem:s12], [sflag:$0x1] =	stream.indirect_vreg.gather [hbm4b:s5+s3], $0x80, v4, vm0, $0xb8;
	[tilespmem:$0x14280] =	vst v63  }
0xd0: {  	_ = 	snop  }
0xd1: {  	[tilespmem:s13], [sflag:$0x1] =	stream.indirect_vreg.gather [hbm4b:s6+s3], $0x80, v4, vm0, $0xb8;
	[tilespmem:$0x14280] =	vst v63  }
0xd2: {  	_ = 	snop  }
0xd3: {  	[tilespmem:s14], [sflag:$0x1] =	stream.indirect_vreg.gather [hbm4b:s1+s3], $0x80, v3, vm0, $0xb8;
	[tilespmem:$0x14280] =	vst v63  }
0xd4: {  	_ = 	snop  }
0xd5: {  	[tilespmem:s15], [sflag:$0x1] =	stream.indirect_vreg.gather [hbm4b:s5+s3], $0x80, v3, vm0, $0xb8;
	[tilespmem:$0x14280] =	vst v63  }
0xd6: {  	_ = 	snop  }
0xd7: {  	[tilespmem:s16], [sflag:$0x1] =	stream.indirect_vreg.gather [hbm4b:s6+s3], $0x80, v3, vm0, $0xb8;
	[tilespmem:$0x14280] =	vst v63  }
0xd8: {  	v3 =	vld [tilespmem:$0x90];
	_ =	sdelay $0x4  }
0xd9: {  	v18 =	vshrl.u32 v3, $0x3  }
0xda: {  	v4 =	vmul.u32 $0x30, v18  }
0xdb: {  	v3 =	vand.u32 $0x7, v3  }
0xdc: {  	v3 =	vor.u32 v3, v4  }
0xdd: {  	v4 =	vperm.xlane v3, v0;
	_ =	sdelay $0x1  }
0xde: {  	v4 =	vadd.s32 v1, v4;
	_ =	sdelay $0x3  }
0xdf: {  	v3 =	vperm.xlane v3, v2  }
0xe0: {  	[tilespmem:s17], [sflag:$0x1] =	stream.indirect_vreg.gather [hbm4b:s1+s3], $0x80, v4, vm0, $0xb8;
	[tilespmem:$0x14280] =	vst v63  }
0xe1: {  	v3 =	vadd.s32 v1, v3  }
0xe2: {  	[tilespmem:s18], [sflag:$0x1] =	stream.indirect_vreg.gather [hbm4b:s5+s3], $0x80, v4, vm0, $0xb8;
	[tilespmem:$0x14280] =	vst v63  }
0xe3: {  	_ = 	snop  }
0xe4: {  	[tilespmem:s19], [sflag:$0x1] =	stream.indirect_vreg.gather [hbm4b:s6+s3], $0x80, v4, vm0, $0xb8;
	[tilespmem:$0x14280] =	vst v63  }
0xe5: {  	_ = 	snop  }
0xe6: {  	[tilespmem:s20], [sflag:$0x1] =	stream.indirect_vreg.gather [hbm4b:s1+s3], $0x80, v3, vm0, $0xb8;
	[tilespmem:$0x14280] =	vst v63  }
0xe7: {  	_ = 	snop  }
0xe8: {  	[tilespmem:s21], [sflag:$0x1] =	stream.indirect_vreg.gather [hbm4b:s5+s3], $0x80, v3, vm0, $0xb8;
	[tilespmem:$0x14280] =	vst v63  }
0xe9: {  	_ = 	snop  }
0xea: {  	[tilespmem:s22], [sflag:$0x1] =	stream.indirect_vreg.gather [hbm4b:s6+s3], $0x80, v3, vm0, $0xb8;
	[tilespmem:$0x14280] =	vst v63  }
0xeb: {  	v3 =	vld [tilespmem:$0xA0];
	_ =	sdelay $0x4  }
0xec: {  	v19 =	vshrl.u32 v3, $0x3  }
0xed: {  	v4 =	vmul.u32 $0x30, v19  }
0xee: {  	v3 =	vand.u32 $0x7, v3  }
0xef: {  	v3 =	vor.u32 v3, v4  }
0xf0: {  	v4 =	vperm.xlane v3, v0;
	_ =	sdelay $0x1  }
0xf1: {  	v4 =	vadd.s32 v1, v4;
	_ =	sdelay $0x3  }
0xf2: {  	v3 =	vperm.xlane v3, v2  }
0xf3: {  	[tilespmem:s23], [sflag:$0x1] =	stream.indirect_vreg.gather [hbm4b:s1+s3], $0x80, v4, vm0, $0xb8;
	[tilespmem:$0x14280] =	vst v63  }
0xf4: {  	v3 =	vadd.s32 v1, v3  }
0xf5: {  	[tilespmem:s24], [sflag:$0x1] =	stream.indirect_vreg.gather [hbm4b:s5+s3], $0x80, v4, vm0, $0xb8;
	[tilespmem:$0x14280] =	vst v63  }
0xf6: {  	_ = 	snop  }
0xf7: {  	[tilespmem:s25], [sflag:$0x1] =	stream.indirect_vreg.gather [hbm4b:s6+s3], $0x80, v4, vm0, $0xb8;
	[tilespmem:$0x14280] =	vst v63  }
0xf8: {  	_ = 	snop  }
0xf9: {  	[tilespmem:s26], [sflag:$0x1] =	stream.indirect_vreg.gather [hbm4b:s1+s3], $0x80, v3, vm0, $0xb8;
	[tilespmem:$0x14280] =	vst v63  }
0xfa: {  	_ = 	snop  }
0xfb: {  	[tilespmem:s28], [sflag:$0x1] =	stream.indirect_vreg.gather [hbm4b:s5+s3], $0x80, v3, vm0, $0xb8;
	[tilespmem:$0x14280] =	vst v63  }
0xfc: {  	_ = 	snop  }
0xfd: {  	[tilespmem:s29], [sflag:$0x1] =	stream.indirect_vreg.gather [hbm4b:s6+s3], $0x80, v3, vm0, $0xb8;
	[tilespmem:$0x14280] =	vst v63  }
0xfe: {  	v3 =	vld [tilespmem:$0xB0];
	_ =	sdelay $0x4  }
0xff: {  	v20 =	vshrl.u32 v3, $0x3  }
0x100: {  	v4 =	vmul.u32 $0x30, v20  }
0x101: {  	v3 =	vand.u32 $0x7, v3  }
0x102: {  	v3 =	vor.u32 v3, v4  }
0x103: {  	v4 =	vperm.xlane v3, v0;
	_ =	sdelay $0x1  }
0x104: {  	v4 =	vadd.s32 v1, v4;
	_ =	sdelay $0x3  }
0x105: {  	v3 =	vperm.xlane v3, v2  }
0x106: {  	[tilespmem:s30], [sflag:$0x1] =	stream.indirect_vreg.gather [hbm4b:s1+s3], $0x80, v4, vm0, $0xb8;
	[tilespmem:$0x14280] =	vst v63  }
0x107: {  	v3 =	vadd.s32 v1, v3  }
0x108: {  	[tilespmem:s31], [sflag:$0x1] =	stream.indirect_vreg.gather [hbm4b:s5+s3], $0x80, v4, vm0, $0xb8;
	[tilespmem:$0x14280] =	vst v63  }
0x109: {  	s11 =	simm.s32 $0xA100  }
0x10a: {  	[tilespmem:s11], [sflag:$0x1] =	stream.indirect_vreg.gather [hbm4b:s6+s3], $0x80, v4, vm0, $0xb8;
	[tilespmem:$0x14280] =	vst v63  }
0x10b: {  	_ = 	snop  }
0x10c: {  	[tilespmem:s2], [sflag:$0x1] =	stream.indirect_vreg.gather [hbm4b:s1+s3], $0x80, v3, vm0, $0xb8;
	[tilespmem:$0x14280] =	vst v63  }
0x10d: {  	_ = 	snop  }
0x10e: {  	[tilespmem:s9], [sflag:$0x1] =	stream.indirect_vreg.gather [hbm4b:s5+s3], $0x80, v3, vm0, $0xb8;
	[tilespmem:$0x14280] =	vst v63  }
0x10f: {  	s11 =	simm.s32 $0xB900  }
0x110: {  	[tilespmem:s11], [sflag:$0x1] =	stream.indirect_vreg.gather [hbm4b:s6+s3], $0x80, v3, vm0, $0xb8;
	[tilespmem:$0x14280] =	vst v63  }
0x111: {  	_ =	swait.ge [sflag:s4], $0xC000  }
0x112: {  	[sflag:s4] =	ssyncset.done $0x0  }
0x113: {  	s11 =	rddreg [dreg:$0x7];
	[sflag:s4] =	ssyncadd.s32 $0xFFFF4000  }
0x114: {  	[hbm4b:s11+s3] =	stream.linear.scatter [tilespmem:s0], [sflag:$0x2], $0xC000, $0x38;
	[tilespmem:$0x14280] =	vst v63  }
0x115: {  	_ =	swait.ge [sflag:s8], $0xC000  }
0x116: {  	[sflag:s8] =	ssyncset.done $0x0  }
0x117: {  	[sflag:s8] =	ssyncadd.s32 $0xFFFF4000  }
0x118: {  	v3 =	vld [tilespmem:$0xC0];
	_ =	sdelay $0x4  }
0x119: {  	v21 =	vshrl.u32 v3, $0x3  }
0x11a: {  	v4 =	vmul.u32 $0x30, v21  }
0x11b: {  	v3 =	vand.u32 $0x7, v3  }
0x11c: {  	v3 =	vor.u32 v3, v4  }
0x11d: {  	v4 =	vperm.xlane v3, v0;
	_ =	sdelay $0x1  }
0x11e: {  	v4 =	vadd.s32 v1, v4;
	_ =	sdelay $0x3  }
0x11f: {  	v3 =	vperm.xlane v3, v2  }
0x120: {  	[tilespmem:s0], [sflag:$0x1] =	stream.indirect_vreg.gather [hbm4b:s1+s3], $0x80, v4, vm0, $0xb8;
	[tilespmem:$0x14280] =	vst v63  }
0x121: {  	v3 =	vadd.s32 v1, v3  }
0x122: {  	[tilespmem:s12], [sflag:$0x1] =	stream.indirect_vreg.gather [hbm4b:s5+s3], $0x80, v4, vm0, $0xb8;
	[tilespmem:$0x14280] =	vst v63  }
0x123: {  	_ = 	snop  }
0x124: {  	[tilespmem:s13], [sflag:$0x1] =	stream.indirect_vreg.gather [hbm4b:s6+s3], $0x80, v4, vm0, $0xb8;
	[tilespmem:$0x14280] =	vst v63  }
0x125: {  	_ = 	snop  }
0x126: {  	[tilespmem:s14], [sflag:$0x1] =	stream.indirect_vreg.gather [hbm4b:s1+s3], $0x80, v3, vm0, $0xb8;
	[tilespmem:$0x14280] =	vst v63  }
0x127: {  	_ = 	snop  }
0x128: {  	[tilespmem:s15], [sflag:$0x1] =	stream.indirect_vreg.gather [hbm4b:s5+s3], $0x80, v3, vm0, $0xb8;
	[tilespmem:$0x14280] =	vst v63  }
0x129: {  	_ = 	snop  }
0x12a: {  	[tilespmem:s16], [sflag:$0x1] =	stream.indirect_vreg.gather [hbm4b:s6+s3], $0x80, v3, vm0, $0xb8;
	[tilespmem:$0x14280] =	vst v63  }
0x12b: {  	v3 =	vld [tilespmem:$0xD0];
	_ =	sdelay $0x4  }
0x12c: {  	v22 =	vshrl.u32 v3, $0x3  }
0x12d: {  	v4 =	vmul.u32 $0x30, v22  }
0x12e: {  	v3 =	vand.u32 $0x7, v3  }
0x12f: {  	v3 =	vor.u32 v3, v4  }
0x130: {  	v4 =	vperm.xlane v3, v0;
	_ =	sdelay $0x1  }
0x131: {  	v4 =	vadd.s32 v1, v4;
	_ =	sdelay $0x3  }
0x132: {  	v3 =	vperm.xlane v3, v2  }
0x133: {  	[tilespmem:s17], [sflag:$0x1] =	stream.indirect_vreg.gather [hbm4b:s1+s3], $0x80, v4, vm0, $0xb8;
	[tilespmem:$0x14280] =	vst v63  }
0x134: {  	v3 =	vadd.s32 v1, v3  }
0x135: {  	[tilespmem:s18], [sflag:$0x1] =	stream.indirect_vreg.gather [hbm4b:s5+s3], $0x80, v4, vm0, $0xb8;
	[tilespmem:$0x14280] =	vst v63  }
0x136: {  	_ = 	snop  }
0x137: {  	[tilespmem:s19], [sflag:$0x1] =	stream.indirect_vreg.gather [hbm4b:s6+s3], $0x80, v4, vm0, $0xb8;
	[tilespmem:$0x14280] =	vst v63  }
0x138: {  	_ = 	snop  }
0x139: {  	[tilespmem:s20], [sflag:$0x1] =	stream.indirect_vreg.gather [hbm4b:s1+s3], $0x80, v3, vm0, $0xb8;
	[tilespmem:$0x14280] =	vst v63  }
0x13a: {  	_ = 	snop  }
0x13b: {  	[tilespmem:s21], [sflag:$0x1] =	stream.indirect_vreg.gather [hbm4b:s5+s3], $0x80, v3, vm0, $0xb8;
	[tilespmem:$0x14280] =	vst v63  }
0x13c: {  	_ = 	snop  }
0x13d: {  	[tilespmem:s22], [sflag:$0x1] =	stream.indirect_vreg.gather [hbm4b:s6+s3], $0x80, v3, vm0, $0xb8;
	[tilespmem:$0x14280] =	vst v63  }
0x13e: {  	v3 =	vld [tilespmem:$0xE0];
	_ =	sdelay $0x4  }
0x13f: {  	v23 =	vshrl.u32 v3, $0x3  }
0x140: {  	v4 =	vmul.u32 $0x30, v23  }
0x141: {  	v3 =	vand.u32 $0x7, v3  }
0x142: {  	v3 =	vor.u32 v3, v4  }
0x143: {  	v4 =	vperm.xlane v3, v0;
	_ =	sdelay $0x1  }
0x144: {  	v4 =	vadd.s32 v1, v4;
	_ =	sdelay $0x3  }
0x145: {  	v3 =	vperm.xlane v3, v2  }
0x146: {  	[tilespmem:s23], [sflag:$0x1] =	stream.indirect_vreg.gather [hbm4b:s1+s3], $0x80, v4, vm0, $0xb8;
	[tilespmem:$0x14280] =	vst v63  }
0x147: {  	v3 =	vadd.s32 v1, v3  }
0x148: {  	[tilespmem:s24], [sflag:$0x1] =	stream.indirect_vreg.gather [hbm4b:s5+s3], $0x80, v4, vm0, $0xb8;
	[tilespmem:$0x14280] =	vst v63  }
0x149: {  	_ = 	snop  }
0x14a: {  	[tilespmem:s25], [sflag:$0x1] =	stream.indirect_vreg.gather [hbm4b:s6+s3], $0x80, v4, vm0, $0xb8;
	[tilespmem:$0x14280] =	vst v63  }
0x14b: {  	_ = 	snop  }
0x14c: {  	[tilespmem:s26], [sflag:$0x1] =	stream.indirect_vreg.gather [hbm4b:s1+s3], $0x80, v3, vm0, $0xb8;
	[tilespmem:$0x14280] =	vst v63  }
0x14d: {  	_ = 	snop  }
0x14e: {  	[tilespmem:s28], [sflag:$0x1] =	stream.indirect_vreg.gather [hbm4b:s5+s3], $0x80, v3, vm0, $0xb8;
	[tilespmem:$0x14280] =	vst v63  }
0x14f: {  	_ = 	snop  }
0x150: {  	[tilespmem:s29], [sflag:$0x1] =	stream.indirect_vreg.gather [hbm4b:s6+s3], $0x80, v3, vm0, $0xb8;
	[tilespmem:$0x14280] =	vst v63  }
0x151: {  	v3 =	vld [tilespmem:$0xF0];
	_ =	sdelay $0x4  }
0x152: {  	v24 =	vshrl.u32 v3, $0x3  }
0x153: {  	v4 =	vmul.u32 $0x30, v24  }
0x154: {  	v3 =	vand.u32 $0x7, v3  }
0x155: {  	v3 =	vor.u32 v3, v4  }
0x156: {  	v4 =	vperm.xlane v3, v0;
	_ =	sdelay $0x1  }
0x157: {  	v4 =	vadd.s32 v1, v4;
	_ =	sdelay $0x3  }
0x158: {  	v3 =	vperm.xlane v3, v2  }
0x159: {  	[tilespmem:s30], [sflag:$0x1] =	stream.indirect_vreg.gather [hbm4b:s1+s3], $0x80, v4, vm0, $0xb8;
	[tilespmem:$0x14280] =	vst v63  }
0x15a: {  	v3 =	vadd.s32 v1, v3  }
0x15b: {  	[tilespmem:s31], [sflag:$0x1] =	stream.indirect_vreg.gather [hbm4b:s5+s3], $0x80, v4, vm0, $0xb8;
	[tilespmem:$0x14280] =	vst v63  }
0x15c: {  	s12 =	simm.s32 $0xA100  }
0x15d: {  	[tilespmem:s12], [sflag:$0x1] =	stream.indirect_vreg.gather [hbm4b:s6+s3], $0x80, v4, vm0, $0xb8;
	[tilespmem:$0x14280] =	vst v63  }
0x15e: {  	_ = 	snop  }
0x15f: {  	[tilespmem:s2], [sflag:$0x1] =	stream.indirect_vreg.gather [hbm4b:s1+s3], $0x80, v3, vm0, $0xb8;
	[tilespmem:$0x14280] =	vst v63  }
0x160: {  	_ = 	snop  }
0x161: {  	[tilespmem:s9], [sflag:$0x1] =	stream.indirect_vreg.gather [hbm4b:s5+s3], $0x80, v3, vm0, $0xb8;
	[tilespmem:$0x14280] =	vst v63  }
0x162: {  	s11 =	simm.s32 $0xB900  }
0x163: {  	[tilespmem:s11], [sflag:$0x1] =	stream.indirect_vreg.gather [hbm4b:s6+s3], $0x80, v3, vm0, $0xb8;
	[tilespmem:$0x14280] =	vst v63  }
0x164: {  	_ =	swait.ge [sflag:s4], $0xC000  }
0x165: {  	[sflag:s4] =	ssyncset.done $0x0  }
0x166: {  	s12 =	rddreg [dreg:$0x8];
	[sflag:s4] =	ssyncadd.s32 $0xFFFF4000  }
0x167: {  	[hbm4b:s12+s3] =	stream.linear.scatter [tilespmem:s0], [sflag:$0x2], $0xC000, $0x38;
	[tilespmem:$0x14280] =	vst v63  }
0x168: {  	_ =	swait.ge [sflag:s8], $0xC000  }
0x169: {  	[sflag:s8] =	ssyncset.done $0x0  }
0x16a: {  	s2 =	rddreg [dreg:$0x4];
	[sflag:s8] =	ssyncadd.s32 $0xFFFF4000  }
0x16b: {  	[tilespmem:s10], [sflag:$0x2] =	stream.linear.gather [hbm4b:s2+s3], $0x8000, $0x38;
	[tilespmem:$0x14280] =	vst v63  }
0x16c: {  	_ =	swait.ge [sflag:s8], $0x8000  }
0x16d: {  	s12 =	rddreg [dreg:$0x9];
	[sflag:s8] =	ssyncset.done $0x0  }
0x16e: {  	s2 =	rddreg [dreg:$0xb];
	[sflag:s8] =	ssyncadd.s32 $0xFFFF8000  }
0x16f: {  	[tilespmem:s2], [sflag:$0x2] =	stream.linear.gather [hbm4b:s12+s3], $0x100, $0x38;
	[tilespmem:$0x14280] =	vst v63  }
0x170: {  	_ =	swait.ge [sflag:s8], $0x100  }
0x171: {  	[sflag:s8] =	ssyncset.done $0x0  }
0x172: {  	[sflag:s8] =	ssyncadd.s32 $0xFFFFFF00  }
0x173: {  	v3 =	vld [tilespmem:$0x0]  }
0x174: {  	v25 =	vld [tilespmem:$0x10]  }
0x175: {  	v5 =	vld [tilespmem:$0x20]  }
0x176: {  	v6 =	vld [tilespmem:$0x30]  }
0x177: {  	v7 =	vld [tilespmem:$0x14100]  }
0x178: {  	v8 =	vld [tilespmem:$0x40]  }
0x179: {  	v9 =	vld [tilespmem:$0x14110]  }
0x17a: {  	v10 =	vld [tilespmem:$0x50]  }
0x17b: {  	v11 =	vld [tilespmem:$0x14120]  }
0x17c: {  	v12 =	vld [tilespmem:$0x60]  }
0x17d: {  	v13 =	vld [tilespmem:$0x70]  }
0x17e: {  	v14 =	vld [tilespmem:$0x14130]  }
0x17f: {  	v15 =	vld [tilespmem:$0x80];
	v3 =	vand.u32 $0x7FFF, v3  }
0x180: {  	v16 =	vld [tilespmem:$0x14140]  }
0x181: {  	v17 =	vld [tilespmem:$0x14150];
	v4 =	vand.u32 $0x7FFF, v25  }
0x182: {  	v18 =	vld [tilespmem:$0x90]  }
0x183: {  	v28 =	vld [tilespmem:$0x14160];
	v5 =	vand.u32 $0x7FFF, v5  }
0x184: {  	v3 =	vld.idx.msk [tilespmem:v3+s10+$0x0], $0xffff  }
0x185: {  	v30 =	vld [tilespmem:$0xA0];
	v6 =	vand.u32 $0x7FFF, v6  }
0x186: {  	v4 =	vld.idx.msk [tilespmem:v4+s10+$0x0], $0xffff  }
0x187: {  	v32 =	vld [tilespmem:$0x14170];
	v8 =	vand.u32 $0x7FFF, v8  }
0x188: {  	v5 =	vld.idx.msk [tilespmem:v5+s10+$0x0], $0xffff  }
0x189: {  	v35 =	vld [tilespmem:$0xB0];
	v10 =	vand.u32 $0x7FFF, v10;
	v3 =	vmul.f32 v7, v3  }
0x18a: {  	v6 =	vld.idx.msk [tilespmem:v6+s10+$0x0], $0xffff  }
0x18b: {  	v36 =	vld [tilespmem:$0x14180];
	v12 =	vand.u32 $0x7FFF, v12;
	v4 =	vmul.f32 v9, v4;
	v3 =	vadd.f32 $0.0e+00, v3  }
0x18c: {  	v8 =	vld.idx.msk [tilespmem:v8+s10+$0x0], $0xffff  }
0x18d: {  	v39 =	vld [tilespmem:$0xC0];
	v13 =	vand.u32 $0x7FFF, v13;
	v31 =	vmul.f32 v11, v5;
	v3 =	vadd.f32 v4, v3  }
0x18e: {  	v10 =	vld.idx.msk [tilespmem:v10+s10+$0x0], $0xffff  }
0x18f: {  	v41 =	vld [tilespmem:$0xD0];
	v27 =	vand.u32 $0x7FFF, v15;
	v34 =	vmul.f32 v14, v6;
	v3 =	vadd.f32 v31, v3  }
0x190: {  	v26 =	vld.idx.msk [tilespmem:v12+s10+$0x0], $0xffff  }
0x191: {  	v42 =	vld [tilespmem:$0x14190];
	v33 =	vand.u32 $0x7FFF, v18;
	v37 =	vmul.f32 v16, v8;
	v3 =	vadd.f32 v34, v3  }
0x192: {  	v29 =	vld.idx.msk [tilespmem:v13+s10+$0x0], $0xffff  }
0x193: {  	v44 =	vld [tilespmem:$0xE0];
	v38 =	vand.u32 $0x7FFF, v30;
	v40 =	vmul.f32 v17, v10;
	v3 =	vadd.f32 v37, v3  }
0x194: {  	v12 =	vld.idx.msk [tilespmem:v27+s10+$0x0], $0xffff  }
0x195: {  	v46 =	vld [tilespmem:$0xF0];
	v6 =	vand.u32 $0x7FFF, v35;
	v43 =	vmul.f32 v28, v26;
	v3 =	vadd.f32 v40, v3  }
0x196: {  	v11 =	vld.idx.msk [tilespmem:v33+s10+$0x0], $0xffff  }
0x197: {  	v47 =	vld [tilespmem:$0x141A0];
	v13 =	vand.u32 $0x7FFF, v39;
	v45 =	vmul.f32 v32, v29;
	v3 =	vadd.f32 v43, v3  }
0x198: {  	v8 =	vld.idx.msk [tilespmem:v38+s10+$0x0], $0xffff  }
0x199: {  	v49 =	vld [tilespmem:$0x141B0];
	v10 =	vand.u32 $0x7FFF, v41;
	v48 =	vmul.f32 v36, v12;
	v3 =	vadd.f32 v45, v3  }
0x19a: {  	v6 =	vld.idx.msk [tilespmem:v6+s10+$0x0], $0xffff  }
0x19b: {  	v52 =	vld [tilespmem:$0x141C0];
	v7 =	vand.u32 $0x7FFF, v44;
	v50 =	vmul.f32 v42, v11;
	v3 =	vadd.f32 v48, v3  }
0x19c: {  	v51 =	vld.idx.msk [tilespmem:v13+s10+$0x0], $0xffff  }
0x19d: {  	v55 =	vld [tilespmem:$0x141D0];
	v5 =	vand.u32 $0x7FFF, v46;
	v53 =	vmul.f32 v47, v8;
	v3 =	vadd.f32 v50, v3  }
0x19e: {  	v54 =	vld.idx.msk [tilespmem:v10+s10+$0x0], $0xffff  }
0x19f: {  	v58 =	vld [tilespmem:$0x141E0];
	v56 =	vmul.f32 v49, v6;
	v3 =	vadd.f32 v53, v3  }
0x1a0: {  	v57 =	vld.idx.msk [tilespmem:v7+s10+$0x0], $0xffff  }
0x1a1: {  	v60 =	vld [tilespmem:$0x141F0];
	v59 =	vmul.f32 v52, v51;
	v3 =	vadd.f32 v56, v3  }
0x1a2: {  	v5 =	vld.idx.msk [tilespmem:v5+s10+$0x0], $0xffff  }
0x1a3: {  	v61 =	vmul.f32 v55, v54;
	v3 =	vadd.f32 v59, v3;
	_ =	sdelay $0x1  }
0x1a4: {  	v62 =	vmul.f32 v58, v57;
	v3 =	vadd.f32 v61, v3;
	_ =	sdelay $0x1  }
0x1a5: {  	v63 =	vmul.f32 v60, v5;
	v3 =	vadd.f32 v62, v3;
	_ =	sdelay $0x1  }
0x1a6: {  	v3 =	vadd.f32 v63, v3  }
0x1a7: {  	p0 =	sne.s32 s7, $0x1;
	s12 =	rddreg [dreg:$0xa]  }
.Ltmp0:
0x1a8: {  	s2 =	rddreg [dreg:$0xc];
	[tilespmem:$0x14200] =	vst v3;
	(pc) =	sbr.rel @p0 .LBB2_1-.Ltmp0, $4  }
0x1a9: {  	[hbm4b:s12+s3] =	stream.linear.scatter [tilespmem:s2], [sflag:$0x2], $0x80, $0x38;
	[tilespmem:$0x14280] =	vst v63  }
0x1aa: {  	_ =	swait.ge [sflag:s8], $0x80  }
0x1ab: {  	[sflag:s8] =	ssyncset.done $0x0  }
0x1ac: {  	s7 =	sadd.s32 $0xFFFFFFFF, s7;
	[sflag:s8] =	ssyncadd.s32 $0xFFFFFF80  }
0x1ad: {  	_ =	sfence.sel $0x180000  }
0x1ae: {  	[bflag:$0x0] =	sbarrier.arrive $0xFFFF  }
0x1af: {  	_ =	strace $0x9000004A  }
0x1b0: {  	s0 =	stileid.u32;
	[bflag:$0x2] =	sbarrier.arrive $0xFFFF  }
0x1b1: {  	p0 =	sne.s32 s0, $0x0;
	s0 =	rddreg [dreg:$0x3]  }
0x1b2: {  	s0 =	sadd.s32 @!p0 $0x100000, s0  }
0x1b3: {  	[sflag:s0] =	ssyncadd.tile.s32 @!p0 $0x1;
	_ =	shalt  }
.Lfunc_end2:
_tile_overlayer_lowered:
.L_overlay_start_2:
0x1b4: {  	(tag) =	ssettag $0x2  }
0x1b5: {  	s0 =	rddreg [dreg:$0x0];
	s2 =	stileid.u32  }
0x1b6: {  	s1 =	rddreg [dreg:$0x1];
	p0 =	sne.s32 s2, $0x0  }
0x1b7: {  	s3 =	rddreg [dreg:$0x2];
	[bflag:$0x3] =	sbarrier.arrive $0xFFFF;
	s2 =	simm.s32 @!p0 $0x1C02  }
0x1b8: {  	[timem:s3], [sflag:s2] =	dma.local @!p0 [hbm:s0], s1  }
0x1b9: {  	s0 =	simm.s32 @!p0 $0x2  }
0x1ba: {  	_ =	swait.ge @!p0 [sflag:s0], s1  }
0x1bb: {  	s1 =	ssub.s32 @!p0 $0x0, s1;
	[sflag:s0] =	ssyncset.done @!p0 $0x0  }
0x1bc: {  	[sflag:s0] =	ssyncadd.s32 @!p0 s1  }
0x1bd: {  	[bflag:$0x3] =	sbarrier.arrive $0xFFFF  }
0x1be: {  	_ =	shalt  }

// kernel: kernel.15.cloned.1.call-start
scs
__scs_entry_jumppad:
0x0: {  	(pc) =	sbr.rel $0x88, $3  }
0x1: {  	(tag) =	ssettag $0x0;
	lr =	simm.s32 $0x1  }
0x2: {  	[smem:$0x3F96] =	sst lr;
	_ =	strace $0xD0000000  }
0x3: {  	_ = 	snop  }
0x4: {  	_ = 	snop  }
0x5: {  	_ = 	snop  }
0x6: {  	_ = 	snop  }
0x7: {  	_ = 	snop  }
__scs_overlays_trampoline_lowered:
0x8: {  	[smem:$0x3FA5] =	sst s0  }
0x9: {  	[smem:$0x3FA6] =	sst s1  }
0xa: {  	[smem:$0x3FA7] =	sst s2  }
0xb: {  	[smem:$0x3FA8] =	sst s3  }
0xc: {  	[smem:$0x3FA9] =	sst s4  }
0xd: {  	[smem:$0x3FAA] =	sst s5  }
0xe: {  	[smem:$0x3FAB] =	sst s6  }
0xf: {  	[smem:$0x3FAC] =	sst s7  }
0x10: {  	[smem:$0x3FAD] =	sst s8  }
0x11: {  	[smem:$0x3FAE] =	sst s9;
	s0 =	simm.s32 @!p0 $0x0  }
0x12: {  	s1 =	sld [smem:$0x3F94];
	s0 =	simm.s32 @p0 $0x1  }
0x13: {  	[smem:$0x3FAF] =	sst s0;
	s0 =	simm.s32 @!p1 $0x0  }
0x14: {  	s2 =	sld [smem:$0x3F93];
	s0 =	simm.s32 @p1 $0x1  }
0x15: {  	[smem:$0x3FB0] =	sst s0;
	s0 =	simm.s32 @!p2 $0x0  }
0x16: {  	s3 =	sld [smem:$0x3FDB];
	s0 =	simm.s32 @p2 $0x1  }
0x17: {  	s4 =	simm.s32 $0x1BF5;
	[smem:$0x3FB2] =	sst s0  }
0x18: {  	s0 =	sld [smem:$0x3F95];
	_ =	swait.ge [sflag:s4], $0x0  }
0x19: {  	s7 =	sld [smem:$0x3F96]  }
0x1a: {  	s8 =	sadd.s32 $0xFFFFE003, lr  }
0x1b: {  	s9 =	sadd.s32 $0xFFFFFEF7, lr;
	s5 =	simm.s32 $0xFFFFFFFF;
	p2 =	slt.u32 s8, $0xFFFFF086  }
0x1c: {  	p1 =	slt.u32 s9, $0xF7A;
	s5 =	simm.s32 @!p2 $0x0  }
0x1d: {  	s5 =	simm.s32 @p1 $0x1;
	p0 =	seq.s32 s7, s2  }
0x1e: {  	s7 =	smul.u32 @!p0 $0xF7A, s2;
	p2 =	seq.s32 @!p0 s5, $0x0  }
0x1f: {  	s9 =	smul.u32 $0xF7A, s1;
	s8 =	simm.s32 @!p0 $0x1BF5;
	p2 =	por !p2, p0  }
0x20: {  	[sflag:s8] =	ssyncset.s32 @!p0 $0xFFFFF086;
	s6 =	sadd.s32 @!p0 s3, s7;
	s7 =	simm.s32 @!p0 $0x108  }
0x21: {  	s3 =	sadd.s32 s3, s9;
	s6 =	sadd.s32 @!p0 $0x88, s6;
	s7 =	simm.s32 @p2 $0x1082  }
0x22: {  	[simem:s7], [sflag:s8] =	dma.local @!p0 [hbm:s6], $0xF7A  }
0x23: {  	s9 =	sor.u32 $0xD0000000, s2;
	s6 =	simm.s32 $0x108;
	_ =	swait.ge @!p0 [sflag:s8], $0x0  }
0x24: {  	s3 =	sadd.s32 $0x88, s3;
	s6 =	simm.s32 @!p1 $0x1082;
	[sflag:s4] =	ssyncset.s32 $0xFFFFF086  }
0x25: {  	[simem:s6], [sflag:s4] =	dma.local [hbm:s3], $0xF7A  }
0x26: {  	[smem:$0x3F96] =	sst s1;
	(tag) =	ssettag s2;
	_ =	strace s9  }
0x27: {  	s1 =	sld [smem:$0x3FA6]  }
0x28: {  	s2 =	sld [smem:$0x3FA7]  }
0x29: {  	s4 =	sld [smem:$0x3FA9]  }
0x2a: {  	p0 =	seq.s32 s5, $0x0;
	s5 =	sld [smem:$0x3FAA]  }
0x2b: {  	s6 =	sld [smem:$0x3FAB]  }
0x2c: {  	s7 =	sld [smem:$0x3FAC]  }
0x2d: {  	s3 =	simm.s32 $0x108;
	s8 =	sld [smem:$0x3FAD]  }
0x2e: {  	s3 =	simm.s32 @!p0 $0x1082;
	s9 =	sld [smem:$0x3FAE]  }
0x2f: {  	lr =	sadd.s32 s0, s3;
	s0 =	sld [smem:$0x3FA5]  }
0x30: {  	s3 =	sld [smem:$0x3FA8]  }
0x31: {  	[smem:$0x3FB1] =	sst s10  }
0x32: {  	s10 =	sld [smem:$0x3FAF];
	_ =	sdelay $0x3  }
0x33: {  	p0 =	seq.s32 s10, $0x1;
	s10 =	sld [smem:$0x3FB1];
	_ =	sdelay $0x3  }
0x34: {  	[smem:$0x3FB1] =	sst s10  }
0x35: {  	s10 =	sld [smem:$0x3FB0];
	_ =	sdelay $0x3  }
0x36: {  	p1 =	seq.s32 s10, $0x1;
	s10 =	sld [smem:$0x3FB1];
	_ =	sdelay $0x3  }
0x37: {  	[smem:$0x3FB1] =	sst s10  }
0x38: {  	s10 =	sld [smem:$0x3FB2]  }
0x39: {  	_ = 	snop;
	(pc) =	sbr.ind lr, $3  }
0x3a: {  	_ = 	snop  }
0x3b: {  	_ = 	snop  }
0x3c: {  	p2 =	seq.s32 s10, $0x1;
	s10 =	sld [smem:$0x3FB1]  }
0x3d: {  	_ =	shalt  }
0x3e: {  	_ =	shalt  }
0x3f: {  	_ =	shalt  }
0x40: {  	_ =	shalt  }
0x41: {  	_ =	shalt  }
0x42: {  	_ =	shalt  }
0x43: {  	_ =	shalt  }
0x44: {  	_ =	shalt  }
0x45: {  	_ =	shalt  }
0x46: {  	_ =	shalt  }
0x47: {  	_ =	shalt  }
0x48: {  	_ =	shalt  }
0x49: {  	_ =	shalt  }
0x4a: {  	_ =	shalt  }
0x4b: {  	_ =	shalt  }
0x4c: {  	_ =	shalt  }
0x4d: {  	_ =	shalt  }
0x4e: {  	_ =	shalt  }
0x4f: {  	_ =	shalt  }
0x50: {  	_ =	shalt  }
0x51: {  	_ =	shalt  }
0x52: {  	_ =	shalt  }
0x53: {  	_ =	shalt  }
0x54: {  	_ =	shalt  }
0x55: {  	_ =	shalt  }
0x56: {  	_ =	shalt  }
0x57: {  	_ =	shalt  }
0x58: {  	_ =	shalt  }
0x59: {  	_ =	shalt  }
0x5a: {  	_ =	shalt  }
0x5b: {  	_ =	shalt  }
0x5c: {  	_ =	shalt  }
0x5d: {  	_ =	shalt  }
0x5e: {  	_ =	shalt  }
0x5f: {  	_ =	shalt  }
0x60: {  	_ =	shalt  }
0x61: {  	_ =	shalt  }
0x62: {  	_ =	shalt  }
0x63: {  	_ =	shalt  }
0x64: {  	_ =	shalt  }
0x65: {  	_ =	shalt  }
0x66: {  	_ =	shalt  }
0x67: {  	_ =	shalt  }
0x68: {  	_ =	shalt  }
0x69: {  	_ =	shalt  }
0x6a: {  	_ =	shalt  }
0x6b: {  	_ =	shalt  }
0x6c: {  	_ =	shalt  }
0x6d: {  	_ =	shalt  }
0x6e: {  	_ =	shalt  }
0x6f: {  	_ =	shalt  }
0x70: {  	_ =	shalt  }
0x71: {  	_ =	shalt  }
0x72: {  	_ =	shalt  }
0x73: {  	_ =	shalt  }
0x74: {  	_ =	shalt  }
0x75: {  	_ =	shalt  }
0x76: {  	_ =	shalt  }
0x77: {  	_ =	shalt  }
0x78: {  	_ =	shalt  }
0x79: {  	_ =	shalt  }
0x7a: {  	_ =	shalt  }
0x7b: {  	_ =	shalt  }
0x7c: {  	_ =	shalt  }
0x7d: {  	_ =	shalt  }
0x7e: {  	_ =	shalt  }
0x7f: {  	_ =	shalt  }
0x80: {  	_ =	shalt  }
0x81: {  	_ =	shalt  }
0x82: {  	_ =	shalt  }
0x83: {  	_ =	shalt  }
0x84: {  	_ =	shalt  }
0x85: {  	_ =	shalt  }
0x86: {  	_ =	shalt  }
0x87: {  	_ =	shalt  }
.Lfunc_end0:
.L_simem_size_0:
called_computation.2_lowered:
.L_overlay_start_0:
0x88: {  	s2 =	sld [smem:$0x3FD9]  }
0x89: {  	s3 =	sld [smem:$0x3FFE];
	_ =	sdelay $0x1  }
0x8a: {  	s1 =	srdreg.scid  }
0x8b: {  	s0 =	sand.u32 $0x1, s1  }
0x8c: {  	s17 =	sshll.u32 s0, $0xA;
	s2 =	sadd.s32 s3, s2  }
0x8d: {  	s2 =	sadd.s32 s2, s17  }
0x8e: {  	[smem:$0x3FBD] =	sst s2  }
0x8f: {  	_ = 	snop  }
0x90: {  	s2 =	sld [smem:$0x3FC5];
	(tm) =	ssettm $0x1  }
0x91: {  	s18 =	sld [smem:$0x3FFB];
	_ =	sdelay $0x3  }
0x92: {  	_ =	strace s18  }
0x93: {  	s3 =	sld [smem:$0x3FFC];
	_ =	sdelay $0x3  }
0x94: {  	_ =	strace s3  }
0x95: {  	s3 =	sld [smem:$0x3FFD];
	_ =	sdelay $0x3  }
0x96: {  	_ =	strace s3  }
0x97: {  	_ =	strace $0x8FFFFFFF  }
0x98: {  	s19 =	sld [smem:$0x3FDB];
	_ =	sdelay $0x1  }
0x99: {  	s4 =	simm.s32 $_scs_section_size  }
0x9a: {  	s5 =	simm.s32 $_size__tile_overlayer_lowered;
	s6 =	simm.s32 $_tile_overlayer_lowered  }
0x9b: {  	s22 =	simm.s32 $0x1BFF;
	s21 =	sshll.u32 s6, $0x1;
	s3 =	sadd.s32 s4, s19  }
0x9c: {  	s7 =	simm.s32 $0x0;
	s20 =	sshll.u32 s5, $0x1;
	s5 =	sadd.s32 s21, s3  }
0x9d: {  	[timem:s7], [sflag:s22] =	dma.local [hbm:s5], s20  }
0x9e: {  	_ =	swait.ge [sflag:s22], s20  }
0x9f: {  	s4 =	ssub.s32 $0x0, s20;
	[sflag:s22] =	ssyncset.done $0x0  }
0xa0: {  	[sflag:s22] =	ssyncadd.s32 s4;
	_ =	sdelay $0x1  }
0xa1: {  	s23 =	simm.s32 $0x1B8B  }
0xa2: {  	_ =	swait.ge [sflag:s23], $0x1  }
0xa3: {  	[sflag:s23] =	ssyncset.done $0x0  }
0xa4: {  	s25 =	simm.s32 $0x1B8E;
	s24 =	sld [smem:$0x3FFE];
	[sflag:s23] =	ssyncadd.s32 $0xFFFFFFFF  }
0xa5: {  	s26 =	simm.s32 $execute0_lowered;
	[smem:$0x3FD2] =	sst s25  }
0xa6: {  	s5 =	sshll.u32 s26, $0x1;
	_ =	strace $0x8000004C;
	[dreg:$0x1] =	wrdreg $0xFFFFFFFF  }
0xa7: {  	s28 =	simm.s32 $_size_execute0_lowered;
	s3 =	sadd.s32 s3, s5;
	[dreg:$0x0] =	wrdreg $0x0  }
0xa8: {  	s5 =	sshll.u32 s28, $0x1;
	[dreg:$0x2] =	wrdreg s3  }
0xa9: {  	[dreg:$0x3] =	wrdreg s5  }
0xaa: {  	[dreg:$0x4] =	wrdreg $0xC0  }
0xab: {  	_ =	task [dreg:s7], $0x5FFFF  }
0xac: {  	[dreg:$0x1] =	wrdreg $0xFFFFFFFF  }
0xad: {  	[dreg:$0x0] =	wrdreg $0x60  }
0xae: {  	[dreg:$0x2] =	wrdreg s2  }
0xaf: {  	[dreg:$0x3] =	wrdreg s24  }
0xb0: {  	[dreg:$0x4] =	wrdreg $0x9  }
0xb1: {  	_ =	task.clear_ibuf [dreg:s7], $0x5FFFF;
	_ =	strace $0x9000004C  }
0xb2: {  	s29 =	simm.s32 $0x9;
	_ =	strace $0x8000004E  }
0xb3: {  	_ =	swait.ge [sflag:s29], $0x1  }
0xb4: {  	[sflag:s29] =	ssyncadd.s32 $0xFFFFFFFF  }
0xb5: {  	_ =	strace $0x9000004E  }
0xb6: {  	_ =	sfence  }
0xb7: {  	s30 =	sld [smem:$0x0];
	_ =	sdelay $0x2  }
0xb8: {  	s31 =	sshll.u32 s1, $0xD;
	s1 =	sshrl.u32 s1, $0x2  }
0xb9: {  	s3 =	sand.u32 $0x4000, s31;
	s1 =	sadd.s32 s1, s30  }
0xba: {  	s0 =	sor.u32 s3, s0;
	s1 =	sshll.u32 s1, $0x11  }
0xbb: {  	s0 =	sor.u32 s1, s0  }
0xbc: {  	s0 =	sadd.s32 $0x8F2B, s0  }
0xbd: {  	[sflag:s0] =	ssyncadd.remote.s32 $0x1  }
0xbe: {  	_ =	sfence.sel $0xFFFF  }
0xbf: {  	[dreg:$0x0] =	wrdreg $0xFFFFFFFF;
	(pc) =	sbr.abs _section_cstart, $3  }
0xc0: {  	[dreg:$0x1] =	wrdreg $0xFFFFFFFF  }
0xc1: {  	_ =	task.clear_ibuf [dreg:s7], $0x2FFFF;
	_ =	strace $0x9FFFFFFF  }
0xc2: {  	(tm) =	ssettm $0x7FFFFFFF  }
0xc3: {  	_ =	shalt  }
tec
execute0_lowered:
.L_overlay_start_1:
0x0: {  	(tag) =	ssettag $0x1  }
0x1: {  	s1 =	rddreg [dreg:$0x0]  }
0x2: {  	s0 =	rddreg [dreg:$0x1]  }
0x3: {  	s3 =	simm.s32 $0x0;
	s2 =	srdreg.scid;
	s4 =	stileid.u32  }
0x4: {  	s25 =	simm.s32 $0x14100;
	s26 =	simm.s32 $0x14200;
	s10 =	simm.s32 $0xC100  }
0x5: {  	s13 =	simm.s32 $0x1100;
	s14 =	simm.s32 $0x1900;
	s15 =	simm.s32 $0x2100  }
0x6: {  	s16 =	simm.s32 $0x2900;
	s17 =	simm.s32 $0x3100;
	s28 =	simm.s32 $0x8100  }
0x7: {  	s29 =	simm.s32 $0x8900;
	s30 =	simm.s32 $0x9100;
	s31 =	simm.s32 $0x9900  }
0x8: {  	s9 =	simm.s32 $0xB100;
	[smem:$0x7FF] =	sst s3;
	s2 =	sand.u32 $0x1, s2  }
0x9: {  	s4 =	sshll.u32 s4, $0x1;
	s5 =	sadd.s32 $0x3600, s0;
	s8 =	sadd.s32 $0x26A00, s0  }
0xa: {  	_ =	strace $0x8000004D;
	s4 =	sor.u32 s2, s4;
	[dreg:$0x3] =	wrdreg s5  }
0xb: {  	s2 =	ssub.s32 $0x2, s2;
	s5 =	sadd.s32 $0x100, s1;
	[dreg:$0xa] =	wrdreg s25  }
0xc: {  	[dreg:$0xb] =	wrdreg s26;
	s25 =	simm.s32 $0x7100;
	s26 =	simm.s32 $0x7900  }
0xd: {  	s18 =	sshll.u32 s4, $0x5;
	s6 =	smul.u32 $0x6000, s4;
	s19 =	sshll.u32 s4, $0x4  }
0xe: {  	s4 =	smul.u32 $0x30000, s4;
	s22 =	sshrl.u32 s2, $0x1;
	s7 =	sadd.s32 s18, s0  }
0xf: {  	s0 =	sadd.s32 s19, s0;
	s2 =	ssub.s32 s2, s22;
	s18 =	simm.s32 $0x3900  }
0x10: {  	s19 =	simm.s32 $0x4100;
	s22 =	simm.s32 $0x5900;
	s20 =	sadd.s32 $0x1CA00, s7  }
0x11: {  	s6 =	sadd.s32 s8, s6;
	s4 =	sshrl.u32 s4, $0x3;
	[dreg:$0x4] =	wrdreg s20  }
0x12: {  	s24 =	sadd.s32 $0x1C600, s7;
	s0 =	sadd.s32 $0x1CE00, s0;
	[dreg:$0xc] =	wrdreg s6  }
0x13: {  	s7 =	smax.u32 s2, $0x1;
	s21 =	sadd.s32 $0x1800, s6;
	[dreg:$0x8] =	wrdreg s24  }
0x14: {  	s4 =	sadd.s32 s8, s4;
	s6 =	sadd.s32 $0x200, s1;
	[dreg:$0x9] =	wrdreg s0  }
0x15: {  	s8 =	simm.s32 $0x2;
	s0 =	simm.s32 $0x100;
	s20 =	simm.s32 $0x4900  }
0x16: {  	v2 =	vlaneseq.u32;
	s24 =	simm.s32 $0x6900;
	[dreg:$0x5] =	wrdreg s21;
	s23 =	sadd.s32 $0x3000, s4  }
0x17: {  	vm0 =	vmmov $0xffff;
	v1 =	vshrl.u32 v2, $0x3;
	s4 =	sadd.s32 $0x4800, s4;
	s21 =	simm.s32 $0x5100;
	[dreg:$0x6] =	wrdreg s23  }
0x18: {  	v0 =	vand.u32 $0x7, v2;
	v2 =	vor.u32 $0x8, v2;
	v1 =	vmul.u32 $0x8, v1;
	[dreg:$0x7] =	wrdreg s4;
	s4 =	simm.s32 $0x1;
	s23 =	simm.s32 $0x6100  }
.LBB2_1:
0x19: {  	s11 =	rddreg [dreg:$0x4]  }
0x1a: {  	[tilespmem:s3], [sflag:$0x2] =	stream.linear.gather [hbm4b:s11+s3], $0x100, $0x38;
	[tilespmem:$0x14280] =	vst v63  }
0x1b: {  	_ =	swait.ge [sflag:s8], $0x100  }
0x1c: {  	[sflag:s8] =	ssyncset.done $0x0  }
0x1d: {  	[sflag:s8] =	ssyncadd.s32 $0xFFFFFF00  }
0x1e: {  	v3 =	vld [tilespmem:$0x0];
	_ =	sdelay $0x4  }
0x1f: {  	v4 =	vshrl.u32 v3, $0x3  }
0x20: {  	v4 =	vmul.u32 $0x30, v4  }
0x21: {  	v3 =	vand.u32 $0x7, v3  }
0x22: {  	v3 =	vor.u32 v3, v4  }
0x23: {  	v4 =	vperm.xlane v3, v0;
	_ =	sdelay $0x1  }
0x24: {  	v4 =	vadd.s32 v1, v4;
	_ =	sdelay $0x3  }
0x25: {  	v3 =	vperm.xlane v3, v2  }
0x26: {  	[tilespmem:s0], [sflag:$0x1] =	stream.indirect_vreg.gather [hbm4b:s1+s3], $0x80, v4, vm0, $0xb8;
	[tilespmem:$0x14280] =	vst v63  }
0x27: {  	s12 =	simm.s32 $0x900;
	v3 =	vadd.s32 v1, v3  }
0x28: {  	[tilespmem:s12], [sflag:$0x1] =	stream.indirect_vreg.gather [hbm4b:s5+s3], $0x80, v4, vm0, $0xb8;
	[tilespmem:$0x14280] =	vst v63  }
0x29: {  	_ = 	snop  }
0x2a: {  	[tilespmem:s13], [sflag:$0x1] =	stream.indirect_vreg.gather [hbm4b:s6+s3], $0x80, v4, vm0, $0xb8;
	[tilespmem:$0x14280] =	vst v63  }
0x2b: {  	_ = 	snop  }
0x2c: {  	[tilespmem:s14], [sflag:$0x1] =	stream.indirect_vreg.gather [hbm4b:s1+s3], $0x80, v3, vm0, $0xb8;
	[tilespmem:$0x14280] =	vst v63  }
0x2d: {  	_ = 	snop  }
0x2e: {  	[tilespmem:s15], [sflag:$0x1] =	stream.indirect_vreg.gather [hbm4b:s5+s3], $0x80, v3, vm0, $0xb8;
	[tilespmem:$0x14280] =	vst v63  }
0x2f: {  	_ = 	snop  }
0x30: {  	[tilespmem:s16], [sflag:$0x1] =	stream.indirect_vreg.gather [hbm4b:s6+s3], $0x80, v3, vm0, $0xb8;
	[tilespmem:$0x14280] =	vst v63  }
0x31: {  	v3 =	vld [tilespmem:$0x10];
	_ =	sdelay $0x4  }
0x32: {  	v10 =	vshrl.u32 v3, $0x3  }
0x33: {  	v4 =	vmul.u32 $0x30, v10  }
0x34: {  	v3 =	vand.u32 $0x7, v3  }
0x35: {  	v3 =	vor.u32 v3, v4  }
0x36: {  	v4 =	vperm.xlane v3, v0;
	_ =	sdelay $0x1  }
0x37: {  	v4 =	vadd.s32 v1, v4;
	_ =	sdelay $0x3  }
0x38: {  	v3 =	vperm.xlane v3, v2  }
0x39: {  	[tilespmem:s17], [sflag:$0x1] =	stream.indirect_vreg.gather [hbm4b:s1+s3], $0x80, v4, vm0, $0xb8;
	[tilespmem:$0x14280] =	vst v63  }
0x3a: {  	v3 =	vadd.s32 v1, v3  }
0x3b: {  	[tilespmem:s18], [sflag:$0x1] =	stream.indirect_vreg.gather [hbm4b:s5+s3], $0x80, v4, vm0, $0xb8;
	[tilespmem:$0x14280] =	vst v63  }
0x3c: {  	_ = 	snop  }
0x3d: {  	[tilespmem:s19], [sflag:$0x1] =	stream.indirect_vreg.gather [hbm4b:s6+s3], $0x80, v4, vm0, $0xb8;
	[tilespmem:$0x14280] =	vst v63  }
0x3e: {  	_ = 	snop  }
0x3f: {  	[tilespmem:s20], [sflag:$0x1] =	stream.indirect_vreg.gather [hbm4b:s1+s3], $0x80, v3, vm0, $0xb8;
	[tilespmem:$0x14280] =	vst v63  }
0x40: {  	_ = 	snop  }
0x41: {  	[tilespmem:s21], [sflag:$0x1] =	stream.indirect_vreg.gather [hbm4b:s5+s3], $0x80, v3, vm0, $0xb8;
	[tilespmem:$0x14280] =	vst v63  }
0x42: {  	_ = 	snop  }
0x43: {  	[tilespmem:s22], [sflag:$0x1] =	stream.indirect_vreg.gather [hbm4b:s6+s3], $0x80, v3, vm0, $0xb8;
	[tilespmem:$0x14280] =	vst v63  }
0x44: {  	v3 =	vld [tilespmem:$0x20];
	_ =	sdelay $0x4  }
0x45: {  	v11 =	vshrl.u32 v3, $0x3  }
0x46: {  	v4 =	vmul.u32 $0x30, v11  }
0x47: {  	v3 =	vand.u32 $0x7, v3  }
0x48: {  	v3 =	vor.u32 v3, v4  }
0x49: {  	v4 =	vperm.xlane v3, v0;
	_ =	sdelay $0x1  }
0x4a: {  	v4 =	vadd.s32 v1, v4;
	_ =	sdelay $0x3  }
0x4b: {  	v3 =	vperm.xlane v3, v2  }
0x4c: {  	[tilespmem:s23], [sflag:$0x1] =	stream.indirect_vreg.gather [hbm4b:s1+s3], $0x80, v4, vm0, $0xb8;
	[tilespmem:$0x14280] =	vst v63  }
0x4d: {  	v3 =	vadd.s32 v1, v3  }
0x4e: {  	[tilespmem:s24], [sflag:$0x1] =	stream.indirect_vreg.gather [hbm4b:s5+s3], $0x80, v4, vm0, $0xb8;
	[tilespmem:$0x14280] =	vst v63  }
0x4f: {  	_ = 	snop  }
0x50: {  	[tilespmem:s25], [sflag:$0x1] =	stream.indirect_vreg.gather [hbm4b:s6+s3], $0x80, v4, vm0, $0xb8;
	[tilespmem:$0x14280] =	vst v63  }
0x51: {  	_ = 	snop  }
0x52: {  	[tilespmem:s26], [sflag:$0x1] =	stream.indirect_vreg.gather [hbm4b:s1+s3], $0x80, v3, vm0, $0xb8;
	[tilespmem:$0x14280] =	vst v63  }
0x53: {  	_ = 	snop  }
0x54: {  	[tilespmem:s28], [sflag:$0x1] =	stream.indirect_vreg.gather [hbm4b:s5+s3], $0x80, v3, vm0, $0xb8;
	[tilespmem:$0x14280] =	vst v63  }
0x55: {  	_ = 	snop  }
0x56: {  	[tilespmem:s29], [sflag:$0x1] =	stream.indirect_vreg.gather [hbm4b:s6+s3], $0x80, v3, vm0, $0xb8;
	[tilespmem:$0x14280] =	vst v63  }
0x57: {  	v3 =	vld [tilespmem:$0x30];
	_ =	sdelay $0x4  }
0x58: {  	v12 =	vshrl.u32 v3, $0x3  }
0x59: {  	v4 =	vmul.u32 $0x30, v12  }
0x5a: {  	v3 =	vand.u32 $0x7, v3  }
0x5b: {  	v3 =	vor.u32 v3, v4  }
0x5c: {  	v4 =	vperm.xlane v3, v0;
	_ =	sdelay $0x1  }
0x5d: {  	v4 =	vadd.s32 v1, v4;
	_ =	sdelay $0x3  }
0x5e: {  	v3 =	vperm.xlane v3, v2  }
0x5f: {  	[tilespmem:s30], [sflag:$0x1] =	stream.indirect_vreg.gather [hbm4b:s1+s3], $0x80, v4, vm0, $0xb8;
	[tilespmem:$0x14280] =	vst v63  }
0x60: {  	v3 =	vadd.s32 v1, v3  }
0x61: {  	[tilespmem:s31], [sflag:$0x1] =	stream.indirect_vreg.gather [hbm4b:s5+s3], $0x80, v4, vm0, $0xb8;
	[tilespmem:$0x14280] =	vst v63  }
0x62: {  	s2 =	simm.s32 $0xA100  }
0x63: {  	[tilespmem:s2], [sflag:$0x1] =	stream.indirect_vreg.gather [hbm4b:s6+s3], $0x80, v4, vm0, $0xb8;
	[tilespmem:$0x14280] =	vst v63  }
0x64: {  	s2 =	simm.s32 $0xA900  }
0x65: {  	[tilespmem:s2], [sflag:$0x1] =	stream.indirect_vreg.gather [hbm4b:s1+s3], $0x80, v3, vm0, $0xb8;
	[tilespmem:$0x14280] =	vst v63  }
0x66: {  	_ = 	snop  }
0x67: {  	[tilespmem:s9], [sflag:$0x1] =	stream.indirect_vreg.gather [hbm4b:s5+s3], $0x80, v3, vm0, $0xb8;
	[tilespmem:$0x14280] =	vst v63  }
0x68: {  	s11 =	simm.s32 $0xB900  }
0x69: {  	[tilespmem:s11], [sflag:$0x1] =	stream.indirect_vreg.gather [hbm4b:s6+s3], $0x80, v3, vm0, $0xb8;
	[tilespmem:$0x14280] =	vst v63  }
0x6a: {  	_ =	swait.ge [sflag:s4], $0xC000  }
0x6b: {  	[sflag:s4] =	ssyncset.done $0x0  }
0x6c: {  	s11 =	rddreg [dreg:$0xc];
	[sflag:s4] =	ssyncadd.s32 $0xFFFF4000  }
0x6d: {  	[hbm4b:s11+s3] =	stream.linear.scatter [tilespmem:s0], [sflag:$0x2], $0xC000, $0x38;
	[tilespmem:$0x14280] =	vst v63  }
0x6e: {  	_ =	swait.ge [sflag:s8], $0xC000  }
0x6f: {  	[sflag:s8] =	ssyncset.done $0x0  }
0x70: {  	[sflag:s8] =	ssyncadd.s32 $0xFFFF4000  }
0x71: {  	v3 =	vld [tilespmem:$0x40];
	_ =	sdelay $0x4  }
0x72: {  	v13 =	vshrl.u32 v3, $0x3  }
0x73: {  	v4 =	vmul.u32 $0x30, v13  }
0x74: {  	v3 =	vand.u32 $0x7, v3  }
0x75: {  	v3 =	vor.u32 v3, v4  }
0x76: {  	v4 =	vperm.xlane v3, v0;
	_ =	sdelay $0x1  }
0x77: {  	v4 =	vadd.s32 v1, v4;
	_ =	sdelay $0x3  }
0x78: {  	v3 =	vperm.xlane v3, v2  }
0x79: {  	[tilespmem:s0], [sflag:$0x1] =	stream.indirect_vreg.gather [hbm4b:s1+s3], $0x80, v4, vm0, $0xb8;
	[tilespmem:$0x14280] =	vst v63  }
0x7a: {  	v3 =	vadd.s32 v1, v3  }
0x7b: {  	[tilespmem:s12], [sflag:$0x1] =	stream.indirect_vreg.gather [hbm4b:s5+s3], $0x80, v4, vm0, $0xb8;
	[tilespmem:$0x14280] =	vst v63  }
0x7c: {  	_ = 	snop  }
0x7d: {  	[tilespmem:s13], [sflag:$0x1] =	stream.indirect_vreg.gather [hbm4b:s6+s3], $0x80, v4, vm0, $0xb8;
	[tilespmem:$0x14280] =	vst v63  }
0x7e: {  	_ = 	snop  }
0x7f: {  	[tilespmem:s14], [sflag:$0x1] =	stream.indirect_vreg.gather [hbm4b:s1+s3], $0x80, v3, vm0, $0xb8;
	[tilespmem:$0x14280] =	vst v63  }
0x80: {  	_ = 	snop  }
0x81: {  	[tilespmem:s15], [sflag:$0x1] =	stream.indirect_vreg.gather [hbm4b:s5+s3], $0x80, v3, vm0, $0xb8;
	[tilespmem:$0x14280] =	vst v63  }
0x82: {  	_ = 	snop  }
0x83: {  	[tilespmem:s16], [sflag:$0x1] =	stream.indirect_vreg.gather [hbm4b:s6+s3], $0x80, v3, vm0, $0xb8;
	[tilespmem:$0x14280] =	vst v63  }
0x84: {  	v3 =	vld [tilespmem:$0x50];
	_ =	sdelay $0x4  }
0x85: {  	v14 =	vshrl.u32 v3, $0x3  }
0x86: {  	v4 =	vmul.u32 $0x30, v14  }
0x87: {  	v3 =	vand.u32 $0x7, v3  }
0x88: {  	v3 =	vor.u32 v3, v4  }
0x89: {  	v4 =	vperm.xlane v3, v0;
	_ =	sdelay $0x1  }
0x8a: {  	v4 =	vadd.s32 v1, v4;
	_ =	sdelay $0x3  }
0x8b: {  	v3 =	vperm.xlane v3, v2  }
0x8c: {  	[tilespmem:s17], [sflag:$0x1] =	stream.indirect_vreg.gather [hbm4b:s1+s3], $0x80, v4, vm0, $0xb8;
	[tilespmem:$0x14280] =	vst v63  }
0x8d: {  	v3 =	vadd.s32 v1, v3  }
0x8e: {  	[tilespmem:s18], [sflag:$0x1] =	stream.indirect_vreg.gather [hbm4b:s5+s3], $0x80, v4, vm0, $0xb8;
	[tilespmem:$0x14280] =	vst v63  }
0x8f: {  	_ = 	snop  }
0x90: {  	[tilespmem:s19], [sflag:$0x1] =	stream.indirect_vreg.gather [hbm4b:s6+s3], $0x80, v4, vm0, $0xb8;
	[tilespmem:$0x14280] =	vst v63  }
0x91: {  	_ = 	snop  }
0x92: {  	[tilespmem:s20], [sflag:$0x1] =	stream.indirect_vreg.gather [hbm4b:s1+s3], $0x80, v3, vm0, $0xb8;
	[tilespmem:$0x14280] =	vst v63  }
0x93: {  	_ = 	snop  }
0x94: {  	[tilespmem:s21], [sflag:$0x1] =	stream.indirect_vreg.gather [hbm4b:s5+s3], $0x80, v3, vm0, $0xb8;
	[tilespmem:$0x14280] =	vst v63  }
0x95: {  	_ = 	snop  }
0x96: {  	[tilespmem:s22], [sflag:$0x1] =	stream.indirect_vreg.gather [hbm4b:s6+s3], $0x80, v3, vm0, $0xb8;
	[tilespmem:$0x14280] =	vst v63  }
0x97: {  	v3 =	vld [tilespmem:$0x60];
	_ =	sdelay $0x4  }
0x98: {  	v15 =	vshrl.u32 v3, $0x3  }
0x99: {  	v4 =	vmul.u32 $0x30, v15  }
0x9a: {  	v3 =	vand.u32 $0x7, v3  }
0x9b: {  	v3 =	vor.u32 v3, v4  }
0x9c: {  	v4 =	vperm.xlane v3, v0;
	_ =	sdelay $0x1  }
0x9d: {  	v4 =	vadd.s32 v1, v4;
	_ =	sdelay $0x3  }
0x9e: {  	v3 =	vperm.xlane v3, v2  }
0x9f: {  	[tilespmem:s23], [sflag:$0x1] =	stream.indirect_vreg.gather [hbm4b:s1+s3], $0x80, v4, vm0, $0xb8;
	[tilespmem:$0x14280] =	vst v63  }
0xa0: {  	v3 =	vadd.s32 v1, v3  }
0xa1: {  	[tilespmem:s24], [sflag:$0x1] =	stream.indirect_vreg.gather [hbm4b:s5+s3], $0x80, v4, vm0, $0xb8;
	[tilespmem:$0x14280] =	vst v63  }
0xa2: {  	_ = 	snop  }
0xa3: {  	[tilespmem:s25], [sflag:$0x1] =	stream.indirect_vreg.gather [hbm4b:s6+s3], $0x80, v4, vm0, $0xb8;
	[tilespmem:$0x14280] =	vst v63  }
0xa4: {  	_ = 	snop  }
0xa5: {  	[tilespmem:s26], [sflag:$0x1] =	stream.indirect_vreg.gather [hbm4b:s1+s3], $0x80, v3, vm0, $0xb8;
	[tilespmem:$0x14280] =	vst v63  }
0xa6: {  	_ = 	snop  }
0xa7: {  	[tilespmem:s28], [sflag:$0x1] =	stream.indirect_vreg.gather [hbm4b:s5+s3], $0x80, v3, vm0, $0xb8;
	[tilespmem:$0x14280] =	vst v63  }
0xa8: {  	_ = 	snop  }
0xa9: {  	[tilespmem:s29], [sflag:$0x1] =	stream.indirect_vreg.gather [hbm4b:s6+s3], $0x80, v3, vm0, $0xb8;
	[tilespmem:$0x14280] =	vst v63  }
0xaa: {  	v3 =	vld [tilespmem:$0x70];
	_ =	sdelay $0x4  }
0xab: {  	v16 =	vshrl.u32 v3, $0x3  }
0xac: {  	v4 =	vmul.u32 $0x30, v16  }
0xad: {  	v3 =	vand.u32 $0x7, v3  }
0xae: {  	v3 =	vor.u32 v3, v4  }
0xaf: {  	v4 =	vperm.xlane v3, v0;
	_ =	sdelay $0x1  }
0xb0: {  	v4 =	vadd.s32 v1, v4;
	_ =	sdelay $0x3  }
0xb1: {  	v3 =	vperm.xlane v3, v2  }
0xb2: {  	[tilespmem:s30], [sflag:$0x1] =	stream.indirect_vreg.gather [hbm4b:s1+s3], $0x80, v4, vm0, $0xb8;
	[tilespmem:$0x14280] =	vst v63  }
0xb3: {  	v3 =	vadd.s32 v1, v3  }
0xb4: {  	[tilespmem:s31], [sflag:$0x1] =	stream.indirect_vreg.gather [hbm4b:s5+s3], $0x80, v4, vm0, $0xb8;
	[tilespmem:$0x14280] =	vst v63  }
0xb5: {  	s11 =	simm.s32 $0xA100  }
0xb6: {  	[tilespmem:s11], [sflag:$0x1] =	stream.indirect_vreg.gather [hbm4b:s6+s3], $0x80, v4, vm0, $0xb8;
	[tilespmem:$0x14280] =	vst v63  }
0xb7: {  	_ = 	snop  }
0xb8: {  	[tilespmem:s2], [sflag:$0x1] =	stream.indirect_vreg.gather [hbm4b:s1+s3], $0x80, v3, vm0, $0xb8;
	[tilespmem:$0x14280] =	vst v63  }
0xb9: {  	_ = 	snop  }
0xba: {  	[tilespmem:s9], [sflag:$0x1] =	stream.indirect_vreg.gather [hbm4b:s5+s3], $0x80, v3, vm0, $0xb8;
	[tilespmem:$0x14280] =	vst v63  }
0xbb: {  	s11 =	simm.s32 $0xB900  }
0xbc: {  	[tilespmem:s11], [sflag:$0x1] =	stream.indirect_vreg.gather [hbm4b:s6+s3], $0x80, v3, vm0, $0xb8;
	[tilespmem:$0x14280] =	vst v63  }
0xbd: {  	_ =	swait.ge [sflag:s4], $0xC000  }
0xbe: {  	[sflag:s4] =	ssyncset.done $0x0  }
0xbf: {  	s11 =	rddreg [dreg:$0x5];
	[sflag:s4] =	ssyncadd.s32 $0xFFFF4000  }
0xc0: {  	[hbm4b:s11+s3] =	stream.linear.scatter [tilespmem:s0], [sflag:$0x2], $0xC000, $0x38;
	[tilespmem:$0x14280] =	vst v63  }
0xc1: {  	_ =	swait.ge [sflag:s8], $0xC000  }
0xc2: {  	[sflag:s8] =	ssyncset.done $0x0  }
0xc3: {  	[sflag:s8] =	ssyncadd.s32 $0xFFFF4000  }
0xc4: {  	v3 =	vld [tilespmem:$0x80];
	_ =	sdelay $0x4  }
0xc5: {  	v17 =	vshrl.u32 v3, $0x3  }
0xc6: {  	v4 =	vmul.u32 $0x30, v17  }
0xc7: {  	v3 =	vand.u32 $0x7, v3  }
0xc8: {  	v3 =	vor.u32 v3, v4  }
0xc9: {  	v4 =	vperm.xlane v3, v0;
	_ =	sdelay $0x1  }
0xca: {  	v4 =	vadd.s32 v1, v4;
	_ =	sdelay $0x3  }
0xcb: {  	v3 =	vperm.xlane v3, v2  }
0xcc: {  	[tilespmem:s0], [sflag:$0x1] =	stream.indirect_vreg.gather [hbm4b:s1+s3], $0x80, v4, vm0, $0xb8;
	[tilespmem:$0x14280] =	vst v63  }
0xcd: {  	v3 =	vadd.s32 v1, v3  }
0xce: {  	[tilespmem:s12], [sflag:$0x1] =	stream.indirect_vreg.gather [hbm4b:s5+s3], $0x80, v4, vm0, $0xb8;
	[tilespmem:$0x14280] =	vst v63  }
0xcf: {  	_ = 	snop  }
0xd0: {  	[tilespmem:s13], [sflag:$0x1] =	stream.indirect_vreg.gather [hbm4b:s6+s3], $0x80, v4, vm0, $0xb8;
	[tilespmem:$0x14280] =	vst v63  }
0xd1: {  	_ = 	snop  }
0xd2: {  	[tilespmem:s14], [sflag:$0x1] =	stream.indirect_vreg.gather [hbm4b:s1+s3], $0x80, v3, vm0, $0xb8;
	[tilespmem:$0x14280] =	vst v63  }
0xd3: {  	_ = 	snop  }
0xd4: {  	[tilespmem:s15], [sflag:$0x1] =	stream.indirect_vreg.gather [hbm4b:s5+s3], $0x80, v3, vm0, $0xb8;
	[tilespmem:$0x14280] =	vst v63  }
0xd5: {  	_ = 	snop  }
0xd6: {  	[tilespmem:s16], [sflag:$0x1] =	stream.indirect_vreg.gather [hbm4b:s6+s3], $0x80, v3, vm0, $0xb8;
	[tilespmem:$0x14280] =	vst v63  }
0xd7: {  	v3 =	vld [tilespmem:$0x90];
	_ =	sdelay $0x4  }
0xd8: {  	v18 =	vshrl.u32 v3, $0x3  }
0xd9: {  	v4 =	vmul.u32 $0x30, v18  }
0xda: {  	v3 =	vand.u32 $0x7, v3  }
0xdb: {  	v3 =	vor.u32 v3, v4  }
0xdc: {  	v4 =	vperm.xlane v3, v0;
	_ =	sdelay $0x1  }
0xdd: {  	v4 =	vadd.s32 v1, v4;
	_ =	sdelay $0x3  }
0xde: {  	v3 =	vperm.xlane v3, v2  }
0xdf: {  	[tilespmem:s17], [sflag:$0x1] =	stream.indirect_vreg.gather [hbm4b:s1+s3], $0x80, v4, vm0, $0xb8;
	[tilespmem:$0x14280] =	vst v63  }
0xe0: {  	v3 =	vadd.s32 v1, v3  }
0xe1: {  	[tilespmem:s18], [sflag:$0x1] =	stream.indirect_vreg.gather [hbm4b:s5+s3], $0x80, v4, vm0, $0xb8;
	[tilespmem:$0x14280] =	vst v63  }
0xe2: {  	_ = 	snop  }
0xe3: {  	[tilespmem:s19], [sflag:$0x1] =	stream.indirect_vreg.gather [hbm4b:s6+s3], $0x80, v4, vm0, $0xb8;
	[tilespmem:$0x14280] =	vst v63  }
0xe4: {  	_ = 	snop  }
0xe5: {  	[tilespmem:s20], [sflag:$0x1] =	stream.indirect_vreg.gather [hbm4b:s1+s3], $0x80, v3, vm0, $0xb8;
	[tilespmem:$0x14280] =	vst v63  }
0xe6: {  	_ = 	snop  }
0xe7: {  	[tilespmem:s21], [sflag:$0x1] =	stream.indirect_vreg.gather [hbm4b:s5+s3], $0x80, v3, vm0, $0xb8;
	[tilespmem:$0x14280] =	vst v63  }
0xe8: {  	_ = 	snop  }
0xe9: {  	[tilespmem:s22], [sflag:$0x1] =	stream.indirect_vreg.gather [hbm4b:s6+s3], $0x80, v3, vm0, $0xb8;
	[tilespmem:$0x14280] =	vst v63  }
0xea: {  	v3 =	vld [tilespmem:$0xA0];
	_ =	sdelay $0x4  }
0xeb: {  	v19 =	vshrl.u32 v3, $0x3  }
0xec: {  	v4 =	vmul.u32 $0x30, v19  }
0xed: {  	v3 =	vand.u32 $0x7, v3  }
0xee: {  	v3 =	vor.u32 v3, v4  }
0xef: {  	v4 =	vperm.xlane v3, v0;
	_ =	sdelay $0x1  }
0xf0: {  	v4 =	vadd.s32 v1, v4;
	_ =	sdelay $0x3  }
0xf1: {  	v3 =	vperm.xlane v3, v2  }
0xf2: {  	[tilespmem:s23], [sflag:$0x1] =	stream.indirect_vreg.gather [hbm4b:s1+s3], $0x80, v4, vm0, $0xb8;
	[tilespmem:$0x14280] =	vst v63  }
0xf3: {  	v3 =	vadd.s32 v1, v3  }
0xf4: {  	[tilespmem:s24], [sflag:$0x1] =	stream.indirect_vreg.gather [hbm4b:s5+s3], $0x80, v4, vm0, $0xb8;
	[tilespmem:$0x14280] =	vst v63  }
0xf5: {  	_ = 	snop  }
0xf6: {  	[tilespmem:s25], [sflag:$0x1] =	stream.indirect_vreg.gather [hbm4b:s6+s3], $0x80, v4, vm0, $0xb8;
	[tilespmem:$0x14280] =	vst v63  }
0xf7: {  	_ = 	snop  }
0xf8: {  	[tilespmem:s26], [sflag:$0x1] =	stream.indirect_vreg.gather [hbm4b:s1+s3], $0x80, v3, vm0, $0xb8;
	[tilespmem:$0x14280] =	vst v63  }
0xf9: {  	_ = 	snop  }
0xfa: {  	[tilespmem:s28], [sflag:$0x1] =	stream.indirect_vreg.gather [hbm4b:s5+s3], $0x80, v3, vm0, $0xb8;
	[tilespmem:$0x14280] =	vst v63  }
0xfb: {  	_ = 	snop  }
0xfc: {  	[tilespmem:s29], [sflag:$0x1] =	stream.indirect_vreg.gather [hbm4b:s6+s3], $0x80, v3, vm0, $0xb8;
	[tilespmem:$0x14280] =	vst v63  }
0xfd: {  	v3 =	vld [tilespmem:$0xB0];
	_ =	sdelay $0x4  }
0xfe: {  	v20 =	vshrl.u32 v3, $0x3  }
0xff: {  	v4 =	vmul.u32 $0x30, v20  }
0x100: {  	v3 =	vand.u32 $0x7, v3  }
0x101: {  	v3 =	vor.u32 v3, v4  }
0x102: {  	v4 =	vperm.xlane v3, v0;
	_ =	sdelay $0x1  }
0x103: {  	v4 =	vadd.s32 v1, v4;
	_ =	sdelay $0x3  }
0x104: {  	v3 =	vperm.xlane v3, v2  }
0x105: {  	[tilespmem:s30], [sflag:$0x1] =	stream.indirect_vreg.gather [hbm4b:s1+s3], $0x80, v4, vm0, $0xb8;
	[tilespmem:$0x14280] =	vst v63  }
0x106: {  	v3 =	vadd.s32 v1, v3  }
0x107: {  	[tilespmem:s31], [sflag:$0x1] =	stream.indirect_vreg.gather [hbm4b:s5+s3], $0x80, v4, vm0, $0xb8;
	[tilespmem:$0x14280] =	vst v63  }
0x108: {  	s11 =	simm.s32 $0xA100  }
0x109: {  	[tilespmem:s11], [sflag:$0x1] =	stream.indirect_vreg.gather [hbm4b:s6+s3], $0x80, v4, vm0, $0xb8;
	[tilespmem:$0x14280] =	vst v63  }
0x10a: {  	_ = 	snop  }
0x10b: {  	[tilespmem:s2], [sflag:$0x1] =	stream.indirect_vreg.gather [hbm4b:s1+s3], $0x80, v3, vm0, $0xb8;
	[tilespmem:$0x14280] =	vst v63  }
0x10c: {  	_ = 	snop  }
0x10d: {  	[tilespmem:s9], [sflag:$0x1] =	stream.indirect_vreg.gather [hbm4b:s5+s3], $0x80, v3, vm0, $0xb8;
	[tilespmem:$0x14280] =	vst v63  }
0x10e: {  	s11 =	simm.s32 $0xB900  }
0x10f: {  	[tilespmem:s11], [sflag:$0x1] =	stream.indirect_vreg.gather [hbm4b:s6+s3], $0x80, v3, vm0, $0xb8;
	[tilespmem:$0x14280] =	vst v63  }
0x110: {  	_ =	swait.ge [sflag:s4], $0xC000  }
0x111: {  	[sflag:s4] =	ssyncset.done $0x0  }
0x112: {  	s11 =	rddreg [dreg:$0x6];
	[sflag:s4] =	ssyncadd.s32 $0xFFFF4000  }
0x113: {  	[hbm4b:s11+s3] =	stream.linear.scatter [tilespmem:s0], [sflag:$0x2], $0xC000, $0x38;
	[tilespmem:$0x14280] =	vst v63  }
0x114: {  	_ =	swait.ge [sflag:s8], $0xC000  }
0x115: {  	[sflag:s8] =	ssyncset.done $0x0  }
0x116: {  	[sflag:s8] =	ssyncadd.s32 $0xFFFF4000  }
0x117: {  	v3 =	vld [tilespmem:$0xC0];
	_ =	sdelay $0x4  }
0x118: {  	v21 =	vshrl.u32 v3, $0x3  }
0x119: {  	v4 =	vmul.u32 $0x30, v21  }
0x11a: {  	v3 =	vand.u32 $0x7, v3  }
0x11b: {  	v3 =	vor.u32 v3, v4  }
0x11c: {  	v4 =	vperm.xlane v3, v0;
	_ =	sdelay $0x1  }
0x11d: {  	v4 =	vadd.s32 v1, v4;
	_ =	sdelay $0x3  }
0x11e: {  	v3 =	vperm.xlane v3, v2  }
0x11f: {  	[tilespmem:s0], [sflag:$0x1] =	stream.indirect_vreg.gather [hbm4b:s1+s3], $0x80, v4, vm0, $0xb8;
	[tilespmem:$0x14280] =	vst v63  }
0x120: {  	v3 =	vadd.s32 v1, v3  }
0x121: {  	[tilespmem:s12], [sflag:$0x1] =	stream.indirect_vreg.gather [hbm4b:s5+s3], $0x80, v4, vm0, $0xb8;
	[tilespmem:$0x14280] =	vst v63  }
0x122: {  	_ = 	snop  }
0x123: {  	[tilespmem:s13], [sflag:$0x1] =	stream.indirect_vreg.gather [hbm4b:s6+s3], $0x80, v4, vm0, $0xb8;
	[tilespmem:$0x14280] =	vst v63  }
0x124: {  	_ = 	snop  }
0x125: {  	[tilespmem:s14], [sflag:$0x1] =	stream.indirect_vreg.gather [hbm4b:s1+s3], $0x80, v3, vm0, $0xb8;
	[tilespmem:$0x14280] =	vst v63  }
0x126: {  	_ = 	snop  }
0x127: {  	[tilespmem:s15], [sflag:$0x1] =	stream.indirect_vreg.gather [hbm4b:s5+s3], $0x80, v3, vm0, $0xb8;
	[tilespmem:$0x14280] =	vst v63  }
0x128: {  	_ = 	snop  }
0x129: {  	[tilespmem:s16], [sflag:$0x1] =	stream.indirect_vreg.gather [hbm4b:s6+s3], $0x80, v3, vm0, $0xb8;
	[tilespmem:$0x14280] =	vst v63  }
0x12a: {  	v3 =	vld [tilespmem:$0xD0];
	_ =	sdelay $0x4  }
0x12b: {  	v22 =	vshrl.u32 v3, $0x3  }
0x12c: {  	v4 =	vmul.u32 $0x30, v22  }
0x12d: {  	v3 =	vand.u32 $0x7, v3  }
0x12e: {  	v3 =	vor.u32 v3, v4  }
0x12f: {  	v4 =	vperm.xlane v3, v0;
	_ =	sdelay $0x1  }
0x130: {  	v4 =	vadd.s32 v1, v4;
	_ =	sdelay $0x3  }
0x131: {  	v3 =	vperm.xlane v3, v2  }
0x132: {  	[tilespmem:s17], [sflag:$0x1] =	stream.indirect_vreg.gather [hbm4b:s1+s3], $0x80, v4, vm0, $0xb8;
	[tilespmem:$0x14280] =	vst v63  }
0x133: {  	v3 =	vadd.s32 v1, v3  }
0x134: {  	[tilespmem:s18], [sflag:$0x1] =	stream.indirect_vreg.gather [hbm4b:s5+s3], $0x80, v4, vm0, $0xb8;
	[tilespmem:$0x14280] =	vst v63  }
0x135: {  	_ = 	snop  }
0x136: {  	[tilespmem:s19], [sflag:$0x1] =	stream.indirect_vreg.gather [hbm4b:s6+s3], $0x80, v4, vm0, $0xb8;
	[tilespmem:$0x14280] =	vst v63  }
0x137: {  	_ = 	snop  }
0x138: {  	[tilespmem:s20], [sflag:$0x1] =	stream.indirect_vreg.gather [hbm4b:s1+s3], $0x80, v3, vm0, $0xb8;
	[tilespmem:$0x14280] =	vst v63  }
0x139: {  	_ = 	snop  }
0x13a: {  	[tilespmem:s21], [sflag:$0x1] =	stream.indirect_vreg.gather [hbm4b:s5+s3], $0x80, v3, vm0, $0xb8;
	[tilespmem:$0x14280] =	vst v63  }
0x13b: {  	_ = 	snop  }
0x13c: {  	[tilespmem:s22], [sflag:$0x1] =	stream.indirect_vreg.gather [hbm4b:s6+s3], $0x80, v3, vm0, $0xb8;
	[tilespmem:$0x14280] =	vst v63  }
0x13d: {  	v3 =	vld [tilespmem:$0xE0];
	_ =	sdelay $0x4  }
0x13e: {  	v23 =	vshrl.u32 v3, $0x3  }
0x13f: {  	v4 =	vmul.u32 $0x30, v23  }
0x140: {  	v3 =	vand.u32 $0x7, v3  }
0x141: {  	v3 =	vor.u32 v3, v4  }
0x142: {  	v4 =	vperm.xlane v3, v0;
	_ =	sdelay $0x1  }
0x143: {  	v4 =	vadd.s32 v1, v4;
	_ =	sdelay $0x3  }
0x144: {  	v3 =	vperm.xlane v3, v2  }
0x145: {  	[tilespmem:s23], [sflag:$0x1] =	stream.indirect_vreg.gather [hbm4b:s1+s3], $0x80, v4, vm0, $0xb8;
	[tilespmem:$0x14280] =	vst v63  }
0x146: {  	v3 =	vadd.s32 v1, v3  }
0x147: {  	[tilespmem:s24], [sflag:$0x1] =	stream.indirect_vreg.gather [hbm4b:s5+s3], $0x80, v4, vm0, $0xb8;
	[tilespmem:$0x14280] =	vst v63  }
0x148: {  	_ = 	snop  }
0x149: {  	[tilespmem:s25], [sflag:$0x1] =	stream.indirect_vreg.gather [hbm4b:s6+s3], $0x80, v4, vm0, $0xb8;
	[tilespmem:$0x14280] =	vst v63  }
0x14a: {  	_ = 	snop  }
0x14b: {  	[tilespmem:s26], [sflag:$0x1] =	stream.indirect_vreg.gather [hbm4b:s1+s3], $0x80, v3, vm0, $0xb8;
	[tilespmem:$0x14280] =	vst v63  }
0x14c: {  	_ = 	snop  }
0x14d: {  	[tilespmem:s28], [sflag:$0x1] =	stream.indirect_vreg.gather [hbm4b:s5+s3], $0x80, v3, vm0, $0xb8;
	[tilespmem:$0x14280] =	vst v63  }
0x14e: {  	_ = 	snop  }
0x14f: {  	[tilespmem:s29], [sflag:$0x1] =	stream.indirect_vreg.gather [hbm4b:s6+s3], $0x80, v3, vm0, $0xb8;
	[tilespmem:$0x14280] =	vst v63  }
0x150: {  	v3 =	vld [tilespmem:$0xF0];
	_ =	sdelay $0x4  }
0x151: {  	v24 =	vshrl.u32 v3, $0x3  }
0x152: {  	v4 =	vmul.u32 $0x30, v24  }
0x153: {  	v3 =	vand.u32 $0x7, v3  }
0x154: {  	v3 =	vor.u32 v3, v4  }
0x155: {  	v4 =	vperm.xlane v3, v0;
	_ =	sdelay $0x1  }
0x156: {  	v4 =	vadd.s32 v1, v4;
	_ =	sdelay $0x3  }
0x157: {  	v3 =	vperm.xlane v3, v2  }
0x158: {  	[tilespmem:s30], [sflag:$0x1] =	stream.indirect_vreg.gather [hbm4b:s1+s3], $0x80, v4, vm0, $0xb8;
	[tilespmem:$0x14280] =	vst v63  }
0x159: {  	v3 =	vadd.s32 v1, v3  }
0x15a: {  	[tilespmem:s31], [sflag:$0x1] =	stream.indirect_vreg.gather [hbm4b:s5+s3], $0x80, v4, vm0, $0xb8;
	[tilespmem:$0x14280] =	vst v63  }
0x15b: {  	s12 =	simm.s32 $0xA100  }
0x15c: {  	[tilespmem:s12], [sflag:$0x1] =	stream.indirect_vreg.gather [hbm4b:s6+s3], $0x80, v4, vm0, $0xb8;
	[tilespmem:$0x14280] =	vst v63  }
0x15d: {  	_ = 	snop  }
0x15e: {  	[tilespmem:s2], [sflag:$0x1] =	stream.indirect_vreg.gather [hbm4b:s1+s3], $0x80, v3, vm0, $0xb8;
	[tilespmem:$0x14280] =	vst v63  }
0x15f: {  	_ = 	snop  }
0x160: {  	[tilespmem:s9], [sflag:$0x1] =	stream.indirect_vreg.gather [hbm4b:s5+s3], $0x80, v3, vm0, $0xb8;
	[tilespmem:$0x14280] =	vst v63  }
0x161: {  	s11 =	simm.s32 $0xB900  }
0x162: {  	[tilespmem:s11], [sflag:$0x1] =	stream.indirect_vreg.gather [hbm4b:s6+s3], $0x80, v3, vm0, $0xb8;
	[tilespmem:$0x14280] =	vst v63  }
0x163: {  	_ =	swait.ge [sflag:s4], $0xC000  }
0x164: {  	[sflag:s4] =	ssyncset.done $0x0  }
0x165: {  	s12 =	rddreg [dreg:$0x7];
	[sflag:s4] =	ssyncadd.s32 $0xFFFF4000  }
0x166: {  	[hbm4b:s12+s3] =	stream.linear.scatter [tilespmem:s0], [sflag:$0x2], $0xC000, $0x38;
	[tilespmem:$0x14280] =	vst v63  }
0x167: {  	_ =	swait.ge [sflag:s8], $0xC000  }
0x168: {  	[sflag:s8] =	ssyncset.done $0x0  }
0x169: {  	s2 =	rddreg [dreg:$0x3];
	[sflag:s8] =	ssyncadd.s32 $0xFFFF4000  }
0x16a: {  	[tilespmem:s10], [sflag:$0x2] =	stream.linear.gather [hbm4b:s2+s3], $0x8000, $0x38;
	[tilespmem:$0x14280] =	vst v63  }
0x16b: {  	_ =	swait.ge [sflag:s8], $0x8000  }
0x16c: {  	s12 =	rddreg [dreg:$0x8];
	[sflag:s8] =	ssyncset.done $0x0  }
0x16d: {  	s2 =	rddreg [dreg:$0xa];
	[sflag:s8] =	ssyncadd.s32 $0xFFFF8000  }
0x16e: {  	[tilespmem:s2], [sflag:$0x2] =	stream.linear.gather [hbm4b:s12+s3], $0x100, $0x38;
	[tilespmem:$0x14280] =	vst v63  }
0x16f: {  	_ =	swait.ge [sflag:s8], $0x100  }
0x170: {  	[sflag:s8] =	ssyncset.done $0x0  }
0x171: {  	[sflag:s8] =	ssyncadd.s32 $0xFFFFFF00  }
0x172: {  	v3 =	vld [tilespmem:$0x0]  }
0x173: {  	v25 =	vld [tilespmem:$0x10]  }
0x174: {  	v5 =	vld [tilespmem:$0x20]  }
0x175: {  	v6 =	vld [tilespmem:$0x30]  }
0x176: {  	v7 =	vld [tilespmem:$0x14100]  }
0x177: {  	v8 =	vld [tilespmem:$0x40]  }
0x178: {  	v9 =	vld [tilespmem:$0x14110]  }
0x179: {  	v10 =	vld [tilespmem:$0x50]  }
0x17a: {  	v11 =	vld [tilespmem:$0x14120]  }
0x17b: {  	v12 =	vld [tilespmem:$0x60]  }
0x17c: {  	v13 =	vld [tilespmem:$0x70]  }
0x17d: {  	v14 =	vld [tilespmem:$0x14130]  }
0x17e: {  	v15 =	vld [tilespmem:$0x80];
	v3 =	vand.u32 $0x7FFF, v3  }
0x17f: {  	v16 =	vld [tilespmem:$0x14140]  }
0x180: {  	v17 =	vld [tilespmem:$0x14150];
	v4 =	vand.u32 $0x7FFF, v25  }
0x181: {  	v18 =	vld [tilespmem:$0x90]  }
0x182: {  	v28 =	vld [tilespmem:$0x14160];
	v5 =	vand.u32 $0x7FFF, v5  }
0x183: {  	v3 =	vld.idx.msk [tilespmem:v3+s10+$0x0], $0xffff  }
0x184: {  	v30 =	vld [tilespmem:$0xA0];
	v6 =	vand.u32 $0x7FFF, v6  }
0x185: {  	v4 =	vld.idx.msk [tilespmem:v4+s10+$0x0], $0xffff  }
0x186: {  	v32 =	vld [tilespmem:$0x14170];
	v8 =	vand.u32 $0x7FFF, v8  }
0x187: {  	v5 =	vld.idx.msk [tilespmem:v5+s10+$0x0], $0xffff  }
0x188: {  	v35 =	vld [tilespmem:$0xB0];
	v10 =	vand.u32 $0x7FFF, v10;
	v3 =	vmul.f32 v7, v3  }
0x189: {  	v6 =	vld.idx.msk [tilespmem:v6+s10+$0x0], $0xffff  }
0x18a: {  	v36 =	vld [tilespmem:$0x14180];
	v12 =	vand.u32 $0x7FFF, v12;
	v4 =	vmul.f32 v9, v4;
	v3 =	vadd.f32 $0.0e+00, v3  }
0x18b: {  	v8 =	vld.idx.msk [tilespmem:v8+s10+$0x0], $0xffff  }
0x18c: {  	v39 =	vld [tilespmem:$0xC0];
	v13 =	vand.u32 $0x7FFF, v13;
	v31 =	vmul.f32 v11, v5;
	v3 =	vadd.f32 v4, v3  }
0x18d: {  	v10 =	vld.idx.msk [tilespmem:v10+s10+$0x0], $0xffff  }
0x18e: {  	v41 =	vld [tilespmem:$0xD0];
	v27 =	vand.u32 $0x7FFF, v15;
	v34 =	vmul.f32 v14, v6;
	v3 =	vadd.f32 v31, v3  }
0x18f: {  	v26 =	vld.idx.msk [tilespmem:v12+s10+$0x0], $0xffff  }
0x190: {  	v42 =	vld [tilespmem:$0x14190];
	v33 =	vand.u32 $0x7FFF, v18;
	v37 =	vmul.f32 v16, v8;
	v3 =	vadd.f32 v34, v3  }
0x191: {  	v29 =	vld.idx.msk [tilespmem:v13+s10+$0x0], $0xffff  }
0x192: {  	v44 =	vld [tilespmem:$0xE0];
	v38 =	vand.u32 $0x7FFF, v30;
	v40 =	vmul.f32 v17, v10;
	v3 =	vadd.f32 v37, v3  }
0x193: {  	v12 =	vld.idx.msk [tilespmem:v27+s10+$0x0], $0xffff  }
0x194: {  	v46 =	vld [tilespmem:$0xF0];
	v6 =	vand.u32 $0x7FFF, v35;
	v43 =	vmul.f32 v28, v26;
	v3 =	vadd.f32 v40, v3  }
0x195: {  	v11 =	vld.idx.msk [tilespmem:v33+s10+$0x0], $0xffff  }
0x196: {  	v47 =	vld [tilespmem:$0x141A0];
	v13 =	vand.u32 $0x7FFF, v39;
	v45 =	vmul.f32 v32, v29;
	v3 =	vadd.f32 v43, v3  }
0x197: {  	v8 =	vld.idx.msk [tilespmem:v38+s10+$0x0], $0xffff  }
0x198: {  	v49 =	vld [tilespmem:$0x141B0];
	v10 =	vand.u32 $0x7FFF, v41;
	v48 =	vmul.f32 v36, v12;
	v3 =	vadd.f32 v45, v3  }
0x199: {  	v6 =	vld.idx.msk [tilespmem:v6+s10+$0x0], $0xffff  }
0x19a: {  	v52 =	vld [tilespmem:$0x141C0];
	v7 =	vand.u32 $0x7FFF, v44;
	v50 =	vmul.f32 v42, v11;
	v3 =	vadd.f32 v48, v3  }
0x19b: {  	v51 =	vld.idx.msk [tilespmem:v13+s10+$0x0], $0xffff  }
0x19c: {  	v55 =	vld [tilespmem:$0x141D0];
	v5 =	vand.u32 $0x7FFF, v46;
	v53 =	vmul.f32 v47, v8;
	v3 =	vadd.f32 v50, v3  }
0x19d: {  	v54 =	vld.idx.msk [tilespmem:v10+s10+$0x0], $0xffff  }
0x19e: {  	v58 =	vld [tilespmem:$0x141E0];
	v56 =	vmul.f32 v49, v6;
	v3 =	vadd.f32 v53, v3  }
0x19f: {  	v57 =	vld.idx.msk [tilespmem:v7+s10+$0x0], $0xffff  }
0x1a0: {  	v60 =	vld [tilespmem:$0x141F0];
	v59 =	vmul.f32 v52, v51;
	v3 =	vadd.f32 v56, v3  }
0x1a1: {  	v5 =	vld.idx.msk [tilespmem:v5+s10+$0x0], $0xffff  }
0x1a2: {  	v61 =	vmul.f32 v55, v54;
	v3 =	vadd.f32 v59, v3;
	_ =	sdelay $0x1  }
0x1a3: {  	v62 =	vmul.f32 v58, v57;
	v3 =	vadd.f32 v61, v3;
	_ =	sdelay $0x1  }
0x1a4: {  	v63 =	vmul.f32 v60, v5;
	v3 =	vadd.f32 v62, v3;
	_ =	sdelay $0x1  }
0x1a5: {  	v3 =	vadd.f32 v63, v3  }
0x1a6: {  	p0 =	sne.s32 s7, $0x1;
	s12 =	rddreg [dreg:$0x9]  }
.Ltmp0:
0x1a7: {  	s2 =	rddreg [dreg:$0xb];
	[tilespmem:$0x14200] =	vst v3;
	(pc) =	sbr.rel @p0 .LBB2_1-.Ltmp0, $4  }
0x1a8: {  	[hbm4b:s12+s3] =	stream.linear.scatter [tilespmem:s2], [sflag:$0x2], $0x80, $0x38;
	[tilespmem:$0x14280] =	vst v63  }
0x1a9: {  	_ =	swait.ge [sflag:s8], $0x80  }
0x1aa: {  	[sflag:s8] =	ssyncset.done $0x0  }
0x1ab: {  	s7 =	sadd.s32 $0xFFFFFFFF, s7;
	[sflag:s8] =	ssyncadd.s32 $0xFFFFFF80  }
0x1ac: {  	_ =	sfence.sel $0x180000  }
0x1ad: {  	[bflag:$0x0] =	sbarrier.arrive $0xFFFF  }
0x1ae: {  	_ =	strace $0x9000004D  }
0x1af: {  	s0 =	stileid.u32;
	[bflag:$0x2] =	sbarrier.arrive $0xFFFF  }
0x1b0: {  	p0 =	sne.s32 s0, $0x0;
	s0 =	rddreg [dreg:$0x2]  }
0x1b1: {  	s0 =	sadd.s32 @!p0 $0x100000, s0  }
0x1b2: {  	[sflag:s0] =	ssyncadd.tile.s32 @!p0 $0x1;
	_ =	shalt  }
.Lfunc_end2:
_tile_overlayer_lowered:
.L_overlay_start_2:
0x1b3: {  	(tag) =	ssettag $0x2  }
0x1b4: {  	s0 =	rddreg [dreg:$0x0];
	s2 =	stileid.u32  }
0x1b5: {  	s1 =	rddreg [dreg:$0x1];
	p0 =	sne.s32 s2, $0x0  }
0x1b6: {  	s3 =	rddreg [dreg:$0x2];
	[bflag:$0x3] =	sbarrier.arrive $0xFFFF;
	s2 =	simm.s32 @!p0 $0x1C02  }
0x1b7: {  	[timem:s3], [sflag:s2] =	dma.local @!p0 [hbm:s0], s1  }
0x1b8: {  	s0 =	simm.s32 @!p0 $0x2  }
0x1b9: {  	_ =	swait.ge @!p0 [sflag:s0], s1  }
0x1ba: {  	s1 =	ssub.s32 @!p0 $0x0, s1;
	[sflag:s0] =	ssyncset.done @!p0 $0x0  }
0x1bb: {  	[sflag:s0] =	ssyncadd.s32 @!p0 s1  }
0x1bc: {  	[bflag:$0x3] =	sbarrier.arrive $0xFFFF  }
0x1bd: {  	_ =	shalt  }

// kernel: kernel.9.cloned.1.call-start
scs
__scs_entry_jumppad:
0x0: {  	(pc) =	sbr.rel $0x88, $3  }
0x1: {  	(tag) =	ssettag $0x0;
	lr =	simm.s32 $0x1  }
0x2: {  	[smem:$0x3F96] =	sst lr;
	_ =	strace $0xD0000000  }
0x3: {  	_ = 	snop  }
0x4: {  	_ = 	snop  }
0x5: {  	_ = 	snop  }
0x6: {  	_ = 	snop  }
0x7: {  	_ = 	snop  }
__scs_overlays_trampoline_lowered:
0x8: {  	[smem:$0x3FA5] =	sst s0  }
0x9: {  	[smem:$0x3FA6] =	sst s1  }
0xa: {  	[smem:$0x3FA7] =	sst s2  }
0xb: {  	[smem:$0x3FA8] =	sst s3  }
0xc: {  	[smem:$0x3FA9] =	sst s4  }
0xd: {  	[smem:$0x3FAA] =	sst s5  }
0xe: {  	[smem:$0x3FAB] =	sst s6  }
0xf: {  	[smem:$0x3FAC] =	sst s7  }
0x10: {  	[smem:$0x3FAD] =	sst s8  }
0x11: {  	[smem:$0x3FAE] =	sst s9;
	s0 =	simm.s32 @!p0 $0x0  }
0x12: {  	s1 =	sld [smem:$0x3F94];
	s0 =	simm.s32 @p0 $0x1  }
0x13: {  	[smem:$0x3FAF] =	sst s0;
	s0 =	simm.s32 @!p1 $0x0  }
0x14: {  	s2 =	sld [smem:$0x3F93];
	s0 =	simm.s32 @p1 $0x1  }
0x15: {  	[smem:$0x3FB0] =	sst s0;
	s0 =	simm.s32 @!p2 $0x0  }
0x16: {  	s3 =	sld [smem:$0x3FDB];
	s0 =	simm.s32 @p2 $0x1  }
0x17: {  	s4 =	simm.s32 $0x1BF5;
	[smem:$0x3FB2] =	sst s0  }
0x18: {  	s0 =	sld [smem:$0x3F95];
	_ =	swait.ge [sflag:s4], $0x0  }
0x19: {  	s7 =	sld [smem:$0x3F96]  }
0x1a: {  	s8 =	sadd.s32 $0xFFFFE003, lr  }
0x1b: {  	s9 =	sadd.s32 $0xFFFFFEF7, lr;
	s5 =	simm.s32 $0xFFFFFFFF;
	p2 =	slt.u32 s8, $0xFFFFF086  }
0x1c: {  	p1 =	slt.u32 s9, $0xF7A;
	s5 =	simm.s32 @!p2 $0x0  }
0x1d: {  	s5 =	simm.s32 @p1 $0x1;
	p0 =	seq.s32 s7, s2  }
0x1e: {  	s7 =	smul.u32 @!p0 $0xF7A, s2;
	p2 =	seq.s32 @!p0 s5, $0x0  }
0x1f: {  	s9 =	smul.u32 $0xF7A, s1;
	s8 =	simm.s32 @!p0 $0x1BF5;
	p2 =	por !p2, p0  }
0x20: {  	[sflag:s8] =	ssyncset.s32 @!p0 $0xFFFFF086;
	s6 =	sadd.s32 @!p0 s3, s7;
	s7 =	simm.s32 @!p0 $0x108  }
0x21: {  	s3 =	sadd.s32 s3, s9;
	s6 =	sadd.s32 @!p0 $0x88, s6;
	s7 =	simm.s32 @p2 $0x1082  }
0x22: {  	[simem:s7], [sflag:s8] =	dma.local @!p0 [hbm:s6], $0xF7A  }
0x23: {  	s9 =	sor.u32 $0xD0000000, s2;
	s6 =	simm.s32 $0x108;
	_ =	swait.ge @!p0 [sflag:s8], $0x0  }
0x24: {  	s3 =	sadd.s32 $0x88, s3;
	s6 =	simm.s32 @!p1 $0x1082;
	[sflag:s4] =	ssyncset.s32 $0xFFFFF086  }
0x25: {  	[simem:s6], [sflag:s4] =	dma.local [hbm:s3], $0xF7A  }
0x26: {  	[smem:$0x3F96] =	sst s1;
	(tag) =	ssettag s2;
	_ =	strace s9  }
0x27: {  	s1 =	sld [smem:$0x3FA6]  }
0x28: {  	s2 =	sld [smem:$0x3FA7]  }
0x29: {  	s4 =	sld [smem:$0x3FA9]  }
0x2a: {  	p0 =	seq.s32 s5, $0x0;
	s5 =	sld [smem:$0x3FAA]  }
0x2b: {  	s6 =	sld [smem:$0x3FAB]  }
0x2c: {  	s7 =	sld [smem:$0x3FAC]  }
0x2d: {  	s3 =	simm.s32 $0x108;
	s8 =	sld [smem:$0x3FAD]  }
0x2e: {  	s3 =	simm.s32 @!p0 $0x1082;
	s9 =	sld [smem:$0x3FAE]  }
0x2f: {  	lr =	sadd.s32 s0, s3;
	s0 =	sld [smem:$0x3FA5]  }
0x30: {  	s3 =	sld [smem:$0x3FA8]  }
0x31: {  	[smem:$0x3FB1] =	sst s10  }
0x32: {  	s10 =	sld [smem:$0x3FAF];
	_ =	sdelay $0x3  }
0x33: {  	p0 =	seq.s32 s10, $0x1;
	s10 =	sld [smem:$0x3FB1];
	_ =	sdelay $0x3  }
0x34: {  	[smem:$0x3FB1] =	sst s10  }
0x35: {  	s10 =	sld [smem:$0x3FB0];
	_ =	sdelay $0x3  }
0x36: {  	p1 =	seq.s32 s10, $0x1;
	s10 =	sld [smem:$0x3FB1];
	_ =	sdelay $0x3  }
0x37: {  	[smem:$0x3FB1] =	sst s10  }
0x38: {  	s10 =	sld [smem:$0x3FB2]  }
0x39: {  	_ = 	snop;
	(pc) =	sbr.ind lr, $3  }
0x3a: {  	_ = 	snop  }
0x3b: {  	_ = 	snop  }
0x3c: {  	p2 =	seq.s32 s10, $0x1;
	s10 =	sld [smem:$0x3FB1]  }
0x3d: {  	_ =	shalt  }
0x3e: {  	_ =	shalt  }
0x3f: {  	_ =	shalt  }
0x40: {  	_ =	shalt  }
0x41: {  	_ =	shalt  }
0x42: {  	_ =	shalt  }
0x43: {  	_ =	shalt  }
0x44: {  	_ =	shalt  }
0x45: {  	_ =	shalt  }
0x46: {  	_ =	shalt  }
0x47: {  	_ =	shalt  }
0x48: {  	_ =	shalt  }
0x49: {  	_ =	shalt  }
0x4a: {  	_ =	shalt  }
0x4b: {  	_ =	shalt  }
0x4c: {  	_ =	shalt  }
0x4d: {  	_ =	shalt  }
0x4e: {  	_ =	shalt  }
0x4f: {  	_ =	shalt  }
0x50: {  	_ =	shalt  }
0x51: {  	_ =	shalt  }
0x52: {  	_ =	shalt  }
0x53: {  	_ =	shalt  }
0x54: {  	_ =	shalt  }
0x55: {  	_ =	shalt  }
0x56: {  	_ =	shalt  }
0x57: {  	_ =	shalt  }
0x58: {  	_ =	shalt  }
0x59: {  	_ =	shalt  }
0x5a: {  	_ =	shalt  }
0x5b: {  	_ =	shalt  }
0x5c: {  	_ =	shalt  }
0x5d: {  	_ =	shalt  }
0x5e: {  	_ =	shalt  }
0x5f: {  	_ =	shalt  }
0x60: {  	_ =	shalt  }
0x61: {  	_ =	shalt  }
0x62: {  	_ =	shalt  }
0x63: {  	_ =	shalt  }
0x64: {  	_ =	shalt  }
0x65: {  	_ =	shalt  }
0x66: {  	_ =	shalt  }
0x67: {  	_ =	shalt  }
0x68: {  	_ =	shalt  }
0x69: {  	_ =	shalt  }
0x6a: {  	_ =	shalt  }
0x6b: {  	_ =	shalt  }
0x6c: {  	_ =	shalt  }
0x6d: {  	_ =	shalt  }
0x6e: {  	_ =	shalt  }
0x6f: {  	_ =	shalt  }
0x70: {  	_ =	shalt  }
0x71: {  	_ =	shalt  }
0x72: {  	_ =	shalt  }
0x73: {  	_ =	shalt  }
0x74: {  	_ =	shalt  }
0x75: {  	_ =	shalt  }
0x76: {  	_ =	shalt  }
0x77: {  	_ =	shalt  }
0x78: {  	_ =	shalt  }
0x79: {  	_ =	shalt  }
0x7a: {  	_ =	shalt  }
0x7b: {  	_ =	shalt  }
0x7c: {  	_ =	shalt  }
0x7d: {  	_ =	shalt  }
0x7e: {  	_ =	shalt  }
0x7f: {  	_ =	shalt  }
0x80: {  	_ =	shalt  }
0x81: {  	_ =	shalt  }
0x82: {  	_ =	shalt  }
0x83: {  	_ =	shalt  }
0x84: {  	_ =	shalt  }
0x85: {  	_ =	shalt  }
0x86: {  	_ =	shalt  }
0x87: {  	_ =	shalt  }
.Lfunc_end0:
.L_simem_size_0:
called_computation_lowered:
.L_overlay_start_0:
0x88: {  	s2 =	sld [smem:$0x3FD9]  }
0x89: {  	s3 =	sld [smem:$0x3FFE];
	_ =	sdelay $0x1  }
0x8a: {  	s1 =	srdreg.scid  }
0x8b: {  	s0 =	sand.u32 $0x1, s1  }
0x8c: {  	s15 =	sshll.u32 s0, $0xA;
	s2 =	sadd.s32 s3, s2  }
0x8d: {  	s2 =	sadd.s32 s2, s15  }
0x8e: {  	[smem:$0x3FBD] =	sst s2  }
0x8f: {  	_ = 	snop  }
0x90: {  	s2 =	sld [smem:$0x3FD0];
	_ =	sdelay $0x1  }
0x91: {  	s16 =	sld [smem:$0x3FC9]  }
0x92: {  	s5 =	simm.s32 $0xA;
	s6 =	simm.s32 $0x10;
	s4 =	sld [smem:$0x3FC8]  }
0x93: {  	[smem:s6], [sflag:s5] =	dma.local [hbm:s2], $0x1  }
0x94: {  	_ =	swait.eq [sflag:s5], $0x1  }
0x95: {  	[sflag:s5] =	ssyncset.done $0x0  }
0x96: {  	[sflag:s5] =	ssyncadd.s32 $0xFFFFFFFF  }
0x97: {  	s17 =	sld [smem:$0x10];
	(tm) =	ssettm $0x1  }
0x98: {  	s18 =	sld [smem:$0x3FFB];
	_ =	sdelay $0x3  }
0x99: {  	_ =	strace s18  }
0x9a: {  	s5 =	sld [smem:$0x3FFC];
	_ =	sdelay $0x3  }
0x9b: {  	_ =	strace s5  }
0x9c: {  	s5 =	sld [smem:$0x3FFD];
	_ =	sdelay $0x3  }
0x9d: {  	_ =	strace s5  }
0x9e: {  	_ =	strace $0x8FFFFFFF  }
0x9f: {  	s19 =	sld [smem:$0x3FDB];
	_ =	sdelay $0x1  }
0xa0: {  	s20 =	simm.s32 $_scs_section_size  }
0xa1: {  	s7 =	simm.s32 $_size__tile_overlayer_lowered;
	s8 =	simm.s32 $_tile_overlayer_lowered  }
0xa2: {  	s23 =	simm.s32 $0x1BFF;
	s22 =	sshll.u32 s8, $0x1;
	s5 =	sadd.s32 s20, s19  }
0xa3: {  	s9 =	simm.s32 $0x0;
	s21 =	sshll.u32 s7, $0x1;
	s7 =	sadd.s32 s22, s5  }
0xa4: {  	[timem:s9], [sflag:s23] =	dma.local [hbm:s7], s21  }
0xa5: {  	_ =	swait.ge [sflag:s23], s21  }
0xa6: {  	s6 =	ssub.s32 $0x0, s21;
	[sflag:s23] =	ssyncset.done $0x0  }
0xa7: {  	[sflag:s23] =	ssyncadd.s32 s6;
	_ =	sdelay $0x1  }
0xa8: {  	s24 =	simm.s32 $0x1B8B  }
0xa9: {  	_ =	swait.ge [sflag:s24], $0x1  }
0xaa: {  	[sflag:s24] =	ssyncset.done $0x0  }
0xab: {  	s25 =	simm.s32 $0x1B8E;
	[sflag:s24] =	ssyncadd.s32 $0xFFFFFFFF  }
0xac: {  	s26 =	simm.s32 $execute0_lowered;
	[smem:$0x3FD2] =	sst s25  }
0xad: {  	s6 =	sshll.u32 s26, $0x1;
	_ =	strace $0x80000046;
	[dreg:$0x1] =	wrdreg $0xFFFFFFFF  }
0xae: {  	s28 =	simm.s32 $_size_execute0_lowered;
	s5 =	sadd.s32 s5, s6;
	[dreg:$0x0] =	wrdreg $0x0  }
0xaf: {  	s6 =	sshll.u32 s28, $0x1;
	[dreg:$0x2] =	wrdreg s5  }
0xb0: {  	[dreg:$0x3] =	wrdreg s6  }
0xb1: {  	[dreg:$0x4] =	wrdreg $0xC0  }
0xb2: {  	_ =	task [dreg:s9], $0x5FFFF  }
0xb3: {  	[dreg:$0x1] =	wrdreg $0xFFFFFFFF  }
0xb4: {  	[dreg:$0x0] =	wrdreg $0x60  }
0xb5: {  	[dreg:$0x2] =	wrdreg s4  }
0xb6: {  	[dreg:$0x3] =	wrdreg s16  }
0xb7: {  	[dreg:$0x4] =	wrdreg s17  }
0xb8: {  	[dreg:$0x5] =	wrdreg $0x9  }
0xb9: {  	_ =	task.clear_ibuf [dreg:s9], $0x6FFFF;
	_ =	strace $0x90000046  }
0xba: {  	s29 =	simm.s32 $0x9;
	_ =	strace $0x80000048  }
0xbb: {  	_ =	swait.ge [sflag:s29], $0x1  }
0xbc: {  	[sflag:s29] =	ssyncadd.s32 $0xFFFFFFFF  }
0xbd: {  	_ =	strace $0x90000048  }
0xbe: {  	_ =	sfence  }
0xbf: {  	s30 =	sld [smem:$0x0];
	_ =	sdelay $0x2  }
0xc0: {  	s31 =	sshll.u32 s1, $0xD;
	s1 =	sshrl.u32 s1, $0x2  }
0xc1: {  	s3 =	sand.u32 $0x4000, s31;
	s1 =	sadd.s32 s1, s30  }
0xc2: {  	s0 =	sor.u32 s3, s0;
	s1 =	sshll.u32 s1, $0x11  }
0xc3: {  	s0 =	sor.u32 s1, s0  }
0xc4: {  	s0 =	sadd.s32 $0x8F2B, s0  }
0xc5: {  	[sflag:s0] =	ssyncadd.remote.s32 $0x1  }
0xc6: {  	_ =	sfence.sel $0xFFFF  }
0xc7: {  	[dreg:$0x0] =	wrdreg $0xFFFFFFFF;
	(pc) =	sbr.abs _section_cstart, $3  }
0xc8: {  	[dreg:$0x1] =	wrdreg $0xFFFFFFFF  }
0xc9: {  	_ =	task.clear_ibuf [dreg:s9], $0x2FFFF;
	_ =	strace $0x9FFFFFFF  }
0xca: {  	(tm) =	ssettm $0x7FFFFFFF  }
0xcb: {  	_ =	shalt  }
tec
execute0_lowered:
.L_overlay_start_1:
0x0: {  	(tag) =	ssettag $0x1  }
0x1: {  	s2 =	rddreg [dreg:$0x0]  }
0x2: {  	s4 =	rddreg [dreg:$0x1];
	s0 =	srdreg.scid  }
0x3: {  	s7 =	rddreg [dreg:$0x2];
	s1 =	stileid.u32;
	s3 =	simm.s32 $0x0  }
0x4: {  	s10 =	simm.s32 $0x80;
	s11 =	simm.s32 $0x880;
	s12 =	simm.s32 $0x1080  }
0x5: {  	s13 =	simm.s32 $0x1880;
	s14 =	simm.s32 $0x2080;
	s15 =	simm.s32 $0x2880  }
0x6: {  	s16 =	simm.s32 $0x3080;
	s17 =	simm.s32 $0x3880;
	s18 =	simm.s32 $0x4080  }
0x7: {  	s19 =	simm.s32 $0x4880;
	s20 =	simm.s32 $0x5080;
	s21 =	simm.s32 $0x5880  }
0x8: {  	s22 =	simm.s32 $0x1;
	s5 =	sand.u32 $0x1, s0;
	s0 =	rddreg [dreg:$0x3]  }
0x9: {  	s6 =	sshll.u32 s1, $0x3;
	s8 =	sshll.u32 s5, $0x2;
	s5 =	ssub.s32 $0x2, s5  }
0xa: {  	[smem:$0x7FF] =	sst s3;
	s6 =	sor.u32 s8, s6;
	s31 =	sshrl.u32 s5, $0x1  }
0xb: {  	v2 =	vlaneseq.u32;
	_ =	strace $0x80000047;
	s9 =	smul.u32 $0x300, s6;
	s8 =	ssub.s32 s5, s31  }
0xc: {  	vm0 =	vmmov $0xffff;
	v1 =	vshrl.u32 v2, $0x3;
	s4 =	sadd.s32 s4, s6;
	s5 =	sadd.s32 $0x100, s2;
	s6 =	sadd.s32 $0x200, s2  }
0xd: {  	v0 =	vand.u32 $0x7, v2;
	v2 =	vor.u32 $0x8, v2;
	v1 =	vmul.u32 $0x8, v1;
	s8 =	smax.u32 s8, $0x1;
	s7 =	sadd.s32 s7, s9;
	s9 =	simm.s32 $0x2  }
.LBB2_1:
0xe: {  	[tilespmem:s3], [sflag:$0x2] =	stream.linear.gather [hbm4b:s4+s3], $0x20, $0x38;
	[tilespmem:$0x6080] =	vst v63  }
0xf: {  	_ =	swait.ge [sflag:s9], $0x20  }
0x10: {  	[sflag:s9] =	ssyncset.done $0x0  }
0x11: {  	[sflag:s9] =	ssyncadd.s32 $0xFFFFFFE0  }
0x12: {  	v3 =	vld [tilespmem:$0x0];
	_ =	sdelay $0x4  }
0x13: {  	v4 =	vshrl.u32 v3, $0x3  }
0x14: {  	v4 =	vmul.u32 $0x30, v4  }
0x15: {  	v3 =	vand.u32 $0x7, v3  }
0x16: {  	v3 =	vor.u32 v3, v4  }
0x17: {  	v4 =	vperm.xlane v3, v0;
	_ =	sdelay $0x1  }
0x18: {  	v4 =	vadd.s32 v1, v4;
	_ =	sdelay $0x3  }
0x19: {  	v3 =	vperm.xlane v3, v2  }
0x1a: {  	[tilespmem:s10], [sflag:$0x1] =	stream.indirect_vreg.gather [hbm4b:s2+s3], $0x80, v4, vm0, $0xb8;
	[tilespmem:$0x6080] =	vst v63  }
0x1b: {  	v3 =	vadd.s32 v1, v3  }
0x1c: {  	[tilespmem:s11], [sflag:$0x1] =	stream.indirect_vreg.gather [hbm4b:s5+s3], $0x80, v4, vm0, $0xb8;
	[tilespmem:$0x6080] =	vst v63  }
0x1d: {  	_ = 	snop  }
0x1e: {  	[tilespmem:s12], [sflag:$0x1] =	stream.indirect_vreg.gather [hbm4b:s6+s3], $0x80, v4, vm0, $0xb8;
	[tilespmem:$0x6080] =	vst v63  }
0x1f: {  	_ = 	snop  }
0x20: {  	[tilespmem:s13], [sflag:$0x1] =	stream.indirect_vreg.gather [hbm4b:s2+s3], $0x80, v3, vm0, $0xb8;
	[tilespmem:$0x6080] =	vst v63  }
0x21: {  	_ = 	snop  }
0x22: {  	[tilespmem:s14], [sflag:$0x1] =	stream.indirect_vreg.gather [hbm4b:s5+s3], $0x80, v3, vm0, $0xb8;
	[tilespmem:$0x6080] =	vst v63  }
0x23: {  	_ = 	snop  }
0x24: {  	[tilespmem:s15], [sflag:$0x1] =	stream.indirect_vreg.gather [hbm4b:s6+s3], $0x80, v3, vm0, $0xb8;
	[tilespmem:$0x6080] =	vst v63  }
0x25: {  	v3 =	vld [tilespmem:$0x10];
	_ =	sdelay $0x4  }
0x26: {  	v63 =	vshrl.u32 v3, $0x3  }
0x27: {  	v4 =	vmul.u32 $0x30, v63  }
0x28: {  	v3 =	vand.u32 $0x7, v3  }
0x29: {  	v3 =	vor.u32 v3, v4  }
0x2a: {  	v4 =	vperm.xlane v3, v0;
	_ =	sdelay $0x1  }
0x2b: {  	v4 =	vadd.s32 v1, v4;
	_ =	sdelay $0x3  }
0x2c: {  	v3 =	vperm.xlane v3, v2  }
0x2d: {  	[tilespmem:s16], [sflag:$0x1] =	stream.indirect_vreg.gather [hbm4b:s2+s3], $0x80, v4, vm0, $0xb8;
	[tilespmem:$0x6080] =	vst v63  }
0x2e: {  	v3 =	vadd.s32 v1, v3  }
0x2f: {  	[tilespmem:s17], [sflag:$0x1] =	stream.indirect_vreg.gather [hbm4b:s5+s3], $0x80, v4, vm0, $0xb8;
	[tilespmem:$0x6080] =	vst v63  }
0x30: {  	_ = 	snop  }
0x31: {  	[tilespmem:s18], [sflag:$0x1] =	stream.indirect_vreg.gather [hbm4b:s6+s3], $0x80, v4, vm0, $0xb8;
	[tilespmem:$0x6080] =	vst v63  }
0x32: {  	_ = 	snop  }
0x33: {  	[tilespmem:s19], [sflag:$0x1] =	stream.indirect_vreg.gather [hbm4b:s2+s3], $0x80, v3, vm0, $0xb8;
	[tilespmem:$0x6080] =	vst v63  }
0x34: {  	_ = 	snop  }
0x35: {  	[tilespmem:s20], [sflag:$0x1] =	stream.indirect_vreg.gather [hbm4b:s5+s3], $0x80, v3, vm0, $0xb8;
	[tilespmem:$0x6080] =	vst v63  }
0x36: {  	_ = 	snop  }
0x37: {  	[tilespmem:s21], [sflag:$0x1] =	stream.indirect_vreg.gather [hbm4b:s6+s3], $0x80, v3, vm0, $0xb8;
	[tilespmem:$0x6080] =	vst v63  }
0x38: {  	_ =	swait.ge [sflag:s22], $0x6000  }
0x39: {  	p0 =	sne.s32 s8, $0x1;
	[sflag:s22] =	ssyncset.done $0x0  }
.Ltmp0:
0x3a: {  	[sflag:s22] =	ssyncadd.s32 $0xFFFFA000;
	(pc) =	sbr.rel @p0 .LBB2_1-.Ltmp0, $4  }
0x3b: {  	[hbm4b:s7+s3] =	stream.linear.scatter [tilespmem:s10], [sflag:$0x2], $0x6000, $0x38;
	[tilespmem:$0x6080] =	vst v63  }
0x3c: {  	_ =	swait.ge [sflag:s9], $0x6000  }
0x3d: {  	[sflag:s9] =	ssyncset.done $0x0  }
0x3e: {  	s8 =	sadd.s32 $0xFFFFFFFF, s8;
	[sflag:s9] =	ssyncadd.s32 $0xFFFFA000  }
0x3f: {  	_ =	sfence.sel $0x180000  }
0x40: {  	[bflag:$0x0] =	sbarrier.arrive $0xFFFF  }
0x41: {  	p0 =	sne.s32 s1, $0x0;
	_ =	strace $0x90000047  }
0x42: {  	s0 =	sadd.s32 @!p0 $0x100000, s0;
	[bflag:$0x2] =	sbarrier.arrive $0xFFFF  }
0x43: {  	[sflag:s0] =	ssyncadd.tile.s32 @!p0 $0x1;
	_ =	shalt  }
.Lfunc_end2:
_tile_overlayer_lowered:
.L_overlay_start_2:
0x44: {  	(tag) =	ssettag $0x2  }
0x45: {  	s0 =	rddreg [dreg:$0x0];
	s2 =	stileid.u32  }
0x46: {  	s1 =	rddreg [dreg:$0x1];
	p0 =	sne.s32 s2, $0x0  }
0x47: {  	s3 =	rddreg [dreg:$0x2];
	[bflag:$0x3] =	sbarrier.arrive $0xFFFF;
	s2 =	simm.s32 @!p0 $0x1C02  }
0x48: {  	[timem:s3], [sflag:s2] =	dma.local @!p0 [hbm:s0], s1  }
0x49: {  	s0 =	simm.s32 @!p0 $0x2  }
0x4a: {  	_ =	swait.ge @!p0 [sflag:s0], s1  }
0x4b: {  	s1 =	ssub.s32 @!p0 $0x0, s1;
	[sflag:s0] =	ssyncset.done @!p0 $0x0  }
0x4c: {  	[sflag:s0] =	ssyncadd.s32 @!p0 s1  }
0x4d: {  	[bflag:$0x3] =	sbarrier.arrive $0xFFFF  }
0x4e: {  	_ =	shalt  }

</sc_bundles>
